<compile_context>
chip_gen: v7x
topology: tpu7x:2x2x1
jax: 0.10.2.dev20260603
libtpu: 0.0.44.dev20260713+nightly
codegen_flags: <defaults>
</compile_context>

<pallas_src>
import functools

import jax
import jax.numpy as jnp
from jax import lax
from jax.experimental import pallas as pl
from jax.experimental.pallas import tpu as pltpu
from jax.experimental.pallas import tpu_sc as plsc


def _w_body(ecw_ref, adj_ref, wp_ref):
    w = jax.nn.sigmoid(ecw_ref[...]) * adj_ref[...]
    wp_ref[...] = w.astype(jnp.bfloat16)


def _compute_w(ecw, adj):
    E, C = ecw.shape
    ET = 2000
    return pl.pallas_call(
        _w_body,
        grid=(E // ET,),
        in_specs=[pl.BlockSpec((ET, C), lambda i: (i, 0)),
                  pl.BlockSpec((ET, C), lambda i: (i, 0))],
        out_specs=pl.BlockSpec((ET, C), lambda i: (i, 0)),
        out_shape=jax.ShapeDtypeStruct((E, C), jnp.bfloat16),
    )(ecw, adj)


_CH0 = 104
_CH1 = 96


def _sc_gather(wp, el, x, pote, B, L):
    E, C = wp.shape
    P = pote.shape[1]
    NC, NS = 2, 16
    NW = NC * NS
    SPW = B // NW
    NCH = C // 32
    mesh = plsc.VectorSubcoreMesh(core_axis_name="c", subcore_axis_name="s")

    @functools.partial(
        pl.kernel,
        mesh=mesh,
        compiler_params=pltpu.CompilerParams(use_tc_tiling_on_sc=False,
                                             needs_layout_passes=False),
        out_type=[jax.ShapeDtypeStruct((B, C), jnp.float32),
                  jax.ShapeDtypeStruct((B, C), jnp.float32),
                  jax.ShapeDtypeStruct((B * L, P), jnp.float32)],
        scratch_types=[
            pltpu.VMEM((_CH0, C), jnp.bfloat16),
            pltpu.VMEM((_CH1, C), jnp.bfloat16),
            pltpu.VMEM((2, _CH0, P), jnp.float32),
            pltpu.VMEM((2, _CH1, P), jnp.float32),
            pltpu.VMEM((2, _CH0), jnp.int32),
            pltpu.VMEM((2, _CH1), jnp.int32),
            pltpu.VMEM((2, L), jnp.float32),
            pltpu.VMEM((2, C), jnp.float32),
            pltpu.VMEM((2, C), jnp.float32),
            pltpu.SemaphoreType.DMA,
            pltpu.SemaphoreType.DMA,
            pltpu.SemaphoreType.DMA,
            pltpu.SemaphoreType.DMA,
            pltpu.SemaphoreType.DMA,
            pltpu.SemaphoreType.DMA,
        ],
    )
    def sc_k(wp_hbm, el_hbm, x_hbm, pote_hbm, u_hbm, s_hbm, g_hbm,
             rows_a, rows_b, pote_a, pote_b, idx_a, idx_b, x_v, u_v, s_v,
             sem_a, sem_b, sem_ix, sem_pg, sem_gw, sem_us):
        wid = lax.axis_index("s") * NC + lax.axis_index("c")

        def sbase(t):
            return pl.multiple_of((wid * SPW + t) * L, 8)

        def accumulate(rows, nrows, loff, p, accs, cg):
            def body(l, a):
                xb = plsc.load_gather(
                    x_v, [jnp.full((16,), p, jnp.int32),
                          jnp.full((16,), loff + l, jnp.int32)])
                new = list(a)
                for j in range(4):
                    ck = cg * 4 + j
                    r = rows[l, pl.ds(ck * 32, 32)]
                    e, o = plsc.unpack(r, format=plsc.PackFormat.INTERLEAVED)
                    new[4 * j + 0] = new[4 * j + 0] + xb * e
                    new[4 * j + 1] = new[4 * j + 1] + xb * o
                    new[4 * j + 2] = new[4 * j + 2] + e
                    new[4 * j + 3] = new[4 * j + 3] + o
                return tuple(new)
            return plsc.parallel_loop(0, nrows, unroll=4, carry=accs)(body)

        def student_body(t, carry):
            p = lax.rem(t, 2)
            np_ = 1 - p
            base = sbase(t)
            i = wid * SPW + t

            pltpu.async_copy(pote_a.at[p], g_hbm.at[pl.ds(base, _CH0)], sem_gw)
            pltpu.async_copy(pote_b.at[p],
                             g_hbm.at[pl.ds(base + _CH0, _CH1)], sem_gw)

            @pl.when(t < SPW - 1)
            def _():
                ni = wid * SPW + t + 1
                pltpu.async_copy(el_hbm.at[ni, pl.ds(0, _CH0)],
                                 idx_a.at[np_], sem_ix)
                pltpu.async_copy(el_hbm.at[ni, pl.ds(_CH0, _CH1)],
                                 idx_b.at[np_], sem_ix)
                pltpu.async_copy(x_hbm.at[ni], x_v.at[np_], sem_ix)

            pltpu.async_copy(wp_hbm.at[idx_b.at[p]], rows_b, sem_b)
            pltpu.make_async_copy(wp_hbm.at[idx_a.at[p]], rows_a, sem_a).wait()

            accs = [tuple(jnp.zeros((16,), jnp.float32) for _ in range(16))
                    for _ in range(NCH // 4)]
            for cg in range(NCH // 4):
                accs[cg] = accumulate(rows_a, _CH0, 0, p, accs[cg], cg)

            @pl.when(t > 0)
            def _():
                pltpu.make_async_copy(
                    pote_a.at[np_], g_hbm.at[pl.ds(base, _CH0)], sem_gw).wait()
                pltpu.make_async_copy(
                    pote_b.at[np_], g_hbm.at[pl.ds(base, _CH1)], sem_gw).wait()

            @pl.when(t < SPW - 1)
            def _():
                for _c in (pltpu.make_async_copy(
                        el_hbm.at[i, pl.ds(0, _CH0)], idx_a.at[np_], sem_ix),
                           pltpu.make_async_copy(
                        el_hbm.at[i, pl.ds(_CH0, _CH1)], idx_b.at[np_], sem_ix),
                           pltpu.make_async_copy(
                        x_hbm.at[i], x_v.at[np_], sem_ix)):
                    _c.wait()
                pltpu.async_copy(pote_hbm.at[idx_a.at[np_]],
                                 pote_a.at[np_], sem_pg)
                pltpu.async_copy(pote_hbm.at[idx_b.at[np_]],
                                 pote_b.at[np_], sem_pg)
                pltpu.async_copy(wp_hbm.at[idx_a.at[np_]], rows_a, sem_a)

            pltpu.make_async_copy(wp_hbm.at[idx_b.at[p]], rows_b, sem_b).wait()
            for cg in range(NCH // 4):
                accs[cg] = accumulate(rows_b, _CH1, _CH0, p, accs[cg], cg)

            pvec = jnp.full((16,), p, jnp.int32)
            ioe = 2 * lax.iota(jnp.int32, 16)
            for cg in range(NCH // 4):
                for j in range(4):
                    ck = cg * 4 + j
                    plsc.store_scatter(u_v, [pvec, ck * 32 + ioe],
                                       accs[cg][4 * j + 0])
                    plsc.store_scatter(u_v, [pvec, ck * 32 + 1 + ioe],
                                       accs[cg][4 * j + 1])
                    plsc.store_scatter(s_v, [pvec, ck * 32 + ioe],
                                       accs[cg][4 * j + 2])
                    plsc.store_scatter(s_v, [pvec, ck * 32 + 1 + ioe],
                                       accs[cg][4 * j + 3])

            @pl.when(t > 0)
            def _():
                pltpu.make_async_copy(u_v.at[np_], u_hbm.at[i], sem_us).wait()
                pltpu.make_async_copy(s_v.at[np_], s_hbm.at[i], sem_us).wait()

            pltpu.async_copy(u_v.at[p], u_hbm.at[i], sem_us)
            pltpu.async_copy(s_v.at[p], s_hbm.at[i], sem_us)

            @pl.when(t < SPW - 1)
            def _():
                pltpu.make_async_copy(pote_hbm.at[idx_a.at[np_]],
                                      pote_a.at[np_], sem_pg).wait()
                pltpu.make_async_copy(pote_hbm.at[idx_b.at[np_]],
                                      pote_b.at[np_], sem_pg).wait()

            return carry

        i0 = wid * SPW
        pltpu.sync_copy(el_hbm.at[i0, pl.ds(0, _CH0)], idx_a.at[0])
        pltpu.sync_copy(el_hbm.at[i0, pl.ds(_CH0, _CH1)], idx_b.at[0])
        pltpu.sync_copy(x_hbm.at[i0], x_v.at[0])
        pltpu.async_copy(pote_hbm.at[idx_a.at[0]], pote_a.at[0], sem_pg)
        pltpu.async_copy(pote_hbm.at[idx_b.at[0]], pote_b.at[0], sem_pg)
        pltpu.async_copy(wp_hbm.at[idx_a.at[0]], rows_a, sem_a)
        pltpu.make_async_copy(pote_hbm.at[idx_a.at[0]],
                              pote_a.at[0], sem_pg).wait()
        pltpu.make_async_copy(pote_hbm.at[idx_b.at[0]],
                              pote_b.at[0], sem_pg).wait()

        lax.fori_loop(0, SPW, student_body, 0)

        lastp = (SPW - 1) % 2
        lbase = sbase(SPW - 1)
        li = wid * SPW + SPW - 1
        pltpu.make_async_copy(pote_a.at[lastp],
                              g_hbm.at[pl.ds(lbase, _CH0)], sem_gw).wait()
        pltpu.make_async_copy(pote_b.at[lastp],
                              g_hbm.at[pl.ds(lbase, _CH1)], sem_gw).wait()
        pltpu.make_async_copy(u_v.at[lastp], u_hbm.at[li], sem_us).wait()
        pltpu.make_async_copy(s_v.at[lastp], s_hbm.at[li], sem_us).wait()

    return sc_k(wp, el, x, pote)


def _make_stu_body(L, P):
    def _stu_body(u_ref, s_ref, g_ref, x0_ref, x1_ref, x2_ref, x3_ref,
                  cc_ref, a_ref, bm_ref):
        u = u_ref[...]
        s = s_ref[...]
        mask = s != 0.0
        maskf = mask.astype(jnp.float32)
        a1 = u * maskf / jnp.where(mask, s, 1.0)
        ew = jnp.exp(cc_ref[...])
        num = jnp.dot(a1, ew, preferred_element_type=jnp.float32)
        den = jnp.dot(maskf, ew, preferred_element_type=jnp.float32)
        a_ref[...] = num / den

        TB = u.shape[0]
        R = (L * P) // 128
        gz = g_ref[...].reshape(TB, R, 128)
        z = jnp.exp(gz)
        sz128 = jnp.sum(z, axis=1)
        sz = (sz128[:, 0:P] + sz128[:, P:2 * P]
              + sz128[:, 2 * P:3 * P] + sz128[:, 3 * P:])
        wz = (jnp.sum(x0_ref[...][:, :, None] * z[:, :, 0:P], axis=1)
              + jnp.sum(x1_ref[...][:, :, None] * z[:, :, P:2 * P], axis=1)
              + jnp.sum(x2_ref[...][:, :, None] * z[:, :, 2 * P:3 * P], axis=1)
              + jnp.sum(x3_ref[...][:, :, None] * z[:, :, 3 * P:], axis=1))
        bm_ref[...] = wz / sz
    return _stu_body


def _stage_students(u, s, g, x, cc, L, P):
    B, C = u.shape
    TB = 128
    R = (L * P) // 128
    g2 = g.reshape(B * R, 128)
    xq = [x[:, q::4] for q in range(4)]
    return pl.pallas_call(
        _make_stu_body(L, P),
        grid=(B // TB,),
        in_specs=[pl.BlockSpec((TB, C), lambda i: (i, 0)),
                  pl.BlockSpec((TB, C), lambda i: (i, 0)),
                  pl.BlockSpec((TB * R, 128), lambda i: (i, 0)),
                  pl.BlockSpec((TB, L // 4), lambda i: (i, 0)),
                  pl.BlockSpec((TB, L // 4), lambda i: (i, 0)),
                  pl.BlockSpec((TB, L // 4), lambda i: (i, 0)),
                  pl.BlockSpec((TB, L // 4), lambda i: (i, 0)),
                  pl.BlockSpec((C, C), lambda i: (0, 0))],
        out_specs=[pl.BlockSpec((TB, C), lambda i: (i, 0)),
                   pl.BlockSpec((TB, P), lambda i: (i, 0))],
        out_shape=[jax.ShapeDtypeStruct((B, C), jnp.float32),
                   jax.ShapeDtypeStruct((B, P), jnp.float32)],
    )(u, s, g2, xq[0], xq[1], xq[2], xq[3], cc)


def _epi_body(a_ref, bm_ref, w_ref, pote_ref, lam_ref, gu_ref, sl_ref, y_ref):
    w = w_ref[...].astype(jnp.float32)
    w2 = (w / jnp.sum(w, axis=1, keepdims=True)).astype(jnp.bfloat16)
    ya = lax.dot_general(w2, a_ref[...], (((1,), (1,)), ((), ())),
                         preferred_element_type=jnp.float32)
    p = pote_ref[...]
    pz = jnp.exp(p - jnp.max(p, axis=1, keepdims=True))
    d2 = (pz / jnp.sum(pz, axis=1, keepdims=True)).astype(jnp.bfloat16)
    yb = lax.dot_general(d2, bm_ref[...], (((1,), (1,)), ((), ())),
                         preferred_element_type=jnp.float32)
    ET = w.shape[0]
    lam = jax.nn.sigmoid(lam_ref[...]).reshape(ET, 1)
    sl = jax.nn.sigmoid(sl_ref[...]).reshape(ET, 1)
    gu = jax.nn.sigmoid(gu_ref[...]).reshape(ET, 1)
    ymid = jnp.clip((1.0 - lam) * ya + lam * yb, 1e-8, 1.0 - 1e-8)
    y_ref[...] = (1.0 - sl) * ymid + gu * (1.0 - ymid)


def _stage_epilogue(a, bm, w, pote, lambd, guess, slide):
    B, C = a.shape
    E, P = pote.shape
    ET = 1024
    grid = (E + ET - 1) // ET
    return pl.pallas_call(
        _epi_body,
        grid=(grid,),
        in_specs=[pl.BlockSpec((B, C), lambda i: (0, 0)),
                  pl.BlockSpec((B, P), lambda i: (0, 0)),
                  pl.BlockSpec((ET, C), lambda i: (i, 0)),
                  pl.BlockSpec((ET, P), lambda i: (i, 0)),
                  pl.BlockSpec((1, ET), lambda i: (0, i)),
                  pl.BlockSpec((1, ET), lambda i: (0, i)),
                  pl.BlockSpec((1, ET), lambda i: (0, i))],
        out_specs=pl.BlockSpec((ET, B), lambda i: (i, 0)),
        out_shape=jax.ShapeDtypeStruct((E, B), jnp.float32),
    )(a, bm, w, pote, lambd, guess, slide)


def kernel(exer_list, score_list, exer_conc_adj, exer_conc_w, conc_conc_w,
           exer_pote_w, lambd, guess, slide):
    B, L = exer_list.shape
    E, C = exer_conc_w.shape
    P = exer_pote_w.shape[1]

    wp = _compute_w(exer_conc_w, exer_conc_adj)
    u, s, g = _sc_gather(wp, exer_list, score_list, exer_pote_w, B, L)
    a, bm = _stage_students(u, s, g, score_list, conc_conc_w, L, P)
    yt = _stage_epilogue(a.astype(jnp.bfloat16), bm.astype(jnp.bfloat16),
                         wp, exer_pote_w, lambd, guess, slide)
    return a, yt.T

# --- scband reference (transcript-rebuilt; emitter-appended) ---
"""Pipeline reference for scband-cicdm-net-1640677507714 (READ-ONLY COPY).

The authoritative reference and input builder live on the scoring server;
editing this copy changes nothing except your own understanding.
"""

import jax, jax.numpy as jnp
import numpy as np

CONCEPT_NUM = 512
EXERCISE_NUM = 20000
POTENTIAL_NUM = 32
B = 1024
L = 200


def setup_inputs(seed: int = 0) -> dict:
    key = jax.random.key(seed)
    k0, k1, k2, k3, k4, k5 = jax.random.split(key, 6)
    exer_list = jax.random.randint(k0, (B, L), 0, EXERCISE_NUM)
    score_list = jax.random.uniform(k1, (B, L), dtype=jnp.float32)
    # exercise-concept adjacency: sparse binary with guaranteed nonzero rows
    adj = (jax.random.uniform(k2, (EXERCISE_NUM, CONCEPT_NUM)) < 0.01).astype(jnp.float32)
    adj = adj.at[jnp.arange(EXERCISE_NUM), jnp.arange(EXERCISE_NUM) % CONCEPT_NUM].set(1.0)
    # concept-concept adjacency with self loops (as done in __init__)
    cc = (jax.random.uniform(k3, (CONCEPT_NUM, CONCEPT_NUM)) < 0.05).astype(jnp.float32)
    cc = jnp.where(jnp.eye(CONCEPT_NUM, dtype=bool), 1.0, cc)
    exer_conc_w = jax.random.normal(k4, (EXERCISE_NUM, CONCEPT_NUM), dtype=jnp.float32)
    conc_conc_w = cc * 5.0  # conc_conc_ini_w = 5
    exer_pote_w = jax.random.normal(k5, (EXERCISE_NUM, POTENTIAL_NUM), dtype=jnp.float32)
    lambd = jnp.full((1, EXERCISE_NUM), -2.0, dtype=jnp.float32)
    guess = jnp.full((1, EXERCISE_NUM), -2.0, dtype=jnp.float32)
    slide = jnp.full((1, EXERCISE_NUM), -2.0, dtype=jnp.float32)
    return {"exer_list": exer_list, "score_list": score_list, "exer_conc_adj": adj,
            "exer_conc_w": exer_conc_w, "conc_conc_w": conc_conc_w, "exer_pote_w": exer_pote_w,
            "lambd": lambd, "guess": guess, "slide": slide}


def reference(exer_list, score_list, exer_conc_adj, exer_conc_w, conc_conc_w, exer_pote_w, lambd, guess, slide):
    W = jax.nn.sigmoid(exer_conc_w) * exer_conc_adj
    W2 = W / jnp.sum(W, axis=1, keepdims=True)
    slide_s = jax.nn.sigmoid(slide)
    guess_s = jax.nn.sigmoid(guess)
    lambd_s = jax.nn.sigmoid(lambd)
    D2 = jax.nn.softmax(exer_pote_w, axis=1)
    ew = jnp.exp(conc_conc_w)

    def per_student(exer_i, x_i):
        # gather W rows for this student's exercises
        W1 = jnp.take(W, exer_i, axis=0)          # [L, C]
        s = jnp.sum(W1, axis=0)                    # [C]
        mask = (s != 0).astype(W1.dtype)
        # column-normalize over touched concepts (zeros elsewhere)
        W1n = W1 * (mask / jnp.where(s != 0, s, 1.0))[None, :]
        A1 = x_i @ W1n                             # [C], zero on untouched concepts
        # A1_compact @ softmax(conc_conc_w[mask], dim=0) rewritten without dynamic shapes:
        # numerator sums only masked rows since A1 is zero off-mask; denominator sums masked rows
        num = A1 @ ew                              # [C]
        denom = mask @ ew                          # [C], > 0 since mask has at least one True
        A_i = num / denom
        D1 = jax.nn.softmax(jnp.take(exer_pote_w, exer_i, axis=0), axis=0)  # [L, P]
        B_i = x_i @ D1                             # [P]
        return A_i, B_i

    A, Bm = jax.vmap(per_student)(exer_list, score_list)
    Y_A = A @ W2.T
    Y_B = Bm @ D2.T
    Y_mid = (1.0 - lambd_s) * Y_A + lambd_s * Y_B
    Y_mid = jnp.clip(Y_mid, 1e-08, 1.0 - 1e-08)
    Y = (1.0 - slide_s) * Y_mid + guess_s * (1.0 - Y_mid)
    return A, Y

if __name__ == "__main__":
    import jax
    _d = setup_inputs()
    print(jax.jit(kernel)(*tuple(_d.values())))

</pallas_src>

<mosaic_0001>
#map = affine_map<(d0, d1) -> (0, 0)>
module attributes {stable_mosaic.version = 14 : i64} {
  func.func @sc_k(%arg0: i32, %arg1: i32, %arg2: memref<20000x512xbf16, #tpu.memory_space<hbm>>, %arg3: memref<1024x200xi32, #tpu.memory_space<hbm>>, %arg4: memref<1024x200xf32, #tpu.memory_space<hbm>>, %arg5: memref<20000x32xf32, #tpu.memory_space<hbm>>, %arg6: memref<1024x512xf32, #tpu.memory_space<hbm>>, %arg7: memref<1024x512xf32, #tpu.memory_space<hbm>>, %arg8: memref<204800x32xf32, #tpu.memory_space<hbm>>, %arg9: memref<104x512xbf16, #tpu.memory_space<vmem>>, %arg10: memref<96x512xbf16, #tpu.memory_space<vmem>>, %arg11: memref<2x104x32xf32, #tpu.memory_space<vmem>>, %arg12: memref<2x96x32xf32, #tpu.memory_space<vmem>>, %arg13: memref<2x104xi32, #tpu.memory_space<vmem>>, %arg14: memref<2x96xi32, #tpu.memory_space<vmem>>, %arg15: memref<2x200xf32, #tpu.memory_space<vmem>>, %arg16: memref<2x512xf32, #tpu.memory_space<vmem>>, %arg17: memref<2x512xf32, #tpu.memory_space<vmem>>, %arg18: memref<!tpu.dma_semaphore, #tpu.memory_space<semaphore_mem>>, %arg19: memref<!tpu.dma_semaphore, #tpu.memory_space<semaphore_mem>>, %arg20: memref<!tpu.dma_semaphore, #tpu.memory_space<semaphore_mem>>, %arg21: memref<!tpu.dma_semaphore, #tpu.memory_space<semaphore_mem>>, %arg22: memref<!tpu.dma_semaphore, #tpu.memory_space<semaphore_mem>>, %arg23: memref<!tpu.dma_semaphore, #tpu.memory_space<semaphore_mem>>) attributes {dimension_semantics = [#tpu.dimension_semantics<core_parallel>, #tpu.dimension_semantics<subcore_parallel>], iteration_bounds = array<i64: 2, 16>, scalar_prefetch = 0 : i64, scratch_operands = 15 : i64, tpu.core_type = #tpu.core_type<sc_vector_subcore>, window_params = [{transform_indices = #map}, {transform_indices = #map}, {transform_indices = #map}, {transform_indices = #map}, {transform_indices = #map}, {transform_indices = #map}, {transform_indices = #map}]} {
    %mul3A = arith.constant 2 : i32
    %mul3A_0 = arith.muli %arg1, %mul3A : i32
    %add3A = arith.addi %mul3A_0, %arg0 : i32
    %mul3A_1 = arith.constant 32 : i32
    %mul3A_2 = arith.muli %add3A, %mul3A_1 : i32
    %run_scoped3A = arith.constant 0 : i32
    "tpu.region"() ({
      %run_scoped3A_126 = tpu.sem_alloc : memref<!tpu.dma_semaphore, #tpu.memory_space<semaphore_mem>>
      %dma_start3A_127 = arith.constant 0 : i32
      %dma_start3A_128 = tpu.memref_slice %arg13[%run_scoped3A, %dma_start3A_127] : memref<2x104xi32, #tpu.memory_space<vmem>> -> memref<1x104xi32, #tpu.memory_space<vmem>>
      %dma_start3A_129 = tpu.memref_squeeze %dma_start3A_128 : memref<1x104xi32, #tpu.memory_space<vmem>> -> memref<104xi32, #tpu.memory_space<vmem>>
      %dma_start3A_130 = arith.constant 0 : i32
      %dma_start3A_131 = tpu.memref_slice %arg3[%mul3A_2, %dma_start3A_130] : memref<1024x200xi32, #tpu.memory_space<hbm>> -> memref<1x104xi32, #tpu.memory_space<hbm>>
      %dma_start3A_132 = tpu.memref_squeeze %dma_start3A_131 : memref<1x104xi32, #tpu.memory_space<hbm>> -> memref<104xi32, #tpu.memory_space<hbm>>
      %dma_start3A_133 = arith.constant 0 : i32
      %dma_start3A_134 = tpu.memref_slice %arg13[%run_scoped3A, %dma_start3A_133] : memref<2x104xi32, #tpu.memory_space<vmem>> -> memref<1x104xi32, #tpu.memory_space<vmem>>
      %dma_start3A_135 = tpu.memref_squeeze %dma_start3A_134 : memref<1x104xi32, #tpu.memory_space<vmem>> -> memref<104xi32, #tpu.memory_space<vmem>>
      %dma_start3A_136 = arith.constant 0 : i32
      %dma_start3A_137 = tpu.memref_slice %arg3[%mul3A_2, %dma_start3A_136] : memref<1024x200xi32, #tpu.memory_space<hbm>> -> memref<1x104xi32, #tpu.memory_space<hbm>>
      %dma_start3A_138 = tpu.memref_squeeze %dma_start3A_137 : memref<1x104xi32, #tpu.memory_space<hbm>> -> memref<104xi32, #tpu.memory_space<hbm>>
      tpu.enqueue_dma source(%dma_start3A_138 : memref<104xi32, #tpu.memory_space<hbm>>) target(%dma_start3A_135 : memref<104xi32, #tpu.memory_space<vmem>>) target_semaphore(%run_scoped3A_126 : memref<!tpu.dma_semaphore, #tpu.memory_space<semaphore_mem>>)
      %dma_wait3A_139 = arith.constant 0 : i32
      %dma_wait3A_140 = tpu.memref_slice %arg13[%run_scoped3A, %dma_wait3A_139] : memref<2x104xi32, #tpu.memory_space<vmem>> -> memref<1x104xi32, #tpu.memory_space<vmem>>
      %dma_wait3A_141 = tpu.memref_squeeze %dma_wait3A_140 : memref<1x104xi32, #tpu.memory_space<vmem>> -> memref<104xi32, #tpu.memory_space<vmem>>
      %dma_wait3A_142 = arith.constant 0 : i32
      %dma_wait3A_143 = tpu.memref_slice %arg3[%mul3A_2, %dma_wait3A_142] : memref<1024x200xi32, #tpu.memory_space<hbm>> -> memref<1x104xi32, #tpu.memory_space<hbm>>
      %dma_wait3A_144 = tpu.memref_squeeze %dma_wait3A_143 : memref<1x104xi32, #tpu.memory_space<hbm>> -> memref<104xi32, #tpu.memory_space<hbm>>
      %dma_wait3A_145 = arith.constant 0 : i32
      %dma_wait3A_146 = tpu.memref_slice %arg13[%run_scoped3A, %dma_wait3A_145] : memref<2x104xi32, #tpu.memory_space<vmem>> -> memref<1x104xi32, #tpu.memory_space<vmem>>
      %dma_wait3A_147 = tpu.memref_squeeze %dma_wait3A_146 : memref<1x104xi32, #tpu.memory_space<vmem>> -> memref<104xi32, #tpu.memory_space<vmem>>
      %dma_wait3A_148 = arith.constant 0 : i32
      %dma_wait3A_149 = tpu.memref_slice %arg3[%mul3A_2, %dma_wait3A_148] : memref<1024x200xi32, #tpu.memory_space<hbm>> -> memref<1x104xi32, #tpu.memory_space<hbm>>
      %dma_wait3A_150 = tpu.memref_squeeze %dma_wait3A_149 : memref<1x104xi32, #tpu.memory_space<hbm>> -> memref<104xi32, #tpu.memory_space<hbm>>
      tpu.wait_dma2 semaphore(%run_scoped3A_126 : memref<!tpu.dma_semaphore, #tpu.memory_space<semaphore_mem>>) src(%dma_wait3A_150 : memref<104xi32, #tpu.memory_space<hbm>>) dst(%dma_wait3A_147 : memref<104xi32, #tpu.memory_space<vmem>>)
      tpu.yield
    }) : () -> ()
    %run_scoped3A_3 = arith.constant 0 : i32
    "tpu.region"() ({
      %run_scoped3A_126 = tpu.sem_alloc : memref<!tpu.dma_semaphore, #tpu.memory_space<semaphore_mem>>
      %dma_start3A_127 = arith.constant 0 : i32
      %dma_start3A_128 = tpu.memref_slice %arg14[%run_scoped3A_3, %dma_start3A_127] : memref<2x96xi32, #tpu.memory_space<vmem>> -> memref<1x96xi32, #tpu.memory_space<vmem>>
      %dma_start3A_129 = tpu.memref_squeeze %dma_start3A_128 : memref<1x96xi32, #tpu.memory_space<vmem>> -> memref<96xi32, #tpu.memory_space<vmem>>
      %dma_start3A_130 = arith.constant 104 : i32
      %dma_start3A_131 = tpu.memref_slice %arg3[%mul3A_2, %dma_start3A_130] : memref<1024x200xi32, #tpu.memory_space<hbm>> -> memref<1x96xi32, #tpu.memory_space<hbm>>
      %dma_start3A_132 = tpu.memref_squeeze %dma_start3A_131 : memref<1x96xi32, #tpu.memory_space<hbm>> -> memref<96xi32, #tpu.memory_space<hbm>>
      %dma_start3A_133 = arith.constant 0 : i32
      %dma_start3A_134 = tpu.memref_slice %arg14[%run_scoped3A_3, %dma_start3A_133] : memref<2x96xi32, #tpu.memory_space<vmem>> -> memref<1x96xi32, #tpu.memory_space<vmem>>
      %dma_start3A_135 = tpu.memref_squeeze %dma_start3A_134 : memref<1x96xi32, #tpu.memory_space<vmem>> -> memref<96xi32, #tpu.memory_space<vmem>>
      %dma_start3A_136 = arith.constant 104 : i32
      %dma_start3A_137 = tpu.memref_slice %arg3[%mul3A_2, %dma_start3A_136] : memref<1024x200xi32, #tpu.memory_space<hbm>> -> memref<1x96xi32, #tpu.memory_space<hbm>>
      %dma_start3A_138 = tpu.memref_squeeze %dma_start3A_137 : memref<1x96xi32, #tpu.memory_space<hbm>> -> memref<96xi32, #tpu.memory_space<hbm>>
      tpu.enqueue_dma source(%dma_start3A_138 : memref<96xi32, #tpu.memory_space<hbm>>) target(%dma_start3A_135 : memref<96xi32, #tpu.memory_space<vmem>>) target_semaphore(%run_scoped3A_126 : memref<!tpu.dma_semaphore, #tpu.memory_space<semaphore_mem>>)
      %dma_wait3A_139 = arith.constant 0 : i32
      %dma_wait3A_140 = tpu.memref_slice %arg14[%run_scoped3A_3, %dma_wait3A_139] : memref<2x96xi32, #tpu.memory_space<vmem>> -> memref<1x96xi32, #tpu.memory_space<vmem>>
      %dma_wait3A_141 = tpu.memref_squeeze %dma_wait3A_140 : memref<1x96xi32, #tpu.memory_space<vmem>> -> memref<96xi32, #tpu.memory_space<vmem>>
      %dma_wait3A_142 = arith.constant 104 : i32
      %dma_wait3A_143 = tpu.memref_slice %arg3[%mul3A_2, %dma_wait3A_142] : memref<1024x200xi32, #tpu.memory_space<hbm>> -> memref<1x96xi32, #tpu.memory_space<hbm>>
      %dma_wait3A_144 = tpu.memref_squeeze %dma_wait3A_143 : memref<1x96xi32, #tpu.memory_space<hbm>> -> memref<96xi32, #tpu.memory_space<hbm>>
      %dma_wait3A_145 = arith.constant 0 : i32
      %dma_wait3A_146 = tpu.memref_slice %arg14[%run_scoped3A_3, %dma_wait3A_145] : memref<2x96xi32, #tpu.memory_space<vmem>> -> memref<1x96xi32, #tpu.memory_space<vmem>>
      %dma_wait3A_147 = tpu.memref_squeeze %dma_wait3A_146 : memref<1x96xi32, #tpu.memory_space<vmem>> -> memref<96xi32, #tpu.memory_space<vmem>>
      %dma_wait3A_148 = arith.constant 104 : i32
      %dma_wait3A_149 = tpu.memref_slice %arg3[%mul3A_2, %dma_wait3A_148] : memref<1024x200xi32, #tpu.memory_space<hbm>> -> memref<1x96xi32, #tpu.memory_space<hbm>>
      %dma_wait3A_150 = tpu.memref_squeeze %dma_wait3A_149 : memref<1x96xi32, #tpu.memory_space<hbm>> -> memref<96xi32, #tpu.memory_space<hbm>>
      tpu.wait_dma2 semaphore(%run_scoped3A_126 : memref<!tpu.dma_semaphore, #tpu.memory_space<semaphore_mem>>) src(%dma_wait3A_150 : memref<96xi32, #tpu.memory_space<hbm>>) dst(%dma_wait3A_147 : memref<96xi32, #tpu.memory_space<vmem>>)
      tpu.yield
    }) : () -> ()
    %run_scoped3A_4 = arith.constant 0 : i32
    "tpu.region"() ({
      %run_scoped3A_126 = tpu.sem_alloc : memref<!tpu.dma_semaphore, #tpu.memory_space<semaphore_mem>>
      %dma_start3A_127 = arith.constant 0 : i32
      %dma_start3A_128 = tpu.memref_slice %arg15[%run_scoped3A_4, %dma_start3A_127] : memref<2x200xf32, #tpu.memory_space<vmem>> -> memref<1x200xf32, #tpu.memory_space<vmem>>
      %dma_start3A_129 = tpu.memref_squeeze %dma_start3A_128 : memref<1x200xf32, #tpu.memory_space<vmem>> -> memref<200xf32, #tpu.memory_space<vmem>>
      %dma_start3A_130 = arith.constant 0 : i32
      %dma_start3A_131 = tpu.memref_slice %arg4[%mul3A_2, %dma_start3A_130] : memref<1024x200xf32, #tpu.memory_space<hbm>> -> memref<1x200xf32, #tpu.memory_space<hbm>>
      %dma_start3A_132 = tpu.memref_squeeze %dma_start3A_131 : memref<1x200xf32, #tpu.memory_space<hbm>> -> memref<200xf32, #tpu.memory_space<hbm>>
      %dma_start3A_133 = arith.constant 0 : i32
      %dma_start3A_134 = tpu.memref_slice %arg15[%run_scoped3A_4, %dma_start3A_133] : memref<2x200xf32, #tpu.memory_space<vmem>> -> memref<1x200xf32, #tpu.memory_space<vmem>>
      %dma_start3A_135 = tpu.memref_squeeze %dma_start3A_134 : memref<1x200xf32, #tpu.memory_space<vmem>> -> memref<200xf32, #tpu.memory_space<vmem>>
      %dma_start3A_136 = arith.constant 0 : i32
      %dma_start3A_137 = tpu.memref_slice %arg4[%mul3A_2, %dma_start3A_136] : memref<1024x200xf32, #tpu.memory_space<hbm>> -> memref<1x200xf32, #tpu.memory_space<hbm>>
      %dma_start3A_138 = tpu.memref_squeeze %dma_start3A_137 : memref<1x200xf32, #tpu.memory_space<hbm>> -> memref<200xf32, #tpu.memory_space<hbm>>
      tpu.enqueue_dma source(%dma_start3A_138 : memref<200xf32, #tpu.memory_space<hbm>>) target(%dma_start3A_135 : memref<200xf32, #tpu.memory_space<vmem>>) target_semaphore(%run_scoped3A_126 : memref<!tpu.dma_semaphore, #tpu.memory_space<semaphore_mem>>)
      %dma_wait3A_139 = arith.constant 0 : i32
      %dma_wait3A_140 = tpu.memref_slice %arg15[%run_scoped3A_4, %dma_wait3A_139] : memref<2x200xf32, #tpu.memory_space<vmem>> -> memref<1x200xf32, #tpu.memory_space<vmem>>
      %dma_wait3A_141 = tpu.memref_squeeze %dma_wait3A_140 : memref<1x200xf32, #tpu.memory_space<vmem>> -> memref<200xf32, #tpu.memory_space<vmem>>
      %dma_wait3A_142 = arith.constant 0 : i32
      %dma_wait3A_143 = tpu.memref_slice %arg4[%mul3A_2, %dma_wait3A_142] : memref<1024x200xf32, #tpu.memory_space<hbm>> -> memref<1x200xf32, #tpu.memory_space<hbm>>
      %dma_wait3A_144 = tpu.memref_squeeze %dma_wait3A_143 : memref<1x200xf32, #tpu.memory_space<hbm>> -> memref<200xf32, #tpu.memory_space<hbm>>
      %dma_wait3A_145 = arith.constant 0 : i32
      %dma_wait3A_146 = tpu.memref_slice %arg15[%run_scoped3A_4, %dma_wait3A_145] : memref<2x200xf32, #tpu.memory_space<vmem>> -> memref<1x200xf32, #tpu.memory_space<vmem>>
      %dma_wait3A_147 = tpu.memref_squeeze %dma_wait3A_146 : memref<1x200xf32, #tpu.memory_space<vmem>> -> memref<200xf32, #tpu.memory_space<vmem>>
      %dma_wait3A_148 = arith.constant 0 : i32
      %dma_wait3A_149 = tpu.memref_slice %arg4[%mul3A_2, %dma_wait3A_148] : memref<1024x200xf32, #tpu.memory_space<hbm>> -> memref<1x200xf32, #tpu.memory_space<hbm>>
      %dma_wait3A_150 = tpu.memref_squeeze %dma_wait3A_149 : memref<1x200xf32, #tpu.memory_space<hbm>> -> memref<200xf32, #tpu.memory_space<hbm>>
      tpu.wait_dma2 semaphore(%run_scoped3A_126 : memref<!tpu.dma_semaphore, #tpu.memory_space<semaphore_mem>>) src(%dma_wait3A_150 : memref<200xf32, #tpu.memory_space<hbm>>) dst(%dma_wait3A_147 : memref<200xf32, #tpu.memory_space<vmem>>)
      tpu.yield
    }) : () -> ()
    %dma_start3A = arith.constant 0 : i32
    %dma_start3A_5 = arith.constant 0 : i32
    %dma_start3A_6 = arith.constant 0 : i32
    %dma_start3A_7 = arith.constant 0 : i32
    %dma_start3A_8 = tpu.memref_slice %arg11[%dma_start3A_5, %dma_start3A_6, %dma_start3A_7] : memref<2x104x32xf32, #tpu.memory_space<vmem>> -> memref<1x104x32xf32, #tpu.memory_space<vmem>>
    %dma_start3A_9 = tpu.memref_squeeze %dma_start3A_8 : memref<1x104x32xf32, #tpu.memory_space<vmem>> -> memref<104x32xf32, #tpu.memory_space<vmem>>
    %dma_start3A_10 = arith.constant 0 : i32
    %dma_start3A_11 = tpu.memref_slice %arg13[%dma_start3A, %dma_start3A_10] : memref<2x104xi32, #tpu.memory_space<vmem>> -> memref<1x104xi32, #tpu.memory_space<vmem>>
    %dma_start3A_12 = tpu.memref_squeeze %dma_start3A_11 : memref<1x104xi32, #tpu.memory_space<vmem>> -> memref<104xi32, #tpu.memory_space<vmem>>
    %dma_start3A_13 = arith.constant 0 : i32
    %dma_start3A_14 = arith.constant 0 : i32
    %dma_start3A_15 = tpu.memref_slice %arg5[%dma_start3A_13, %dma_start3A_14] : memref<20000x32xf32, #tpu.memory_space<hbm>> -> memref<20000x32xf32, #tpu.memory_space<hbm>>
    tpu.enqueue_indirect_dma source(%dma_start3A_15 : memref<20000x32xf32, #tpu.memory_space<hbm>>) target(%dma_start3A_9 : memref<104x32xf32, #tpu.memory_space<vmem>>) offsets(%dma_start3A_12 : memref<104xi32, #tpu.memory_space<vmem>>) semaphore(%arg21 : memref<!tpu.dma_semaphore, #tpu.memory_space<semaphore_mem>>)
    %dma_start3A_16 = arith.constant 0 : i32
    %dma_start3A_17 = arith.constant 0 : i32
    %dma_start3A_18 = arith.constant 0 : i32
    %dma_start3A_19 = arith.constant 0 : i32
    %dma_start3A_20 = tpu.memref_slice %arg12[%dma_start3A_17, %dma_start3A_18, %dma_start3A_19] : memref<2x96x32xf32, #tpu.memory_space<vmem>> -> memref<1x96x32xf32, #tpu.memory_space<vmem>>
    %dma_start3A_21 = tpu.memref_squeeze %dma_start3A_20 : memref<1x96x32xf32, #tpu.memory_space<vmem>> -> memref<96x32xf32, #tpu.memory_space<vmem>>
    %dma_start3A_22 = arith.constant 0 : i32
    %dma_start3A_23 = tpu.memref_slice %arg14[%dma_start3A_16, %dma_start3A_22] : memref<2x96xi32, #tpu.memory_space<vmem>> -> memref<1x96xi32, #tpu.memory_space<vmem>>
    %dma_start3A_24 = tpu.memref_squeeze %dma_start3A_23 : memref<1x96xi32, #tpu.memory_space<vmem>> -> memref<96xi32, #tpu.memory_space<vmem>>
    %dma_start3A_25 = arith.constant 0 : i32
    %dma_start3A_26 = arith.constant 0 : i32
    %dma_start3A_27 = tpu.memref_slice %arg5[%dma_start3A_25, %dma_start3A_26] : memref<20000x32xf32, #tpu.memory_space<hbm>> -> memref<20000x32xf32, #tpu.memory_space<hbm>>
    tpu.enqueue_indirect_dma source(%dma_start3A_27 : memref<20000x32xf32, #tpu.memory_space<hbm>>) target(%dma_start3A_21 : memref<96x32xf32, #tpu.memory_space<vmem>>) offsets(%dma_start3A_24 : memref<96xi32, #tpu.memory_space<vmem>>) semaphore(%arg21 : memref<!tpu.dma_semaphore, #tpu.memory_space<semaphore_mem>>)
    %dma_start3A_28 = arith.constant 0 : i32
    %dma_start3A_29 = arith.constant 0 : i32
    %dma_start3A_30 = tpu.memref_slice %arg13[%dma_start3A_28, %dma_start3A_29] : memref<2x104xi32, #tpu.memory_space<vmem>> -> memref<1x104xi32, #tpu.memory_space<vmem>>
    %dma_start3A_31 = tpu.memref_squeeze %dma_start3A_30 : memref<1x104xi32, #tpu.memory_space<vmem>> -> memref<104xi32, #tpu.memory_space<vmem>>
    %dma_start3A_32 = arith.constant 0 : i32
    %dma_start3A_33 = arith.constant 0 : i32
    %dma_start3A_34 = tpu.memref_slice %arg2[%dma_start3A_32, %dma_start3A_33] : memref<20000x512xbf16, #tpu.memory_space<hbm>> -> memref<20000x512xbf16, #tpu.memory_space<hbm>>
    tpu.enqueue_indirect_dma source(%dma_start3A_34 : memref<20000x512xbf16, #tpu.memory_space<hbm>>) target(%arg9 : memref<104x512xbf16, #tpu.memory_space<vmem>>) offsets(%dma_start3A_31 : memref<104xi32, #tpu.memory_space<vmem>>) semaphore(%arg18 : memref<!tpu.dma_semaphore, #tpu.memory_space<semaphore_mem>>)
    %dma_wait3A = arith.constant 0 : i32
    %dma_wait3A_35 = arith.constant 0 : i32
    %dma_wait3A_36 = arith.constant 0 : i32
    %dma_wait3A_37 = arith.constant 0 : i32
    %dma_wait3A_38 = tpu.memref_slice %arg11[%dma_wait3A_35, %dma_wait3A_36, %dma_wait3A_37] : memref<2x104x32xf32, #tpu.memory_space<vmem>> -> memref<1x104x32xf32, #tpu.memory_space<vmem>>
    %dma_wait3A_39 = tpu.memref_squeeze %dma_wait3A_38 : memref<1x104x32xf32, #tpu.memory_space<vmem>> -> memref<104x32xf32, #tpu.memory_space<vmem>>
    %dma_wait3A_40 = arith.constant 0 : i32
    %dma_wait3A_41 = tpu.memref_slice %arg13[%dma_wait3A, %dma_wait3A_40] : memref<2x104xi32, #tpu.memory_space<vmem>> -> memref<1x104xi32, #tpu.memory_space<vmem>>
    %dma_wait3A_42 = tpu.memref_squeeze %dma_wait3A_41 : memref<1x104xi32, #tpu.memory_space<vmem>> -> memref<104xi32, #tpu.memory_space<vmem>>
    %dma_wait3A_43 = arith.constant 0 : i32
    %dma_wait3A_44 = arith.constant 0 : i32
    %dma_wait3A_45 = tpu.memref_slice %arg5[%dma_wait3A_43, %dma_wait3A_44] : memref<20000x32xf32, #tpu.memory_space<hbm>> -> memref<20000x32xf32, #tpu.memory_space<hbm>>
    tpu.wait_indirect_dma semaphore(%arg21 : memref<!tpu.dma_semaphore, #tpu.memory_space<semaphore_mem>>) src(%dma_wait3A_45 : memref<20000x32xf32, #tpu.memory_space<hbm>>) dst(%dma_wait3A_39 : memref<104x32xf32, #tpu.memory_space<vmem>>)
    %dma_wait3A_46 = arith.constant 0 : i32
    %dma_wait3A_47 = arith.constant 0 : i32
    %dma_wait3A_48 = arith.constant 0 : i32
    %dma_wait3A_49 = arith.constant 0 : i32
    %dma_wait3A_50 = tpu.memref_slice %arg12[%dma_wait3A_47, %dma_wait3A_48, %dma_wait3A_49] : memref<2x96x32xf32, #tpu.memory_space<vmem>> -> memref<1x96x32xf32, #tpu.memory_space<vmem>>
    %dma_wait3A_51 = tpu.memref_squeeze %dma_wait3A_50 : memref<1x96x32xf32, #tpu.memory_space<vmem>> -> memref<96x32xf32, #tpu.memory_space<vmem>>
    %dma_wait3A_52 = arith.constant 0 : i32
    %dma_wait3A_53 = tpu.memref_slice %arg14[%dma_wait3A_46, %dma_wait3A_52] : memref<2x96xi32, #tpu.memory_space<vmem>> -> memref<1x96xi32, #tpu.memory_space<vmem>>
    %dma_wait3A_54 = tpu.memref_squeeze %dma_wait3A_53 : memref<1x96xi32, #tpu.memory_space<vmem>> -> memref<96xi32, #tpu.memory_space<vmem>>
    %dma_wait3A_55 = arith.constant 0 : i32
    %dma_wait3A_56 = arith.constant 0 : i32
    %dma_wait3A_57 = tpu.memref_slice %arg5[%dma_wait3A_55, %dma_wait3A_56] : memref<20000x32xf32, #tpu.memory_space<hbm>> -> memref<20000x32xf32, #tpu.memory_space<hbm>>
    tpu.wait_indirect_dma semaphore(%arg21 : memref<!tpu.dma_semaphore, #tpu.memory_space<semaphore_mem>>) src(%dma_wait3A_57 : memref<20000x32xf32, #tpu.memory_space<hbm>>) dst(%dma_wait3A_51 : memref<96x32xf32, #tpu.memory_space<vmem>>)
    %scan3A = arith.constant 0 : i32
    %scan3A_58 = arith.constant 0 : i32
    %scan3A_59 = arith.constant 32 : i32
    %scan3A_60 = arith.addi %scan3A_58, %scan3A_59 : i32
    %scan3A_61 = arith.constant 1 : i32
    scf.for %scan3A_126 = %scan3A_58 to %scan3A_60 step %scan3A_61  : i32 {
      %rem3A = arith.constant 2 : i32
      %rem3A_127 = arith.remsi %scan3A_126, %rem3A : i32
      %sub3A_128 = arith.constant 1 : i32
      %sub3A_129 = arith.subi %sub3A_128, %rem3A_127 : i32
      %mul3A_130 = arith.constant 32 : i32
      %mul3A_131 = arith.muli %add3A, %mul3A_130 : i32
      %add3A_132 = arith.addi %mul3A_131, %scan3A_126 : i32
      %mul3A_133 = arith.constant 200 : i32
      %mul3A_134 = arith.muli %add3A_132, %mul3A_133 : i32
      %multiple_of3A_135 = tpu.assume_multiple %mul3A_134, 8 : i32
      %mul3A_136 = arith.constant 32 : i32
      %mul3A_137 = arith.muli %add3A, %mul3A_136 : i32
      %add3A_138 = arith.addi %mul3A_137, %scan3A_126 : i32
      %dma_start3A_139 = arith.constant 0 : i32
      %dma_start3A_140 = arith.constant 0 : i32
      %dma_start3A_141 = tpu.memref_slice %arg11[%rem3A_127, %dma_start3A_139, %dma_start3A_140] : memref<2x104x32xf32, #tpu.memory_space<vmem>> -> memref<1x104x32xf32, #tpu.memory_space<vmem>>
      %dma_start3A_142 = tpu.memref_squeeze %dma_start3A_141 : memref<1x104x32xf32, #tpu.memory_space<vmem>> -> memref<104x32xf32, #tpu.memory_space<vmem>>
      %dma_start3A_143 = arith.constant 0 : i32
      %dma_start3A_144 = tpu.memref_slice %arg8[%multiple_of3A_135, %dma_start3A_143] : memref<204800x32xf32, #tpu.memory_space<hbm>> -> memref<104x32xf32, #tpu.memory_space<hbm>>
      %dma_start3A_145 = arith.constant 0 : i32
      %dma_start3A_146 = tpu.memref_slice %arg8[%multiple_of3A_135, %dma_start3A_145] : memref<204800x32xf32, #tpu.memory_space<hbm>> -> memref<104x32xf32, #tpu.memory_space<hbm>>
      %dma_start3A_147 = arith.constant 0 : i32
      %dma_start3A_148 = arith.constant 0 : i32
      %dma_start3A_149 = tpu.memref_slice %arg11[%rem3A_127, %dma_start3A_147, %dma_start3A_148] : memref<2x104x32xf32, #tpu.memory_space<vmem>> -> memref<1x104x32xf32, #tpu.memory_space<vmem>>
      %dma_start3A_150 = tpu.memref_squeeze %dma_start3A_149 : memref<1x104x32xf32, #tpu.memory_space<vmem>> -> memref<104x32xf32, #tpu.memory_space<vmem>>
      tpu.enqueue_dma source(%dma_start3A_150 : memref<104x32xf32, #tpu.memory_space<vmem>>) target(%dma_start3A_146 : memref<104x32xf32, #tpu.memory_space<hbm>>) target_semaphore(%arg22 : memref<!tpu.dma_semaphore, #tpu.memory_space<semaphore_mem>>)
      %add3A_151 = arith.constant 104 : i32
      %add3A_152 = arith.addi %multiple_of3A_135, %add3A_151 : i32
      %dma_start3A_153 = arith.constant 0 : i32
      %dma_start3A_154 = arith.constant 0 : i32
      %dma_start3A_155 = tpu.memref_slice %arg12[%rem3A_127, %dma_start3A_153, %dma_start3A_154] : memref<2x96x32xf32, #tpu.memory_space<vmem>> -> memref<1x96x32xf32, #tpu.memory_space<vmem>>
      %dma_start3A_156 = tpu.memref_squeeze %dma_start3A_155 : memref<1x96x32xf32, #tpu.memory_space<vmem>> -> memref<96x32xf32, #tpu.memory_space<vmem>>
      %dma_start3A_157 = arith.constant 0 : i32
      %dma_start3A_158 = tpu.memref_slice %arg8[%add3A_152, %dma_start3A_157] : memref<204800x32xf32, #tpu.memory_space<hbm>> -> memref<96x32xf32, #tpu.memory_space<hbm>>
      %dma_start3A_159 = arith.constant 0 : i32
      %dma_start3A_160 = tpu.memref_slice %arg8[%add3A_152, %dma_start3A_159] : memref<204800x32xf32, #tpu.memory_space<hbm>> -> memref<96x32xf32, #tpu.memory_space<hbm>>
      %dma_start3A_161 = arith.constant 0 : i32
      %dma_start3A_162 = arith.constant 0 : i32
      %dma_start3A_163 = tpu.memref_slice %arg12[%rem3A_127, %dma_start3A_161, %dma_start3A_162] : memref<2x96x32xf32, #tpu.memory_space<vmem>> -> memref<1x96x32xf32, #tpu.memory_space<vmem>>
      %dma_start3A_164 = tpu.memref_squeeze %dma_start3A_163 : memref<1x96x32xf32, #tpu.memory_space<vmem>> -> memref<96x32xf32, #tpu.memory_space<vmem>>
      tpu.enqueue_dma source(%dma_start3A_164 : memref<96x32xf32, #tpu.memory_space<vmem>>) target(%dma_start3A_160 : memref<96x32xf32, #tpu.memory_space<hbm>>) target_semaphore(%arg22 : memref<!tpu.dma_semaphore, #tpu.memory_space<semaphore_mem>>)
      %lt3A = arith.constant 31 : i32
      %lt3A_165 = arith.cmpi slt, %scan3A_126, %lt3A : i32
      %convert_element_type3A = arith.extui %lt3A_165 : i1 to i32
      %cond3A = arith.constant 0 : i32
      %cond3A_166 = arith.cmpi ne, %convert_element_type3A, %cond3A : i32
      scf.if %cond3A_166 {
        %mul3A_582 = arith.constant 32 : i32
        %mul3A_583 = arith.muli %add3A, %mul3A_582 : i32
        %add3A_584 = arith.addi %mul3A_583, %scan3A_126 : i32
        %add3A_585 = arith.constant 1 : i32
        %add3A_586 = arith.addi %add3A_584, %add3A_585 : i32
        %dma_start3A_587 = arith.constant 0 : i32
        %dma_start3A_588 = tpu.memref_slice %arg13[%sub3A_129, %dma_start3A_587] : memref<2x104xi32, #tpu.memory_space<vmem>> -> memref<1x104xi32, #tpu.memory_space<vmem>>
        %dma_start3A_589 = tpu.memref_squeeze %dma_start3A_588 : memref<1x104xi32, #tpu.memory_space<vmem>> -> memref<104xi32, #tpu.memory_space<vmem>>
        %dma_start3A_590 = arith.constant 0 : i32
        %dma_start3A_591 = tpu.memref_slice %arg3[%add3A_586, %dma_start3A_590] : memref<1024x200xi32, #tpu.memory_space<hbm>> -> memref<1x104xi32, #tpu.memory_space<hbm>>
        %dma_start3A_592 = tpu.memref_squeeze %dma_start3A_591 : memref<1x104xi32, #tpu.memory_space<hbm>> -> memref<104xi32, #tpu.memory_space<hbm>>
        %dma_start3A_593 = arith.constant 0 : i32
        %dma_start3A_594 = tpu.memref_slice %arg13[%sub3A_129, %dma_start3A_593] : memref<2x104xi32, #tpu.memory_space<vmem>> -> memref<1x104xi32, #tpu.memory_space<vmem>>
        %dma_start3A_595 = tpu.memref_squeeze %dma_start3A_594 : memref<1x104xi32, #tpu.memory_space<vmem>> -> memref<104xi32, #tpu.memory_space<vmem>>
        %dma_start3A_596 = arith.constant 0 : i32
        %dma_start3A_597 = tpu.memref_slice %arg3[%add3A_586, %dma_start3A_596] : memref<1024x200xi32, #tpu.memory_space<hbm>> -> memref<1x104xi32, #tpu.memory_space<hbm>>
        %dma_start3A_598 = tpu.memref_squeeze %dma_start3A_597 : memref<1x104xi32, #tpu.memory_space<hbm>> -> memref<104xi32, #tpu.memory_space<hbm>>
        tpu.enqueue_dma source(%dma_start3A_598 : memref<104xi32, #tpu.memory_space<hbm>>) target(%dma_start3A_595 : memref<104xi32, #tpu.memory_space<vmem>>) target_semaphore(%arg20 : memref<!tpu.dma_semaphore, #tpu.memory_space<semaphore_mem>>)
        %dma_start3A_599 = arith.constant 0 : i32
        %dma_start3A_600 = tpu.memref_slice %arg14[%sub3A_129, %dma_start3A_599] : memref<2x96xi32, #tpu.memory_space<vmem>> -> memref<1x96xi32, #tpu.memory_space<vmem>>
        %dma_start3A_601 = tpu.memref_squeeze %dma_start3A_600 : memref<1x96xi32, #tpu.memory_space<vmem>> -> memref<96xi32, #tpu.memory_space<vmem>>
        %dma_start3A_602 = arith.constant 104 : i32
        %dma_start3A_603 = tpu.memref_slice %arg3[%add3A_586, %dma_start3A_602] : memref<1024x200xi32, #tpu.memory_space<hbm>> -> memref<1x96xi32, #tpu.memory_space<hbm>>
        %dma_start3A_604 = tpu.memref_squeeze %dma_start3A_603 : memref<1x96xi32, #tpu.memory_space<hbm>> -> memref<96xi32, #tpu.memory_space<hbm>>
        %dma_start3A_605 = arith.constant 0 : i32
        %dma_start3A_606 = tpu.memref_slice %arg14[%sub3A_129, %dma_start3A_605] : memref<2x96xi32, #tpu.memory_space<vmem>> -> memref<1x96xi32, #tpu.memory_space<vmem>>
        %dma_start3A_607 = tpu.memref_squeeze %dma_start3A_606 : memref<1x96xi32, #tpu.memory_space<vmem>> -> memref<96xi32, #tpu.memory_space<vmem>>
        %dma_start3A_608 = arith.constant 104 : i32
        %dma_start3A_609 = tpu.memref_slice %arg3[%add3A_586, %dma_start3A_608] : memref<1024x200xi32, #tpu.memory_space<hbm>> -> memref<1x96xi32, #tpu.memory_space<hbm>>
        %dma_start3A_610 = tpu.memref_squeeze %dma_start3A_609 : memref<1x96xi32, #tpu.memory_space<hbm>> -> memref<96xi32, #tpu.memory_space<hbm>>
        tpu.enqueue_dma source(%dma_start3A_610 : memref<96xi32, #tpu.memory_space<hbm>>) target(%dma_start3A_607 : memref<96xi32, #tpu.memory_space<vmem>>) target_semaphore(%arg20 : memref<!tpu.dma_semaphore, #tpu.memory_space<semaphore_mem>>)
        %dma_start3A_611 = arith.constant 0 : i32
        %dma_start3A_612 = tpu.memref_slice %arg15[%sub3A_129, %dma_start3A_611] : memref<2x200xf32, #tpu.memory_space<vmem>> -> memref<1x200xf32, #tpu.memory_space<vmem>>
        %dma_start3A_613 = tpu.memref_squeeze %dma_start3A_612 : memref<1x200xf32, #tpu.memory_space<vmem>> -> memref<200xf32, #tpu.memory_space<vmem>>
        %dma_start3A_614 = arith.constant 0 : i32
        %dma_start3A_615 = tpu.memref_slice %arg4[%add3A_586, %dma_start3A_614] : memref<1024x200xf32, #tpu.memory_space<hbm>> -> memref<1x200xf32, #tpu.memory_space<hbm>>
        %dma_start3A_616 = tpu.memref_squeeze %dma_start3A_615 : memref<1x200xf32, #tpu.memory_space<hbm>> -> memref<200xf32, #tpu.memory_space<hbm>>
        %dma_start3A_617 = arith.constant 0 : i32
        %dma_start3A_618 = tpu.memref_slice %arg15[%sub3A_129, %dma_start3A_617] : memref<2x200xf32, #tpu.memory_space<vmem>> -> memref<1x200xf32, #tpu.memory_space<vmem>>
        %dma_start3A_619 = tpu.memref_squeeze %dma_start3A_618 : memref<1x200xf32, #tpu.memory_space<vmem>> -> memref<200xf32, #tpu.memory_space<vmem>>
        %dma_start3A_620 = arith.constant 0 : i32
        %dma_start3A_621 = tpu.memref_slice %arg4[%add3A_586, %dma_start3A_620] : memref<1024x200xf32, #tpu.memory_space<hbm>> -> memref<1x200xf32, #tpu.memory_space<hbm>>
        %dma_start3A_622 = tpu.memref_squeeze %dma_start3A_621 : memref<1x200xf32, #tpu.memory_space<hbm>> -> memref<200xf32, #tpu.memory_space<hbm>>
        tpu.enqueue_dma source(%dma_start3A_622 : memref<200xf32, #tpu.memory_space<hbm>>) target(%dma_start3A_619 : memref<200xf32, #tpu.memory_space<vmem>>) target_semaphore(%arg20 : memref<!tpu.dma_semaphore, #tpu.memory_space<semaphore_mem>>)
      } else {
      }
      %dma_start3A_167 = arith.constant 0 : i32
      %dma_start3A_168 = tpu.memref_slice %arg14[%rem3A_127, %dma_start3A_167] : memref<2x96xi32, #tpu.memory_space<vmem>> -> memref<1x96xi32, #tpu.memory_space<vmem>>
      %dma_start3A_169 = tpu.memref_squeeze %dma_start3A_168 : memref<1x96xi32, #tpu.memory_space<vmem>> -> memref<96xi32, #tpu.memory_space<vmem>>
      %dma_start3A_170 = arith.constant 0 : i32
      %dma_start3A_171 = arith.constant 0 : i32
      %dma_start3A_172 = tpu.memref_slice %arg2[%dma_start3A_170, %dma_start3A_171] : memref<20000x512xbf16, #tpu.memory_space<hbm>> -> memref<20000x512xbf16, #tpu.memory_space<hbm>>
      tpu.enqueue_indirect_dma source(%dma_start3A_172 : memref<20000x512xbf16, #tpu.memory_space<hbm>>) target(%arg10 : memref<96x512xbf16, #tpu.memory_space<vmem>>) offsets(%dma_start3A_169 : memref<96xi32, #tpu.memory_space<vmem>>) semaphore(%arg19 : memref<!tpu.dma_semaphore, #tpu.memory_space<semaphore_mem>>)
      %dma_wait3A_173 = arith.constant 0 : i32
      %dma_wait3A_174 = tpu.memref_slice %arg13[%rem3A_127, %dma_wait3A_173] : memref<2x104xi32, #tpu.memory_space<vmem>> -> memref<1x104xi32, #tpu.memory_space<vmem>>
      %dma_wait3A_175 = tpu.memref_squeeze %dma_wait3A_174 : memref<1x104xi32, #tpu.memory_space<vmem>> -> memref<104xi32, #tpu.memory_space<vmem>>
      %dma_wait3A_176 = arith.constant 0 : i32
      %dma_wait3A_177 = arith.constant 0 : i32
      %dma_wait3A_178 = tpu.memref_slice %arg2[%dma_wait3A_176, %dma_wait3A_177] : memref<20000x512xbf16, #tpu.memory_space<hbm>> -> memref<20000x512xbf16, #tpu.memory_space<hbm>>
      tpu.wait_indirect_dma semaphore(%arg18 : memref<!tpu.dma_semaphore, #tpu.memory_space<semaphore_mem>>) src(%dma_wait3A_178 : memref<20000x512xbf16, #tpu.memory_space<hbm>>) dst(%arg9 : memref<104x512xbf16, #tpu.memory_space<vmem>>)
      %broadcast_in_dim3A = arith.constant 0.000000e+00 : f32
      %broadcast_in_dim3A_179 = vector.broadcast %broadcast_in_dim3A : f32 to vector<16xf32>
      %broadcast_in_dim3A_180 = arith.constant 0.000000e+00 : f32
      %broadcast_in_dim3A_181 = vector.broadcast %broadcast_in_dim3A_180 : f32 to vector<16xf32>
      %broadcast_in_dim3A_182 = arith.constant 0.000000e+00 : f32
      %broadcast_in_dim3A_183 = vector.broadcast %broadcast_in_dim3A_182 : f32 to vector<16xf32>
      %broadcast_in_dim3A_184 = arith.constant 0.000000e+00 : f32
      %broadcast_in_dim3A_185 = vector.broadcast %broadcast_in_dim3A_184 : f32 to vector<16xf32>
      %broadcast_in_dim3A_186 = arith.constant 0.000000e+00 : f32
      %broadcast_in_dim3A_187 = vector.broadcast %broadcast_in_dim3A_186 : f32 to vector<16xf32>
      %broadcast_in_dim3A_188 = arith.constant 0.000000e+00 : f32
      %broadcast_in_dim3A_189 = vector.broadcast %broadcast_in_dim3A_188 : f32 to vector<16xf32>
      %broadcast_in_dim3A_190 = arith.constant 0.000000e+00 : f32
      %broadcast_in_dim3A_191 = vector.broadcast %broadcast_in_dim3A_190 : f32 to vector<16xf32>
      %broadcast_in_dim3A_192 = arith.constant 0.000000e+00 : f32
      %broadcast_in_dim3A_193 = vector.broadcast %broadcast_in_dim3A_192 : f32 to vector<16xf32>
      %broadcast_in_dim3A_194 = arith.constant 0.000000e+00 : f32
      %broadcast_in_dim3A_195 = vector.broadcast %broadcast_in_dim3A_194 : f32 to vector<16xf32>
      %broadcast_in_dim3A_196 = arith.constant 0.000000e+00 : f32
      %broadcast_in_dim3A_197 = vector.broadcast %broadcast_in_dim3A_196 : f32 to vector<16xf32>
      %broadcast_in_dim3A_198 = arith.constant 0.000000e+00 : f32
      %broadcast_in_dim3A_199 = vector.broadcast %broadcast_in_dim3A_198 : f32 to vector<16xf32>
      %broadcast_in_dim3A_200 = arith.constant 0.000000e+00 : f32
      %broadcast_in_dim3A_201 = vector.broadcast %broadcast_in_dim3A_200 : f32 to vector<16xf32>
      %broadcast_in_dim3A_202 = arith.constant 0.000000e+00 : f32
      %broadcast_in_dim3A_203 = vector.broadcast %broadcast_in_dim3A_202 : f32 to vector<16xf32>
      %broadcast_in_dim3A_204 = arith.constant 0.000000e+00 : f32
      %broadcast_in_dim3A_205 = vector.broadcast %broadcast_in_dim3A_204 : f32 to vector<16xf32>
      %broadcast_in_dim3A_206 = arith.constant 0.000000e+00 : f32
      %broadcast_in_dim3A_207 = vector.broadcast %broadcast_in_dim3A_206 : f32 to vector<16xf32>
      %broadcast_in_dim3A_208 = arith.constant 0.000000e+00 : f32
      %broadcast_in_dim3A_209 = vector.broadcast %broadcast_in_dim3A_208 : f32 to vector<16xf32>
      %broadcast_in_dim3A_210 = arith.constant 0.000000e+00 : f32
      %broadcast_in_dim3A_211 = vector.broadcast %broadcast_in_dim3A_210 : f32 to vector<16xf32>
      %broadcast_in_dim3A_212 = arith.constant 0.000000e+00 : f32
      %broadcast_in_dim3A_213 = vector.broadcast %broadcast_in_dim3A_212 : f32 to vector<16xf32>
      %broadcast_in_dim3A_214 = arith.constant 0.000000e+00 : f32
      %broadcast_in_dim3A_215 = vector.broadcast %broadcast_in_dim3A_214 : f32 to vector<16xf32>
      %broadcast_in_dim3A_216 = arith.constant 0.000000e+00 : f32
      %broadcast_in_dim3A_217 = vector.broadcast %broadcast_in_dim3A_216 : f32 to vector<16xf32>
      %broadcast_in_dim3A_218 = arith.constant 0.000000e+00 : f32
      %broadcast_in_dim3A_219 = vector.broadcast %broadcast_in_dim3A_218 : f32 to vector<16xf32>
      %broadcast_in_dim3A_220 = arith.constant 0.000000e+00 : f32
      %broadcast_in_dim3A_221 = vector.broadcast %broadcast_in_dim3A_220 : f32 to vector<16xf32>
      %broadcast_in_dim3A_222 = arith.constant 0.000000e+00 : f32
      %broadcast_in_dim3A_223 = vector.broadcast %broadcast_in_dim3A_222 : f32 to vector<16xf32>
      %broadcast_in_dim3A_224 = arith.constant 0.000000e+00 : f32
      %broadcast_in_dim3A_225 = vector.broadcast %broadcast_in_dim3A_224 : f32 to vector<16xf32>
      %broadcast_in_dim3A_226 = arith.constant 0.000000e+00 : f32
      %broadcast_in_dim3A_227 = vector.broadcast %broadcast_in_dim3A_226 : f32 to vector<16xf32>
      %broadcast_in_dim3A_228 = arith.constant 0.000000e+00 : f32
      %broadcast_in_dim3A_229 = vector.broadcast %broadcast_in_dim3A_228 : f32 to vector<16xf32>
      %broadcast_in_dim3A_230 = arith.constant 0.000000e+00 : f32
      %broadcast_in_dim3A_231 = vector.broadcast %broadcast_in_dim3A_230 : f32 to vector<16xf32>
      %broadcast_in_dim3A_232 = arith.constant 0.000000e+00 : f32
      %broadcast_in_dim3A_233 = vector.broadcast %broadcast_in_dim3A_232 : f32 to vector<16xf32>
      %broadcast_in_dim3A_234 = arith.constant 0.000000e+00 : f32
      %broadcast_in_dim3A_235 = vector.broadcast %broadcast_in_dim3A_234 : f32 to vector<16xf32>
      %broadcast_in_dim3A_236 = arith.constant 0.000000e+00 : f32
      %broadcast_in_dim3A_237 = vector.broadcast %broadcast_in_dim3A_236 : f32 to vector<16xf32>
      %broadcast_in_dim3A_238 = arith.constant 0.000000e+00 : f32
      %broadcast_in_dim3A_239 = vector.broadcast %broadcast_in_dim3A_238 : f32 to vector<16xf32>
      %broadcast_in_dim3A_240 = arith.constant 0.000000e+00 : f32
      %broadcast_in_dim3A_241 = vector.broadcast %broadcast_in_dim3A_240 : f32 to vector<16xf32>
      %broadcast_in_dim3A_242 = arith.constant 0.000000e+00 : f32
      %broadcast_in_dim3A_243 = vector.broadcast %broadcast_in_dim3A_242 : f32 to vector<16xf32>
      %broadcast_in_dim3A_244 = arith.constant 0.000000e+00 : f32
      %broadcast_in_dim3A_245 = vector.broadcast %broadcast_in_dim3A_244 : f32 to vector<16xf32>
      %broadcast_in_dim3A_246 = arith.constant 0.000000e+00 : f32
      %broadcast_in_dim3A_247 = vector.broadcast %broadcast_in_dim3A_246 : f32 to vector<16xf32>
      %broadcast_in_dim3A_248 = arith.constant 0.000000e+00 : f32
      %broadcast_in_dim3A_249 = vector.broadcast %broadcast_in_dim3A_248 : f32 to vector<16xf32>
      %broadcast_in_dim3A_250 = arith.constant 0.000000e+00 : f32
      %broadcast_in_dim3A_251 = vector.broadcast %broadcast_in_dim3A_250 : f32 to vector<16xf32>
      %broadcast_in_dim3A_252 = arith.constant 0.000000e+00 : f32
      %broadcast_in_dim3A_253 = vector.broadcast %broadcast_in_dim3A_252 : f32 to vector<16xf32>
      %broadcast_in_dim3A_254 = arith.constant 0.000000e+00 : f32
      %broadcast_in_dim3A_255 = vector.broadcast %broadcast_in_dim3A_254 : f32 to vector<16xf32>
      %broadcast_in_dim3A_256 = arith.constant 0.000000e+00 : f32
      %broadcast_in_dim3A_257 = vector.broadcast %broadcast_in_dim3A_256 : f32 to vector<16xf32>
      %broadcast_in_dim3A_258 = arith.constant 0.000000e+00 : f32
      %broadcast_in_dim3A_259 = vector.broadcast %broadcast_in_dim3A_258 : f32 to vector<16xf32>
      %broadcast_in_dim3A_260 = arith.constant 0.000000e+00 : f32
      %broadcast_in_dim3A_261 = vector.broadcast %broadcast_in_dim3A_260 : f32 to vector<16xf32>
      %broadcast_in_dim3A_262 = arith.constant 0.000000e+00 : f32
      %broadcast_in_dim3A_263 = vector.broadcast %broadcast_in_dim3A_262 : f32 to vector<16xf32>
      %broadcast_in_dim3A_264 = arith.constant 0.000000e+00 : f32
      %broadcast_in_dim3A_265 = vector.broadcast %broadcast_in_dim3A_264 : f32 to vector<16xf32>
      %broadcast_in_dim3A_266 = arith.constant 0.000000e+00 : f32
      %broadcast_in_dim3A_267 = vector.broadcast %broadcast_in_dim3A_266 : f32 to vector<16xf32>
      %broadcast_in_dim3A_268 = arith.constant 0.000000e+00 : f32
      %broadcast_in_dim3A_269 = vector.broadcast %broadcast_in_dim3A_268 : f32 to vector<16xf32>
      %broadcast_in_dim3A_270 = arith.constant 0.000000e+00 : f32
      %broadcast_in_dim3A_271 = vector.broadcast %broadcast_in_dim3A_270 : f32 to vector<16xf32>
      %broadcast_in_dim3A_272 = arith.constant 0.000000e+00 : f32
      %broadcast_in_dim3A_273 = vector.broadcast %broadcast_in_dim3A_272 : f32 to vector<16xf32>
      %broadcast_in_dim3A_274 = arith.constant 0.000000e+00 : f32
      %broadcast_in_dim3A_275 = vector.broadcast %broadcast_in_dim3A_274 : f32 to vector<16xf32>
      %broadcast_in_dim3A_276 = arith.constant 0.000000e+00 : f32
      %broadcast_in_dim3A_277 = vector.broadcast %broadcast_in_dim3A_276 : f32 to vector<16xf32>
      %broadcast_in_dim3A_278 = arith.constant 0.000000e+00 : f32
      %broadcast_in_dim3A_279 = vector.broadcast %broadcast_in_dim3A_278 : f32 to vector<16xf32>
      %broadcast_in_dim3A_280 = arith.constant 0.000000e+00 : f32
      %broadcast_in_dim3A_281 = vector.broadcast %broadcast_in_dim3A_280 : f32 to vector<16xf32>
      %broadcast_in_dim3A_282 = arith.constant 0.000000e+00 : f32
      %broadcast_in_dim3A_283 = vector.broadcast %broadcast_in_dim3A_282 : f32 to vector<16xf32>
      %broadcast_in_dim3A_284 = arith.constant 0.000000e+00 : f32
      %broadcast_in_dim3A_285 = vector.broadcast %broadcast_in_dim3A_284 : f32 to vector<16xf32>
      %broadcast_in_dim3A_286 = arith.constant 0.000000e+00 : f32
      %broadcast_in_dim3A_287 = vector.broadcast %broadcast_in_dim3A_286 : f32 to vector<16xf32>
      %broadcast_in_dim3A_288 = arith.constant 0.000000e+00 : f32
      %broadcast_in_dim3A_289 = vector.broadcast %broadcast_in_dim3A_288 : f32 to vector<16xf32>
      %broadcast_in_dim3A_290 = arith.constant 0.000000e+00 : f32
      %broadcast_in_dim3A_291 = vector.broadcast %broadcast_in_dim3A_290 : f32 to vector<16xf32>
      %broadcast_in_dim3A_292 = arith.constant 0.000000e+00 : f32
      %broadcast_in_dim3A_293 = vector.broadcast %broadcast_in_dim3A_292 : f32 to vector<16xf32>
      %broadcast_in_dim3A_294 = arith.constant 0.000000e+00 : f32
      %broadcast_in_dim3A_295 = vector.broadcast %broadcast_in_dim3A_294 : f32 to vector<16xf32>
      %broadcast_in_dim3A_296 = arith.constant 0.000000e+00 : f32
      %broadcast_in_dim3A_297 = vector.broadcast %broadcast_in_dim3A_296 : f32 to vector<16xf32>
      %broadcast_in_dim3A_298 = arith.constant 0.000000e+00 : f32
      %broadcast_in_dim3A_299 = vector.broadcast %broadcast_in_dim3A_298 : f32 to vector<16xf32>
      %broadcast_in_dim3A_300 = arith.constant 0.000000e+00 : f32
      %broadcast_in_dim3A_301 = vector.broadcast %broadcast_in_dim3A_300 : f32 to vector<16xf32>
      %broadcast_in_dim3A_302 = arith.constant 0.000000e+00 : f32
      %broadcast_in_dim3A_303 = vector.broadcast %broadcast_in_dim3A_302 : f32 to vector<16xf32>
      %broadcast_in_dim3A_304 = arith.constant 0.000000e+00 : f32
      %broadcast_in_dim3A_305 = vector.broadcast %broadcast_in_dim3A_304 : f32 to vector<16xf32>
      %parallel_loop3A = arith.constant 0 : i32
      %parallel_loop3A_306 = arith.constant 104 : i32
      %parallel_loop3A_307 = arith.constant 1 : i32
      %parallel_loop3A_308:16 = scf.for %parallel_loop3A_582 = %parallel_loop3A to %parallel_loop3A_306 step %parallel_loop3A_307 iter_args(%parallel_loop3A_583 = %broadcast_in_dim3A_179, %parallel_loop3A_584 = %broadcast_in_dim3A_181, %parallel_loop3A_585 = %broadcast_in_dim3A_183, %parallel_loop3A_586 = %broadcast_in_dim3A_185, %parallel_loop3A_587 = %broadcast_in_dim3A_187, %parallel_loop3A_588 = %broadcast_in_dim3A_189, %parallel_loop3A_589 = %broadcast_in_dim3A_191, %parallel_loop3A_590 = %broadcast_in_dim3A_193, %parallel_loop3A_591 = %broadcast_in_dim3A_195, %parallel_loop3A_592 = %broadcast_in_dim3A_197, %parallel_loop3A_593 = %broadcast_in_dim3A_199, %parallel_loop3A_594 = %broadcast_in_dim3A_201, %parallel_loop3A_595 = %broadcast_in_dim3A_203, %parallel_loop3A_596 = %broadcast_in_dim3A_205, %parallel_loop3A_597 = %broadcast_in_dim3A_207, %parallel_loop3A_598 = %broadcast_in_dim3A_209) -> (vector<16xf32>, vector<16xf32>, vector<16xf32>, vector<16xf32>, vector<16xf32>, vector<16xf32>, vector<16xf32>, vector<16xf32>, vector<16xf32>, vector<16xf32>, vector<16xf32>, vector<16xf32>, vector<16xf32>, vector<16xf32>, vector<16xf32>, vector<16xf32>)  : i32 {
        %parallel_loop3A_599 = vector.broadcast %rem3A_127 : i32 to vector<16xi32>
        %parallel_loop3A_600 = arith.constant 0 : i32
        %parallel_loop3A_601 = arith.addi %parallel_loop3A_600, %parallel_loop3A_582 : i32
        %parallel_loop3A_602 = vector.broadcast %parallel_loop3A_601 : i32 to vector<16xi32>
        %parallel_loop3A_603 = tpu.vector_load_idx %arg15[%parallel_loop3A_599, %parallel_loop3A_602] : memref<2x200xf32, #tpu.memory_space<vmem>>[vector<16xi32>, vector<16xi32>], vector<16xf32>,
        %parallel_loop3A_604 = arith.index_cast %parallel_loop3A_582 : i32 to index
        %parallel_loop3A_605 = arith.constant 0 : index
        %parallel_loop3A_606 = tpu.vector_load %arg9[%parallel_loop3A_604, %parallel_loop3A_605] {strides = array<i32>} : memref<104x512xbf16, #tpu.memory_space<vmem>>, vector<32xbf16>,
        %parallel_loop3A_607 = tpu.unpack_subelements %parallel_loop3A_606, 0 {pack_format = #tpu.pack_format<interleaved>} : vector<32xbf16> -> vector<16xf32>
        %parallel_loop3A_608 = tpu.unpack_subelements %parallel_loop3A_606, 1 {pack_format = #tpu.pack_format<interleaved>} : vector<32xbf16> -> vector<16xf32>
        %parallel_loop3A_609 = arith.mulf %parallel_loop3A_603, %parallel_loop3A_607 : vector<16xf32>
        %parallel_loop3A_610 = arith.addf %parallel_loop3A_583, %parallel_loop3A_609 : vector<16xf32>
        %parallel_loop3A_611 = arith.mulf %parallel_loop3A_603, %parallel_loop3A_608 : vector<16xf32>
        %parallel_loop3A_612 = arith.addf %parallel_loop3A_584, %parallel_loop3A_611 : vector<16xf32>
        %parallel_loop3A_613 = arith.addf %parallel_loop3A_585, %parallel_loop3A_607 : vector<16xf32>
        %parallel_loop3A_614 = arith.addf %parallel_loop3A_586, %parallel_loop3A_608 : vector<16xf32>
        %parallel_loop3A_615 = arith.index_cast %parallel_loop3A_582 : i32 to index
        %parallel_loop3A_616 = arith.constant 32 : index
        %parallel_loop3A_617 = tpu.vector_load %arg9[%parallel_loop3A_615, %parallel_loop3A_616] {strides = array<i32>} : memref<104x512xbf16, #tpu.memory_space<vmem>>, vector<32xbf16>,
        %parallel_loop3A_618 = tpu.unpack_subelements %parallel_loop3A_617, 0 {pack_format = #tpu.pack_format<interleaved>} : vector<32xbf16> -> vector<16xf32>
        %parallel_loop3A_619 = tpu.unpack_subelements %parallel_loop3A_617, 1 {pack_format = #tpu.pack_format<interleaved>} : vector<32xbf16> -> vector<16xf32>
        %parallel_loop3A_620 = arith.mulf %parallel_loop3A_603, %parallel_loop3A_618 : vector<16xf32>
        %parallel_loop3A_621 = arith.addf %parallel_loop3A_587, %parallel_loop3A_620 : vector<16xf32>
        %parallel_loop3A_622 = arith.mulf %parallel_loop3A_603, %parallel_loop3A_619 : vector<16xf32>
        %parallel_loop3A_623 = arith.addf %parallel_loop3A_588, %parallel_loop3A_622 : vector<16xf32>
        %parallel_loop3A_624 = arith.addf %parallel_loop3A_589, %parallel_loop3A_618 : vector<16xf32>
        %parallel_loop3A_625 = arith.addf %parallel_loop3A_590, %parallel_loop3A_619 : vector<16xf32>
        %parallel_loop3A_626 = arith.index_cast %parallel_loop3A_582 : i32 to index
        %parallel_loop3A_627 = arith.constant 64 : index
        %parallel_loop3A_628 = tpu.vector_load %arg9[%parallel_loop3A_626, %parallel_loop3A_627] {strides = array<i32>} : memref<104x512xbf16, #tpu.memory_space<vmem>>, vector<32xbf16>,
        %parallel_loop3A_629 = tpu.unpack_subelements %parallel_loop3A_628, 0 {pack_format = #tpu.pack_format<interleaved>} : vector<32xbf16> -> vector<16xf32>
        %parallel_loop3A_630 = tpu.unpack_subelements %parallel_loop3A_628, 1 {pack_format = #tpu.pack_format<interleaved>} : vector<32xbf16> -> vector<16xf32>
        %parallel_loop3A_631 = arith.mulf %parallel_loop3A_603, %parallel_loop3A_629 : vector<16xf32>
        %parallel_loop3A_632 = arith.addf %parallel_loop3A_591, %parallel_loop3A_631 : vector<16xf32>
        %parallel_loop3A_633 = arith.mulf %parallel_loop3A_603, %parallel_loop3A_630 : vector<16xf32>
        %parallel_loop3A_634 = arith.addf %parallel_loop3A_592, %parallel_loop3A_633 : vector<16xf32>
        %parallel_loop3A_635 = arith.addf %parallel_loop3A_593, %parallel_loop3A_629 : vector<16xf32>
        %parallel_loop3A_636 = arith.addf %parallel_loop3A_594, %parallel_loop3A_630 : vector<16xf32>
        %parallel_loop3A_637 = arith.index_cast %parallel_loop3A_582 : i32 to index
        %parallel_loop3A_638 = arith.constant 96 : index
        %parallel_loop3A_639 = tpu.vector_load %arg9[%parallel_loop3A_637, %parallel_loop3A_638] {strides = array<i32>} : memref<104x512xbf16, #tpu.memory_space<vmem>>, vector<32xbf16>,
        %parallel_loop3A_640 = tpu.unpack_subelements %parallel_loop3A_639, 0 {pack_format = #tpu.pack_format<interleaved>} : vector<32xbf16> -> vector<16xf32>
        %parallel_loop3A_641 = tpu.unpack_subelements %parallel_loop3A_639, 1 {pack_format = #tpu.pack_format<interleaved>} : vector<32xbf16> -> vector<16xf32>
        %parallel_loop3A_642 = arith.mulf %parallel_loop3A_603, %parallel_loop3A_640 : vector<16xf32>
        %parallel_loop3A_643 = arith.addf %parallel_loop3A_595, %parallel_loop3A_642 : vector<16xf32>
        %parallel_loop3A_644 = arith.mulf %parallel_loop3A_603, %parallel_loop3A_641 : vector<16xf32>
        %parallel_loop3A_645 = arith.addf %parallel_loop3A_596, %parallel_loop3A_644 : vector<16xf32>
        %parallel_loop3A_646 = arith.addf %parallel_loop3A_597, %parallel_loop3A_640 : vector<16xf32>
        %parallel_loop3A_647 = arith.addf %parallel_loop3A_598, %parallel_loop3A_641 : vector<16xf32>
        scf.yield %parallel_loop3A_610, %parallel_loop3A_612, %parallel_loop3A_613, %parallel_loop3A_614, %parallel_loop3A_621, %parallel_loop3A_623, %parallel_loop3A_624, %parallel_loop3A_625, %parallel_loop3A_632, %parallel_loop3A_634, %parallel_loop3A_635, %parallel_loop3A_636, %parallel_loop3A_643, %parallel_loop3A_645, %parallel_loop3A_646, %parallel_loop3A_647 : vector<16xf32>, vector<16xf32>, vector<16xf32>, vector<16xf32>, vector<16xf32>, vector<16xf32>, vector<16xf32>, vector<16xf32>, vector<16xf32>, vector<16xf32>, vector<16xf32>, vector<16xf32>, vector<16xf32>, vector<16xf32>, vector<16xf32>, vector<16xf32>
      } {sc.loop_unroll_factor = 4 : i64, sc.parallel_access}
      %parallel_loop3A_309 = arith.constant 0 : i32
      %parallel_loop3A_310 = arith.constant 104 : i32
      %parallel_loop3A_311 = arith.constant 1 : i32
      %parallel_loop3A_312:16 = scf.for %parallel_loop3A_582 = %parallel_loop3A_309 to %parallel_loop3A_310 step %parallel_loop3A_311 iter_args(%parallel_loop3A_583 = %broadcast_in_dim3A_211, %parallel_loop3A_584 = %broadcast_in_dim3A_213, %parallel_loop3A_585 = %broadcast_in_dim3A_215, %parallel_loop3A_586 = %broadcast_in_dim3A_217, %parallel_loop3A_587 = %broadcast_in_dim3A_219, %parallel_loop3A_588 = %broadcast_in_dim3A_221, %parallel_loop3A_589 = %broadcast_in_dim3A_223, %parallel_loop3A_590 = %broadcast_in_dim3A_225, %parallel_loop3A_591 = %broadcast_in_dim3A_227, %parallel_loop3A_592 = %broadcast_in_dim3A_229, %parallel_loop3A_593 = %broadcast_in_dim3A_231, %parallel_loop3A_594 = %broadcast_in_dim3A_233, %parallel_loop3A_595 = %broadcast_in_dim3A_235, %parallel_loop3A_596 = %broadcast_in_dim3A_237, %parallel_loop3A_597 = %broadcast_in_dim3A_239, %parallel_loop3A_598 = %broadcast_in_dim3A_241) -> (vector<16xf32>, vector<16xf32>, vector<16xf32>, vector<16xf32>, vector<16xf32>, vector<16xf32>, vector<16xf32>, vector<16xf32>, vector<16xf32>, vector<16xf32>, vector<16xf32>, vector<16xf32>, vector<16xf32>, vector<16xf32>, vector<16xf32>, vector<16xf32>)  : i32 {
        %parallel_loop3A_599 = vector.broadcast %rem3A_127 : i32 to vector<16xi32>
        %parallel_loop3A_600 = arith.constant 0 : i32
        %parallel_loop3A_601 = arith.addi %parallel_loop3A_600, %parallel_loop3A_582 : i32
        %parallel_loop3A_602 = vector.broadcast %parallel_loop3A_601 : i32 to vector<16xi32>
        %parallel_loop3A_603 = tpu.vector_load_idx %arg15[%parallel_loop3A_599, %parallel_loop3A_602] : memref<2x200xf32, #tpu.memory_space<vmem>>[vector<16xi32>, vector<16xi32>], vector<16xf32>,
        %parallel_loop3A_604 = arith.index_cast %parallel_loop3A_582 : i32 to index
        %parallel_loop3A_605 = arith.constant 128 : index
        %parallel_loop3A_606 = tpu.vector_load %arg9[%parallel_loop3A_604, %parallel_loop3A_605] {strides = array<i32>} : memref<104x512xbf16, #tpu.memory_space<vmem>>, vector<32xbf16>,
        %parallel_loop3A_607 = tpu.unpack_subelements %parallel_loop3A_606, 0 {pack_format = #tpu.pack_format<interleaved>} : vector<32xbf16> -> vector<16xf32>
        %parallel_loop3A_608 = tpu.unpack_subelements %parallel_loop3A_606, 1 {pack_format = #tpu.pack_format<interleaved>} : vector<32xbf16> -> vector<16xf32>
        %parallel_loop3A_609 = arith.mulf %parallel_loop3A_603, %parallel_loop3A_607 : vector<16xf32>
        %parallel_loop3A_610 = arith.addf %parallel_loop3A_583, %parallel_loop3A_609 : vector<16xf32>
        %parallel_loop3A_611 = arith.mulf %parallel_loop3A_603, %parallel_loop3A_608 : vector<16xf32>
        %parallel_loop3A_612 = arith.addf %parallel_loop3A_584, %parallel_loop3A_611 : vector<16xf32>
        %parallel_loop3A_613 = arith.addf %parallel_loop3A_585, %parallel_loop3A_607 : vector<16xf32>
        %parallel_loop3A_614 = arith.addf %parallel_loop3A_586, %parallel_loop3A_608 : vector<16xf32>
        %parallel_loop3A_615 = arith.index_cast %parallel_loop3A_582 : i32 to index
        %parallel_loop3A_616 = arith.constant 160 : index
        %parallel_loop3A_617 = tpu.vector_load %arg9[%parallel_loop3A_615, %parallel_loop3A_616] {strides = array<i32>} : memref<104x512xbf16, #tpu.memory_space<vmem>>, vector<32xbf16>,
        %parallel_loop3A_618 = tpu.unpack_subelements %parallel_loop3A_617, 0 {pack_format = #tpu.pack_format<interleaved>} : vector<32xbf16> -> vector<16xf32>
        %parallel_loop3A_619 = tpu.unpack_subelements %parallel_loop3A_617, 1 {pack_format = #tpu.pack_format<interleaved>} : vector<32xbf16> -> vector<16xf32>
        %parallel_loop3A_620 = arith.mulf %parallel_loop3A_603, %parallel_loop3A_618 : vector<16xf32>
        %parallel_loop3A_621 = arith.addf %parallel_loop3A_587, %parallel_loop3A_620 : vector<16xf32>
        %parallel_loop3A_622 = arith.mulf %parallel_loop3A_603, %parallel_loop3A_619 : vector<16xf32>
        %parallel_loop3A_623 = arith.addf %parallel_loop3A_588, %parallel_loop3A_622 : vector<16xf32>
        %parallel_loop3A_624 = arith.addf %parallel_loop3A_589, %parallel_loop3A_618 : vector<16xf32>
        %parallel_loop3A_625 = arith.addf %parallel_loop3A_590, %parallel_loop3A_619 : vector<16xf32>
        %parallel_loop3A_626 = arith.index_cast %parallel_loop3A_582 : i32 to index
        %parallel_loop3A_627 = arith.constant 192 : index
        %parallel_loop3A_628 = tpu.vector_load %arg9[%parallel_loop3A_626, %parallel_loop3A_627] {strides = array<i32>} : memref<104x512xbf16, #tpu.memory_space<vmem>>, vector<32xbf16>,
        %parallel_loop3A_629 = tpu.unpack_subelements %parallel_loop3A_628, 0 {pack_format = #tpu.pack_format<interleaved>} : vector<32xbf16> -> vector<16xf32>
        %parallel_loop3A_630 = tpu.unpack_subelements %parallel_loop3A_628, 1 {pack_format = #tpu.pack_format<interleaved>} : vector<32xbf16> -> vector<16xf32>
        %parallel_loop3A_631 = arith.mulf %parallel_loop3A_603, %parallel_loop3A_629 : vector<16xf32>
        %parallel_loop3A_632 = arith.addf %parallel_loop3A_591, %parallel_loop3A_631 : vector<16xf32>
        %parallel_loop3A_633 = arith.mulf %parallel_loop3A_603, %parallel_loop3A_630 : vector<16xf32>
        %parallel_loop3A_634 = arith.addf %parallel_loop3A_592, %parallel_loop3A_633 : vector<16xf32>
        %parallel_loop3A_635 = arith.addf %parallel_loop3A_593, %parallel_loop3A_629 : vector<16xf32>
        %parallel_loop3A_636 = arith.addf %parallel_loop3A_594, %parallel_loop3A_630 : vector<16xf32>
        %parallel_loop3A_637 = arith.index_cast %parallel_loop3A_582 : i32 to index
        %parallel_loop3A_638 = arith.constant 224 : index
        %parallel_loop3A_639 = tpu.vector_load %arg9[%parallel_loop3A_637, %parallel_loop3A_638] {strides = array<i32>} : memref<104x512xbf16, #tpu.memory_space<vmem>>, vector<32xbf16>,
        %parallel_loop3A_640 = tpu.unpack_subelements %parallel_loop3A_639, 0 {pack_format = #tpu.pack_format<interleaved>} : vector<32xbf16> -> vector<16xf32>
        %parallel_loop3A_641 = tpu.unpack_subelements %parallel_loop3A_639, 1 {pack_format = #tpu.pack_format<interleaved>} : vector<32xbf16> -> vector<16xf32>
        %parallel_loop3A_642 = arith.mulf %parallel_loop3A_603, %parallel_loop3A_640 : vector<16xf32>
        %parallel_loop3A_643 = arith.addf %parallel_loop3A_595, %parallel_loop3A_642 : vector<16xf32>
        %parallel_loop3A_644 = arith.mulf %parallel_loop3A_603, %parallel_loop3A_641 : vector<16xf32>
        %parallel_loop3A_645 = arith.addf %parallel_loop3A_596, %parallel_loop3A_644 : vector<16xf32>
        %parallel_loop3A_646 = arith.addf %parallel_loop3A_597, %parallel_loop3A_640 : vector<16xf32>
        %parallel_loop3A_647 = arith.addf %parallel_loop3A_598, %parallel_loop3A_641 : vector<16xf32>
        scf.yield %parallel_loop3A_610, %parallel_loop3A_612, %parallel_loop3A_613, %parallel_loop3A_614, %parallel_loop3A_621, %parallel_loop3A_623, %parallel_loop3A_624, %parallel_loop3A_625, %parallel_loop3A_632, %parallel_loop3A_634, %parallel_loop3A_635, %parallel_loop3A_636, %parallel_loop3A_643, %parallel_loop3A_645, %parallel_loop3A_646, %parallel_loop3A_647 : vector<16xf32>, vector<16xf32>, vector<16xf32>, vector<16xf32>, vector<16xf32>, vector<16xf32>, vector<16xf32>, vector<16xf32>, vector<16xf32>, vector<16xf32>, vector<16xf32>, vector<16xf32>, vector<16xf32>, vector<16xf32>, vector<16xf32>, vector<16xf32>
      } {sc.loop_unroll_factor = 4 : i64, sc.parallel_access}
      %parallel_loop3A_313 = arith.constant 0 : i32
      %parallel_loop3A_314 = arith.constant 104 : i32
      %parallel_loop3A_315 = arith.constant 1 : i32
      %parallel_loop3A_316:16 = scf.for %parallel_loop3A_582 = %parallel_loop3A_313 to %parallel_loop3A_314 step %parallel_loop3A_315 iter_args(%parallel_loop3A_583 = %broadcast_in_dim3A_243, %parallel_loop3A_584 = %broadcast_in_dim3A_245, %parallel_loop3A_585 = %broadcast_in_dim3A_247, %parallel_loop3A_586 = %broadcast_in_dim3A_249, %parallel_loop3A_587 = %broadcast_in_dim3A_251, %parallel_loop3A_588 = %broadcast_in_dim3A_253, %parallel_loop3A_589 = %broadcast_in_dim3A_255, %parallel_loop3A_590 = %broadcast_in_dim3A_257, %parallel_loop3A_591 = %broadcast_in_dim3A_259, %parallel_loop3A_592 = %broadcast_in_dim3A_261, %parallel_loop3A_593 = %broadcast_in_dim3A_263, %parallel_loop3A_594 = %broadcast_in_dim3A_265, %parallel_loop3A_595 = %broadcast_in_dim3A_267, %parallel_loop3A_596 = %broadcast_in_dim3A_269, %parallel_loop3A_597 = %broadcast_in_dim3A_271, %parallel_loop3A_598 = %broadcast_in_dim3A_273) -> (vector<16xf32>, vector<16xf32>, vector<16xf32>, vector<16xf32>, vector<16xf32>, vector<16xf32>, vector<16xf32>, vector<16xf32>, vector<16xf32>, vector<16xf32>, vector<16xf32>, vector<16xf32>, vector<16xf32>, vector<16xf32>, vector<16xf32>, vector<16xf32>)  : i32 {
        %parallel_loop3A_599 = vector.broadcast %rem3A_127 : i32 to vector<16xi32>
        %parallel_loop3A_600 = arith.constant 0 : i32
        %parallel_loop3A_601 = arith.addi %parallel_loop3A_600, %parallel_loop3A_582 : i32
        %parallel_loop3A_602 = vector.broadcast %parallel_loop3A_601 : i32 to vector<16xi32>
        %parallel_loop3A_603 = tpu.vector_load_idx %arg15[%parallel_loop3A_599, %parallel_loop3A_602] : memref<2x200xf32, #tpu.memory_space<vmem>>[vector<16xi32>, vector<16xi32>], vector<16xf32>,
        %parallel_loop3A_604 = arith.index_cast %parallel_loop3A_582 : i32 to index
        %parallel_loop3A_605 = arith.constant 256 : index
        %parallel_loop3A_606 = tpu.vector_load %arg9[%parallel_loop3A_604, %parallel_loop3A_605] {strides = array<i32>} : memref<104x512xbf16, #tpu.memory_space<vmem>>, vector<32xbf16>,
        %parallel_loop3A_607 = tpu.unpack_subelements %parallel_loop3A_606, 0 {pack_format = #tpu.pack_format<interleaved>} : vector<32xbf16> -> vector<16xf32>
        %parallel_loop3A_608 = tpu.unpack_subelements %parallel_loop3A_606, 1 {pack_format = #tpu.pack_format<interleaved>} : vector<32xbf16> -> vector<16xf32>
        %parallel_loop3A_609 = arith.mulf %parallel_loop3A_603, %parallel_loop3A_607 : vector<16xf32>
        %parallel_loop3A_610 = arith.addf %parallel_loop3A_583, %parallel_loop3A_609 : vector<16xf32>
        %parallel_loop3A_611 = arith.mulf %parallel_loop3A_603, %parallel_loop3A_608 : vector<16xf32>
        %parallel_loop3A_612 = arith.addf %parallel_loop3A_584, %parallel_loop3A_611 : vector<16xf32>
        %parallel_loop3A_613 = arith.addf %parallel_loop3A_585, %parallel_loop3A_607 : vector<16xf32>
        %parallel_loop3A_614 = arith.addf %parallel_loop3A_586, %parallel_loop3A_608 : vector<16xf32>
        %parallel_loop3A_615 = arith.index_cast %parallel_loop3A_582 : i32 to index
        %parallel_loop3A_616 = arith.constant 288 : index
        %parallel_loop3A_617 = tpu.vector_load %arg9[%parallel_loop3A_615, %parallel_loop3A_616] {strides = array<i32>} : memref<104x512xbf16, #tpu.memory_space<vmem>>, vector<32xbf16>,
        %parallel_loop3A_618 = tpu.unpack_subelements %parallel_loop3A_617, 0 {pack_format = #tpu.pack_format<interleaved>} : vector<32xbf16> -> vector<16xf32>
        %parallel_loop3A_619 = tpu.unpack_subelements %parallel_loop3A_617, 1 {pack_format = #tpu.pack_format<interleaved>} : vector<32xbf16> -> vector<16xf32>
        %parallel_loop3A_620 = arith.mulf %parallel_loop3A_603, %parallel_loop3A_618 : vector<16xf32>
        %parallel_loop3A_621 = arith.addf %parallel_loop3A_587, %parallel_loop3A_620 : vector<16xf32>
        %parallel_loop3A_622 = arith.mulf %parallel_loop3A_603, %parallel_loop3A_619 : vector<16xf32>
        %parallel_loop3A_623 = arith.addf %parallel_loop3A_588, %parallel_loop3A_622 : vector<16xf32>
        %parallel_loop3A_624 = arith.addf %parallel_loop3A_589, %parallel_loop3A_618 : vector<16xf32>
        %parallel_loop3A_625 = arith.addf %parallel_loop3A_590, %parallel_loop3A_619 : vector<16xf32>
        %parallel_loop3A_626 = arith.index_cast %parallel_loop3A_582 : i32 to index
        %parallel_loop3A_627 = arith.constant 320 : index
        %parallel_loop3A_628 = tpu.vector_load %arg9[%parallel_loop3A_626, %parallel_loop3A_627] {strides = array<i32>} : memref<104x512xbf16, #tpu.memory_space<vmem>>, vector<32xbf16>,
        %parallel_loop3A_629 = tpu.unpack_subelements %parallel_loop3A_628, 0 {pack_format = #tpu.pack_format<interleaved>} : vector<32xbf16> -> vector<16xf32>
        %parallel_loop3A_630 = tpu.unpack_subelements %parallel_loop3A_628, 1 {pack_format = #tpu.pack_format<interleaved>} : vector<32xbf16> -> vector<16xf32>
        %parallel_loop3A_631 = arith.mulf %parallel_loop3A_603, %parallel_loop3A_629 : vector<16xf32>
        %parallel_loop3A_632 = arith.addf %parallel_loop3A_591, %parallel_loop3A_631 : vector<16xf32>
        %parallel_loop3A_633 = arith.mulf %parallel_loop3A_603, %parallel_loop3A_630 : vector<16xf32>
        %parallel_loop3A_634 = arith.addf %parallel_loop3A_592, %parallel_loop3A_633 : vector<16xf32>
        %parallel_loop3A_635 = arith.addf %parallel_loop3A_593, %parallel_loop3A_629 : vector<16xf32>
        %parallel_loop3A_636 = arith.addf %parallel_loop3A_594, %parallel_loop3A_630 : vector<16xf32>
        %parallel_loop3A_637 = arith.index_cast %parallel_loop3A_582 : i32 to index
        %parallel_loop3A_638 = arith.constant 352 : index
        %parallel_loop3A_639 = tpu.vector_load %arg9[%parallel_loop3A_637, %parallel_loop3A_638] {strides = array<i32>} : memref<104x512xbf16, #tpu.memory_space<vmem>>, vector<32xbf16>,
        %parallel_loop3A_640 = tpu.unpack_subelements %parallel_loop3A_639, 0 {pack_format = #tpu.pack_format<interleaved>} : vector<32xbf16> -> vector<16xf32>
        %parallel_loop3A_641 = tpu.unpack_subelements %parallel_loop3A_639, 1 {pack_format = #tpu.pack_format<interleaved>} : vector<32xbf16> -> vector<16xf32>
        %parallel_loop3A_642 = arith.mulf %parallel_loop3A_603, %parallel_loop3A_640 : vector<16xf32>
        %parallel_loop3A_643 = arith.addf %parallel_loop3A_595, %parallel_loop3A_642 : vector<16xf32>
        %parallel_loop3A_644 = arith.mulf %parallel_loop3A_603, %parallel_loop3A_641 : vector<16xf32>
        %parallel_loop3A_645 = arith.addf %parallel_loop3A_596, %parallel_loop3A_644 : vector<16xf32>
        %parallel_loop3A_646 = arith.addf %parallel_loop3A_597, %parallel_loop3A_640 : vector<16xf32>
        %parallel_loop3A_647 = arith.addf %parallel_loop3A_598, %parallel_loop3A_641 : vector<16xf32>
        scf.yield %parallel_loop3A_610, %parallel_loop3A_612, %parallel_loop3A_613, %parallel_loop3A_614, %parallel_loop3A_621, %parallel_loop3A_623, %parallel_loop3A_624, %parallel_loop3A_625, %parallel_loop3A_632, %parallel_loop3A_634, %parallel_loop3A_635, %parallel_loop3A_636, %parallel_loop3A_643, %parallel_loop3A_645, %parallel_loop3A_646, %parallel_loop3A_647 : vector<16xf32>, vector<16xf32>, vector<16xf32>, vector<16xf32>, vector<16xf32>, vector<16xf32>, vector<16xf32>, vector<16xf32>, vector<16xf32>, vector<16xf32>, vector<16xf32>, vector<16xf32>, vector<16xf32>, vector<16xf32>, vector<16xf32>, vector<16xf32>
      } {sc.loop_unroll_factor = 4 : i64, sc.parallel_access}
      %parallel_loop3A_317 = arith.constant 0 : i32
      %parallel_loop3A_318 = arith.constant 104 : i32
      %parallel_loop3A_319 = arith.constant 1 : i32
      %parallel_loop3A_320:16 = scf.for %parallel_loop3A_582 = %parallel_loop3A_317 to %parallel_loop3A_318 step %parallel_loop3A_319 iter_args(%parallel_loop3A_583 = %broadcast_in_dim3A_275, %parallel_loop3A_584 = %broadcast_in_dim3A_277, %parallel_loop3A_585 = %broadcast_in_dim3A_279, %parallel_loop3A_586 = %broadcast_in_dim3A_281, %parallel_loop3A_587 = %broadcast_in_dim3A_283, %parallel_loop3A_588 = %broadcast_in_dim3A_285, %parallel_loop3A_589 = %broadcast_in_dim3A_287, %parallel_loop3A_590 = %broadcast_in_dim3A_289, %parallel_loop3A_591 = %broadcast_in_dim3A_291, %parallel_loop3A_592 = %broadcast_in_dim3A_293, %parallel_loop3A_593 = %broadcast_in_dim3A_295, %parallel_loop3A_594 = %broadcast_in_dim3A_297, %parallel_loop3A_595 = %broadcast_in_dim3A_299, %parallel_loop3A_596 = %broadcast_in_dim3A_301, %parallel_loop3A_597 = %broadcast_in_dim3A_303, %parallel_loop3A_598 = %broadcast_in_dim3A_305) -> (vector<16xf32>, vector<16xf32>, vector<16xf32>, vector<16xf32>, vector<16xf32>, vector<16xf32>, vector<16xf32>, vector<16xf32>, vector<16xf32>, vector<16xf32>, vector<16xf32>, vector<16xf32>, vector<16xf32>, vector<16xf32>, vector<16xf32>, vector<16xf32>)  : i32 {
        %parallel_loop3A_599 = vector.broadcast %rem3A_127 : i32 to vector<16xi32>
        %parallel_loop3A_600 = arith.constant 0 : i32
        %parallel_loop3A_601 = arith.addi %parallel_loop3A_600, %parallel_loop3A_582 : i32
        %parallel_loop3A_602 = vector.broadcast %parallel_loop3A_601 : i32 to vector<16xi32>
        %parallel_loop3A_603 = tpu.vector_load_idx %arg15[%parallel_loop3A_599, %parallel_loop3A_602] : memref<2x200xf32, #tpu.memory_space<vmem>>[vector<16xi32>, vector<16xi32>], vector<16xf32>,
        %parallel_loop3A_604 = arith.index_cast %parallel_loop3A_582 : i32 to index
        %parallel_loop3A_605 = arith.constant 384 : index
        %parallel_loop3A_606 = tpu.vector_load %arg9[%parallel_loop3A_604, %parallel_loop3A_605] {strides = array<i32>} : memref<104x512xbf16, #tpu.memory_space<vmem>>, vector<32xbf16>,
        %parallel_loop3A_607 = tpu.unpack_subelements %parallel_loop3A_606, 0 {pack_format = #tpu.pack_format<interleaved>} : vector<32xbf16> -> vector<16xf32>
        %parallel_loop3A_608 = tpu.unpack_subelements %parallel_loop3A_606, 1 {pack_format = #tpu.pack_format<interleaved>} : vector<32xbf16> -> vector<16xf32>
        %parallel_loop3A_609 = arith.mulf %parallel_loop3A_603, %parallel_loop3A_607 : vector<16xf32>
        %parallel_loop3A_610 = arith.addf %parallel_loop3A_583, %parallel_loop3A_609 : vector<16xf32>
        %parallel_loop3A_611 = arith.mulf %parallel_loop3A_603, %parallel_loop3A_608 : vector<16xf32>
        %parallel_loop3A_612 = arith.addf %parallel_loop3A_584, %parallel_loop3A_611 : vector<16xf32>
        %parallel_loop3A_613 = arith.addf %parallel_loop3A_585, %parallel_loop3A_607 : vector<16xf32>
        %parallel_loop3A_614 = arith.addf %parallel_loop3A_586, %parallel_loop3A_608 : vector<16xf32>
        %parallel_loop3A_615 = arith.index_cast %parallel_loop3A_582 : i32 to index
        %parallel_loop3A_616 = arith.constant 416 : index
        %parallel_loop3A_617 = tpu.vector_load %arg9[%parallel_loop3A_615, %parallel_loop3A_616] {strides = array<i32>} : memref<104x512xbf16, #tpu.memory_space<vmem>>, vector<32xbf16>,
        %parallel_loop3A_618 = tpu.unpack_subelements %parallel_loop3A_617, 0 {pack_format = #tpu.pack_format<interleaved>} : vector<32xbf16> -> vector<16xf32>
        %parallel_loop3A_619 = tpu.unpack_subelements %parallel_loop3A_617, 1 {pack_format = #tpu.pack_format<interleaved>} : vector<32xbf16> -> vector<16xf32>
        %parallel_loop3A_620 = arith.mulf %parallel_loop3A_603, %parallel_loop3A_618 : vector<16xf32>
        %parallel_loop3A_621 = arith.addf %parallel_loop3A_587, %parallel_loop3A_620 : vector<16xf32>
        %parallel_loop3A_622 = arith.mulf %parallel_loop3A_603, %parallel_loop3A_619 : vector<16xf32>
        %parallel_loop3A_623 = arith.addf %parallel_loop3A_588, %parallel_loop3A_622 : vector<16xf32>
        %parallel_loop3A_624 = arith.addf %parallel_loop3A_589, %parallel_loop3A_618 : vector<16xf32>
        %parallel_loop3A_625 = arith.addf %parallel_loop3A_590, %parallel_loop3A_619 : vector<16xf32>
        %parallel_loop3A_626 = arith.index_cast %parallel_loop3A_582 : i32 to index
        %parallel_loop3A_627 = arith.constant 448 : index
        %parallel_loop3A_628 = tpu.vector_load %arg9[%parallel_loop3A_626, %parallel_loop3A_627] {strides = array<i32>} : memref<104x512xbf16, #tpu.memory_space<vmem>>, vector<32xbf16>,
        %parallel_loop3A_629 = tpu.unpack_subelements %parallel_loop3A_628, 0 {pack_format = #tpu.pack_format<interleaved>} : vector<32xbf16> -> vector<16xf32>
        %parallel_loop3A_630 = tpu.unpack_subelements %parallel_loop3A_628, 1 {pack_format = #tpu.pack_format<interleaved>} : vector<32xbf16> -> vector<16xf32>
        %parallel_loop3A_631 = arith.mulf %parallel_loop3A_603, %parallel_loop3A_629 : vector<16xf32>
        %parallel_loop3A_632 = arith.addf %parallel_loop3A_591, %parallel_loop3A_631 : vector<16xf32>
        %parallel_loop3A_633 = arith.mulf %parallel_loop3A_603, %parallel_loop3A_630 : vector<16xf32>
        %parallel_loop3A_634 = arith.addf %parallel_loop3A_592, %parallel_loop3A_633 : vector<16xf32>
        %parallel_loop3A_635 = arith.addf %parallel_loop3A_593, %parallel_loop3A_629 : vector<16xf32>
        %parallel_loop3A_636 = arith.addf %parallel_loop3A_594, %parallel_loop3A_630 : vector<16xf32>
        %parallel_loop3A_637 = arith.index_cast %parallel_loop3A_582 : i32 to index
        %parallel_loop3A_638 = arith.constant 480 : index
        %parallel_loop3A_639 = tpu.vector_load %arg9[%parallel_loop3A_637, %parallel_loop3A_638] {strides = array<i32>} : memref<104x512xbf16, #tpu.memory_space<vmem>>, vector<32xbf16>,
        %parallel_loop3A_640 = tpu.unpack_subelements %parallel_loop3A_639, 0 {pack_format = #tpu.pack_format<interleaved>} : vector<32xbf16> -> vector<16xf32>
        %parallel_loop3A_641 = tpu.unpack_subelements %parallel_loop3A_639, 1 {pack_format = #tpu.pack_format<interleaved>} : vector<32xbf16> -> vector<16xf32>
        %parallel_loop3A_642 = arith.mulf %parallel_loop3A_603, %parallel_loop3A_640 : vector<16xf32>
        %parallel_loop3A_643 = arith.addf %parallel_loop3A_595, %parallel_loop3A_642 : vector<16xf32>
        %parallel_loop3A_644 = arith.mulf %parallel_loop3A_603, %parallel_loop3A_641 : vector<16xf32>
        %parallel_loop3A_645 = arith.addf %parallel_loop3A_596, %parallel_loop3A_644 : vector<16xf32>
        %parallel_loop3A_646 = arith.addf %parallel_loop3A_597, %parallel_loop3A_640 : vector<16xf32>
        %parallel_loop3A_647 = arith.addf %parallel_loop3A_598, %parallel_loop3A_641 : vector<16xf32>
        scf.yield %parallel_loop3A_610, %parallel_loop3A_612, %parallel_loop3A_613, %parallel_loop3A_614, %parallel_loop3A_621, %parallel_loop3A_623, %parallel_loop3A_624, %parallel_loop3A_625, %parallel_loop3A_632, %parallel_loop3A_634, %parallel_loop3A_635, %parallel_loop3A_636, %parallel_loop3A_643, %parallel_loop3A_645, %parallel_loop3A_646, %parallel_loop3A_647 : vector<16xf32>, vector<16xf32>, vector<16xf32>, vector<16xf32>, vector<16xf32>, vector<16xf32>, vector<16xf32>, vector<16xf32>, vector<16xf32>, vector<16xf32>, vector<16xf32>, vector<16xf32>, vector<16xf32>, vector<16xf32>, vector<16xf32>, vector<16xf32>
      } {sc.loop_unroll_factor = 4 : i64, sc.parallel_access}
      %gt3A = arith.constant 0 : i32
      %gt3A_321 = arith.cmpi sgt, %scan3A_126, %gt3A : i32
      %convert_element_type3A_322 = arith.extui %gt3A_321 : i1 to i32
      %cond3A_323 = arith.constant 0 : i32
      %cond3A_324 = arith.cmpi ne, %convert_element_type3A_322, %cond3A_323 : i32
      scf.if %cond3A_324 {
        %dma_wait3A_582 = arith.constant 0 : i32
        %dma_wait3A_583 = arith.constant 0 : i32
        %dma_wait3A_584 = tpu.memref_slice %arg11[%sub3A_129, %dma_wait3A_582, %dma_wait3A_583] : memref<2x104x32xf32, #tpu.memory_space<vmem>> -> memref<1x104x32xf32, #tpu.memory_space<vmem>>
        %dma_wait3A_585 = tpu.memref_squeeze %dma_wait3A_584 : memref<1x104x32xf32, #tpu.memory_space<vmem>> -> memref<104x32xf32, #tpu.memory_space<vmem>>
        %dma_wait3A_586 = arith.constant 0 : i32
        %dma_wait3A_587 = tpu.memref_slice %arg8[%multiple_of3A_135, %dma_wait3A_586] : memref<204800x32xf32, #tpu.memory_space<hbm>> -> memref<104x32xf32, #tpu.memory_space<hbm>>
        %dma_wait3A_588 = arith.constant 0 : i32
        %dma_wait3A_589 = tpu.memref_slice %arg8[%multiple_of3A_135, %dma_wait3A_588] : memref<204800x32xf32, #tpu.memory_space<hbm>> -> memref<104x32xf32, #tpu.memory_space<hbm>>
        %dma_wait3A_590 = arith.constant 0 : i32
        %dma_wait3A_591 = arith.constant 0 : i32
        %dma_wait3A_592 = tpu.memref_slice %arg11[%sub3A_129, %dma_wait3A_590, %dma_wait3A_591] : memref<2x104x32xf32, #tpu.memory_space<vmem>> -> memref<1x104x32xf32, #tpu.memory_space<vmem>>
        %dma_wait3A_593 = tpu.memref_squeeze %dma_wait3A_592 : memref<1x104x32xf32, #tpu.memory_space<vmem>> -> memref<104x32xf32, #tpu.memory_space<vmem>>
        tpu.wait_dma2 semaphore(%arg22 : memref<!tpu.dma_semaphore, #tpu.memory_space<semaphore_mem>>) src(%dma_wait3A_593 : memref<104x32xf32, #tpu.memory_space<vmem>>) dst(%dma_wait3A_589 : memref<104x32xf32, #tpu.memory_space<hbm>>)
        %dma_wait3A_594 = arith.constant 0 : i32
        %dma_wait3A_595 = arith.constant 0 : i32
        %dma_wait3A_596 = tpu.memref_slice %arg12[%sub3A_129, %dma_wait3A_594, %dma_wait3A_595] : memref<2x96x32xf32, #tpu.memory_space<vmem>> -> memref<1x96x32xf32, #tpu.memory_space<vmem>>
        %dma_wait3A_597 = tpu.memref_squeeze %dma_wait3A_596 : memref<1x96x32xf32, #tpu.memory_space<vmem>> -> memref<96x32xf32, #tpu.memory_space<vmem>>
        %dma_wait3A_598 = arith.constant 0 : i32
        %dma_wait3A_599 = tpu.memref_slice %arg8[%multiple_of3A_135, %dma_wait3A_598] : memref<204800x32xf32, #tpu.memory_space<hbm>> -> memref<96x32xf32, #tpu.memory_space<hbm>>
        %dma_wait3A_600 = arith.constant 0 : i32
        %dma_wait3A_601 = tpu.memref_slice %arg8[%multiple_of3A_135, %dma_wait3A_600] : memref<204800x32xf32, #tpu.memory_space<hbm>> -> memref<96x32xf32, #tpu.memory_space<hbm>>
        %dma_wait3A_602 = arith.constant 0 : i32
        %dma_wait3A_603 = arith.constant 0 : i32
        %dma_wait3A_604 = tpu.memref_slice %arg12[%sub3A_129, %dma_wait3A_602, %dma_wait3A_603] : memref<2x96x32xf32, #tpu.memory_space<vmem>> -> memref<1x96x32xf32, #tpu.memory_space<vmem>>
        %dma_wait3A_605 = tpu.memref_squeeze %dma_wait3A_604 : memref<1x96x32xf32, #tpu.memory_space<vmem>> -> memref<96x32xf32, #tpu.memory_space<vmem>>
        tpu.wait_dma2 semaphore(%arg22 : memref<!tpu.dma_semaphore, #tpu.memory_space<semaphore_mem>>) src(%dma_wait3A_605 : memref<96x32xf32, #tpu.memory_space<vmem>>) dst(%dma_wait3A_601 : memref<96x32xf32, #tpu.memory_space<hbm>>)
      } else {
      }
      %lt3A_325 = arith.constant 31 : i32
      %lt3A_326 = arith.cmpi slt, %scan3A_126, %lt3A_325 : i32
      %convert_element_type3A_327 = arith.extui %lt3A_326 : i1 to i32
      %cond3A_328 = arith.constant 0 : i32
      %cond3A_329 = arith.cmpi ne, %convert_element_type3A_327, %cond3A_328 : i32
      scf.if %cond3A_329 {
        %dma_wait3A_582 = arith.constant 0 : i32
        %dma_wait3A_583 = tpu.memref_slice %arg13[%sub3A_129, %dma_wait3A_582] : memref<2x104xi32, #tpu.memory_space<vmem>> -> memref<1x104xi32, #tpu.memory_space<vmem>>
        %dma_wait3A_584 = tpu.memref_squeeze %dma_wait3A_583 : memref<1x104xi32, #tpu.memory_space<vmem>> -> memref<104xi32, #tpu.memory_space<vmem>>
        %dma_wait3A_585 = arith.constant 0 : i32
        %dma_wait3A_586 = tpu.memref_slice %arg3[%add3A_138, %dma_wait3A_585] : memref<1024x200xi32, #tpu.memory_space<hbm>> -> memref<1x104xi32, #tpu.memory_space<hbm>>
        %dma_wait3A_587 = tpu.memref_squeeze %dma_wait3A_586 : memref<1x104xi32, #tpu.memory_space<hbm>> -> memref<104xi32, #tpu.memory_space<hbm>>
        %dma_wait3A_588 = arith.constant 0 : i32
        %dma_wait3A_589 = tpu.memref_slice %arg13[%sub3A_129, %dma_wait3A_588] : memref<2x104xi32, #tpu.memory_space<vmem>> -> memref<1x104xi32, #tpu.memory_space<vmem>>
        %dma_wait3A_590 = tpu.memref_squeeze %dma_wait3A_589 : memref<1x104xi32, #tpu.memory_space<vmem>> -> memref<104xi32, #tpu.memory_space<vmem>>
        %dma_wait3A_591 = arith.constant 0 : i32
        %dma_wait3A_592 = tpu.memref_slice %arg3[%add3A_138, %dma_wait3A_591] : memref<1024x200xi32, #tpu.memory_space<hbm>> -> memref<1x104xi32, #tpu.memory_space<hbm>>
        %dma_wait3A_593 = tpu.memref_squeeze %dma_wait3A_592 : memref<1x104xi32, #tpu.memory_space<hbm>> -> memref<104xi32, #tpu.memory_space<hbm>>
        tpu.wait_dma2 semaphore(%arg20 : memref<!tpu.dma_semaphore, #tpu.memory_space<semaphore_mem>>) src(%dma_wait3A_593 : memref<104xi32, #tpu.memory_space<hbm>>) dst(%dma_wait3A_590 : memref<104xi32, #tpu.memory_space<vmem>>)
        %dma_wait3A_594 = arith.constant 0 : i32
        %dma_wait3A_595 = tpu.memref_slice %arg14[%sub3A_129, %dma_wait3A_594] : memref<2x96xi32, #tpu.memory_space<vmem>> -> memref<1x96xi32, #tpu.memory_space<vmem>>
        %dma_wait3A_596 = tpu.memref_squeeze %dma_wait3A_595 : memref<1x96xi32, #tpu.memory_space<vmem>> -> memref<96xi32, #tpu.memory_space<vmem>>
        %dma_wait3A_597 = arith.constant 104 : i32
        %dma_wait3A_598 = tpu.memref_slice %arg3[%add3A_138, %dma_wait3A_597] : memref<1024x200xi32, #tpu.memory_space<hbm>> -> memref<1x96xi32, #tpu.memory_space<hbm>>
        %dma_wait3A_599 = tpu.memref_squeeze %dma_wait3A_598 : memref<1x96xi32, #tpu.memory_space<hbm>> -> memref<96xi32, #tpu.memory_space<hbm>>
        %dma_wait3A_600 = arith.constant 0 : i32
        %dma_wait3A_601 = tpu.memref_slice %arg14[%sub3A_129, %dma_wait3A_600] : memref<2x96xi32, #tpu.memory_space<vmem>> -> memref<1x96xi32, #tpu.memory_space<vmem>>
        %dma_wait3A_602 = tpu.memref_squeeze %dma_wait3A_601 : memref<1x96xi32, #tpu.memory_space<vmem>> -> memref<96xi32, #tpu.memory_space<vmem>>
        %dma_wait3A_603 = arith.constant 104 : i32
        %dma_wait3A_604 = tpu.memref_slice %arg3[%add3A_138, %dma_wait3A_603] : memref<1024x200xi32, #tpu.memory_space<hbm>> -> memref<1x96xi32, #tpu.memory_space<hbm>>
        %dma_wait3A_605 = tpu.memref_squeeze %dma_wait3A_604 : memref<1x96xi32, #tpu.memory_space<hbm>> -> memref<96xi32, #tpu.memory_space<hbm>>
        tpu.wait_dma2 semaphore(%arg20 : memref<!tpu.dma_semaphore, #tpu.memory_space<semaphore_mem>>) src(%dma_wait3A_605 : memref<96xi32, #tpu.memory_space<hbm>>) dst(%dma_wait3A_602 : memref<96xi32, #tpu.memory_space<vmem>>)
        %dma_wait3A_606 = arith.constant 0 : i32
        %dma_wait3A_607 = tpu.memref_slice %arg15[%sub3A_129, %dma_wait3A_606] : memref<2x200xf32, #tpu.memory_space<vmem>> -> memref<1x200xf32, #tpu.memory_space<vmem>>
        %dma_wait3A_608 = tpu.memref_squeeze %dma_wait3A_607 : memref<1x200xf32, #tpu.memory_space<vmem>> -> memref<200xf32, #tpu.memory_space<vmem>>
        %dma_wait3A_609 = arith.constant 0 : i32
        %dma_wait3A_610 = tpu.memref_slice %arg4[%add3A_138, %dma_wait3A_609] : memref<1024x200xf32, #tpu.memory_space<hbm>> -> memref<1x200xf32, #tpu.memory_space<hbm>>
        %dma_wait3A_611 = tpu.memref_squeeze %dma_wait3A_610 : memref<1x200xf32, #tpu.memory_space<hbm>> -> memref<200xf32, #tpu.memory_space<hbm>>
        %dma_wait3A_612 = arith.constant 0 : i32
        %dma_wait3A_613 = tpu.memref_slice %arg15[%sub3A_129, %dma_wait3A_612] : memref<2x200xf32, #tpu.memory_space<vmem>> -> memref<1x200xf32, #tpu.memory_space<vmem>>
        %dma_wait3A_614 = tpu.memref_squeeze %dma_wait3A_613 : memref<1x200xf32, #tpu.memory_space<vmem>> -> memref<200xf32, #tpu.memory_space<vmem>>
        %dma_wait3A_615 = arith.constant 0 : i32
        %dma_wait3A_616 = tpu.memref_slice %arg4[%add3A_138, %dma_wait3A_615] : memref<1024x200xf32, #tpu.memory_space<hbm>> -> memref<1x200xf32, #tpu.memory_space<hbm>>
        %dma_wait3A_617 = tpu.memref_squeeze %dma_wait3A_616 : memref<1x200xf32, #tpu.memory_space<hbm>> -> memref<200xf32, #tpu.memory_space<hbm>>
        tpu.wait_dma2 semaphore(%arg20 : memref<!tpu.dma_semaphore, #tpu.memory_space<semaphore_mem>>) src(%dma_wait3A_617 : memref<200xf32, #tpu.memory_space<hbm>>) dst(%dma_wait3A_614 : memref<200xf32, #tpu.memory_space<vmem>>)
        %dma_start3A_618 = arith.constant 0 : i32
        %dma_start3A_619 = arith.constant 0 : i32
        %dma_start3A_620 = tpu.memref_slice %arg11[%sub3A_129, %dma_start3A_618, %dma_start3A_619] : memref<2x104x32xf32, #tpu.memory_space<vmem>> -> memref<1x104x32xf32, #tpu.memory_space<vmem>>
        %dma_start3A_621 = tpu.memref_squeeze %dma_start3A_620 : memref<1x104x32xf32, #tpu.memory_space<vmem>> -> memref<104x32xf32, #tpu.memory_space<vmem>>
        %dma_start3A_622 = arith.constant 0 : i32
        %dma_start3A_623 = tpu.memref_slice %arg13[%sub3A_129, %dma_start3A_622] : memref<2x104xi32, #tpu.memory_space<vmem>> -> memref<1x104xi32, #tpu.memory_space<vmem>>
        %dma_start3A_624 = tpu.memref_squeeze %dma_start3A_623 : memref<1x104xi32, #tpu.memory_space<vmem>> -> memref<104xi32, #tpu.memory_space<vmem>>
        %dma_start3A_625 = arith.constant 0 : i32
        %dma_start3A_626 = arith.constant 0 : i32
        %dma_start3A_627 = tpu.memref_slice %arg5[%dma_start3A_625, %dma_start3A_626] : memref<20000x32xf32, #tpu.memory_space<hbm>> -> memref<20000x32xf32, #tpu.memory_space<hbm>>
        tpu.enqueue_indirect_dma source(%dma_start3A_627 : memref<20000x32xf32, #tpu.memory_space<hbm>>) target(%dma_start3A_621 : memref<104x32xf32, #tpu.memory_space<vmem>>) offsets(%dma_start3A_624 : memref<104xi32, #tpu.memory_space<vmem>>) semaphore(%arg21 : memref<!tpu.dma_semaphore, #tpu.memory_space<semaphore_mem>>)
        %dma_start3A_628 = arith.constant 0 : i32
        %dma_start3A_629 = arith.constant 0 : i32
        %dma_start3A_630 = tpu.memref_slice %arg12[%sub3A_129, %dma_start3A_628, %dma_start3A_629] : memref<2x96x32xf32, #tpu.memory_space<vmem>> -> memref<1x96x32xf32, #tpu.memory_space<vmem>>
        %dma_start3A_631 = tpu.memref_squeeze %dma_start3A_630 : memref<1x96x32xf32, #tpu.memory_space<vmem>> -> memref<96x32xf32, #tpu.memory_space<vmem>>
        %dma_start3A_632 = arith.constant 0 : i32
        %dma_start3A_633 = tpu.memref_slice %arg14[%sub3A_129, %dma_start3A_632] : memref<2x96xi32, #tpu.memory_space<vmem>> -> memref<1x96xi32, #tpu.memory_space<vmem>>
        %dma_start3A_634 = tpu.memref_squeeze %dma_start3A_633 : memref<1x96xi32, #tpu.memory_space<vmem>> -> memref<96xi32, #tpu.memory_space<vmem>>
        %dma_start3A_635 = arith.constant 0 : i32
        %dma_start3A_636 = arith.constant 0 : i32
        %dma_start3A_637 = tpu.memref_slice %arg5[%dma_start3A_635, %dma_start3A_636] : memref<20000x32xf32, #tpu.memory_space<hbm>> -> memref<20000x32xf32, #tpu.memory_space<hbm>>
        tpu.enqueue_indirect_dma source(%dma_start3A_637 : memref<20000x32xf32, #tpu.memory_space<hbm>>) target(%dma_start3A_631 : memref<96x32xf32, #tpu.memory_space<vmem>>) offsets(%dma_start3A_634 : memref<96xi32, #tpu.memory_space<vmem>>) semaphore(%arg21 : memref<!tpu.dma_semaphore, #tpu.memory_space<semaphore_mem>>)
        %dma_start3A_638 = arith.constant 0 : i32
        %dma_start3A_639 = tpu.memref_slice %arg13[%sub3A_129, %dma_start3A_638] : memref<2x104xi32, #tpu.memory_space<vmem>> -> memref<1x104xi32, #tpu.memory_space<vmem>>
        %dma_start3A_640 = tpu.memref_squeeze %dma_start3A_639 : memref<1x104xi32, #tpu.memory_space<vmem>> -> memref<104xi32, #tpu.memory_space<vmem>>
        %dma_start3A_641 = arith.constant 0 : i32
        %dma_start3A_642 = arith.constant 0 : i32
        %dma_start3A_643 = tpu.memref_slice %arg2[%dma_start3A_641, %dma_start3A_642] : memref<20000x512xbf16, #tpu.memory_space<hbm>> -> memref<20000x512xbf16, #tpu.memory_space<hbm>>
        tpu.enqueue_indirect_dma source(%dma_start3A_643 : memref<20000x512xbf16, #tpu.memory_space<hbm>>) target(%arg9 : memref<104x512xbf16, #tpu.memory_space<vmem>>) offsets(%dma_start3A_640 : memref<104xi32, #tpu.memory_space<vmem>>) semaphore(%arg18 : memref<!tpu.dma_semaphore, #tpu.memory_space<semaphore_mem>>)
      } else {
      }
      %dma_wait3A_330 = arith.constant 0 : i32
      %dma_wait3A_331 = tpu.memref_slice %arg14[%rem3A_127, %dma_wait3A_330] : memref<2x96xi32, #tpu.memory_space<vmem>> -> memref<1x96xi32, #tpu.memory_space<vmem>>
      %dma_wait3A_332 = tpu.memref_squeeze %dma_wait3A_331 : memref<1x96xi32, #tpu.memory_space<vmem>> -> memref<96xi32, #tpu.memory_space<vmem>>
      %dma_wait3A_333 = arith.constant 0 : i32
      %dma_wait3A_334 = arith.constant 0 : i32
      %dma_wait3A_335 = tpu.memref_slice %arg2[%dma_wait3A_333, %dma_wait3A_334] : memref<20000x512xbf16, #tpu.memory_space<hbm>> -> memref<20000x512xbf16, #tpu.memory_space<hbm>>
      tpu.wait_indirect_dma semaphore(%arg19 : memref<!tpu.dma_semaphore, #tpu.memory_space<semaphore_mem>>) src(%dma_wait3A_335 : memref<20000x512xbf16, #tpu.memory_space<hbm>>) dst(%arg10 : memref<96x512xbf16, #tpu.memory_space<vmem>>)
      %parallel_loop3A_336 = arith.constant 0 : i32
      %parallel_loop3A_337 = arith.constant 96 : i32
      %parallel_loop3A_338 = arith.constant 1 : i32
      %parallel_loop3A_339:16 = scf.for %parallel_loop3A_582 = %parallel_loop3A_336 to %parallel_loop3A_337 step %parallel_loop3A_338 iter_args(%parallel_loop3A_583 = %parallel_loop3A_308#0, %parallel_loop3A_584 = %parallel_loop3A_308#1, %parallel_loop3A_585 = %parallel_loop3A_308#2, %parallel_loop3A_586 = %parallel_loop3A_308#3, %parallel_loop3A_587 = %parallel_loop3A_308#4, %parallel_loop3A_588 = %parallel_loop3A_308#5, %parallel_loop3A_589 = %parallel_loop3A_308#6, %parallel_loop3A_590 = %parallel_loop3A_308#7, %parallel_loop3A_591 = %parallel_loop3A_308#8, %parallel_loop3A_592 = %parallel_loop3A_308#9, %parallel_loop3A_593 = %parallel_loop3A_308#10, %parallel_loop3A_594 = %parallel_loop3A_308#11, %parallel_loop3A_595 = %parallel_loop3A_308#12, %parallel_loop3A_596 = %parallel_loop3A_308#13, %parallel_loop3A_597 = %parallel_loop3A_308#14, %parallel_loop3A_598 = %parallel_loop3A_308#15) -> (vector<16xf32>, vector<16xf32>, vector<16xf32>, vector<16xf32>, vector<16xf32>, vector<16xf32>, vector<16xf32>, vector<16xf32>, vector<16xf32>, vector<16xf32>, vector<16xf32>, vector<16xf32>, vector<16xf32>, vector<16xf32>, vector<16xf32>, vector<16xf32>)  : i32 {
        %parallel_loop3A_599 = vector.broadcast %rem3A_127 : i32 to vector<16xi32>
        %parallel_loop3A_600 = arith.constant 104 : i32
        %parallel_loop3A_601 = arith.addi %parallel_loop3A_600, %parallel_loop3A_582 : i32
        %parallel_loop3A_602 = vector.broadcast %parallel_loop3A_601 : i32 to vector<16xi32>
        %parallel_loop3A_603 = tpu.vector_load_idx %arg15[%parallel_loop3A_599, %parallel_loop3A_602] : memref<2x200xf32, #tpu.memory_space<vmem>>[vector<16xi32>, vector<16xi32>], vector<16xf32>,
        %parallel_loop3A_604 = arith.index_cast %parallel_loop3A_582 : i32 to index
        %parallel_loop3A_605 = arith.constant 0 : index
        %parallel_loop3A_606 = tpu.vector_load %arg10[%parallel_loop3A_604, %parallel_loop3A_605] {strides = array<i32>} : memref<96x512xbf16, #tpu.memory_space<vmem>>, vector<32xbf16>,
        %parallel_loop3A_607 = tpu.unpack_subelements %parallel_loop3A_606, 0 {pack_format = #tpu.pack_format<interleaved>} : vector<32xbf16> -> vector<16xf32>
        %parallel_loop3A_608 = tpu.unpack_subelements %parallel_loop3A_606, 1 {pack_format = #tpu.pack_format<interleaved>} : vector<32xbf16> -> vector<16xf32>
        %parallel_loop3A_609 = arith.mulf %parallel_loop3A_603, %parallel_loop3A_607 : vector<16xf32>
        %parallel_loop3A_610 = arith.addf %parallel_loop3A_583, %parallel_loop3A_609 : vector<16xf32>
        %parallel_loop3A_611 = arith.mulf %parallel_loop3A_603, %parallel_loop3A_608 : vector<16xf32>
        %parallel_loop3A_612 = arith.addf %parallel_loop3A_584, %parallel_loop3A_611 : vector<16xf32>
        %parallel_loop3A_613 = arith.addf %parallel_loop3A_585, %parallel_loop3A_607 : vector<16xf32>
        %parallel_loop3A_614 = arith.addf %parallel_loop3A_586, %parallel_loop3A_608 : vector<16xf32>
        %parallel_loop3A_615 = arith.index_cast %parallel_loop3A_582 : i32 to index
        %parallel_loop3A_616 = arith.constant 32 : index
        %parallel_loop3A_617 = tpu.vector_load %arg10[%parallel_loop3A_615, %parallel_loop3A_616] {strides = array<i32>} : memref<96x512xbf16, #tpu.memory_space<vmem>>, vector<32xbf16>,
        %parallel_loop3A_618 = tpu.unpack_subelements %parallel_loop3A_617, 0 {pack_format = #tpu.pack_format<interleaved>} : vector<32xbf16> -> vector<16xf32>
        %parallel_loop3A_619 = tpu.unpack_subelements %parallel_loop3A_617, 1 {pack_format = #tpu.pack_format<interleaved>} : vector<32xbf16> -> vector<16xf32>
        %parallel_loop3A_620 = arith.mulf %parallel_loop3A_603, %parallel_loop3A_618 : vector<16xf32>
        %parallel_loop3A_621 = arith.addf %parallel_loop3A_587, %parallel_loop3A_620 : vector<16xf32>
        %parallel_loop3A_622 = arith.mulf %parallel_loop3A_603, %parallel_loop3A_619 : vector<16xf32>
        %parallel_loop3A_623 = arith.addf %parallel_loop3A_588, %parallel_loop3A_622 : vector<16xf32>
        %parallel_loop3A_624 = arith.addf %parallel_loop3A_589, %parallel_loop3A_618 : vector<16xf32>
        %parallel_loop3A_625 = arith.addf %parallel_loop3A_590, %parallel_loop3A_619 : vector<16xf32>
        %parallel_loop3A_626 = arith.index_cast %parallel_loop3A_582 : i32 to index
        %parallel_loop3A_627 = arith.constant 64 : index
        %parallel_loop3A_628 = tpu.vector_load %arg10[%parallel_loop3A_626, %parallel_loop3A_627] {strides = array<i32>} : memref<96x512xbf16, #tpu.memory_space<vmem>>, vector<32xbf16>,
        %parallel_loop3A_629 = tpu.unpack_subelements %parallel_loop3A_628, 0 {pack_format = #tpu.pack_format<interleaved>} : vector<32xbf16> -> vector<16xf32>
        %parallel_loop3A_630 = tpu.unpack_subelements %parallel_loop3A_628, 1 {pack_format = #tpu.pack_format<interleaved>} : vector<32xbf16> -> vector<16xf32>
        %parallel_loop3A_631 = arith.mulf %parallel_loop3A_603, %parallel_loop3A_629 : vector<16xf32>
        %parallel_loop3A_632 = arith.addf %parallel_loop3A_591, %parallel_loop3A_631 : vector<16xf32>
        %parallel_loop3A_633 = arith.mulf %parallel_loop3A_603, %parallel_loop3A_630 : vector<16xf32>
        %parallel_loop3A_634 = arith.addf %parallel_loop3A_592, %parallel_loop3A_633 : vector<16xf32>
        %parallel_loop3A_635 = arith.addf %parallel_loop3A_593, %parallel_loop3A_629 : vector<16xf32>
        %parallel_loop3A_636 = arith.addf %parallel_loop3A_594, %parallel_loop3A_630 : vector<16xf32>
        %parallel_loop3A_637 = arith.index_cast %parallel_loop3A_582 : i32 to index
        %parallel_loop3A_638 = arith.constant 96 : index
        %parallel_loop3A_639 = tpu.vector_load %arg10[%parallel_loop3A_637, %parallel_loop3A_638] {strides = array<i32>} : memref<96x512xbf16, #tpu.memory_space<vmem>>, vector<32xbf16>,
        %parallel_loop3A_640 = tpu.unpack_subelements %parallel_loop3A_639, 0 {pack_format = #tpu.pack_format<interleaved>} : vector<32xbf16> -> vector<16xf32>
        %parallel_loop3A_641 = tpu.unpack_subelements %parallel_loop3A_639, 1 {pack_format = #tpu.pack_format<interleaved>} : vector<32xbf16> -> vector<16xf32>
        %parallel_loop3A_642 = arith.mulf %parallel_loop3A_603, %parallel_loop3A_640 : vector<16xf32>
        %parallel_loop3A_643 = arith.addf %parallel_loop3A_595, %parallel_loop3A_642 : vector<16xf32>
        %parallel_loop3A_644 = arith.mulf %parallel_loop3A_603, %parallel_loop3A_641 : vector<16xf32>
        %parallel_loop3A_645 = arith.addf %parallel_loop3A_596, %parallel_loop3A_644 : vector<16xf32>
        %parallel_loop3A_646 = arith.addf %parallel_loop3A_597, %parallel_loop3A_640 : vector<16xf32>
        %parallel_loop3A_647 = arith.addf %parallel_loop3A_598, %parallel_loop3A_641 : vector<16xf32>
        scf.yield %parallel_loop3A_610, %parallel_loop3A_612, %parallel_loop3A_613, %parallel_loop3A_614, %parallel_loop3A_621, %parallel_loop3A_623, %parallel_loop3A_624, %parallel_loop3A_625, %parallel_loop3A_632, %parallel_loop3A_634, %parallel_loop3A_635, %parallel_loop3A_636, %parallel_loop3A_643, %parallel_loop3A_645, %parallel_loop3A_646, %parallel_loop3A_647 : vector<16xf32>, vector<16xf32>, vector<16xf32>, vector<16xf32>, vector<16xf32>, vector<16xf32>, vector<16xf32>, vector<16xf32>, vector<16xf32>, vector<16xf32>, vector<16xf32>, vector<16xf32>, vector<16xf32>, vector<16xf32>, vector<16xf32>, vector<16xf32>
      } {sc.loop_unroll_factor = 4 : i64, sc.parallel_access}
      %parallel_loop3A_340 = arith.constant 0 : i32
      %parallel_loop3A_341 = arith.constant 96 : i32
      %parallel_loop3A_342 = arith.constant 1 : i32
      %parallel_loop3A_343:16 = scf.for %parallel_loop3A_582 = %parallel_loop3A_340 to %parallel_loop3A_341 step %parallel_loop3A_342 iter_args(%parallel_loop3A_583 = %parallel_loop3A_312#0, %parallel_loop3A_584 = %parallel_loop3A_312#1, %parallel_loop3A_585 = %parallel_loop3A_312#2, %parallel_loop3A_586 = %parallel_loop3A_312#3, %parallel_loop3A_587 = %parallel_loop3A_312#4, %parallel_loop3A_588 = %parallel_loop3A_312#5, %parallel_loop3A_589 = %parallel_loop3A_312#6, %parallel_loop3A_590 = %parallel_loop3A_312#7, %parallel_loop3A_591 = %parallel_loop3A_312#8, %parallel_loop3A_592 = %parallel_loop3A_312#9, %parallel_loop3A_593 = %parallel_loop3A_312#10, %parallel_loop3A_594 = %parallel_loop3A_312#11, %parallel_loop3A_595 = %parallel_loop3A_312#12, %parallel_loop3A_596 = %parallel_loop3A_312#13, %parallel_loop3A_597 = %parallel_loop3A_312#14, %parallel_loop3A_598 = %parallel_loop3A_312#15) -> (vector<16xf32>, vector<16xf32>, vector<16xf32>, vector<16xf32>, vector<16xf32>, vector<16xf32>, vector<16xf32>, vector<16xf32>, vector<16xf32>, vector<16xf32>, vector<16xf32>, vector<16xf32>, vector<16xf32>, vector<16xf32>, vector<16xf32>, vector<16xf32>)  : i32 {
        %parallel_loop3A_599 = vector.broadcast %rem3A_127 : i32 to vector<16xi32>
        %parallel_loop3A_600 = arith.constant 104 : i32
        %parallel_loop3A_601 = arith.addi %parallel_loop3A_600, %parallel_loop3A_582 : i32
        %parallel_loop3A_602 = vector.broadcast %parallel_loop3A_601 : i32 to vector<16xi32>
        %parallel_loop3A_603 = tpu.vector_load_idx %arg15[%parallel_loop3A_599, %parallel_loop3A_602] : memref<2x200xf32, #tpu.memory_space<vmem>>[vector<16xi32>, vector<16xi32>], vector<16xf32>,
        %parallel_loop3A_604 = arith.index_cast %parallel_loop3A_582 : i32 to index
        %parallel_loop3A_605 = arith.constant 128 : index
        %parallel_loop3A_606 = tpu.vector_load %arg10[%parallel_loop3A_604, %parallel_loop3A_605] {strides = array<i32>} : memref<96x512xbf16, #tpu.memory_space<vmem>>, vector<32xbf16>,
        %parallel_loop3A_607 = tpu.unpack_subelements %parallel_loop3A_606, 0 {pack_format = #tpu.pack_format<interleaved>} : vector<32xbf16> -> vector<16xf32>
        %parallel_loop3A_608 = tpu.unpack_subelements %parallel_loop3A_606, 1 {pack_format = #tpu.pack_format<interleaved>} : vector<32xbf16> -> vector<16xf32>
        %parallel_loop3A_609 = arith.mulf %parallel_loop3A_603, %parallel_loop3A_607 : vector<16xf32>
        %parallel_loop3A_610 = arith.addf %parallel_loop3A_583, %parallel_loop3A_609 : vector<16xf32>
        %parallel_loop3A_611 = arith.mulf %parallel_loop3A_603, %parallel_loop3A_608 : vector<16xf32>
        %parallel_loop3A_612 = arith.addf %parallel_loop3A_584, %parallel_loop3A_611 : vector<16xf32>
        %parallel_loop3A_613 = arith.addf %parallel_loop3A_585, %parallel_loop3A_607 : vector<16xf32>
        %parallel_loop3A_614 = arith.addf %parallel_loop3A_586, %parallel_loop3A_608 : vector<16xf32>
        %parallel_loop3A_615 = arith.index_cast %parallel_loop3A_582 : i32 to index
        %parallel_loop3A_616 = arith.constant 160 : index
        %parallel_loop3A_617 = tpu.vector_load %arg10[%parallel_loop3A_615, %parallel_loop3A_616] {strides = array<i32>} : memref<96x512xbf16, #tpu.memory_space<vmem>>, vector<32xbf16>,
        %parallel_loop3A_618 = tpu.unpack_subelements %parallel_loop3A_617, 0 {pack_format = #tpu.pack_format<interleaved>} : vector<32xbf16> -> vector<16xf32>
        %parallel_loop3A_619 = tpu.unpack_subelements %parallel_loop3A_617, 1 {pack_format = #tpu.pack_format<interleaved>} : vector<32xbf16> -> vector<16xf32>
        %parallel_loop3A_620 = arith.mulf %parallel_loop3A_603, %parallel_loop3A_618 : vector<16xf32>
        %parallel_loop3A_621 = arith.addf %parallel_loop3A_587, %parallel_loop3A_620 : vector<16xf32>
        %parallel_loop3A_622 = arith.mulf %parallel_loop3A_603, %parallel_loop3A_619 : vector<16xf32>
        %parallel_loop3A_623 = arith.addf %parallel_loop3A_588, %parallel_loop3A_622 : vector<16xf32>
        %parallel_loop3A_624 = arith.addf %parallel_loop3A_589, %parallel_loop3A_618 : vector<16xf32>
        %parallel_loop3A_625 = arith.addf %parallel_loop3A_590, %parallel_loop3A_619 : vector<16xf32>
        %parallel_loop3A_626 = arith.index_cast %parallel_loop3A_582 : i32 to index
        %parallel_loop3A_627 = arith.constant 192 : index
        %parallel_loop3A_628 = tpu.vector_load %arg10[%parallel_loop3A_626, %parallel_loop3A_627] {strides = array<i32>} : memref<96x512xbf16, #tpu.memory_space<vmem>>, vector<32xbf16>,
        %parallel_loop3A_629 = tpu.unpack_subelements %parallel_loop3A_628, 0 {pack_format = #tpu.pack_format<interleaved>} : vector<32xbf16> -> vector<16xf32>
        %parallel_loop3A_630 = tpu.unpack_subelements %parallel_loop3A_628, 1 {pack_format = #tpu.pack_format<interleaved>} : vector<32xbf16> -> vector<16xf32>
        %parallel_loop3A_631 = arith.mulf %parallel_loop3A_603, %parallel_loop3A_629 : vector<16xf32>
        %parallel_loop3A_632 = arith.addf %parallel_loop3A_591, %parallel_loop3A_631 : vector<16xf32>
        %parallel_loop3A_633 = arith.mulf %parallel_loop3A_603, %parallel_loop3A_630 : vector<16xf32>
        %parallel_loop3A_634 = arith.addf %parallel_loop3A_592, %parallel_loop3A_633 : vector<16xf32>
        %parallel_loop3A_635 = arith.addf %parallel_loop3A_593, %parallel_loop3A_629 : vector<16xf32>
        %parallel_loop3A_636 = arith.addf %parallel_loop3A_594, %parallel_loop3A_630 : vector<16xf32>
        %parallel_loop3A_637 = arith.index_cast %parallel_loop3A_582 : i32 to index
        %parallel_loop3A_638 = arith.constant 224 : index
        %parallel_loop3A_639 = tpu.vector_load %arg10[%parallel_loop3A_637, %parallel_loop3A_638] {strides = array<i32>} : memref<96x512xbf16, #tpu.memory_space<vmem>>, vector<32xbf16>,
        %parallel_loop3A_640 = tpu.unpack_subelements %parallel_loop3A_639, 0 {pack_format = #tpu.pack_format<interleaved>} : vector<32xbf16> -> vector<16xf32>
        %parallel_loop3A_641 = tpu.unpack_subelements %parallel_loop3A_639, 1 {pack_format = #tpu.pack_format<interleaved>} : vector<32xbf16> -> vector<16xf32>
        %parallel_loop3A_642 = arith.mulf %parallel_loop3A_603, %parallel_loop3A_640 : vector<16xf32>
        %parallel_loop3A_643 = arith.addf %parallel_loop3A_595, %parallel_loop3A_642 : vector<16xf32>
        %parallel_loop3A_644 = arith.mulf %parallel_loop3A_603, %parallel_loop3A_641 : vector<16xf32>
        %parallel_loop3A_645 = arith.addf %parallel_loop3A_596, %parallel_loop3A_644 : vector<16xf32>
        %parallel_loop3A_646 = arith.addf %parallel_loop3A_597, %parallel_loop3A_640 : vector<16xf32>
        %parallel_loop3A_647 = arith.addf %parallel_loop3A_598, %parallel_loop3A_641 : vector<16xf32>
        scf.yield %parallel_loop3A_610, %parallel_loop3A_612, %parallel_loop3A_613, %parallel_loop3A_614, %parallel_loop3A_621, %parallel_loop3A_623, %parallel_loop3A_624, %parallel_loop3A_625, %parallel_loop3A_632, %parallel_loop3A_634, %parallel_loop3A_635, %parallel_loop3A_636, %parallel_loop3A_643, %parallel_loop3A_645, %parallel_loop3A_646, %parallel_loop3A_647 : vector<16xf32>, vector<16xf32>, vector<16xf32>, vector<16xf32>, vector<16xf32>, vector<16xf32>, vector<16xf32>, vector<16xf32>, vector<16xf32>, vector<16xf32>, vector<16xf32>, vector<16xf32>, vector<16xf32>, vector<16xf32>, vector<16xf32>, vector<16xf32>
      } {sc.loop_unroll_factor = 4 : i64, sc.parallel_access}
      %parallel_loop3A_344 = arith.constant 0 : i32
      %parallel_loop3A_345 = arith.constant 96 : i32
      %parallel_loop3A_346 = arith.constant 1 : i32
      %parallel_loop3A_347:16 = scf.for %parallel_loop3A_582 = %parallel_loop3A_344 to %parallel_loop3A_345 step %parallel_loop3A_346 iter_args(%parallel_loop3A_583 = %parallel_loop3A_316#0, %parallel_loop3A_584 = %parallel_loop3A_316#1, %parallel_loop3A_585 = %parallel_loop3A_316#2, %parallel_loop3A_586 = %parallel_loop3A_316#3, %parallel_loop3A_587 = %parallel_loop3A_316#4, %parallel_loop3A_588 = %parallel_loop3A_316#5, %parallel_loop3A_589 = %parallel_loop3A_316#6, %parallel_loop3A_590 = %parallel_loop3A_316#7, %parallel_loop3A_591 = %parallel_loop3A_316#8, %parallel_loop3A_592 = %parallel_loop3A_316#9, %parallel_loop3A_593 = %parallel_loop3A_316#10, %parallel_loop3A_594 = %parallel_loop3A_316#11, %parallel_loop3A_595 = %parallel_loop3A_316#12, %parallel_loop3A_596 = %parallel_loop3A_316#13, %parallel_loop3A_597 = %parallel_loop3A_316#14, %parallel_loop3A_598 = %parallel_loop3A_316#15) -> (vector<16xf32>, vector<16xf32>, vector<16xf32>, vector<16xf32>, vector<16xf32>, vector<16xf32>, vector<16xf32>, vector<16xf32>, vector<16xf32>, vector<16xf32>, vector<16xf32>, vector<16xf32>, vector<16xf32>, vector<16xf32>, vector<16xf32>, vector<16xf32>)  : i32 {
        %parallel_loop3A_599 = vector.broadcast %rem3A_127 : i32 to vector<16xi32>
        %parallel_loop3A_600 = arith.constant 104 : i32
        %parallel_loop3A_601 = arith.addi %parallel_loop3A_600, %parallel_loop3A_582 : i32
        %parallel_loop3A_602 = vector.broadcast %parallel_loop3A_601 : i32 to vector<16xi32>
        %parallel_loop3A_603 = tpu.vector_load_idx %arg15[%parallel_loop3A_599, %parallel_loop3A_602] : memref<2x200xf32, #tpu.memory_space<vmem>>[vector<16xi32>, vector<16xi32>], vector<16xf32>,
        %parallel_loop3A_604 = arith.index_cast %parallel_loop3A_582 : i32 to index
        %parallel_loop3A_605 = arith.constant 256 : index
        %parallel_loop3A_606 = tpu.vector_load %arg10[%parallel_loop3A_604, %parallel_loop3A_605] {strides = array<i32>} : memref<96x512xbf16, #tpu.memory_space<vmem>>, vector<32xbf16>,
        %parallel_loop3A_607 = tpu.unpack_subelements %parallel_loop3A_606, 0 {pack_format = #tpu.pack_format<interleaved>} : vector<32xbf16> -> vector<16xf32>
        %parallel_loop3A_608 = tpu.unpack_subelements %parallel_loop3A_606, 1 {pack_format = #tpu.pack_format<interleaved>} : vector<32xbf16> -> vector<16xf32>
        %parallel_loop3A_609 = arith.mulf %parallel_loop3A_603, %parallel_loop3A_607 : vector<16xf32>
        %parallel_loop3A_610 = arith.addf %parallel_loop3A_583, %parallel_loop3A_609 : vector<16xf32>
        %parallel_loop3A_611 = arith.mulf %parallel_loop3A_603, %parallel_loop3A_608 : vector<16xf32>
        %parallel_loop3A_612 = arith.addf %parallel_loop3A_584, %parallel_loop3A_611 : vector<16xf32>
        %parallel_loop3A_613 = arith.addf %parallel_loop3A_585, %parallel_loop3A_607 : vector<16xf32>
        %parallel_loop3A_614 = arith.addf %parallel_loop3A_586, %parallel_loop3A_608 : vector<16xf32>
        %parallel_loop3A_615 = arith.index_cast %parallel_loop3A_582 : i32 to index
        %parallel_loop3A_616 = arith.constant 288 : index
        %parallel_loop3A_617 = tpu.vector_load %arg10[%parallel_loop3A_615, %parallel_loop3A_616] {strides = array<i32>} : memref<96x512xbf16, #tpu.memory_space<vmem>>, vector<32xbf16>,
        %parallel_loop3A_618 = tpu.unpack_subelements %parallel_loop3A_617, 0 {pack_format = #tpu.pack_format<interleaved>} : vector<32xbf16> -> vector<16xf32>
        %parallel_loop3A_619 = tpu.unpack_subelements %parallel_loop3A_617, 1 {pack_format = #tpu.pack_format<interleaved>} : vector<32xbf16> -> vector<16xf32>
        %parallel_loop3A_620 = arith.mulf %parallel_loop3A_603, %parallel_loop3A_618 : vector<16xf32>
        %parallel_loop3A_621 = arith.addf %parallel_loop3A_587, %parallel_loop3A_620 : vector<16xf32>
        %parallel_loop3A_622 = arith.mulf %parallel_loop3A_603, %parallel_loop3A_619 : vector<16xf32>
        %parallel_loop3A_623 = arith.addf %parallel_loop3A_588, %parallel_loop3A_622 : vector<16xf32>
        %parallel_loop3A_624 = arith.addf %parallel_loop3A_589, %parallel_loop3A_618 : vector<16xf32>
        %parallel_loop3A_625 = arith.addf %parallel_loop3A_590, %parallel_loop3A_619 : vector<16xf32>
        %parallel_loop3A_626 = arith.index_cast %parallel_loop3A_582 : i32 to index
        %parallel_loop3A_627 = arith.constant 320 : index
        %parallel_loop3A_628 = tpu.vector_load %arg10[%parallel_loop3A_626, %parallel_loop3A_627] {strides = array<i32>} : memref<96x512xbf16, #tpu.memory_space<vmem>>, vector<32xbf16>,
        %parallel_loop3A_629 = tpu.unpack_subelements %parallel_loop3A_628, 0 {pack_format = #tpu.pack_format<interleaved>} : vector<32xbf16> -> vector<16xf32>
        %parallel_loop3A_630 = tpu.unpack_subelements %parallel_loop3A_628, 1 {pack_format = #tpu.pack_format<interleaved>} : vector<32xbf16> -> vector<16xf32>
        %parallel_loop3A_631 = arith.mulf %parallel_loop3A_603, %parallel_loop3A_629 : vector<16xf32>
        %parallel_loop3A_632 = arith.addf %parallel_loop3A_591, %parallel_loop3A_631 : vector<16xf32>
        %parallel_loop3A_633 = arith.mulf %parallel_loop3A_603, %parallel_loop3A_630 : vector<16xf32>
        %parallel_loop3A_634 = arith.addf %parallel_loop3A_592, %parallel_loop3A_633 : vector<16xf32>
        %parallel_loop3A_635 = arith.addf %parallel_loop3A_593, %parallel_loop3A_629 : vector<16xf32>
        %parallel_loop3A_636 = arith.addf %parallel_loop3A_594, %parallel_loop3A_630 : vector<16xf32>
        %parallel_loop3A_637 = arith.index_cast %parallel_loop3A_582 : i32 to index
        %parallel_loop3A_638 = arith.constant 352 : index
        %parallel_loop3A_639 = tpu.vector_load %arg10[%parallel_loop3A_637, %parallel_loop3A_638] {strides = array<i32>} : memref<96x512xbf16, #tpu.memory_space<vmem>>, vector<32xbf16>,
        %parallel_loop3A_640 = tpu.unpack_subelements %parallel_loop3A_639, 0 {pack_format = #tpu.pack_format<interleaved>} : vector<32xbf16> -> vector<16xf32>
        %parallel_loop3A_641 = tpu.unpack_subelements %parallel_loop3A_639, 1 {pack_format = #tpu.pack_format<interleaved>} : vector<32xbf16> -> vector<16xf32>
        %parallel_loop3A_642 = arith.mulf %parallel_loop3A_603, %parallel_loop3A_640 : vector<16xf32>
        %parallel_loop3A_643 = arith.addf %parallel_loop3A_595, %parallel_loop3A_642 : vector<16xf32>
        %parallel_loop3A_644 = arith.mulf %parallel_loop3A_603, %parallel_loop3A_641 : vector<16xf32>
        %parallel_loop3A_645 = arith.addf %parallel_loop3A_596, %parallel_loop3A_644 : vector<16xf32>
        %parallel_loop3A_646 = arith.addf %parallel_loop3A_597, %parallel_loop3A_640 : vector<16xf32>
        %parallel_loop3A_647 = arith.addf %parallel_loop3A_598, %parallel_loop3A_641 : vector<16xf32>
        scf.yield %parallel_loop3A_610, %parallel_loop3A_612, %parallel_loop3A_613, %parallel_loop3A_614, %parallel_loop3A_621, %parallel_loop3A_623, %parallel_loop3A_624, %parallel_loop3A_625, %parallel_loop3A_632, %parallel_loop3A_634, %parallel_loop3A_635, %parallel_loop3A_636, %parallel_loop3A_643, %parallel_loop3A_645, %parallel_loop3A_646, %parallel_loop3A_647 : vector<16xf32>, vector<16xf32>, vector<16xf32>, vector<16xf32>, vector<16xf32>, vector<16xf32>, vector<16xf32>, vector<16xf32>, vector<16xf32>, vector<16xf32>, vector<16xf32>, vector<16xf32>, vector<16xf32>, vector<16xf32>, vector<16xf32>, vector<16xf32>
      } {sc.loop_unroll_factor = 4 : i64, sc.parallel_access}
      %parallel_loop3A_348 = arith.constant 0 : i32
      %parallel_loop3A_349 = arith.constant 96 : i32
      %parallel_loop3A_350 = arith.constant 1 : i32
      %parallel_loop3A_351:16 = scf.for %parallel_loop3A_582 = %parallel_loop3A_348 to %parallel_loop3A_349 step %parallel_loop3A_350 iter_args(%parallel_loop3A_583 = %parallel_loop3A_320#0, %parallel_loop3A_584 = %parallel_loop3A_320#1, %parallel_loop3A_585 = %parallel_loop3A_320#2, %parallel_loop3A_586 = %parallel_loop3A_320#3, %parallel_loop3A_587 = %parallel_loop3A_320#4, %parallel_loop3A_588 = %parallel_loop3A_320#5, %parallel_loop3A_589 = %parallel_loop3A_320#6, %parallel_loop3A_590 = %parallel_loop3A_320#7, %parallel_loop3A_591 = %parallel_loop3A_320#8, %parallel_loop3A_592 = %parallel_loop3A_320#9, %parallel_loop3A_593 = %parallel_loop3A_320#10, %parallel_loop3A_594 = %parallel_loop3A_320#11, %parallel_loop3A_595 = %parallel_loop3A_320#12, %parallel_loop3A_596 = %parallel_loop3A_320#13, %parallel_loop3A_597 = %parallel_loop3A_320#14, %parallel_loop3A_598 = %parallel_loop3A_320#15) -> (vector<16xf32>, vector<16xf32>, vector<16xf32>, vector<16xf32>, vector<16xf32>, vector<16xf32>, vector<16xf32>, vector<16xf32>, vector<16xf32>, vector<16xf32>, vector<16xf32>, vector<16xf32>, vector<16xf32>, vector<16xf32>, vector<16xf32>, vector<16xf32>)  : i32 {
        %parallel_loop3A_599 = vector.broadcast %rem3A_127 : i32 to vector<16xi32>
        %parallel_loop3A_600 = arith.constant 104 : i32
        %parallel_loop3A_601 = arith.addi %parallel_loop3A_600, %parallel_loop3A_582 : i32
        %parallel_loop3A_602 = vector.broadcast %parallel_loop3A_601 : i32 to vector<16xi32>
        %parallel_loop3A_603 = tpu.vector_load_idx %arg15[%parallel_loop3A_599, %parallel_loop3A_602] : memref<2x200xf32, #tpu.memory_space<vmem>>[vector<16xi32>, vector<16xi32>], vector<16xf32>,
        %parallel_loop3A_604 = arith.index_cast %parallel_loop3A_582 : i32 to index
        %parallel_loop3A_605 = arith.constant 384 : index
        %parallel_loop3A_606 = tpu.vector_load %arg10[%parallel_loop3A_604, %parallel_loop3A_605] {strides = array<i32>} : memref<96x512xbf16, #tpu.memory_space<vmem>>, vector<32xbf16>,
        %parallel_loop3A_607 = tpu.unpack_subelements %parallel_loop3A_606, 0 {pack_format = #tpu.pack_format<interleaved>} : vector<32xbf16> -> vector<16xf32>
        %parallel_loop3A_608 = tpu.unpack_subelements %parallel_loop3A_606, 1 {pack_format = #tpu.pack_format<interleaved>} : vector<32xbf16> -> vector<16xf32>
        %parallel_loop3A_609 = arith.mulf %parallel_loop3A_603, %parallel_loop3A_607 : vector<16xf32>
        %parallel_loop3A_610 = arith.addf %parallel_loop3A_583, %parallel_loop3A_609 : vector<16xf32>
        %parallel_loop3A_611 = arith.mulf %parallel_loop3A_603, %parallel_loop3A_608 : vector<16xf32>
        %parallel_loop3A_612 = arith.addf %parallel_loop3A_584, %parallel_loop3A_611 : vector<16xf32>
        %parallel_loop3A_613 = arith.addf %parallel_loop3A_585, %parallel_loop3A_607 : vector<16xf32>
        %parallel_loop3A_614 = arith.addf %parallel_loop3A_586, %parallel_loop3A_608 : vector<16xf32>
        %parallel_loop3A_615 = arith.index_cast %parallel_loop3A_582 : i32 to index
        %parallel_loop3A_616 = arith.constant 416 : index
        %parallel_loop3A_617 = tpu.vector_load %arg10[%parallel_loop3A_615, %parallel_loop3A_616] {strides = array<i32>} : memref<96x512xbf16, #tpu.memory_space<vmem>>, vector<32xbf16>,
        %parallel_loop3A_618 = tpu.unpack_subelements %parallel_loop3A_617, 0 {pack_format = #tpu.pack_format<interleaved>} : vector<32xbf16> -> vector<16xf32>
        %parallel_loop3A_619 = tpu.unpack_subelements %parallel_loop3A_617, 1 {pack_format = #tpu.pack_format<interleaved>} : vector<32xbf16> -> vector<16xf32>
        %parallel_loop3A_620 = arith.mulf %parallel_loop3A_603, %parallel_loop3A_618 : vector<16xf32>
        %parallel_loop3A_621 = arith.addf %parallel_loop3A_587, %parallel_loop3A_620 : vector<16xf32>
        %parallel_loop3A_622 = arith.mulf %parallel_loop3A_603, %parallel_loop3A_619 : vector<16xf32>
        %parallel_loop3A_623 = arith.addf %parallel_loop3A_588, %parallel_loop3A_622 : vector<16xf32>
        %parallel_loop3A_624 = arith.addf %parallel_loop3A_589, %parallel_loop3A_618 : vector<16xf32>
        %parallel_loop3A_625 = arith.addf %parallel_loop3A_590, %parallel_loop3A_619 : vector<16xf32>
        %parallel_loop3A_626 = arith.index_cast %parallel_loop3A_582 : i32 to index
        %parallel_loop3A_627 = arith.constant 448 : index
        %parallel_loop3A_628 = tpu.vector_load %arg10[%parallel_loop3A_626, %parallel_loop3A_627] {strides = array<i32>} : memref<96x512xbf16, #tpu.memory_space<vmem>>, vector<32xbf16>,
        %parallel_loop3A_629 = tpu.unpack_subelements %parallel_loop3A_628, 0 {pack_format = #tpu.pack_format<interleaved>} : vector<32xbf16> -> vector<16xf32>
        %parallel_loop3A_630 = tpu.unpack_subelements %parallel_loop3A_628, 1 {pack_format = #tpu.pack_format<interleaved>} : vector<32xbf16> -> vector<16xf32>
        %parallel_loop3A_631 = arith.mulf %parallel_loop3A_603, %parallel_loop3A_629 : vector<16xf32>
        %parallel_loop3A_632 = arith.addf %parallel_loop3A_591, %parallel_loop3A_631 : vector<16xf32>
        %parallel_loop3A_633 = arith.mulf %parallel_loop3A_603, %parallel_loop3A_630 : vector<16xf32>
        %parallel_loop3A_634 = arith.addf %parallel_loop3A_592, %parallel_loop3A_633 : vector<16xf32>
        %parallel_loop3A_635 = arith.addf %parallel_loop3A_593, %parallel_loop3A_629 : vector<16xf32>
        %parallel_loop3A_636 = arith.addf %parallel_loop3A_594, %parallel_loop3A_630 : vector<16xf32>
        %parallel_loop3A_637 = arith.index_cast %parallel_loop3A_582 : i32 to index
        %parallel_loop3A_638 = arith.constant 480 : index
        %parallel_loop3A_639 = tpu.vector_load %arg10[%parallel_loop3A_637, %parallel_loop3A_638] {strides = array<i32>} : memref<96x512xbf16, #tpu.memory_space<vmem>>, vector<32xbf16>,
        %parallel_loop3A_640 = tpu.unpack_subelements %parallel_loop3A_639, 0 {pack_format = #tpu.pack_format<interleaved>} : vector<32xbf16> -> vector<16xf32>
        %parallel_loop3A_641 = tpu.unpack_subelements %parallel_loop3A_639, 1 {pack_format = #tpu.pack_format<interleaved>} : vector<32xbf16> -> vector<16xf32>
        %parallel_loop3A_642 = arith.mulf %parallel_loop3A_603, %parallel_loop3A_640 : vector<16xf32>
        %parallel_loop3A_643 = arith.addf %parallel_loop3A_595, %parallel_loop3A_642 : vector<16xf32>
        %parallel_loop3A_644 = arith.mulf %parallel_loop3A_603, %parallel_loop3A_641 : vector<16xf32>
        %parallel_loop3A_645 = arith.addf %parallel_loop3A_596, %parallel_loop3A_644 : vector<16xf32>
        %parallel_loop3A_646 = arith.addf %parallel_loop3A_597, %parallel_loop3A_640 : vector<16xf32>
        %parallel_loop3A_647 = arith.addf %parallel_loop3A_598, %parallel_loop3A_641 : vector<16xf32>
        scf.yield %parallel_loop3A_610, %parallel_loop3A_612, %parallel_loop3A_613, %parallel_loop3A_614, %parallel_loop3A_621, %parallel_loop3A_623, %parallel_loop3A_624, %parallel_loop3A_625, %parallel_loop3A_632, %parallel_loop3A_634, %parallel_loop3A_635, %parallel_loop3A_636, %parallel_loop3A_643, %parallel_loop3A_645, %parallel_loop3A_646, %parallel_loop3A_647 : vector<16xf32>, vector<16xf32>, vector<16xf32>, vector<16xf32>, vector<16xf32>, vector<16xf32>, vector<16xf32>, vector<16xf32>, vector<16xf32>, vector<16xf32>, vector<16xf32>, vector<16xf32>, vector<16xf32>, vector<16xf32>, vector<16xf32>, vector<16xf32>
      } {sc.loop_unroll_factor = 4 : i64, sc.parallel_access}
      %broadcast_in_dim3A_352 = vector.broadcast %rem3A_127 : i32 to vector<16xi32>
      %iota3A = tpu.iota {dimensions = array<i32: 0>} : vector<16xi32>
      %mul3A_353 = arith.constant 2 : i32
      %mul3A_354 = vector.broadcast %mul3A_353 : i32 to vector<16xi32>
      %mul3A_355 = arith.muli %mul3A_354, %iota3A : vector<16xi32>
      %add3A_356 = arith.constant 0 : i32
      %add3A_357 = vector.broadcast %add3A_356 : i32 to vector<16xi32>
      %add3A_358 = arith.addi %add3A_357, %mul3A_355 : vector<16xi32>
      tpu.vector_store_idx %arg16[%broadcast_in_dim3A_352, %add3A_358], %parallel_loop3A_339#0 : memref<2x512xf32, #tpu.memory_space<vmem>>[vector<16xi32>, vector<16xi32>], vector<16xf32>,
      %add3A_359 = arith.constant 1 : i32
      %add3A_360 = vector.broadcast %add3A_359 : i32 to vector<16xi32>
      %add3A_361 = arith.addi %add3A_360, %mul3A_355 : vector<16xi32>
      tpu.vector_store_idx %arg16[%broadcast_in_dim3A_352, %add3A_361], %parallel_loop3A_339#1 : memref<2x512xf32, #tpu.memory_space<vmem>>[vector<16xi32>, vector<16xi32>], vector<16xf32>,
      %add3A_362 = arith.constant 0 : i32
      %add3A_363 = vector.broadcast %add3A_362 : i32 to vector<16xi32>
      %add3A_364 = arith.addi %add3A_363, %mul3A_355 : vector<16xi32>
      tpu.vector_store_idx %arg17[%broadcast_in_dim3A_352, %add3A_364], %parallel_loop3A_339#2 : memref<2x512xf32, #tpu.memory_space<vmem>>[vector<16xi32>, vector<16xi32>], vector<16xf32>,
      %add3A_365 = arith.constant 1 : i32
      %add3A_366 = vector.broadcast %add3A_365 : i32 to vector<16xi32>
      %add3A_367 = arith.addi %add3A_366, %mul3A_355 : vector<16xi32>
      tpu.vector_store_idx %arg17[%broadcast_in_dim3A_352, %add3A_367], %parallel_loop3A_339#3 : memref<2x512xf32, #tpu.memory_space<vmem>>[vector<16xi32>, vector<16xi32>], vector<16xf32>,
      %add3A_368 = arith.constant 32 : i32
      %add3A_369 = vector.broadcast %add3A_368 : i32 to vector<16xi32>
      %add3A_370 = arith.addi %add3A_369, %mul3A_355 : vector<16xi32>
      tpu.vector_store_idx %arg16[%broadcast_in_dim3A_352, %add3A_370], %parallel_loop3A_339#4 : memref<2x512xf32, #tpu.memory_space<vmem>>[vector<16xi32>, vector<16xi32>], vector<16xf32>,
      %add3A_371 = arith.constant 33 : i32
      %add3A_372 = vector.broadcast %add3A_371 : i32 to vector<16xi32>
      %add3A_373 = arith.addi %add3A_372, %mul3A_355 : vector<16xi32>
      tpu.vector_store_idx %arg16[%broadcast_in_dim3A_352, %add3A_373], %parallel_loop3A_339#5 : memref<2x512xf32, #tpu.memory_space<vmem>>[vector<16xi32>, vector<16xi32>], vector<16xf32>,
      %add3A_374 = arith.constant 32 : i32
      %add3A_375 = vector.broadcast %add3A_374 : i32 to vector<16xi32>
      %add3A_376 = arith.addi %add3A_375, %mul3A_355 : vector<16xi32>
      tpu.vector_store_idx %arg17[%broadcast_in_dim3A_352, %add3A_376], %parallel_loop3A_339#6 : memref<2x512xf32, #tpu.memory_space<vmem>>[vector<16xi32>, vector<16xi32>], vector<16xf32>,
      %add3A_377 = arith.constant 33 : i32
      %add3A_378 = vector.broadcast %add3A_377 : i32 to vector<16xi32>
      %add3A_379 = arith.addi %add3A_378, %mul3A_355 : vector<16xi32>
      tpu.vector_store_idx %arg17[%broadcast_in_dim3A_352, %add3A_379], %parallel_loop3A_339#7 : memref<2x512xf32, #tpu.memory_space<vmem>>[vector<16xi32>, vector<16xi32>], vector<16xf32>,
      %add3A_380 = arith.constant 64 : i32
      %add3A_381 = vector.broadcast %add3A_380 : i32 to vector<16xi32>
      %add3A_382 = arith.addi %add3A_381, %mul3A_355 : vector<16xi32>
      tpu.vector_store_idx %arg16[%broadcast_in_dim3A_352, %add3A_382], %parallel_loop3A_339#8 : memref<2x512xf32, #tpu.memory_space<vmem>>[vector<16xi32>, vector<16xi32>], vector<16xf32>,
      %add3A_383 = arith.constant 65 : i32
      %add3A_384 = vector.broadcast %add3A_383 : i32 to vector<16xi32>
      %add3A_385 = arith.addi %add3A_384, %mul3A_355 : vector<16xi32>
      tpu.vector_store_idx %arg16[%broadcast_in_dim3A_352, %add3A_385], %parallel_loop3A_339#9 : memref<2x512xf32, #tpu.memory_space<vmem>>[vector<16xi32>, vector<16xi32>], vector<16xf32>,
      %add3A_386 = arith.constant 64 : i32
      %add3A_387 = vector.broadcast %add3A_386 : i32 to vector<16xi32>
      %add3A_388 = arith.addi %add3A_387, %mul3A_355 : vector<16xi32>
      tpu.vector_store_idx %arg17[%broadcast_in_dim3A_352, %add3A_388], %parallel_loop3A_339#10 : memref<2x512xf32, #tpu.memory_space<vmem>>[vector<16xi32>, vector<16xi32>], vector<16xf32>,
      %add3A_389 = arith.constant 65 : i32
      %add3A_390 = vector.broadcast %add3A_389 : i32 to vector<16xi32>
      %add3A_391 = arith.addi %add3A_390, %mul3A_355 : vector<16xi32>
      tpu.vector_store_idx %arg17[%broadcast_in_dim3A_352, %add3A_391], %parallel_loop3A_339#11 : memref<2x512xf32, #tpu.memory_space<vmem>>[vector<16xi32>, vector<16xi32>], vector<16xf32>,
      %add3A_392 = arith.constant 96 : i32
      %add3A_393 = vector.broadcast %add3A_392 : i32 to vector<16xi32>
      %add3A_394 = arith.addi %add3A_393, %mul3A_355 : vector<16xi32>
      tpu.vector_store_idx %arg16[%broadcast_in_dim3A_352, %add3A_394], %parallel_loop3A_339#12 : memref<2x512xf32, #tpu.memory_space<vmem>>[vector<16xi32>, vector<16xi32>], vector<16xf32>,
      %add3A_395 = arith.constant 97 : i32
      %add3A_396 = vector.broadcast %add3A_395 : i32 to vector<16xi32>
      %add3A_397 = arith.addi %add3A_396, %mul3A_355 : vector<16xi32>
      tpu.vector_store_idx %arg16[%broadcast_in_dim3A_352, %add3A_397], %parallel_loop3A_339#13 : memref<2x512xf32, #tpu.memory_space<vmem>>[vector<16xi32>, vector<16xi32>], vector<16xf32>,
      %add3A_398 = arith.constant 96 : i32
      %add3A_399 = vector.broadcast %add3A_398 : i32 to vector<16xi32>
      %add3A_400 = arith.addi %add3A_399, %mul3A_355 : vector<16xi32>
      tpu.vector_store_idx %arg17[%broadcast_in_dim3A_352, %add3A_400], %parallel_loop3A_339#14 : memref<2x512xf32, #tpu.memory_space<vmem>>[vector<16xi32>, vector<16xi32>], vector<16xf32>,
      %add3A_401 = arith.constant 97 : i32
      %add3A_402 = vector.broadcast %add3A_401 : i32 to vector<16xi32>
      %add3A_403 = arith.addi %add3A_402, %mul3A_355 : vector<16xi32>
      tpu.vector_store_idx %arg17[%broadcast_in_dim3A_352, %add3A_403], %parallel_loop3A_339#15 : memref<2x512xf32, #tpu.memory_space<vmem>>[vector<16xi32>, vector<16xi32>], vector<16xf32>,
      %add3A_404 = arith.constant 128 : i32
      %add3A_405 = vector.broadcast %add3A_404 : i32 to vector<16xi32>
      %add3A_406 = arith.addi %add3A_405, %mul3A_355 : vector<16xi32>
      tpu.vector_store_idx %arg16[%broadcast_in_dim3A_352, %add3A_406], %parallel_loop3A_343#0 : memref<2x512xf32, #tpu.memory_space<vmem>>[vector<16xi32>, vector<16xi32>], vector<16xf32>,
      %add3A_407 = arith.constant 129 : i32
      %add3A_408 = vector.broadcast %add3A_407 : i32 to vector<16xi32>
      %add3A_409 = arith.addi %add3A_408, %mul3A_355 : vector<16xi32>
      tpu.vector_store_idx %arg16[%broadcast_in_dim3A_352, %add3A_409], %parallel_loop3A_343#1 : memref<2x512xf32, #tpu.memory_space<vmem>>[vector<16xi32>, vector<16xi32>], vector<16xf32>,
      %add3A_410 = arith.constant 128 : i32
      %add3A_411 = vector.broadcast %add3A_410 : i32 to vector<16xi32>
      %add3A_412 = arith.addi %add3A_411, %mul3A_355 : vector<16xi32>
      tpu.vector_store_idx %arg17[%broadcast_in_dim3A_352, %add3A_412], %parallel_loop3A_343#2 : memref<2x512xf32, #tpu.memory_space<vmem>>[vector<16xi32>, vector<16xi32>], vector<16xf32>,
      %add3A_413 = arith.constant 129 : i32
      %add3A_414 = vector.broadcast %add3A_413 : i32 to vector<16xi32>
      %add3A_415 = arith.addi %add3A_414, %mul3A_355 : vector<16xi32>
      tpu.vector_store_idx %arg17[%broadcast_in_dim3A_352, %add3A_415], %parallel_loop3A_343#3 : memref<2x512xf32, #tpu.memory_space<vmem>>[vector<16xi32>, vector<16xi32>], vector<16xf32>,
      %add3A_416 = arith.constant 160 : i32
      %add3A_417 = vector.broadcast %add3A_416 : i32 to vector<16xi32>
      %add3A_418 = arith.addi %add3A_417, %mul3A_355 : vector<16xi32>
      tpu.vector_store_idx %arg16[%broadcast_in_dim3A_352, %add3A_418], %parallel_loop3A_343#4 : memref<2x512xf32, #tpu.memory_space<vmem>>[vector<16xi32>, vector<16xi32>], vector<16xf32>,
      %add3A_419 = arith.constant 161 : i32
      %add3A_420 = vector.broadcast %add3A_419 : i32 to vector<16xi32>
      %add3A_421 = arith.addi %add3A_420, %mul3A_355 : vector<16xi32>
      tpu.vector_store_idx %arg16[%broadcast_in_dim3A_352, %add3A_421], %parallel_loop3A_343#5 : memref<2x512xf32, #tpu.memory_space<vmem>>[vector<16xi32>, vector<16xi32>], vector<16xf32>,
      %add3A_422 = arith.constant 160 : i32
      %add3A_423 = vector.broadcast %add3A_422 : i32 to vector<16xi32>
      %add3A_424 = arith.addi %add3A_423, %mul3A_355 : vector<16xi32>
      tpu.vector_store_idx %arg17[%broadcast_in_dim3A_352, %add3A_424], %parallel_loop3A_343#6 : memref<2x512xf32, #tpu.memory_space<vmem>>[vector<16xi32>, vector<16xi32>], vector<16xf32>,
      %add3A_425 = arith.constant 161 : i32
      %add3A_426 = vector.broadcast %add3A_425 : i32 to vector<16xi32>
      %add3A_427 = arith.addi %add3A_426, %mul3A_355 : vector<16xi32>
      tpu.vector_store_idx %arg17[%broadcast_in_dim3A_352, %add3A_427], %parallel_loop3A_343#7 : memref<2x512xf32, #tpu.memory_space<vmem>>[vector<16xi32>, vector<16xi32>], vector<16xf32>,
      %add3A_428 = arith.constant 192 : i32
      %add3A_429 = vector.broadcast %add3A_428 : i32 to vector<16xi32>
      %add3A_430 = arith.addi %add3A_429, %mul3A_355 : vector<16xi32>
      tpu.vector_store_idx %arg16[%broadcast_in_dim3A_352, %add3A_430], %parallel_loop3A_343#8 : memref<2x512xf32, #tpu.memory_space<vmem>>[vector<16xi32>, vector<16xi32>], vector<16xf32>,
      %add3A_431 = arith.constant 193 : i32
      %add3A_432 = vector.broadcast %add3A_431 : i32 to vector<16xi32>
      %add3A_433 = arith.addi %add3A_432, %mul3A_355 : vector<16xi32>
      tpu.vector_store_idx %arg16[%broadcast_in_dim3A_352, %add3A_433], %parallel_loop3A_343#9 : memref<2x512xf32, #tpu.memory_space<vmem>>[vector<16xi32>, vector<16xi32>], vector<16xf32>,
      %add3A_434 = arith.constant 192 : i32
      %add3A_435 = vector.broadcast %add3A_434 : i32 to vector<16xi32>
      %add3A_436 = arith.addi %add3A_435, %mul3A_355 : vector<16xi32>
      tpu.vector_store_idx %arg17[%broadcast_in_dim3A_352, %add3A_436], %parallel_loop3A_343#10 : memref<2x512xf32, #tpu.memory_space<vmem>>[vector<16xi32>, vector<16xi32>], vector<16xf32>,
      %add3A_437 = arith.constant 193 : i32
      %add3A_438 = vector.broadcast %add3A_437 : i32 to vector<16xi32>
      %add3A_439 = arith.addi %add3A_438, %mul3A_355 : vector<16xi32>
      tpu.vector_store_idx %arg17[%broadcast_in_dim3A_352, %add3A_439], %parallel_loop3A_343#11 : memref<2x512xf32, #tpu.memory_space<vmem>>[vector<16xi32>, vector<16xi32>], vector<16xf32>,
      %add3A_440 = arith.constant 224 : i32
      %add3A_441 = vector.broadcast %add3A_440 : i32 to vector<16xi32>
      %add3A_442 = arith.addi %add3A_441, %mul3A_355 : vector<16xi32>
      tpu.vector_store_idx %arg16[%broadcast_in_dim3A_352, %add3A_442], %parallel_loop3A_343#12 : memref<2x512xf32, #tpu.memory_space<vmem>>[vector<16xi32>, vector<16xi32>], vector<16xf32>,
      %add3A_443 = arith.constant 225 : i32
      %add3A_444 = vector.broadcast %add3A_443 : i32 to vector<16xi32>
      %add3A_445 = arith.addi %add3A_444, %mul3A_355 : vector<16xi32>
      tpu.vector_store_idx %arg16[%broadcast_in_dim3A_352, %add3A_445], %parallel_loop3A_343#13 : memref<2x512xf32, #tpu.memory_space<vmem>>[vector<16xi32>, vector<16xi32>], vector<16xf32>,
      %add3A_446 = arith.constant 224 : i32
      %add3A_447 = vector.broadcast %add3A_446 : i32 to vector<16xi32>
      %add3A_448 = arith.addi %add3A_447, %mul3A_355 : vector<16xi32>
      tpu.vector_store_idx %arg17[%broadcast_in_dim3A_352, %add3A_448], %parallel_loop3A_343#14 : memref<2x512xf32, #tpu.memory_space<vmem>>[vector<16xi32>, vector<16xi32>], vector<16xf32>,
      %add3A_449 = arith.constant 225 : i32
      %add3A_450 = vector.broadcast %add3A_449 : i32 to vector<16xi32>
      %add3A_451 = arith.addi %add3A_450, %mul3A_355 : vector<16xi32>
      tpu.vector_store_idx %arg17[%broadcast_in_dim3A_352, %add3A_451], %parallel_loop3A_343#15 : memref<2x512xf32, #tpu.memory_space<vmem>>[vector<16xi32>, vector<16xi32>], vector<16xf32>,
      %add3A_452 = arith.constant 256 : i32
      %add3A_453 = vector.broadcast %add3A_452 : i32 to vector<16xi32>
      %add3A_454 = arith.addi %add3A_453, %mul3A_355 : vector<16xi32>
      tpu.vector_store_idx %arg16[%broadcast_in_dim3A_352, %add3A_454], %parallel_loop3A_347#0 : memref<2x512xf32, #tpu.memory_space<vmem>>[vector<16xi32>, vector<16xi32>], vector<16xf32>,
      %add3A_455 = arith.constant 257 : i32
      %add3A_456 = vector.broadcast %add3A_455 : i32 to vector<16xi32>
      %add3A_457 = arith.addi %add3A_456, %mul3A_355 : vector<16xi32>
      tpu.vector_store_idx %arg16[%broadcast_in_dim3A_352, %add3A_457], %parallel_loop3A_347#1 : memref<2x512xf32, #tpu.memory_space<vmem>>[vector<16xi32>, vector<16xi32>], vector<16xf32>,
      %add3A_458 = arith.constant 256 : i32
      %add3A_459 = vector.broadcast %add3A_458 : i32 to vector<16xi32>
      %add3A_460 = arith.addi %add3A_459, %mul3A_355 : vector<16xi32>
      tpu.vector_store_idx %arg17[%broadcast_in_dim3A_352, %add3A_460], %parallel_loop3A_347#2 : memref<2x512xf32, #tpu.memory_space<vmem>>[vector<16xi32>, vector<16xi32>], vector<16xf32>,
      %add3A_461 = arith.constant 257 : i32
      %add3A_462 = vector.broadcast %add3A_461 : i32 to vector<16xi32>
      %add3A_463 = arith.addi %add3A_462, %mul3A_355 : vector<16xi32>
      tpu.vector_store_idx %arg17[%broadcast_in_dim3A_352, %add3A_463], %parallel_loop3A_347#3 : memref<2x512xf32, #tpu.memory_space<vmem>>[vector<16xi32>, vector<16xi32>], vector<16xf32>,
      %add3A_464 = arith.constant 288 : i32
      %add3A_465 = vector.broadcast %add3A_464 : i32 to vector<16xi32>
      %add3A_466 = arith.addi %add3A_465, %mul3A_355 : vector<16xi32>
      tpu.vector_store_idx %arg16[%broadcast_in_dim3A_352, %add3A_466], %parallel_loop3A_347#4 : memref<2x512xf32, #tpu.memory_space<vmem>>[vector<16xi32>, vector<16xi32>], vector<16xf32>,
      %add3A_467 = arith.constant 289 : i32
      %add3A_468 = vector.broadcast %add3A_467 : i32 to vector<16xi32>
      %add3A_469 = arith.addi %add3A_468, %mul3A_355 : vector<16xi32>
      tpu.vector_store_idx %arg16[%broadcast_in_dim3A_352, %add3A_469], %parallel_loop3A_347#5 : memref<2x512xf32, #tpu.memory_space<vmem>>[vector<16xi32>, vector<16xi32>], vector<16xf32>,
      %add3A_470 = arith.constant 288 : i32
      %add3A_471 = vector.broadcast %add3A_470 : i32 to vector<16xi32>
      %add3A_472 = arith.addi %add3A_471, %mul3A_355 : vector<16xi32>
      tpu.vector_store_idx %arg17[%broadcast_in_dim3A_352, %add3A_472], %parallel_loop3A_347#6 : memref<2x512xf32, #tpu.memory_space<vmem>>[vector<16xi32>, vector<16xi32>], vector<16xf32>,
      %add3A_473 = arith.constant 289 : i32
      %add3A_474 = vector.broadcast %add3A_473 : i32 to vector<16xi32>
      %add3A_475 = arith.addi %add3A_474, %mul3A_355 : vector<16xi32>
      tpu.vector_store_idx %arg17[%broadcast_in_dim3A_352, %add3A_475], %parallel_loop3A_347#7 : memref<2x512xf32, #tpu.memory_space<vmem>>[vector<16xi32>, vector<16xi32>], vector<16xf32>,
      %add3A_476 = arith.constant 320 : i32
      %add3A_477 = vector.broadcast %add3A_476 : i32 to vector<16xi32>
      %add3A_478 = arith.addi %add3A_477, %mul3A_355 : vector<16xi32>
      tpu.vector_store_idx %arg16[%broadcast_in_dim3A_352, %add3A_478], %parallel_loop3A_347#8 : memref<2x512xf32, #tpu.memory_space<vmem>>[vector<16xi32>, vector<16xi32>], vector<16xf32>,
      %add3A_479 = arith.constant 321 : i32
      %add3A_480 = vector.broadcast %add3A_479 : i32 to vector<16xi32>
      %add3A_481 = arith.addi %add3A_480, %mul3A_355 : vector<16xi32>
      tpu.vector_store_idx %arg16[%broadcast_in_dim3A_352, %add3A_481], %parallel_loop3A_347#9 : memref<2x512xf32, #tpu.memory_space<vmem>>[vector<16xi32>, vector<16xi32>], vector<16xf32>,
      %add3A_482 = arith.constant 320 : i32
      %add3A_483 = vector.broadcast %add3A_482 : i32 to vector<16xi32>
      %add3A_484 = arith.addi %add3A_483, %mul3A_355 : vector<16xi32>
      tpu.vector_store_idx %arg17[%broadcast_in_dim3A_352, %add3A_484], %parallel_loop3A_347#10 : memref<2x512xf32, #tpu.memory_space<vmem>>[vector<16xi32>, vector<16xi32>], vector<16xf32>,
      %add3A_485 = arith.constant 321 : i32
      %add3A_486 = vector.broadcast %add3A_485 : i32 to vector<16xi32>
      %add3A_487 = arith.addi %add3A_486, %mul3A_355 : vector<16xi32>
      tpu.vector_store_idx %arg17[%broadcast_in_dim3A_352, %add3A_487], %parallel_loop3A_347#11 : memref<2x512xf32, #tpu.memory_space<vmem>>[vector<16xi32>, vector<16xi32>], vector<16xf32>,
      %add3A_488 = arith.constant 352 : i32
      %add3A_489 = vector.broadcast %add3A_488 : i32 to vector<16xi32>
      %add3A_490 = arith.addi %add3A_489, %mul3A_355 : vector<16xi32>
      tpu.vector_store_idx %arg16[%broadcast_in_dim3A_352, %add3A_490], %parallel_loop3A_347#12 : memref<2x512xf32, #tpu.memory_space<vmem>>[vector<16xi32>, vector<16xi32>], vector<16xf32>,
      %add3A_491 = arith.constant 353 : i32
      %add3A_492 = vector.broadcast %add3A_491 : i32 to vector<16xi32>
      %add3A_493 = arith.addi %add3A_492, %mul3A_355 : vector<16xi32>
      tpu.vector_store_idx %arg16[%broadcast_in_dim3A_352, %add3A_493], %parallel_loop3A_347#13 : memref<2x512xf32, #tpu.memory_space<vmem>>[vector<16xi32>, vector<16xi32>], vector<16xf32>,
      %add3A_494 = arith.constant 352 : i32
      %add3A_495 = vector.broadcast %add3A_494 : i32 to vector<16xi32>
      %add3A_496 = arith.addi %add3A_495, %mul3A_355 : vector<16xi32>
      tpu.vector_store_idx %arg17[%broadcast_in_dim3A_352, %add3A_496], %parallel_loop3A_347#14 : memref<2x512xf32, #tpu.memory_space<vmem>>[vector<16xi32>, vector<16xi32>], vector<16xf32>,
      %add3A_497 = arith.constant 353 : i32
      %add3A_498 = vector.broadcast %add3A_497 : i32 to vector<16xi32>
      %add3A_499 = arith.addi %add3A_498, %mul3A_355 : vector<16xi32>
      tpu.vector_store_idx %arg17[%broadcast_in_dim3A_352, %add3A_499], %parallel_loop3A_347#15 : memref<2x512xf32, #tpu.memory_space<vmem>>[vector<16xi32>, vector<16xi32>], vector<16xf32>,
      %add3A_500 = arith.constant 384 : i32
      %add3A_501 = vector.broadcast %add3A_500 : i32 to vector<16xi32>
      %add3A_502 = arith.addi %add3A_501, %mul3A_355 : vector<16xi32>
      tpu.vector_store_idx %arg16[%broadcast_in_dim3A_352, %add3A_502], %parallel_loop3A_351#0 : memref<2x512xf32, #tpu.memory_space<vmem>>[vector<16xi32>, vector<16xi32>], vector<16xf32>,
      %add3A_503 = arith.constant 385 : i32
      %add3A_504 = vector.broadcast %add3A_503 : i32 to vector<16xi32>
      %add3A_505 = arith.addi %add3A_504, %mul3A_355 : vector<16xi32>
      tpu.vector_store_idx %arg16[%broadcast_in_dim3A_352, %add3A_505], %parallel_loop3A_351#1 : memref<2x512xf32, #tpu.memory_space<vmem>>[vector<16xi32>, vector<16xi32>], vector<16xf32>,
      %add3A_506 = arith.constant 384 : i32
      %add3A_507 = vector.broadcast %add3A_506 : i32 to vector<16xi32>
      %add3A_508 = arith.addi %add3A_507, %mul3A_355 : vector<16xi32>
      tpu.vector_store_idx %arg17[%broadcast_in_dim3A_352, %add3A_508], %parallel_loop3A_351#2 : memref<2x512xf32, #tpu.memory_space<vmem>>[vector<16xi32>, vector<16xi32>], vector<16xf32>,
      %add3A_509 = arith.constant 385 : i32
      %add3A_510 = vector.broadcast %add3A_509 : i32 to vector<16xi32>
      %add3A_511 = arith.addi %add3A_510, %mul3A_355 : vector<16xi32>
      tpu.vector_store_idx %arg17[%broadcast_in_dim3A_352, %add3A_511], %parallel_loop3A_351#3 : memref<2x512xf32, #tpu.memory_space<vmem>>[vector<16xi32>, vector<16xi32>], vector<16xf32>,
      %add3A_512 = arith.constant 416 : i32
      %add3A_513 = vector.broadcast %add3A_512 : i32 to vector<16xi32>
      %add3A_514 = arith.addi %add3A_513, %mul3A_355 : vector<16xi32>
      tpu.vector_store_idx %arg16[%broadcast_in_dim3A_352, %add3A_514], %parallel_loop3A_351#4 : memref<2x512xf32, #tpu.memory_space<vmem>>[vector<16xi32>, vector<16xi32>], vector<16xf32>,
      %add3A_515 = arith.constant 417 : i32
      %add3A_516 = vector.broadcast %add3A_515 : i32 to vector<16xi32>
      %add3A_517 = arith.addi %add3A_516, %mul3A_355 : vector<16xi32>
      tpu.vector_store_idx %arg16[%broadcast_in_dim3A_352, %add3A_517], %parallel_loop3A_351#5 : memref<2x512xf32, #tpu.memory_space<vmem>>[vector<16xi32>, vector<16xi32>], vector<16xf32>,
      %add3A_518 = arith.constant 416 : i32
      %add3A_519 = vector.broadcast %add3A_518 : i32 to vector<16xi32>
      %add3A_520 = arith.addi %add3A_519, %mul3A_355 : vector<16xi32>
      tpu.vector_store_idx %arg17[%broadcast_in_dim3A_352, %add3A_520], %parallel_loop3A_351#6 : memref<2x512xf32, #tpu.memory_space<vmem>>[vector<16xi32>, vector<16xi32>], vector<16xf32>,
      %add3A_521 = arith.constant 417 : i32
      %add3A_522 = vector.broadcast %add3A_521 : i32 to vector<16xi32>
      %add3A_523 = arith.addi %add3A_522, %mul3A_355 : vector<16xi32>
      tpu.vector_store_idx %arg17[%broadcast_in_dim3A_352, %add3A_523], %parallel_loop3A_351#7 : memref<2x512xf32, #tpu.memory_space<vmem>>[vector<16xi32>, vector<16xi32>], vector<16xf32>,
      %add3A_524 = arith.constant 448 : i32
      %add3A_525 = vector.broadcast %add3A_524 : i32 to vector<16xi32>
      %add3A_526 = arith.addi %add3A_525, %mul3A_355 : vector<16xi32>
      tpu.vector_store_idx %arg16[%broadcast_in_dim3A_352, %add3A_526], %parallel_loop3A_351#8 : memref<2x512xf32, #tpu.memory_space<vmem>>[vector<16xi32>, vector<16xi32>], vector<16xf32>,
      %add3A_527 = arith.constant 449 : i32
      %add3A_528 = vector.broadcast %add3A_527 : i32 to vector<16xi32>
      %add3A_529 = arith.addi %add3A_528, %mul3A_355 : vector<16xi32>
      tpu.vector_store_idx %arg16[%broadcast_in_dim3A_352, %add3A_529], %parallel_loop3A_351#9 : memref<2x512xf32, #tpu.memory_space<vmem>>[vector<16xi32>, vector<16xi32>], vector<16xf32>,
      %add3A_530 = arith.constant 448 : i32
      %add3A_531 = vector.broadcast %add3A_530 : i32 to vector<16xi32>
      %add3A_532 = arith.addi %add3A_531, %mul3A_355 : vector<16xi32>
      tpu.vector_store_idx %arg17[%broadcast_in_dim3A_352, %add3A_532], %parallel_loop3A_351#10 : memref<2x512xf32, #tpu.memory_space<vmem>>[vector<16xi32>, vector<16xi32>], vector<16xf32>,
      %add3A_533 = arith.constant 449 : i32
      %add3A_534 = vector.broadcast %add3A_533 : i32 to vector<16xi32>
      %add3A_535 = arith.addi %add3A_534, %mul3A_355 : vector<16xi32>
      tpu.vector_store_idx %arg17[%broadcast_in_dim3A_352, %add3A_535], %parallel_loop3A_351#11 : memref<2x512xf32, #tpu.memory_space<vmem>>[vector<16xi32>, vector<16xi32>], vector<16xf32>,
      %add3A_536 = arith.constant 480 : i32
      %add3A_537 = vector.broadcast %add3A_536 : i32 to vector<16xi32>
      %add3A_538 = arith.addi %add3A_537, %mul3A_355 : vector<16xi32>
      tpu.vector_store_idx %arg16[%broadcast_in_dim3A_352, %add3A_538], %parallel_loop3A_351#12 : memref<2x512xf32, #tpu.memory_space<vmem>>[vector<16xi32>, vector<16xi32>], vector<16xf32>,
      %add3A_539 = arith.constant 481 : i32
      %add3A_540 = vector.broadcast %add3A_539 : i32 to vector<16xi32>
      %add3A_541 = arith.addi %add3A_540, %mul3A_355 : vector<16xi32>
      tpu.vector_store_idx %arg16[%broadcast_in_dim3A_352, %add3A_541], %parallel_loop3A_351#13 : memref<2x512xf32, #tpu.memory_space<vmem>>[vector<16xi32>, vector<16xi32>], vector<16xf32>,
      %add3A_542 = arith.constant 480 : i32
      %add3A_543 = vector.broadcast %add3A_542 : i32 to vector<16xi32>
      %add3A_544 = arith.addi %add3A_543, %mul3A_355 : vector<16xi32>
      tpu.vector_store_idx %arg17[%broadcast_in_dim3A_352, %add3A_544], %parallel_loop3A_351#14 : memref<2x512xf32, #tpu.memory_space<vmem>>[vector<16xi32>, vector<16xi32>], vector<16xf32>,
      %add3A_545 = arith.constant 481 : i32
      %add3A_546 = vector.broadcast %add3A_545 : i32 to vector<16xi32>
      %add3A_547 = arith.addi %add3A_546, %mul3A_355 : vector<16xi32>
      tpu.vector_store_idx %arg17[%broadcast_in_dim3A_352, %add3A_547], %parallel_loop3A_351#15 : memref<2x512xf32, #tpu.memory_space<vmem>>[vector<16xi32>, vector<16xi32>], vector<16xf32>,
      %gt3A_548 = arith.constant 0 : i32
      %gt3A_549 = arith.cmpi sgt, %scan3A_126, %gt3A_548 : i32
      %convert_element_type3A_550 = arith.extui %gt3A_549 : i1 to i32
      %cond3A_551 = arith.constant 0 : i32
      %cond3A_552 = arith.cmpi ne, %convert_element_type3A_550, %cond3A_551 : i32
      scf.if %cond3A_552 {
        %dma_wait3A_582 = arith.constant 0 : i32
        %dma_wait3A_583 = tpu.memref_slice %arg16[%sub3A_129, %dma_wait3A_582] : memref<2x512xf32, #tpu.memory_space<vmem>> -> memref<1x512xf32, #tpu.memory_space<vmem>>
        %dma_wait3A_584 = tpu.memref_squeeze %dma_wait3A_583 : memref<1x512xf32, #tpu.memory_space<vmem>> -> memref<512xf32, #tpu.memory_space<vmem>>
        %dma_wait3A_585 = arith.constant 0 : i32
        %dma_wait3A_586 = tpu.memref_slice %arg6[%add3A_138, %dma_wait3A_585] : memref<1024x512xf32, #tpu.memory_space<hbm>> -> memref<1x512xf32, #tpu.memory_space<hbm>>
        %dma_wait3A_587 = tpu.memref_squeeze %dma_wait3A_586 : memref<1x512xf32, #tpu.memory_space<hbm>> -> memref<512xf32, #tpu.memory_space<hbm>>
        %dma_wait3A_588 = arith.constant 0 : i32
        %dma_wait3A_589 = tpu.memref_slice %arg6[%add3A_138, %dma_wait3A_588] : memref<1024x512xf32, #tpu.memory_space<hbm>> -> memref<1x512xf32, #tpu.memory_space<hbm>>
        %dma_wait3A_590 = tpu.memref_squeeze %dma_wait3A_589 : memref<1x512xf32, #tpu.memory_space<hbm>> -> memref<512xf32, #tpu.memory_space<hbm>>
        %dma_wait3A_591 = arith.constant 0 : i32
        %dma_wait3A_592 = tpu.memref_slice %arg16[%sub3A_129, %dma_wait3A_591] : memref<2x512xf32, #tpu.memory_space<vmem>> -> memref<1x512xf32, #tpu.memory_space<vmem>>
        %dma_wait3A_593 = tpu.memref_squeeze %dma_wait3A_592 : memref<1x512xf32, #tpu.memory_space<vmem>> -> memref<512xf32, #tpu.memory_space<vmem>>
        tpu.wait_dma2 semaphore(%arg23 : memref<!tpu.dma_semaphore, #tpu.memory_space<semaphore_mem>>) src(%dma_wait3A_593 : memref<512xf32, #tpu.memory_space<vmem>>) dst(%dma_wait3A_590 : memref<512xf32, #tpu.memory_space<hbm>>)
        %dma_wait3A_594 = arith.constant 0 : i32
        %dma_wait3A_595 = tpu.memref_slice %arg17[%sub3A_129, %dma_wait3A_594] : memref<2x512xf32, #tpu.memory_space<vmem>> -> memref<1x512xf32, #tpu.memory_space<vmem>>
        %dma_wait3A_596 = tpu.memref_squeeze %dma_wait3A_595 : memref<1x512xf32, #tpu.memory_space<vmem>> -> memref<512xf32, #tpu.memory_space<vmem>>
        %dma_wait3A_597 = arith.constant 0 : i32
        %dma_wait3A_598 = tpu.memref_slice %arg7[%add3A_138, %dma_wait3A_597] : memref<1024x512xf32, #tpu.memory_space<hbm>> -> memref<1x512xf32, #tpu.memory_space<hbm>>
        %dma_wait3A_599 = tpu.memref_squeeze %dma_wait3A_598 : memref<1x512xf32, #tpu.memory_space<hbm>> -> memref<512xf32, #tpu.memory_space<hbm>>
        %dma_wait3A_600 = arith.constant 0 : i32
        %dma_wait3A_601 = tpu.memref_slice %arg7[%add3A_138, %dma_wait3A_600] : memref<1024x512xf32, #tpu.memory_space<hbm>> -> memref<1x512xf32, #tpu.memory_space<hbm>>
        %dma_wait3A_602 = tpu.memref_squeeze %dma_wait3A_601 : memref<1x512xf32, #tpu.memory_space<hbm>> -> memref<512xf32, #tpu.memory_space<hbm>>
        %dma_wait3A_603 = arith.constant 0 : i32
        %dma_wait3A_604 = tpu.memref_slice %arg17[%sub3A_129, %dma_wait3A_603] : memref<2x512xf32, #tpu.memory_space<vmem>> -> memref<1x512xf32, #tpu.memory_space<vmem>>
        %dma_wait3A_605 = tpu.memref_squeeze %dma_wait3A_604 : memref<1x512xf32, #tpu.memory_space<vmem>> -> memref<512xf32, #tpu.memory_space<vmem>>
        tpu.wait_dma2 semaphore(%arg23 : memref<!tpu.dma_semaphore, #tpu.memory_space<semaphore_mem>>) src(%dma_wait3A_605 : memref<512xf32, #tpu.memory_space<vmem>>) dst(%dma_wait3A_602 : memref<512xf32, #tpu.memory_space<hbm>>)
      } else {
      }
      %dma_start3A_553 = arith.constant 0 : i32
      %dma_start3A_554 = tpu.memref_slice %arg16[%rem3A_127, %dma_start3A_553] : memref<2x512xf32, #tpu.memory_space<vmem>> -> memref<1x512xf32, #tpu.memory_space<vmem>>
      %dma_start3A_555 = tpu.memref_squeeze %dma_start3A_554 : memref<1x512xf32, #tpu.memory_space<vmem>> -> memref<512xf32, #tpu.memory_space<vmem>>
      %dma_start3A_556 = arith.constant 0 : i32
      %dma_start3A_557 = tpu.memref_slice %arg6[%add3A_138, %dma_start3A_556] : memref<1024x512xf32, #tpu.memory_space<hbm>> -> memref<1x512xf32, #tpu.memory_space<hbm>>
      %dma_start3A_558 = tpu.memref_squeeze %dma_start3A_557 : memref<1x512xf32, #tpu.memory_space<hbm>> -> memref<512xf32, #tpu.memory_space<hbm>>
      %dma_start3A_559 = arith.constant 0 : i32
      %dma_start3A_560 = tpu.memref_slice %arg6[%add3A_138, %dma_start3A_559] : memref<1024x512xf32, #tpu.memory_space<hbm>> -> memref<1x512xf32, #tpu.memory_space<hbm>>
      %dma_start3A_561 = tpu.memref_squeeze %dma_start3A_560 : memref<1x512xf32, #tpu.memory_space<hbm>> -> memref<512xf32, #tpu.memory_space<hbm>>
      %dma_start3A_562 = arith.constant 0 : i32
      %dma_start3A_563 = tpu.memref_slice %arg16[%rem3A_127, %dma_start3A_562] : memref<2x512xf32, #tpu.memory_space<vmem>> -> memref<1x512xf32, #tpu.memory_space<vmem>>
      %dma_start3A_564 = tpu.memref_squeeze %dma_start3A_563 : memref<1x512xf32, #tpu.memory_space<vmem>> -> memref<512xf32, #tpu.memory_space<vmem>>
      tpu.enqueue_dma source(%dma_start3A_564 : memref<512xf32, #tpu.memory_space<vmem>>) target(%dma_start3A_561 : memref<512xf32, #tpu.memory_space<hbm>>) target_semaphore(%arg23 : memref<!tpu.dma_semaphore, #tpu.memory_space<semaphore_mem>>)
      %dma_start3A_565 = arith.constant 0 : i32
      %dma_start3A_566 = tpu.memref_slice %arg17[%rem3A_127, %dma_start3A_565] : memref<2x512xf32, #tpu.memory_space<vmem>> -> memref<1x512xf32, #tpu.memory_space<vmem>>
      %dma_start3A_567 = tpu.memref_squeeze %dma_start3A_566 : memref<1x512xf32, #tpu.memory_space<vmem>> -> memref<512xf32, #tpu.memory_space<vmem>>
      %dma_start3A_568 = arith.constant 0 : i32
      %dma_start3A_569 = tpu.memref_slice %arg7[%add3A_138, %dma_start3A_568] : memref<1024x512xf32, #tpu.memory_space<hbm>> -> memref<1x512xf32, #tpu.memory_space<hbm>>
      %dma_start3A_570 = tpu.memref_squeeze %dma_start3A_569 : memref<1x512xf32, #tpu.memory_space<hbm>> -> memref<512xf32, #tpu.memory_space<hbm>>
      %dma_start3A_571 = arith.constant 0 : i32
      %dma_start3A_572 = tpu.memref_slice %arg7[%add3A_138, %dma_start3A_571] : memref<1024x512xf32, #tpu.memory_space<hbm>> -> memref<1x512xf32, #tpu.memory_space<hbm>>
      %dma_start3A_573 = tpu.memref_squeeze %dma_start3A_572 : memref<1x512xf32, #tpu.memory_space<hbm>> -> memref<512xf32, #tpu.memory_space<hbm>>
      %dma_start3A_574 = arith.constant 0 : i32
      %dma_start3A_575 = tpu.memref_slice %arg17[%rem3A_127, %dma_start3A_574] : memref<2x512xf32, #tpu.memory_space<vmem>> -> memref<1x512xf32, #tpu.memory_space<vmem>>
      %dma_start3A_576 = tpu.memref_squeeze %dma_start3A_575 : memref<1x512xf32, #tpu.memory_space<vmem>> -> memref<512xf32, #tpu.memory_space<vmem>>
      tpu.enqueue_dma source(%dma_start3A_576 : memref<512xf32, #tpu.memory_space<vmem>>) target(%dma_start3A_573 : memref<512xf32, #tpu.memory_space<hbm>>) target_semaphore(%arg23 : memref<!tpu.dma_semaphore, #tpu.memory_space<semaphore_mem>>)
      %lt3A_577 = arith.constant 31 : i32
      %lt3A_578 = arith.cmpi slt, %scan3A_126, %lt3A_577 : i32
      %convert_element_type3A_579 = arith.extui %lt3A_578 : i1 to i32
      %cond3A_580 = arith.constant 0 : i32
      %cond3A_581 = arith.cmpi ne, %convert_element_type3A_579, %cond3A_580 : i32
      scf.if %cond3A_581 {
        %dma_wait3A_582 = arith.constant 0 : i32
        %dma_wait3A_583 = arith.constant 0 : i32
        %dma_wait3A_584 = tpu.memref_slice %arg11[%sub3A_129, %dma_wait3A_582, %dma_wait3A_583] : memref<2x104x32xf32, #tpu.memory_space<vmem>> -> memref<1x104x32xf32, #tpu.memory_space<vmem>>
        %dma_wait3A_585 = tpu.memref_squeeze %dma_wait3A_584 : memref<1x104x32xf32, #tpu.memory_space<vmem>> -> memref<104x32xf32, #tpu.memory_space<vmem>>
        %dma_wait3A_586 = arith.constant 0 : i32
        %dma_wait3A_587 = tpu.memref_slice %arg13[%sub3A_129, %dma_wait3A_586] : memref<2x104xi32, #tpu.memory_space<vmem>> -> memref<1x104xi32, #tpu.memory_space<vmem>>
        %dma_wait3A_588 = tpu.memref_squeeze %dma_wait3A_587 : memref<1x104xi32, #tpu.memory_space<vmem>> -> memref<104xi32, #tpu.memory_space<vmem>>
        %dma_wait3A_589 = arith.constant 0 : i32
        %dma_wait3A_590 = arith.constant 0 : i32
        %dma_wait3A_591 = tpu.memref_slice %arg5[%dma_wait3A_589, %dma_wait3A_590] : memref<20000x32xf32, #tpu.memory_space<hbm>> -> memref<20000x32xf32, #tpu.memory_space<hbm>>
        tpu.wait_indirect_dma semaphore(%arg21 : memref<!tpu.dma_semaphore, #tpu.memory_space<semaphore_mem>>) src(%dma_wait3A_591 : memref<20000x32xf32, #tpu.memory_space<hbm>>) dst(%dma_wait3A_585 : memref<104x32xf32, #tpu.memory_space<vmem>>)
        %dma_wait3A_592 = arith.constant 0 : i32
        %dma_wait3A_593 = arith.constant 0 : i32
        %dma_wait3A_594 = tpu.memref_slice %arg12[%sub3A_129, %dma_wait3A_592, %dma_wait3A_593] : memref<2x96x32xf32, #tpu.memory_space<vmem>> -> memref<1x96x32xf32, #tpu.memory_space<vmem>>
        %dma_wait3A_595 = tpu.memref_squeeze %dma_wait3A_594 : memref<1x96x32xf32, #tpu.memory_space<vmem>> -> memref<96x32xf32, #tpu.memory_space<vmem>>
        %dma_wait3A_596 = arith.constant 0 : i32
        %dma_wait3A_597 = tpu.memref_slice %arg14[%sub3A_129, %dma_wait3A_596] : memref<2x96xi32, #tpu.memory_space<vmem>> -> memref<1x96xi32, #tpu.memory_space<vmem>>
        %dma_wait3A_598 = tpu.memref_squeeze %dma_wait3A_597 : memref<1x96xi32, #tpu.memory_space<vmem>> -> memref<96xi32, #tpu.memory_space<vmem>>
        %dma_wait3A_599 = arith.constant 0 : i32
        %dma_wait3A_600 = arith.constant 0 : i32
        %dma_wait3A_601 = tpu.memref_slice %arg5[%dma_wait3A_599, %dma_wait3A_600] : memref<20000x32xf32, #tpu.memory_space<hbm>> -> memref<20000x32xf32, #tpu.memory_space<hbm>>
        tpu.wait_indirect_dma semaphore(%arg21 : memref<!tpu.dma_semaphore, #tpu.memory_space<semaphore_mem>>) src(%dma_wait3A_601 : memref<20000x32xf32, #tpu.memory_space<hbm>>) dst(%dma_wait3A_595 : memref<96x32xf32, #tpu.memory_space<vmem>>)
      } else {
      }
    }
    %scan3A_62 = arith.constant 32 : i32
    %mul3A_63 = arith.constant 32 : i32
    %mul3A_64 = arith.muli %add3A, %mul3A_63 : i32
    %add3A_65 = arith.constant 31 : i32
    %add3A_66 = arith.addi %mul3A_64, %add3A_65 : i32
    %mul3A_67 = arith.constant 200 : i32
    %mul3A_68 = arith.muli %add3A_66, %mul3A_67 : i32
    %multiple_of3A = tpu.assume_multiple %mul3A_68, 8 : i32
    %mul3A_69 = arith.constant 32 : i32
    %mul3A_70 = arith.muli %add3A, %mul3A_69 : i32
    %add3A_71 = arith.constant 32 : i32
    %add3A_72 = arith.addi %mul3A_70, %add3A_71 : i32
    %sub3A = arith.constant 1 : i32
    %sub3A_73 = arith.subi %add3A_72, %sub3A : i32
    %dma_wait3A_74 = arith.constant 1 : i32
    %dma_wait3A_75 = arith.constant 0 : i32
    %dma_wait3A_76 = arith.constant 0 : i32
    %dma_wait3A_77 = tpu.memref_slice %arg11[%dma_wait3A_74, %dma_wait3A_75, %dma_wait3A_76] : memref<2x104x32xf32, #tpu.memory_space<vmem>> -> memref<1x104x32xf32, #tpu.memory_space<vmem>>
    %dma_wait3A_78 = tpu.memref_squeeze %dma_wait3A_77 : memref<1x104x32xf32, #tpu.memory_space<vmem>> -> memref<104x32xf32, #tpu.memory_space<vmem>>
    %dma_wait3A_79 = arith.constant 0 : i32
    %dma_wait3A_80 = tpu.memref_slice %arg8[%multiple_of3A, %dma_wait3A_79] : memref<204800x32xf32, #tpu.memory_space<hbm>> -> memref<104x32xf32, #tpu.memory_space<hbm>>
    %dma_wait3A_81 = arith.constant 0 : i32
    %dma_wait3A_82 = tpu.memref_slice %arg8[%multiple_of3A, %dma_wait3A_81] : memref<204800x32xf32, #tpu.memory_space<hbm>> -> memref<104x32xf32, #tpu.memory_space<hbm>>
    %dma_wait3A_83 = arith.constant 0 : i32
    %dma_wait3A_84 = arith.constant 0 : i32
    %dma_wait3A_85 = tpu.memref_slice %arg11[%dma_wait3A_74, %dma_wait3A_83, %dma_wait3A_84] : memref<2x104x32xf32, #tpu.memory_space<vmem>> -> memref<1x104x32xf32, #tpu.memory_space<vmem>>
    %dma_wait3A_86 = tpu.memref_squeeze %dma_wait3A_85 : memref<1x104x32xf32, #tpu.memory_space<vmem>> -> memref<104x32xf32, #tpu.memory_space<vmem>>
    tpu.wait_dma2 semaphore(%arg22 : memref<!tpu.dma_semaphore, #tpu.memory_space<semaphore_mem>>) src(%dma_wait3A_86 : memref<104x32xf32, #tpu.memory_space<vmem>>) dst(%dma_wait3A_82 : memref<104x32xf32, #tpu.memory_space<hbm>>)
    %dma_wait3A_87 = arith.constant 1 : i32
    %dma_wait3A_88 = arith.constant 0 : i32
    %dma_wait3A_89 = arith.constant 0 : i32
    %dma_wait3A_90 = tpu.memref_slice %arg12[%dma_wait3A_87, %dma_wait3A_88, %dma_wait3A_89] : memref<2x96x32xf32, #tpu.memory_space<vmem>> -> memref<1x96x32xf32, #tpu.memory_space<vmem>>
    %dma_wait3A_91 = tpu.memref_squeeze %dma_wait3A_90 : memref<1x96x32xf32, #tpu.memory_space<vmem>> -> memref<96x32xf32, #tpu.memory_space<vmem>>
    %dma_wait3A_92 = arith.constant 0 : i32
    %dma_wait3A_93 = tpu.memref_slice %arg8[%multiple_of3A, %dma_wait3A_92] : memref<204800x32xf32, #tpu.memory_space<hbm>> -> memref<96x32xf32, #tpu.memory_space<hbm>>
    %dma_wait3A_94 = arith.constant 0 : i32
    %dma_wait3A_95 = tpu.memref_slice %arg8[%multiple_of3A, %dma_wait3A_94] : memref<204800x32xf32, #tpu.memory_space<hbm>> -> memref<96x32xf32, #tpu.memory_space<hbm>>
    %dma_wait3A_96 = arith.constant 0 : i32
    %dma_wait3A_97 = arith.constant 0 : i32
    %dma_wait3A_98 = tpu.memref_slice %arg12[%dma_wait3A_87, %dma_wait3A_96, %dma_wait3A_97] : memref<2x96x32xf32, #tpu.memory_space<vmem>> -> memref<1x96x32xf32, #tpu.memory_space<vmem>>
    %dma_wait3A_99 = tpu.memref_squeeze %dma_wait3A_98 : memref<1x96x32xf32, #tpu.memory_space<vmem>> -> memref<96x32xf32, #tpu.memory_space<vmem>>
    tpu.wait_dma2 semaphore(%arg22 : memref<!tpu.dma_semaphore, #tpu.memory_space<semaphore_mem>>) src(%dma_wait3A_99 : memref<96x32xf32, #tpu.memory_space<vmem>>) dst(%dma_wait3A_95 : memref<96x32xf32, #tpu.memory_space<hbm>>)
    %dma_wait3A_100 = arith.constant 1 : i32
    %dma_wait3A_101 = arith.constant 0 : i32
    %dma_wait3A_102 = tpu.memref_slice %arg16[%dma_wait3A_100, %dma_wait3A_101] : memref<2x512xf32, #tpu.memory_space<vmem>> -> memref<1x512xf32, #tpu.memory_space<vmem>>
    %dma_wait3A_103 = tpu.memref_squeeze %dma_wait3A_102 : memref<1x512xf32, #tpu.memory_space<vmem>> -> memref<512xf32, #tpu.memory_space<vmem>>
    %dma_wait3A_104 = arith.constant 0 : i32
    %dma_wait3A_105 = tpu.memref_slice %arg6[%sub3A_73, %dma_wait3A_104] : memref<1024x512xf32, #tpu.memory_space<hbm>> -> memref<1x512xf32, #tpu.memory_space<hbm>>
    %dma_wait3A_106 = tpu.memref_squeeze %dma_wait3A_105 : memref<1x512xf32, #tpu.memory_space<hbm>> -> memref<512xf32, #tpu.memory_space<hbm>>
    %dma_wait3A_107 = arith.constant 0 : i32
    %dma_wait3A_108 = tpu.memref_slice %arg6[%sub3A_73, %dma_wait3A_107] : memref<1024x512xf32, #tpu.memory_space<hbm>> -> memref<1x512xf32, #tpu.memory_space<hbm>>
    %dma_wait3A_109 = tpu.memref_squeeze %dma_wait3A_108 : memref<1x512xf32, #tpu.memory_space<hbm>> -> memref<512xf32, #tpu.memory_space<hbm>>
    %dma_wait3A_110 = arith.constant 0 : i32
    %dma_wait3A_111 = tpu.memref_slice %arg16[%dma_wait3A_100, %dma_wait3A_110] : memref<2x512xf32, #tpu.memory_space<vmem>> -> memref<1x512xf32, #tpu.memory_space<vmem>>
    %dma_wait3A_112 = tpu.memref_squeeze %dma_wait3A_111 : memref<1x512xf32, #tpu.memory_space<vmem>> -> memref<512xf32, #tpu.memory_space<vmem>>
    tpu.wait_dma2 semaphore(%arg23 : memref<!tpu.dma_semaphore, #tpu.memory_space<semaphore_mem>>) src(%dma_wait3A_112 : memref<512xf32, #tpu.memory_space<vmem>>) dst(%dma_wait3A_109 : memref<512xf32, #tpu.memory_space<hbm>>)
    %dma_wait3A_113 = arith.constant 1 : i32
    %dma_wait3A_114 = arith.constant 0 : i32
    %dma_wait3A_115 = tpu.memref_slice %arg17[%dma_wait3A_113, %dma_wait3A_114] : memref<2x512xf32, #tpu.memory_space<vmem>> -> memref<1x512xf32, #tpu.memory_space<vmem>>
    %dma_wait3A_116 = tpu.memref_squeeze %dma_wait3A_115 : memref<1x512xf32, #tpu.memory_space<vmem>> -> memref<512xf32, #tpu.memory_space<vmem>>
    %dma_wait3A_117 = arith.constant 0 : i32
    %dma_wait3A_118 = tpu.memref_slice %arg7[%sub3A_73, %dma_wait3A_117] : memref<1024x512xf32, #tpu.memory_space<hbm>> -> memref<1x512xf32, #tpu.memory_space<hbm>>
    %dma_wait3A_119 = tpu.memref_squeeze %dma_wait3A_118 : memref<1x512xf32, #tpu.memory_space<hbm>> -> memref<512xf32, #tpu.memory_space<hbm>>
    %dma_wait3A_120 = arith.constant 0 : i32
    %dma_wait3A_121 = tpu.memref_slice %arg7[%sub3A_73, %dma_wait3A_120] : memref<1024x512xf32, #tpu.memory_space<hbm>> -> memref<1x512xf32, #tpu.memory_space<hbm>>
    %dma_wait3A_122 = tpu.memref_squeeze %dma_wait3A_121 : memref<1x512xf32, #tpu.memory_space<hbm>> -> memref<512xf32, #tpu.memory_space<hbm>>
    %dma_wait3A_123 = arith.constant 0 : i32
    %dma_wait3A_124 = tpu.memref_slice %arg17[%dma_wait3A_113, %dma_wait3A_123] : memref<2x512xf32, #tpu.memory_space<vmem>> -> memref<1x512xf32, #tpu.memory_space<vmem>>
    %dma_wait3A_125 = tpu.memref_squeeze %dma_wait3A_124 : memref<1x512xf32, #tpu.memory_space<vmem>> -> memref<512xf32, #tpu.memory_space<vmem>>
    tpu.wait_dma2 semaphore(%arg23 : memref<!tpu.dma_semaphore, #tpu.memory_space<semaphore_mem>>) src(%dma_wait3A_125 : memref<512xf32, #tpu.memory_space<vmem>>) dst(%dma_wait3A_122 : memref<512xf32, #tpu.memory_space<hbm>>)
    return
  }
}

module attributes {stable_mosaic.version = 14 : i64} {
  func.func @_w_body(%arg0: i32, %arg1: memref<2000x512xf32, #tpu.memory_space<vmem>>, %arg2: memref<2000x512xf32, #tpu.memory_space<vmem>>, %arg3: memref<2000x512xbf16, #tpu.memory_space<vmem>>) attributes {dimension_semantics = [#tpu.dimension_semantics<arbitrary>], iteration_bounds = array<i64: 10>, scalar_prefetch = 0 : i64, scratch_operands = 0 : i64, tpu.core_type = #tpu.core_type<tc>, window_params = [{transform_indices = @transform_0, window_bounds = array<i64: 2000, 512>}, {transform_indices = @transform_1, window_bounds = array<i64: 2000, 512>}, {transform_indices = @transform_2, window_bounds = array<i64: 2000, 512>}]} {
    %get3A = arith.constant 0 : index
    %get3A_0 = arith.constant 0 : index
    %get3A_1 = vector.load %arg1[%get3A, %get3A_0] : memref<2000x512xf32, #tpu.memory_space<vmem>>, vector<2000x512xf32>
    %logistic3A = arith.negf %get3A_1 : vector<2000x512xf32>
    %logistic3A_2 = math.exp %logistic3A : vector<2000x512xf32>
    %logistic3A_3 = arith.constant 1.000000e+00 : f32
    %logistic3A_4 = vector.broadcast %logistic3A_3 : f32 to vector<2000x512xf32>
    %logistic3A_5 = arith.addf %logistic3A_4, %logistic3A_2 : vector<2000x512xf32>
    %logistic3A_6 = arith.divf %logistic3A_4, %logistic3A_5 : vector<2000x512xf32>
    %get3A_7 = arith.constant 0 : index
    %get3A_8 = arith.constant 0 : index
    %get3A_9 = vector.load %arg2[%get3A_7, %get3A_8] : memref<2000x512xf32, #tpu.memory_space<vmem>>, vector<2000x512xf32>
    %mul3A = arith.mulf %logistic3A_6, %get3A_9 : vector<2000x512xf32>
    %convert_element_type3A = arith.truncf %mul3A : vector<2000x512xf32> to vector<2000x512xbf16>
    %swap3A = arith.constant 0 : index
    %swap3A_10 = arith.constant 0 : index
    %swap3A_11 = vector.load %arg3[%swap3A, %swap3A_10] : memref<2000x512xbf16, #tpu.memory_space<vmem>>, vector<2000x512xbf16>
    tpu.vector_store %arg3[%swap3A, %swap3A_10], %convert_element_type3A {strides = array<i32>} : memref<2000x512xbf16, #tpu.memory_space<vmem>>, vector<2000x512xbf16>,
    return
  }
  func.func @transform_0(%arg0: i32) -> (i32, i32) {
    %c0_i32 = arith.constant 0 : i32
    %c0_i32_0 = arith.constant 0 : i32
    return %arg0, %c0_i32 : i32, i32
  }
  func.func @transform_1(%arg0: i32) -> (i32, i32) {
    %c0_i32 = arith.constant 0 : i32
    %c0_i32_0 = arith.constant 0 : i32
    return %arg0, %c0_i32 : i32, i32
  }
  func.func @transform_2(%arg0: i32) -> (i32, i32) {
    %c0_i32 = arith.constant 0 : i32
    %c0_i32_0 = arith.constant 0 : i32
    return %arg0, %c0_i32 : i32, i32
  }
}

module attributes {stable_mosaic.version = 14 : i64} {
  func.func @_stu_body(%arg0: i32, %arg1: memref<128x512xf32, #tpu.memory_space<vmem>>, %arg2: memref<128x512xf32, #tpu.memory_space<vmem>>, %arg3: memref<6400x128xf32, #tpu.memory_space<vmem>>, %arg4: memref<128x50xf32, #tpu.memory_space<vmem>>, %arg5: memref<128x50xf32, #tpu.memory_space<vmem>>, %arg6: memref<128x50xf32, #tpu.memory_space<vmem>>, %arg7: memref<128x50xf32, #tpu.memory_space<vmem>>, %arg8: memref<512x512xf32, #tpu.memory_space<vmem>>, %arg9: memref<128x512xf32, #tpu.memory_space<vmem>>, %arg10: memref<128x32xf32, #tpu.memory_space<vmem>>) attributes {dimension_semantics = [#tpu.dimension_semantics<arbitrary>], iteration_bounds = array<i64: 8>, scalar_prefetch = 0 : i64, scratch_operands = 0 : i64, tpu.core_type = #tpu.core_type<tc>, window_params = [{transform_indices = @transform_0, window_bounds = array<i64: 128, 512>}, {transform_indices = @transform_1, window_bounds = array<i64: 128, 512>}, {transform_indices = @transform_2, window_bounds = array<i64: 6400, 128>}, {transform_indices = @transform_3, window_bounds = array<i64: 128, 50>}, {transform_indices = @transform_4, window_bounds = array<i64: 128, 50>}, {transform_indices = @transform_5, window_bounds = array<i64: 128, 50>}, {transform_indices = @transform_6, window_bounds = array<i64: 128, 50>}, {pipeline_mode = #tpu.pipeline_mode<synchronous>, transform_indices = @transform_7, window_bounds = array<i64: 512, 512>}, {transform_indices = @transform_8, window_bounds = array<i64: 128, 512>}, {transform_indices = @transform_9, window_bounds = array<i64: 128, 32>}]} {
    %get3A = arith.constant 0 : index
    %get3A_0 = arith.constant 0 : index
    %get3A_1 = vector.load %arg1[%get3A, %get3A_0] : memref<128x512xf32, #tpu.memory_space<vmem>>, vector<128x512xf32>
    %get3A_2 = arith.constant 0 : index
    %get3A_3 = arith.constant 0 : index
    %get3A_4 = vector.load %arg2[%get3A_2, %get3A_3] : memref<128x512xf32, #tpu.memory_space<vmem>>, vector<128x512xf32>
    %ne3A = arith.constant 0.000000e+00 : f32
    %ne3A_5 = vector.broadcast %ne3A : f32 to vector<128x512xf32>
    %ne3A_6 = arith.cmpf one, %get3A_4, %ne3A_5 : vector<128x512xf32>
    %convert_element_type3A = arith.extui %ne3A_6 : vector<128x512xi1> to vector<128x512xi32>
    %convert_element_type3A_7 = arith.sitofp %convert_element_type3A : vector<128x512xi32> to vector<128x512xf32>
    %mul3A = arith.mulf %get3A_1, %convert_element_type3A_7 : vector<128x512xf32>
    %jit3A = arith.constant 1.000000e+00 : f32
    %broadcast_in_dim3A = vector.broadcast %jit3A : f32 to vector<128x512xf32>
    %select_n3A = arith.select %ne3A_6, %get3A_4, %broadcast_in_dim3A : vector<128x512xi1>, vector<128x512xf32>
    %div3A = arith.divf %mul3A, %select_n3A : vector<128x512xf32>
    %get3A_8 = arith.constant 0 : index
    %get3A_9 = arith.constant 0 : index
    %get3A_10 = vector.load %arg8[%get3A_8, %get3A_9] : memref<512x512xf32, #tpu.memory_space<vmem>>, vector<512x512xf32>
    %exp3A = math.exp %get3A_10 : vector<512x512xf32>
    %dot_general3A = arith.constant dense<0.000000e+00> : vector<128x512xf32>
    %dot_general3A_11 = tpu.matmul %div3A, %exp3A, %dot_general3A {dimension_numbers = #tpu.dot_dimension_numbers<[1], [0], [0], [1], [0, 0, 1, 1], [], []>, transpose_lhs_hint = false} : vector<128x512xf32>, vector<512x512xf32>, vector<128x512xf32> -> vector<128x512xf32>
    %dot_general3A_12 = arith.constant dense<0.000000e+00> : vector<128x512xf32>
    %dot_general3A_13 = tpu.matmul %convert_element_type3A_7, %exp3A, %dot_general3A_12 {dimension_numbers = #tpu.dot_dimension_numbers<[1], [0], [0], [1], [0, 0, 1, 1], [], []>, transpose_lhs_hint = false} : vector<128x512xf32>, vector<512x512xf32>, vector<128x512xf32> -> vector<128x512xf32>
    %div3A_14 = arith.divf %dot_general3A_11, %dot_general3A_13 : vector<128x512xf32>
    %swap3A = arith.constant 0 : index
    %swap3A_15 = arith.constant 0 : index
    %swap3A_16 = vector.load %arg9[%swap3A, %swap3A_15] : memref<128x512xf32, #tpu.memory_space<vmem>>, vector<128x512xf32>
    tpu.vector_store %arg9[%swap3A, %swap3A_15], %div3A_14 {strides = array<i32>} : memref<128x512xf32, #tpu.memory_space<vmem>>, vector<128x512xf32>,
    %get3A_17 = arith.constant 0 : index
    %get3A_18 = arith.constant 0 : index
    %get3A_19 = vector.load %arg3[%get3A_17, %get3A_18] : memref<6400x128xf32, #tpu.memory_space<vmem>>, vector<6400x128xf32>
    %reshape3A = vector.shape_cast %get3A_19 : vector<6400x128xf32> to vector<128x50x128xf32>
    %exp3A_20 = math.exp %reshape3A : vector<128x50x128xf32>
    %reduce_sum3A = arith.constant dense<0.000000e+00> : vector<128x128xf32>
    %reduce_sum3A_21 = vector.multi_reduction <add>, %exp3A_20, %reduce_sum3A [1] : vector<128x50x128xf32> to vector<128x128xf32>
    %slice3A = vector.extract_strided_slice %reduce_sum3A_21 {offsets = [0, 0], sizes = [128, 32], strides = [1, 1]} : vector<128x128xf32> to vector<128x32xf32>
    %slice3A_22 = vector.extract_strided_slice %reduce_sum3A_21 {offsets = [0, 32], sizes = [128, 32], strides = [1, 1]} : vector<128x128xf32> to vector<128x32xf32>
    %add3A = arith.addf %slice3A, %slice3A_22 : vector<128x32xf32>
    %slice3A_23 = vector.extract_strided_slice %reduce_sum3A_21 {offsets = [0, 64], sizes = [128, 32], strides = [1, 1]} : vector<128x128xf32> to vector<128x32xf32>
    %add3A_24 = arith.addf %add3A, %slice3A_23 : vector<128x32xf32>
    %slice3A_25 = vector.extract_strided_slice %reduce_sum3A_21 {offsets = [0, 96], sizes = [128, 32], strides = [1, 1]} : vector<128x128xf32> to vector<128x32xf32>
    %add3A_26 = arith.addf %add3A_24, %slice3A_25 : vector<128x32xf32>
    %get3A_27 = arith.constant 0 : index
    %get3A_28 = arith.constant 0 : index
    %get3A_29 = vector.load %arg4[%get3A_27, %get3A_28] : memref<128x50xf32, #tpu.memory_space<vmem>>, vector<128x50xf32>
    %broadcast_in_dim3A_30 = vector.shape_cast %get3A_29 : vector<128x50xf32> to vector<128x50x1xf32>
    %slice3A_31 = vector.extract_strided_slice %exp3A_20 {offsets = [0, 0, 0], sizes = [128, 50, 32], strides = [1, 1, 1]} : vector<128x50x128xf32> to vector<128x50x32xf32>
    %mul3A_32 = vector.broadcast %broadcast_in_dim3A_30 : vector<128x50x1xf32> to vector<128x50x32xf32>
    %mul3A_33 = arith.mulf %mul3A_32, %slice3A_31 : vector<128x50x32xf32>
    %reduce_sum3A_34 = arith.constant dense<0.000000e+00> : vector<128x32xf32>
    %reduce_sum3A_35 = vector.multi_reduction <add>, %mul3A_33, %reduce_sum3A_34 [1] : vector<128x50x32xf32> to vector<128x32xf32>
    %get3A_36 = arith.constant 0 : index
    %get3A_37 = arith.constant 0 : index
    %get3A_38 = vector.load %arg5[%get3A_36, %get3A_37] : memref<128x50xf32, #tpu.memory_space<vmem>>, vector<128x50xf32>
    %broadcast_in_dim3A_39 = vector.shape_cast %get3A_38 : vector<128x50xf32> to vector<128x50x1xf32>
    %slice3A_40 = vector.extract_strided_slice %exp3A_20 {offsets = [0, 0, 32], sizes = [128, 50, 32], strides = [1, 1, 1]} : vector<128x50x128xf32> to vector<128x50x32xf32>
    %mul3A_41 = vector.broadcast %broadcast_in_dim3A_39 : vector<128x50x1xf32> to vector<128x50x32xf32>
    %mul3A_42 = arith.mulf %mul3A_41, %slice3A_40 : vector<128x50x32xf32>
    %reduce_sum3A_43 = arith.constant dense<0.000000e+00> : vector<128x32xf32>
    %reduce_sum3A_44 = vector.multi_reduction <add>, %mul3A_42, %reduce_sum3A_43 [1] : vector<128x50x32xf32> to vector<128x32xf32>
    %add3A_45 = arith.addf %reduce_sum3A_35, %reduce_sum3A_44 : vector<128x32xf32>
    %get3A_46 = arith.constant 0 : index
    %get3A_47 = arith.constant 0 : index
    %get3A_48 = vector.load %arg6[%get3A_46, %get3A_47] : memref<128x50xf32, #tpu.memory_space<vmem>>, vector<128x50xf32>
    %broadcast_in_dim3A_49 = vector.shape_cast %get3A_48 : vector<128x50xf32> to vector<128x50x1xf32>
    %slice3A_50 = vector.extract_strided_slice %exp3A_20 {offsets = [0, 0, 64], sizes = [128, 50, 32], strides = [1, 1, 1]} : vector<128x50x128xf32> to vector<128x50x32xf32>
    %mul3A_51 = vector.broadcast %broadcast_in_dim3A_49 : vector<128x50x1xf32> to vector<128x50x32xf32>
    %mul3A_52 = arith.mulf %mul3A_51, %slice3A_50 : vector<128x50x32xf32>
    %reduce_sum3A_53 = arith.constant dense<0.000000e+00> : vector<128x32xf32>
    %reduce_sum3A_54 = vector.multi_reduction <add>, %mul3A_52, %reduce_sum3A_53 [1] : vector<128x50x32xf32> to vector<128x32xf32>
    %add3A_55 = arith.addf %add3A_45, %reduce_sum3A_54 : vector<128x32xf32>
    %get3A_56 = arith.constant 0 : index
    %get3A_57 = arith.constant 0 : index
    %get3A_58 = vector.load %arg7[%get3A_56, %get3A_57] : memref<128x50xf32, #tpu.memory_space<vmem>>, vector<128x50xf32>
    %broadcast_in_dim3A_59 = vector.shape_cast %get3A_58 : vector<128x50xf32> to vector<128x50x1xf32>
    %slice3A_60 = vector.extract_strided_slice %exp3A_20 {offsets = [0, 0, 96], sizes = [128, 50, 32], strides = [1, 1, 1]} : vector<128x50x128xf32> to vector<128x50x32xf32>
    %mul3A_61 = vector.broadcast %broadcast_in_dim3A_59 : vector<128x50x1xf32> to vector<128x50x32xf32>
    %mul3A_62 = arith.mulf %mul3A_61, %slice3A_60 : vector<128x50x32xf32>
    %reduce_sum3A_63 = arith.constant dense<0.000000e+00> : vector<128x32xf32>
    %reduce_sum3A_64 = vector.multi_reduction <add>, %mul3A_62, %reduce_sum3A_63 [1] : vector<128x50x32xf32> to vector<128x32xf32>
    %add3A_65 = arith.addf %add3A_55, %reduce_sum3A_64 : vector<128x32xf32>
    %div3A_66 = arith.divf %add3A_65, %add3A_26 : vector<128x32xf32>
    %swap3A_67 = arith.constant 0 : index
    %swap3A_68 = arith.constant 0 : index
    %swap3A_69 = vector.load %arg10[%swap3A_67, %swap3A_68] : memref<128x32xf32, #tpu.memory_space<vmem>>, vector<128x32xf32>
    tpu.vector_store %arg10[%swap3A_67, %swap3A_68], %div3A_66 {strides = array<i32>} : memref<128x32xf32, #tpu.memory_space<vmem>>, vector<128x32xf32>,
    return
  }
  func.func @transform_0(%arg0: i32) -> (i32, i32) {
    %c0_i32 = arith.constant 0 : i32
    %c0_i32_0 = arith.constant 0 : i32
    return %arg0, %c0_i32 : i32, i32
  }
  func.func @transform_1(%arg0: i32) -> (i32, i32) {
    %c0_i32 = arith.constant 0 : i32
    %c0_i32_0 = arith.constant 0 : i32
    return %arg0, %c0_i32 : i32, i32
  }
  func.func @transform_2(%arg0: i32) -> (i32, i32) {
    %c0_i32 = arith.constant 0 : i32
    %c0_i32_0 = arith.constant 0 : i32
    return %arg0, %c0_i32 : i32, i32
  }
  func.func @transform_3(%arg0: i32) -> (i32, i32) {
    %c0_i32 = arith.constant 0 : i32
    %c0_i32_0 = arith.constant 0 : i32
    return %arg0, %c0_i32 : i32, i32
  }
  func.func @transform_4(%arg0: i32) -> (i32, i32) {
    %c0_i32 = arith.constant 0 : i32
    %c0_i32_0 = arith.constant 0 : i32
    return %arg0, %c0_i32 : i32, i32
  }
  func.func @transform_5(%arg0: i32) -> (i32, i32) {
    %c0_i32 = arith.constant 0 : i32
    %c0_i32_0 = arith.constant 0 : i32
    return %arg0, %c0_i32 : i32, i32
  }
  func.func @transform_6(%arg0: i32) -> (i32, i32) {
    %c0_i32 = arith.constant 0 : i32
    %c0_i32_0 = arith.constant 0 : i32
    return %arg0, %c0_i32 : i32, i32
  }
  func.func @transform_7(%arg0: i32) -> (i32, i32) {
    %c0_i32 = arith.constant 0 : i32
    %c0_i32_0 = arith.constant 0 : i32
    %c0_i32_1 = arith.constant 0 : i32
    return %c0_i32, %c0_i32_0 : i32, i32
  }
  func.func @transform_8(%arg0: i32) -> (i32, i32) {
    %c0_i32 = arith.constant 0 : i32
    %c0_i32_0 = arith.constant 0 : i32
    return %arg0, %c0_i32 : i32, i32
  }
  func.func @transform_9(%arg0: i32) -> (i32, i32) {
    %c0_i32 = arith.constant 0 : i32
    %c0_i32_0 = arith.constant 0 : i32
    return %arg0, %c0_i32 : i32, i32
  }
}

module attributes {stable_mosaic.version = 14 : i64} {
  func.func @_epi_body(%arg0: i32, %arg1: memref<1024x512xbf16, #tpu.memory_space<vmem>>, %arg2: memref<1024x32xbf16, #tpu.memory_space<vmem>>, %arg3: memref<1024x512xbf16, #tpu.memory_space<vmem>>, %arg4: memref<1024x32xf32, #tpu.memory_space<vmem>>, %arg5: memref<1x1024xf32, #tpu.memory_space<vmem>>, %arg6: memref<1x1024xf32, #tpu.memory_space<vmem>>, %arg7: memref<1x1024xf32, #tpu.memory_space<vmem>>, %arg8: memref<1024x1024xf32, #tpu.memory_space<vmem>>) attributes {dimension_semantics = [#tpu.dimension_semantics<arbitrary>], iteration_bounds = array<i64: 20>, scalar_prefetch = 0 : i64, scratch_operands = 0 : i64, tpu.core_type = #tpu.core_type<tc>, window_params = [{pipeline_mode = #tpu.pipeline_mode<synchronous>, transform_indices = @transform_0, window_bounds = array<i64: 1024, 512>}, {pipeline_mode = #tpu.pipeline_mode<synchronous>, transform_indices = @transform_1, window_bounds = array<i64: 1024, 32>}, {transform_indices = @transform_2, window_bounds = array<i64: 1024, 512>}, {transform_indices = @transform_3, window_bounds = array<i64: 1024, 32>}, {transform_indices = @transform_4, window_bounds = array<i64: 1, 1024>}, {transform_indices = @transform_5, window_bounds = array<i64: 1, 1024>}, {transform_indices = @transform_6, window_bounds = array<i64: 1, 1024>}, {transform_indices = @transform_7, window_bounds = array<i64: 1024, 1024>}]} {
    %get3A = arith.constant 0 : index
    %get3A_0 = arith.constant 0 : index
    %get3A_1 = vector.load %arg3[%get3A, %get3A_0] : memref<1024x512xbf16, #tpu.memory_space<vmem>>, vector<1024x512xbf16>
    %convert_element_type3A = arith.extf %get3A_1 : vector<1024x512xbf16> to vector<1024x512xf32>
    %reduce_sum3A = arith.constant dense<0.000000e+00> : vector<1024xf32>
    %reduce_sum3A_2 = vector.multi_reduction <add>, %convert_element_type3A, %reduce_sum3A [1] : vector<1024x512xf32> to vector<1024xf32>
    %broadcast_in_dim3A = vector.shape_cast %reduce_sum3A_2 : vector<1024xf32> to vector<1024x1xf32>
    %div3A = vector.broadcast %broadcast_in_dim3A : vector<1024x1xf32> to vector<1024x512xf32>
    %div3A_3 = arith.divf %convert_element_type3A, %div3A : vector<1024x512xf32>
    %convert_element_type3A_4 = arith.truncf %div3A_3 : vector<1024x512xf32> to vector<1024x512xbf16>
    %get3A_5 = arith.constant 0 : index
    %get3A_6 = arith.constant 0 : index
    %get3A_7 = vector.load %arg1[%get3A_5, %get3A_6] : memref<1024x512xbf16, #tpu.memory_space<vmem>>, vector<1024x512xbf16>
    %dot_general3A = arith.constant dense<0.000000e+00> : vector<1024x1024xf32>
    %dot_general3A_8 = tpu.matmul %convert_element_type3A_4, %get3A_7, %dot_general3A {dimension_numbers = #tpu.dot_dimension_numbers<[1], [1], [0], [0], [0, 0, 1, 0], [], []>, transpose_lhs_hint = false} : vector<1024x512xbf16>, vector<1024x512xbf16>, vector<1024x1024xf32> -> vector<1024x1024xf32>
    %get3A_9 = arith.constant 0 : index
    %get3A_10 = arith.constant 0 : index
    %get3A_11 = vector.load %arg4[%get3A_9, %get3A_10] : memref<1024x32xf32, #tpu.memory_space<vmem>>, vector<1024x32xf32>
    %reduce_max3A = arith.constant dense<0xFF800000> : vector<1024xf32>
    %reduce_max3A_12 = vector.multi_reduction <maximumf>, %get3A_11, %reduce_max3A [1] : vector<1024x32xf32> to vector<1024xf32>
    %broadcast_in_dim3A_13 = vector.shape_cast %reduce_max3A_12 : vector<1024xf32> to vector<1024x1xf32>
    %sub3A = vector.broadcast %broadcast_in_dim3A_13 : vector<1024x1xf32> to vector<1024x32xf32>
    %sub3A_14 = arith.subf %get3A_11, %sub3A : vector<1024x32xf32>
    %exp3A = math.exp %sub3A_14 : vector<1024x32xf32>
    %reduce_sum3A_15 = arith.constant dense<0.000000e+00> : vector<1024xf32>
    %reduce_sum3A_16 = vector.multi_reduction <add>, %exp3A, %reduce_sum3A_15 [1] : vector<1024x32xf32> to vector<1024xf32>
    %broadcast_in_dim3A_17 = vector.shape_cast %reduce_sum3A_16 : vector<1024xf32> to vector<1024x1xf32>
    %div3A_18 = vector.broadcast %broadcast_in_dim3A_17 : vector<1024x1xf32> to vector<1024x32xf32>
    %div3A_19 = arith.divf %exp3A, %div3A_18 : vector<1024x32xf32>
    %convert_element_type3A_20 = arith.truncf %div3A_19 : vector<1024x32xf32> to vector<1024x32xbf16>
    %get3A_21 = arith.constant 0 : index
    %get3A_22 = arith.constant 0 : index
    %get3A_23 = vector.load %arg2[%get3A_21, %get3A_22] : memref<1024x32xbf16, #tpu.memory_space<vmem>>, vector<1024x32xbf16>
    %dot_general3A_24 = arith.constant dense<0.000000e+00> : vector<1024x1024xf32>
    %dot_general3A_25 = tpu.matmul %convert_element_type3A_20, %get3A_23, %dot_general3A_24 {dimension_numbers = #tpu.dot_dimension_numbers<[1], [1], [0], [0], [0, 0, 1, 0], [], []>, transpose_lhs_hint = false} : vector<1024x32xbf16>, vector<1024x32xbf16>, vector<1024x1024xf32> -> vector<1024x1024xf32>
    %get3A_26 = arith.constant 0 : index
    %get3A_27 = arith.constant 0 : index
    %get3A_28 = vector.load %arg5[%get3A_26, %get3A_27] : memref<1x1024xf32, #tpu.memory_space<vmem>>, vector<1x1024xf32>
    %logistic3A = arith.negf %get3A_28 : vector<1x1024xf32>
    %logistic3A_29 = math.exp %logistic3A : vector<1x1024xf32>
    %logistic3A_30 = arith.constant 1.000000e+00 : f32
    %logistic3A_31 = vector.broadcast %logistic3A_30 : f32 to vector<1x1024xf32>
    %logistic3A_32 = arith.addf %logistic3A_31, %logistic3A_29 : vector<1x1024xf32>
    %logistic3A_33 = arith.divf %logistic3A_31, %logistic3A_32 : vector<1x1024xf32>
    %reshape3A = vector.shape_cast %logistic3A_33 : vector<1x1024xf32> to vector<1024x1xf32>
    %get3A_34 = arith.constant 0 : index
    %get3A_35 = arith.constant 0 : index
    %get3A_36 = vector.load %arg7[%get3A_34, %get3A_35] : memref<1x1024xf32, #tpu.memory_space<vmem>>, vector<1x1024xf32>
    %logistic3A_37 = arith.negf %get3A_36 : vector<1x1024xf32>
    %logistic3A_38 = math.exp %logistic3A_37 : vector<1x1024xf32>
    %logistic3A_39 = arith.constant 1.000000e+00 : f32
    %logistic3A_40 = vector.broadcast %logistic3A_39 : f32 to vector<1x1024xf32>
    %logistic3A_41 = arith.addf %logistic3A_40, %logistic3A_38 : vector<1x1024xf32>
    %logistic3A_42 = arith.divf %logistic3A_40, %logistic3A_41 : vector<1x1024xf32>
    %reshape3A_43 = vector.shape_cast %logistic3A_42 : vector<1x1024xf32> to vector<1024x1xf32>
    %get3A_44 = arith.constant 0 : index
    %get3A_45 = arith.constant 0 : index
    %get3A_46 = vector.load %arg6[%get3A_44, %get3A_45] : memref<1x1024xf32, #tpu.memory_space<vmem>>, vector<1x1024xf32>
    %logistic3A_47 = arith.negf %get3A_46 : vector<1x1024xf32>
    %logistic3A_48 = math.exp %logistic3A_47 : vector<1x1024xf32>
    %logistic3A_49 = arith.constant 1.000000e+00 : f32
    %logistic3A_50 = vector.broadcast %logistic3A_49 : f32 to vector<1x1024xf32>
    %logistic3A_51 = arith.addf %logistic3A_50, %logistic3A_48 : vector<1x1024xf32>
    %logistic3A_52 = arith.divf %logistic3A_50, %logistic3A_51 : vector<1x1024xf32>
    %reshape3A_53 = vector.shape_cast %logistic3A_52 : vector<1x1024xf32> to vector<1024x1xf32>
    %sub3A_54 = arith.constant 1.000000e+00 : f32
    %sub3A_55 = vector.broadcast %sub3A_54 : f32 to vector<1024x1xf32>
    %sub3A_56 = arith.subf %sub3A_55, %reshape3A : vector<1024x1xf32>
    %mul3A = vector.broadcast %sub3A_56 : vector<1024x1xf32> to vector<1024x1024xf32>
    %mul3A_57 = arith.mulf %mul3A, %dot_general3A_8 : vector<1024x1024xf32>
    %mul3A_58 = vector.broadcast %reshape3A : vector<1024x1xf32> to vector<1024x1024xf32>
    %mul3A_59 = arith.mulf %mul3A_58, %dot_general3A_25 : vector<1024x1024xf32>
    %add3A = arith.addf %mul3A_57, %mul3A_59 : vector<1024x1024xf32>
    %jit3A = arith.constant 9.99999993E-9 : f32
    %jit3A_60 = arith.constant 1.000000e+00 : f32
    %max3A = vector.broadcast %jit3A : f32 to vector<1024x1024xf32>
    %max3A_61 = arith.maximumf %max3A, %add3A : vector<1024x1024xf32>
    %min3A = vector.broadcast %jit3A_60 : f32 to vector<1024x1024xf32>
    %min3A_62 = arith.minimumf %min3A, %max3A_61 : vector<1024x1024xf32>
    %sub3A_63 = arith.constant 1.000000e+00 : f32
    %sub3A_64 = vector.broadcast %sub3A_63 : f32 to vector<1024x1xf32>
    %sub3A_65 = arith.subf %sub3A_64, %reshape3A_43 : vector<1024x1xf32>
    %mul3A_66 = vector.broadcast %sub3A_65 : vector<1024x1xf32> to vector<1024x1024xf32>
    %mul3A_67 = arith.mulf %mul3A_66, %min3A_62 : vector<1024x1024xf32>
    %sub3A_68 = arith.constant 1.000000e+00 : f32
    %sub3A_69 = vector.broadcast %sub3A_68 : f32 to vector<1024x1024xf32>
    %sub3A_70 = arith.subf %sub3A_69, %min3A_62 : vector<1024x1024xf32>
    %mul3A_71 = vector.broadcast %reshape3A_53 : vector<1024x1xf32> to vector<1024x1024xf32>
    %mul3A_72 = arith.mulf %mul3A_71, %sub3A_70 : vector<1024x1024xf32>
    %add3A_73 = arith.addf %mul3A_67, %mul3A_72 : vector<1024x1024xf32>
    %swap3A = arith.constant 0 : index
    %swap3A_74 = arith.constant 0 : index
    %swap3A_75 = vector.load %arg8[%swap3A, %swap3A_74] : memref<1024x1024xf32, #tpu.memory_space<vmem>>, vector<1024x1024xf32>
    tpu.vector_store %arg8[%swap3A, %swap3A_74], %add3A_73 {strides = array<i32>} : memref<1024x1024xf32, #tpu.memory_space<vmem>>, vector<1024x1024xf32>,
    return
  }
  func.func @transform_0(%arg0: i32) -> (i32, i32) {
    %c0_i32 = arith.constant 0 : i32
    %c0_i32_0 = arith.constant 0 : i32
    %c0_i32_1 = arith.constant 0 : i32
    return %c0_i32, %c0_i32_0 : i32, i32
  }
  func.func @transform_1(%arg0: i32) -> (i32, i32) {
    %c0_i32 = arith.constant 0 : i32
    %c0_i32_0 = arith.constant 0 : i32
    %c0_i32_1 = arith.constant 0 : i32
    return %c0_i32, %c0_i32_0 : i32, i32
  }
  func.func @transform_2(%arg0: i32) -> (i32, i32) {
    %c0_i32 = arith.constant 0 : i32
    %c0_i32_0 = arith.constant 0 : i32
    return %arg0, %c0_i32 : i32, i32
  }
  func.func @transform_3(%arg0: i32) -> (i32, i32) {
    %c0_i32 = arith.constant 0 : i32
    %c0_i32_0 = arith.constant 0 : i32
    return %arg0, %c0_i32 : i32, i32
  }
  func.func @transform_4(%arg0: i32) -> (i32, i32) {
    %c0_i32 = arith.constant 0 : i32
    %c0_i32_0 = arith.constant 0 : i32
    return %c0_i32, %arg0 : i32, i32
  }
  func.func @transform_5(%arg0: i32) -> (i32, i32) {
    %c0_i32 = arith.constant 0 : i32
    %c0_i32_0 = arith.constant 0 : i32
    return %c0_i32, %arg0 : i32, i32
  }
  func.func @transform_6(%arg0: i32) -> (i32, i32) {
    %c0_i32 = arith.constant 0 : i32
    %c0_i32_0 = arith.constant 0 : i32
    return %c0_i32, %arg0 : i32, i32
  }
  func.func @transform_7(%arg0: i32) -> (i32, i32) {
    %c0_i32 = arith.constant 0 : i32
    %c0_i32_0 = arith.constant 0 : i32
    return %arg0, %c0_i32 : i32, i32
  }
}

</mosaic_0001>

<sc_bundles>
// kernel: kernel.6.cloned.1.call-start
scs
__scs_entry_jumppad:
0x0: {  	(pc) =	sbr.rel $0x88, $3  }
0x1: {  	(tag) =	ssettag $0x0;
	lr =	simm.s32 $0x1  }
0x2: {  	[smem:$0x3F98] =	sst lr;
	_ =	strace $0xD0000000  }
0x3: {  	_ = 	snop  }
0x4: {  	_ = 	snop  }
0x5: {  	_ = 	snop  }
0x6: {  	_ = 	snop  }
0x7: {  	_ = 	snop  }
__scs_overlays_trampoline_lowered:
0x8: {  	[smem:$0x3FA7] =	sst s0  }
0x9: {  	[smem:$0x3FA8] =	sst s1  }
0xa: {  	[smem:$0x3FA9] =	sst s2  }
0xb: {  	[smem:$0x3FAA] =	sst s3  }
0xc: {  	[smem:$0x3FAB] =	sst s4  }
0xd: {  	[smem:$0x3FAC] =	sst s5  }
0xe: {  	[smem:$0x3FAD] =	sst s6  }
0xf: {  	[smem:$0x3FAE] =	sst s7  }
0x10: {  	[smem:$0x3FAF] =	sst s8  }
0x11: {  	[smem:$0x3FB0] =	sst s9;
	s0 =	simm.s32 @!p0 $0x0  }
0x12: {  	s1 =	sld [smem:$0x3F96];
	s0 =	simm.s32 @p0 $0x1  }
0x13: {  	[smem:$0x3FB1] =	sst s0;
	s0 =	simm.s32 @!p1 $0x0  }
0x14: {  	s2 =	sld [smem:$0x3F95];
	s0 =	simm.s32 @p1 $0x1  }
0x15: {  	[smem:$0x3FB2] =	sst s0;
	s0 =	simm.s32 @!p2 $0x0  }
0x16: {  	s3 =	sld [smem:$0x3FDB];
	s0 =	simm.s32 @p2 $0x1  }
0x17: {  	s4 =	simm.s32 $0x1BF5;
	[smem:$0x3FB4] =	sst s0  }
0x18: {  	s0 =	sld [smem:$0x3F97];
	_ =	swait.ge [sflag:s4], $0x0  }
0x19: {  	s7 =	sld [smem:$0x3F98]  }
0x1a: {  	s8 =	sadd.s32 $0xFFFFE003, lr  }
0x1b: {  	s9 =	sadd.s32 $0xFFFFFEF7, lr;
	s5 =	simm.s32 $0xFFFFFFFF;
	p2 =	slt.u32 s8, $0xFFFFF086  }
0x1c: {  	p1 =	slt.u32 s9, $0xF7A;
	s5 =	simm.s32 @!p2 $0x0  }
0x1d: {  	s5 =	simm.s32 @p1 $0x1;
	p0 =	seq.s32 s7, s2  }
0x1e: {  	s7 =	smul.u32 @!p0 $0xF7A, s2;
	p2 =	seq.s32 @!p0 s5, $0x0  }
0x1f: {  	s9 =	smul.u32 $0xF7A, s1;
	s8 =	simm.s32 @!p0 $0x1BF5;
	p2 =	por !p2, p0  }
0x20: {  	[sflag:s8] =	ssyncset.s32 @!p0 $0xFFFFF086;
	s6 =	sadd.s32 @!p0 s3, s7;
	s7 =	simm.s32 @!p0 $0x108  }
0x21: {  	s3 =	sadd.s32 s3, s9;
	s6 =	sadd.s32 @!p0 $0x88, s6;
	s7 =	simm.s32 @p2 $0x1082  }
0x22: {  	[simem:s7], [sflag:s8] =	dma.local @!p0 [hbm:s6], $0xF7A  }
0x23: {  	s9 =	sor.u32 $0xD0000000, s2;
	s6 =	simm.s32 $0x108;
	_ =	swait.ge @!p0 [sflag:s8], $0x0  }
0x24: {  	s3 =	sadd.s32 $0x88, s3;
	s6 =	simm.s32 @!p1 $0x1082;
	[sflag:s4] =	ssyncset.s32 $0xFFFFF086  }
0x25: {  	[simem:s6], [sflag:s4] =	dma.local [hbm:s3], $0xF7A  }
0x26: {  	[smem:$0x3F98] =	sst s1;
	(tag) =	ssettag s2;
	_ =	strace s9  }
0x27: {  	s1 =	sld [smem:$0x3FA8]  }
0x28: {  	s2 =	sld [smem:$0x3FA9]  }
0x29: {  	s4 =	sld [smem:$0x3FAB]  }
0x2a: {  	p0 =	seq.s32 s5, $0x0;
	s5 =	sld [smem:$0x3FAC]  }
0x2b: {  	s6 =	sld [smem:$0x3FAD]  }
0x2c: {  	s7 =	sld [smem:$0x3FAE]  }
0x2d: {  	s3 =	simm.s32 $0x108;
	s8 =	sld [smem:$0x3FAF]  }
0x2e: {  	s3 =	simm.s32 @!p0 $0x1082;
	s9 =	sld [smem:$0x3FB0]  }
0x2f: {  	lr =	sadd.s32 s0, s3;
	s0 =	sld [smem:$0x3FA7]  }
0x30: {  	s3 =	sld [smem:$0x3FAA]  }
0x31: {  	[smem:$0x3FB3] =	sst s10  }
0x32: {  	s10 =	sld [smem:$0x3FB1];
	_ =	sdelay $0x3  }
0x33: {  	p0 =	seq.s32 s10, $0x1;
	s10 =	sld [smem:$0x3FB3];
	_ =	sdelay $0x3  }
0x34: {  	[smem:$0x3FB3] =	sst s10  }
0x35: {  	s10 =	sld [smem:$0x3FB2];
	_ =	sdelay $0x3  }
0x36: {  	p1 =	seq.s32 s10, $0x1;
	s10 =	sld [smem:$0x3FB3];
	_ =	sdelay $0x3  }
0x37: {  	[smem:$0x3FB3] =	sst s10  }
0x38: {  	s10 =	sld [smem:$0x3FB4]  }
0x39: {  	_ = 	snop;
	(pc) =	sbr.ind lr, $3  }
0x3a: {  	_ = 	snop  }
0x3b: {  	_ = 	snop  }
0x3c: {  	p2 =	seq.s32 s10, $0x1;
	s10 =	sld [smem:$0x3FB3]  }
0x3d: {  	_ =	shalt  }
0x3e: {  	_ =	shalt  }
0x3f: {  	_ =	shalt  }
0x40: {  	_ =	shalt  }
0x41: {  	_ =	shalt  }
0x42: {  	_ =	shalt  }
0x43: {  	_ =	shalt  }
0x44: {  	_ =	shalt  }
0x45: {  	_ =	shalt  }
0x46: {  	_ =	shalt  }
0x47: {  	_ =	shalt  }
0x48: {  	_ =	shalt  }
0x49: {  	_ =	shalt  }
0x4a: {  	_ =	shalt  }
0x4b: {  	_ =	shalt  }
0x4c: {  	_ =	shalt  }
0x4d: {  	_ =	shalt  }
0x4e: {  	_ =	shalt  }
0x4f: {  	_ =	shalt  }
0x50: {  	_ =	shalt  }
0x51: {  	_ =	shalt  }
0x52: {  	_ =	shalt  }
0x53: {  	_ =	shalt  }
0x54: {  	_ =	shalt  }
0x55: {  	_ =	shalt  }
0x56: {  	_ =	shalt  }
0x57: {  	_ =	shalt  }
0x58: {  	_ =	shalt  }
0x59: {  	_ =	shalt  }
0x5a: {  	_ =	shalt  }
0x5b: {  	_ =	shalt  }
0x5c: {  	_ =	shalt  }
0x5d: {  	_ =	shalt  }
0x5e: {  	_ =	shalt  }
0x5f: {  	_ =	shalt  }
0x60: {  	_ =	shalt  }
0x61: {  	_ =	shalt  }
0x62: {  	_ =	shalt  }
0x63: {  	_ =	shalt  }
0x64: {  	_ =	shalt  }
0x65: {  	_ =	shalt  }
0x66: {  	_ =	shalt  }
0x67: {  	_ =	shalt  }
0x68: {  	_ =	shalt  }
0x69: {  	_ =	shalt  }
0x6a: {  	_ =	shalt  }
0x6b: {  	_ =	shalt  }
0x6c: {  	_ =	shalt  }
0x6d: {  	_ =	shalt  }
0x6e: {  	_ =	shalt  }
0x6f: {  	_ =	shalt  }
0x70: {  	_ =	shalt  }
0x71: {  	_ =	shalt  }
0x72: {  	_ =	shalt  }
0x73: {  	_ =	shalt  }
0x74: {  	_ =	shalt  }
0x75: {  	_ =	shalt  }
0x76: {  	_ =	shalt  }
0x77: {  	_ =	shalt  }
0x78: {  	_ =	shalt  }
0x79: {  	_ =	shalt  }
0x7a: {  	_ =	shalt  }
0x7b: {  	_ =	shalt  }
0x7c: {  	_ =	shalt  }
0x7d: {  	_ =	shalt  }
0x7e: {  	_ =	shalt  }
0x7f: {  	_ =	shalt  }
0x80: {  	_ =	shalt  }
0x81: {  	_ =	shalt  }
0x82: {  	_ =	shalt  }
0x83: {  	_ =	shalt  }
0x84: {  	_ =	shalt  }
0x85: {  	_ =	shalt  }
0x86: {  	_ =	shalt  }
0x87: {  	_ =	shalt  }
.Lfunc_end0:
.L_simem_size_0:
called_computation_lowered:
.L_overlay_start_0:
0x88: {  	s2 =	sld [smem:$0x3FD9]  }
0x89: {  	s3 =	sld [smem:$0x3FFE];
	_ =	sdelay $0x1  }
0x8a: {  	s1 =	srdreg.scid  }
0x8b: {  	s0 =	sand.u32 $0x1, s1  }
0x8c: {  	s14 =	sshll.u32 s0, $0xA;
	s2 =	sadd.s32 s3, s2  }
0x8d: {  	s2 =	sadd.s32 s2, s14  }
0x8e: {  	[smem:$0x3FBF] =	sst s2  }
0x8f: {  	_ = 	snop  }
0x90: {  	s2 =	sld [smem:$0x3FD0];
	_ =	sdelay $0x2  }
0x91: {  	s15 =	simm.s32 $0xA;
	s4 =	simm.s32 $0x10  }
0x92: {  	[smem:s4], [sflag:s15] =	dma.local [hbm:s2], $0x1  }
0x93: {  	_ =	swait.eq [sflag:s15], $0x1  }
0x94: {  	[sflag:s15] =	ssyncset.done $0x0  }
0x95: {  	s16 =	sld [smem:$0x10];
	[sflag:s15] =	ssyncadd.s32 $0xFFFFFFFF  }
0x96: {  	s17 =	sld [smem:$0x11];
	(tm) =	ssettm $0x1  }
0x97: {  	s18 =	sld [smem:$0x3FFB];
	_ =	sdelay $0x3  }
0x98: {  	_ =	strace s18  }
0x99: {  	s4 =	sld [smem:$0x3FFC];
	_ =	sdelay $0x3  }
0x9a: {  	_ =	strace s4  }
0x9b: {  	s4 =	sld [smem:$0x3FFD];
	_ =	sdelay $0x3  }
0x9c: {  	_ =	strace s4  }
0x9d: {  	_ =	strace $0x8FFFFFFF  }
0x9e: {  	s19 =	sld [smem:$0x3FDB];
	_ =	sdelay $0x1  }
0x9f: {  	s5 =	simm.s32 $_scs_section_size  }
0xa0: {  	s6 =	simm.s32 $_size__tile_overlayer_lowered;
	s7 =	simm.s32 $_tile_overlayer_lowered  }
0xa1: {  	s22 =	simm.s32 $0x1BFF;
	s21 =	sshll.u32 s7, $0x1;
	s4 =	sadd.s32 s5, s19  }
0xa2: {  	s8 =	simm.s32 $0x0;
	s20 =	sshll.u32 s6, $0x1;
	s6 =	sadd.s32 s21, s4  }
0xa3: {  	[timem:s8], [sflag:s22] =	dma.local [hbm:s6], s20  }
0xa4: {  	_ =	swait.ge [sflag:s22], s20  }
0xa5: {  	s5 =	ssub.s32 $0x0, s20;
	[sflag:s22] =	ssyncset.done $0x0  }
0xa6: {  	[sflag:s22] =	ssyncadd.s32 s5;
	_ =	sdelay $0x1  }
0xa7: {  	s23 =	simm.s32 $0x1B8B  }
0xa8: {  	_ =	swait.ge [sflag:s23], $0x1  }
0xa9: {  	[sflag:s23] =	ssyncset.done $0x0  }
0xaa: {  	s25 =	simm.s32 $0x1B8E;
	s24 =	sld [smem:$0x3FFE];
	[sflag:s23] =	ssyncadd.s32 $0xFFFFFFFF  }
0xab: {  	s26 =	simm.s32 $execute0_lowered;
	[smem:$0x3FD2] =	sst s25  }
0xac: {  	s6 =	sshll.u32 s26, $0x1;
	_ =	strace $0x80000046;
	[dreg:$0x1] =	wrdreg $0xFFFFFFFF  }
0xad: {  	s28 =	simm.s32 $_size_execute0_lowered;
	s4 =	sadd.s32 s4, s6;
	[dreg:$0x0] =	wrdreg $0x0  }
0xae: {  	s6 =	sshll.u32 s28, $0x1;
	[dreg:$0x2] =	wrdreg s4  }
0xaf: {  	[dreg:$0x3] =	wrdreg s6  }
0xb0: {  	[dreg:$0x4] =	wrdreg $0xC0  }
0xb1: {  	_ =	task [dreg:s8], $0x5FFFF  }
0xb2: {  	[dreg:$0x1] =	wrdreg $0xFFFFFFFF  }
0xb3: {  	[dreg:$0x0] =	wrdreg $0x60  }
0xb4: {  	[dreg:$0x2] =	wrdreg s24  }
0xb5: {  	[dreg:$0x3] =	wrdreg s16  }
0xb6: {  	[dreg:$0x4] =	wrdreg s17  }
0xb7: {  	[dreg:$0x5] =	wrdreg $0x9  }
0xb8: {  	_ =	task.clear_ibuf [dreg:s8], $0x6FFFF;
	_ =	strace $0x90000046  }
0xb9: {  	s29 =	simm.s32 $0x9;
	_ =	strace $0x80000048  }
0xba: {  	_ =	swait.ge [sflag:s29], $0x1  }
0xbb: {  	[sflag:s29] =	ssyncadd.s32 $0xFFFFFFFF  }
0xbc: {  	_ =	strace $0x90000048  }
0xbd: {  	_ =	sfence  }
0xbe: {  	s30 =	sld [smem:$0x0];
	_ =	sdelay $0x2  }
0xbf: {  	s31 =	sshll.u32 s1, $0xD;
	s1 =	sshrl.u32 s1, $0x2  }
0xc0: {  	s3 =	sand.u32 $0x4000, s31;
	s1 =	sadd.s32 s1, s30  }
0xc1: {  	s0 =	sor.u32 s3, s0;
	s1 =	sshll.u32 s1, $0x11  }
0xc2: {  	s0 =	sor.u32 s1, s0  }
0xc3: {  	s0 =	sadd.s32 $0x8F2B, s0  }
0xc4: {  	[sflag:s0] =	ssyncadd.remote.s32 $0x1  }
0xc5: {  	_ =	sfence.sel $0xFFFF  }
0xc6: {  	[dreg:$0x0] =	wrdreg $0xFFFFFFFF;
	(pc) =	sbr.abs _section_cstart, $3  }
0xc7: {  	[dreg:$0x1] =	wrdreg $0xFFFFFFFF  }
0xc8: {  	_ =	task.clear_ibuf [dreg:s8], $0x2FFFF;
	_ =	strace $0x9FFFFFFF  }
0xc9: {  	(tm) =	ssettm $0x7FFFFFFF  }
tec
execute0_lowered:
.L_overlay_start_1:
0x0: {  	(tag) =	ssettag $0x1  }
0x1: {  	s0 =	rddreg [dreg:$0x0]  }
0x2: {  	s1 =	rddreg [dreg:$0x1]  }
0x3: {  	s3 =	rddreg [dreg:$0x2]  }
0x4: {  	s2 =	srdreg.scid;
	s4 =	simm.s32 $0x0;
	s5 =	stileid.u32  }
0x5: {  	s16 =	simm.s32 $0x7;
	s18 =	simm.s32 $0xFB90;
	s19 =	simm.s32 $0x68  }
0x6: {  	s21 =	simm.s32 $0x60;
	s23 =	simm.s32 $0x4;
	s24 =	simm.s32 $0x6800  }
0x7: {  	s25 =	simm.s32 $0x1;
	s28 =	simm.s32 $0xFD20;
	s2 =	sand.u32 $0x1, s2  }
0x8: {  	[smem:$0x7FF] =	sst s4;
	s6 =	sshll.u32 s5, $0x6;
	s5 =	sadd.s32 $0x1A8E00, s0  }
0x9: {  	s8 =	sadd.s32 $0x2200, s0;
	s7 =	sshll.u32 s2, $0x5;
	s2 =	ssub.s32 $0x2, s2  }
0xa: {  	s9 =	sadd.s32 $0x5CC00, s0;
	s6 =	sor.u32 s7, s6;
	s12 =	sshrl.u32 s2, $0x1  }
0xb: {  	s10 =	sadd.s32 $0x10CA00, s0;
	s11 =	smul.u32 $0x19, s6;
	s26 =	ssub.s32 s2, s12  }
.Ltmp0:
0xc: {  	s7 =	sadd.s32 $0x8600, s0;
	s0 =	smax.u32 s26, $0x1;
	(pc) =	sbr.rel .LBB2_1-.Ltmp0, $4  }
0xd: {  	v0 =	vlaneseq.u32;
	_ =	strace $0x80000047;
	s30 =	sadd.s32 s7, s11;
	[dreg:$0x7] =	wrdreg s0  }
0xe: {  	s29 =	simm.s32 $0x10120;
	v0 =	vmul.u32 $0x2, v0;
	s31 =	sadd.s32 s8, s11;
	[dreg:$0x4] =	wrdreg s30  }
0xf: {  	s26 =	simm.s32 $0x2;
	s2 =	sadd.s32 $0xD, s30;
	[dreg:$0x6] =	wrdreg s31  }
0x10: {  	[tilespmem:$0x1FFF0] =	vst v0;
	s0 =	simm.s32 $0x3;
	[dreg:$0x5] =	wrdreg s2;
	s2 =	simm.s32 $0x0  }
.LBB2_20:
0x11: {  	s11 =	simm.s32 $0x5  }
0x12: {  	_ =	swait.ge [sflag:s11], $0xD00  }
0x13: {  	[sflag:s11] =	ssyncset.done $0x0  }
0x14: {  	[sflag:s11] =	ssyncadd.s32 $0xFFFFF300  }
0x15: {  	_ =	swait.ge [sflag:s11], $0xC00  }
0x16: {  	[sflag:s11] =	ssyncset.done $0x0  }
0x17: {  	s12 =	simm.s32 $0x6;
	[sflag:s11] =	ssyncadd.s32 $0xFFFFF400  }
0x18: {  	_ =	swait.ge [sflag:s12], $0x200  }
0x19: {  	[sflag:s12] =	ssyncset.done $0x0  }
0x1a: {  	[sflag:s12] =	ssyncadd.s32 $0xFFFFFE00  }
0x1b: {  	_ =	swait.ge [sflag:s12], $0x200  }
0x1c: {  	s2 =	sadd.s32 $0x1, s2;
	s31 =	rddreg [dreg:$0x7]  }
0x1d: {  	p0 =	sne.s32 s2, s31  }
.Ltmp1:
0x1e: {  	_ = 	snop;
	(pc) =	sbr.rel @!p0 .LBB2_21-.Ltmp1, $3  }
0x1f: {  	_ =	sdelay $0x1  }
0x20: {  	[sflag:s12] =	ssyncset.done $0x0  }
0x21: {  	[sflag:s12] =	ssyncadd.s32 $0xFFFFFE00  }
.LBB2_1:
0x22: {  	s11 =	rddreg [dreg:$0x4];
	s12 =	simm.s32 $0xFA00  }
0x23: {  	[tilespmem:s12], [sflag:$0x7] =	stream.linear.gather [hbm4b:s11+s4], $0x68, $0x38;
	[tilespmem:$0x10520] =	vst v63  }
0x24: {  	_ =	swait.ge [sflag:s16], $0x68  }
0x25: {  	[sflag:s16] =	ssyncset.done $0x0  }
0x26: {  	s13 =	simm.s32 $0xFAD0;
	s20 =	rddreg [dreg:$0x5];
	[sflag:s16] =	ssyncadd.s32 $0xFFFFFF98  }
0x27: {  	[tilespmem:s13], [sflag:$0x7] =	stream.linear.gather [hbm4b:s20+s4], $0x60, $0x38;
	[tilespmem:$0x10520] =	vst v63  }
0x28: {  	_ =	swait.ge [sflag:s16], $0x60  }
0x29: {  	[sflag:s16] =	ssyncset.done $0x0  }
0x2a: {  	s22 =	rddreg [dreg:$0x6];
	[sflag:s16] =	ssyncadd.s32 $0xFFFFFFA0  }
0x2b: {  	[tilespmem:s18], [sflag:$0x7] =	stream.linear.gather [hbm4b:s22+s4], $0xC8, $0x38;
	[tilespmem:$0x10520] =	vst v63  }
0x2c: {  	_ =	swait.ge [sflag:s16], $0xC8  }
0x2d: {  	[sflag:s16] =	ssyncset.done $0x0  }
0x2e: {  	s30 =	simm.s32 $0xC800;
	[sflag:s16] =	ssyncadd.s32 $0xFFFFFF38  }
0x2f: {  	[tilespmem:s30], [sflag:$0x4] =	stream.indirect.gather [hbm4b:s9+s19], $0x20, s12, s19, $0xb8;
	[tilespmem:$0x10520] =	vst v63  }
0x30: {  	s31 =	simm.s32 $0xE200  }
0x31: {  	[tilespmem:s31], [sflag:$0x4] =	stream.indirect.gather [hbm4b:s9+s21], $0x20, s13, s21, $0xb8;
	[tilespmem:$0x10520] =	vst v63  }
0x32: {  	_ = 	snop  }
0x33: {  	[tilespmem:s4], [sflag:$0x1] =	stream.indirect.gather [hbm4b:s5+s19], $0x100, s12, s19, $0xb8;
	[tilespmem:$0x10520] =	vst v63  }
0x34: {  	_ =	swait.ge [sflag:s23], $0xD00  }
0x35: {  	[sflag:s23] =	ssyncset.done $0x0  }
0x36: {  	[sflag:s23] =	ssyncadd.s32 $0xFFFFF300  }
0x37: {  	_ =	swait.ge [sflag:s23], $0xC00  }
0x38: {  	[sflag:s23] =	ssyncset.done $0x0  }
0x39: {  	s20 =	simm.s32 $0x0;
	[sflag:s23] =	ssyncadd.s32 $0xFFFFF400  }
.LBB2_2:
0x3a: {  	s17 =	sand.u32 $0x1, s20  }
0x3b: {  	s22 =	sor.u32 s6, s20;
	s11 =	smul.u32 $0x3400, s17  }
0x3c: {  	s12 =	smul.u32 $0x320, s22  }
0x3d: {  	s15 =	smul.u32 $0x1900, s22;
	s11 =	sshrl.u32 s11, $0x2  }
0x3e: {  	s30 =	smul.u32 $0x3000, s17;
	s12 =	sadd.s32 s3, s12;
	s11 =	sadd.s32 $0xC800, s11  }
0x3f: {  	[hbm4b:s12+s4] =	stream.linear.scatter [tilespmem:s11], [sflag:$0x5], $0xD00, $0x38;
	[tilespmem:$0x10520] =	vst v63  }
0x40: {  	s11 =	sshrl.u32 s15, $0x3  }
0x41: {  	s12 =	sshrl.u32 s30, $0x2;
	s11 =	sadd.s32 s3, s11  }
0x42: {  	p0 =	seq.s32 s20, $0x1F;
	s12 =	sor.u32 $0xE200, s12;
	s11 =	sadd.s32 $0x1A0, s11  }
0x43: {  	[hbm4b:s11+s4] =	stream.linear.scatter [tilespmem:s12], [sflag:$0x5], $0xC00, $0x38;
	[tilespmem:$0x10520] =	vst v63  }
0x44: {  	s12 =	sxor.u32 $0x1, s17;
	s11 =	smul.u32 @!p0 $0xC8, s22  }
0x45: {  	s13 =	smul.u32 @!p0 $0x1A0, s12  }
0x46: {  	s14 =	sadd.s32 @!p0 $0xC8, s11  }
0x47: {  	s13 =	sshrl.u32 @!p0 s13, $0x2;
	s14 =	sshrl.u32 @!p0 s14, $0x3  }
0x48: {  	s30 =	simm.s32 @!p0 $0x0;
	s13 =	sor.u32 @!p0 $0xFA00, s13;
	s15 =	sadd.s32 @!p0 s7, s14  }
0x49: {  	[tilespmem:s13], [sflag:$0x3] =	stream.linear.gather @!p0 [hbm4b:s15+s30], $0x68, $0x38;
	[tilespmem:$0x10520] =	vst v63  }
0x4a: {  	s13 =	smul.u32 @!p0 $0x180, s12  }
0x4b: {  	s11 =	sshrl.u32 @!p0 s11, $0x3  }
0x4c: {  	s11 =	sadd.s32 @!p0 s7, s11;
	s13 =	sshrl.u32 @!p0 s13, $0x2  }
0x4d: {  	s11 =	sadd.s32 @!p0 $0x26, s11;
	s15 =	smul.u32 @!p0 $0x320, s12;
	s13 =	sadd.s32 @!p0 $0xFAD0, s13  }
0x4e: {  	[tilespmem:s13], [sflag:$0x3] =	stream.linear.gather @!p0 [hbm4b:s11+s30], $0x60, $0x38;
	[tilespmem:$0x10520] =	vst v63  }
0x4f: {  	s11 =	sshrl.u32 @!p0 s15, $0x2  }
0x50: {  	s31 =	smul.u32 $0x180, s17;
	s13 =	sadd.s32 @!p0 s8, s14;
	s11 =	sadd.s32 @!p0 $0xFB90, s11  }
0x51: {  	[tilespmem:s11], [sflag:$0x3] =	stream.linear.gather @!p0 [hbm4b:s13+s30], $0xC8, $0x38;
	[tilespmem:$0x10520] =	vst v63  }
0x52: {  	s13 =	sshrl.u32 s31, $0x2  }
0x53: {  	s11 =	sadd.s32 $0xFAD0, s13  }
0x54: {  	[tilespmem:s24], [sflag:$0x2] =	stream.indirect.gather [hbm4b:s5+s21], $0x100, s11, s21, $0xb8;
	[tilespmem:$0x10520] =	vst v63  }
0x55: {  	_ =	swait.ge [sflag:s25], $0x6800  }
0x56: {  	[sflag:s25] =	ssyncset.done $0x0  }
0x57: {  	s13 =	simm.s32 $0x200;
	[sflag:s25] =	ssyncadd.s32 $0xFFFF9800  }
0x58: {  	v2 =	vld [tilespmem:s13+$0x100]  }
0x59: {  	v1 =	vmov s17;
	v3 =	vld [tilespmem:s13+$0x110]  }
0x5a: {  	v1 =	vmul.u32 $0xC8, v1;
	s14 =	simm.s32 $0x0;
	v4 =	vld [tilespmem:s13+$0x120]  }
0x5b: {  	s15 =	simm.s32 $0x2;
	v6 =	vmov s14;
	v5 =	vld [tilespmem:s13+$0x130]  }
0x5c: {  	v1 =	vbroadcast v1, $0x0;
	v8 =	vmov s15;
	v7 =	vand.u32 $0x4, v6;
	v13 =	vld [tilespmem:s13+$0x0]  }
0x5d: {  	s30 =	simm.s32 $0x3;
	s31 =	simm.s32 $0x1;
	v6 =	vand.u32 $0x78, v6;
	v15 =	vand.u32 $0x78, v8;
	v8 =	vand.u32 $0x6, v8;
	v14 =	vld [tilespmem:s13+$0x10]  }
0x5e: {  	v9 =	vmov s30;
	v11 =	vmov s31;
	v6 =	vadd.s32 v1, v6;
	v17 =	vld [tilespmem:s13+$0x20]  }
0x5f: {  	v15 =	vadd.s32 v1, v15;
	v12 =	vand.u32 $0x7, v9;
	v9 =	vand.u32 $0x78, v9;
	v21 =	vld [tilespmem:s13+$0x30]  }
0x60: {  	v16 =	vand.u32 $0x78, v11;
	v18 =	vadd.s32 v1, v9;
	v9 =	vor.u32 v7, v6;
	v23 =	vld [tilespmem:s13+$0xFFFFFF00]  }
0x61: {  	v11 =	vand.u32 $0x5, v11;
	v16 =	vadd.s32 v1, v16;
	v7 =	vor.u32 v8, v15;
	v24 =	vld [tilespmem:s13+$0xFFFFFF10]  }
0x62: {  	v8 =	vor.u32 v11, v16;
	v25 =	vld [tilespmem:s13+$0xFFFFFF20]  }
0x63: {  	v10 =	vimm.f32 $0.0e+00;
	v6 =	vor.u32 v12, v18;
	v26 =	vld [tilespmem:s13+$0xFFFFFF30];
	v28 =	vunpack.i.u.bf16.f32 v2  }
0x64: {  	v36 =	vld [tilespmem:s13+$0xFFFFFE30];
	v29 =	vunpack.i.l.bf16.f32 v2;
	v19 =	vunpack.i.u.bf16.f32 v3;
	v20 =	vunpack.i.l.bf16.f32 v3  }
0x65: {  	v22 =	vld.idx.msk [tilespmem:v9+s18+$0x0], $0xffff;
	v15 =	vunpack.i.u.bf16.f32 v4;
	v16 =	vunpack.i.l.bf16.f32 v4;
	v11 =	vunpack.i.u.bf16.f32 v5  }
0x66: {  	v32 =	vld.idx.msk [tilespmem:v7+s18+$0x0], $0xffff;
	v12 =	vunpack.i.l.bf16.f32 v5;
	v5 =	vunpack.i.u.bf16.f32 v13;
	v34 =	vunpack.i.l.bf16.f32 v13  }
0x67: {  	v30 =	vld.idx.msk [tilespmem:v8+s18+$0x0], $0xffff;
	v42 =	vunpack.i.u.bf16.f32 v14;
	v44 =	vunpack.i.l.bf16.f32 v14;
	v35 =	vunpack.i.u.bf16.f32 v17  }
0x68: {  	v2 =	vld [tilespmem:s13+$0xFFFFFE00];
	v18 =	vunpack.i.l.bf16.f32 v17;
	v17 =	vunpack.i.u.bf16.f32 v23;
	v13 =	vunpack.i.u.bf16.f32 v21  }
0x69: {  	v3 =	vld [tilespmem:s13+$0xFFFFFE10];
	v14 =	vunpack.i.l.bf16.f32 v21;
	v23 =	vunpack.i.l.bf16.f32 v23;
	v47 =	vunpack.i.u.bf16.f32 v24  }
0x6a: {  	v4 =	vld [tilespmem:s13+$0xFFFFFE20];
	v48 =	vunpack.i.l.bf16.f32 v24;
	v40 =	vunpack.i.u.bf16.f32 v25;
	v41 =	vunpack.i.l.bf16.f32 v25  }
0x6b: {  	v27 =	vunpack.i.u.bf16.f32 v26;
	v21 =	vunpack.i.u.bf16.f32 v36;
	v39 =	vmul.f32 v34, v32  }
0x6c: {  	v43 =	vunpack.i.l.bf16.f32 v36;
	v62 =	vmul.f32 v5, v32;
	v36 =	vmul.f32 v44, v32  }
0x6d: {  	v33 =	vunpack.i.l.bf16.f32 v26;
	v38 =	vmul.f32 v17, v30;
	v49 =	vmul.f32 v48, v30  }
0x6e: {  	v24 =	vunpack.i.u.bf16.f32 v2;
	v2 =	vunpack.i.l.bf16.f32 v2;
	v25 =	vunpack.i.u.bf16.f32 v3  }
0x6f: {  	v31 =	vld.idx.msk [tilespmem:v6+s18+$0x0], $0xffff;
	v26 =	vunpack.i.l.bf16.f32 v3;
	v45 =	vunpack.i.u.bf16.f32 v4;
	v3 =	vmul.f32 v2, v22  }
0x70: {  	v46 =	vunpack.i.l.bf16.f32 v4;
	v37 =	vmul.f32 v24, v22;
	v2 =	vadd.f32 v2, v10  }
0x71: {  	v24 =	vadd.f32 v24, v10;
	v63 =	vmul.f32 v26, v22;
	v3 =	vadd.f32 v3, v10  }
0x72: {  	v4 =	vmul.f32 v23, v30;
	v37 =	vadd.f32 v37, v10;
	v2 =	vadd.f32 v23, v2  }
0x73: {  	v51 =	vmul.f32 v47, v30;
	v17 =	vadd.f32 v17, v24;
	v50 =	vadd.f32 v63, v10  }
0x74: {  	v23 =	vmul.f32 v29, v31;
	v3 =	vadd.f32 v4, v3;
	v4 =	vadd.f32 v38, v37  }
0x75: {  	v24 =	vmul.f32 v28, v31;
	v34 =	vadd.f32 v34, v2;
	v5 =	vadd.f32 v5, v17  }
0x76: {  	v17 =	vmul.f32 v25, v22;
	v38 =	vadd.f32 v26, v10;
	v3 =	vadd.f32 v39, v3  }
0x77: {  	v26 =	vimm.f32 $0.0e+00;
	v4 =	vadd.f32 v62, v4;
	v5 =	vadd.f32 v28, v5  }
0x78: {  	v37 =	vadd.f32 v17, v10;
	v39 =	vadd.f32 v25, v10;
	v25 =	vimm.f32 $0.0e+00  }
0x79: {  	v17 =	vimm.f32 $0.0e+00;
	v28 =	vimm.f32 $0.0e+00;
	v0 =	vadd.f32 v23, v3  }
0x7a: {  	v3 =	vadd.f32 v24, v4;
	v4 =	vadd.f32 v29, v34;
	v34 =	vimm.f32 $0.0e+00  }
0x7b: {  	s11 =	simm.s32 $0x4;
	v23 =	vimm.f32 $0.0e+00;
	v24 =	vimm.f32 $0.0e+00;
	v29 =	vimm.f32 $0.0e+00  }
.LBB2_3:
0x7c: {  	p1 =	slt.u32 s11, $0x64;
	v49 =	vadd.f32 v49, v50;
	v37 =	vadd.f32 v51, v37;
	v50 =	vmul.f32 v42, v32  }
0x7d: {  	v38 =	vadd.f32 v48, v38;
	v39 =	vadd.f32 v47, v39;
	v47 =	vmul.f32 v20, v31  }
0x7e: {  	v48 =	vmul.f32 v19, v31;
	v36 =	vadd.f32 v36, v49;
	v37 =	vadd.f32 v50, v37  }
0x7f: {  	v49 =	vmul.f32 v46, v22;
	v38 =	vadd.f32 v44, v38;
	v39 =	vadd.f32 v42, v39  }
0x80: {  	v42 =	vmul.f32 v45, v22;
	v36 =	vadd.f32 v47, v36;
	v37 =	vadd.f32 v48, v37  }
0x81: {  	v44 =	vmul.f32 v41, v30;
	v38 =	vadd.f32 v20, v38;
	v39 =	vadd.f32 v19, v39  }
0x82: {  	v19 =	vadd.f32 v49, v25;
	v20 =	vadd.f32 v42, v34;
	v25 =	vmul.f32 v40, v30  }
0x83: {  	v23 =	vadd.f32 v46, v23;
	v24 =	vadd.f32 v45, v24;
	v34 =	vmul.f32 v18, v32  }
0x84: {  	v19 =	vadd.f32 v44, v19;
	v20 =	vadd.f32 v25, v20;
	v25 =	vmul.f32 v35, v32  }
0x85: {  	v23 =	vadd.f32 v41, v23;
	v24 =	vadd.f32 v40, v24;
	v40 =	vmul.f32 v16, v31  }
0x86: {  	v19 =	vadd.f32 v34, v19;
	v20 =	vadd.f32 v25, v20;
	v34 =	vmul.f32 v15, v31  }
0x87: {  	v41 =	vmul.f32 v43, v22;
	v24 =	vadd.f32 v35, v24;
	v18 =	vadd.f32 v18, v23  }
0x88: {  	v22 =	vmul.f32 v21, v22;
	v25 =	vadd.f32 v40, v19;
	v34 =	vadd.f32 v34, v20  }
0x89: {  	v24 =	vadd.f32 v15, v24;
	v23 =	vadd.f32 v16, v18;
	v19 =	vmul.f32 v33, v30  }
0x8a: {  	v16 =	vadd.f32 v22, v26;
	v15 =	vadd.f32 v41, v17;
	v17 =	vmul.f32 v27, v30  }
0x8b: {  	v18 =	vadd.f32 v43, v28;
	v20 =	vadd.f32 v21, v29;
	v21 =	vmul.f32 v14, v32  }
0x8c: {  	s13 =	sadd.s32 $0x400, s13;
	v16 =	vadd.f32 v17, v16;
	v17 =	vmul.f32 v13, v32;
	v15 =	vadd.f32 v19, v15  }
0x8d: {  	v22 =	vmul.f32 v12, v31;
	v18 =	vadd.f32 v33, v18;
	v20 =	vadd.f32 v27, v20;
	v19 =	vld [tilespmem:s13+$0x100]  }
0x8e: {  	v16 =	vadd.f32 v17, v16;
	v15 =	vadd.f32 v21, v15;
	v21 =	vmul.f32 v11, v31;
	v27 =	vld [tilespmem:s13+$0x110]  }
0x8f: {  	v14 =	vadd.f32 v14, v18;
	v13 =	vadd.f32 v13, v20;
	v30 =	vld [tilespmem:s13+$0x120]  }
0x90: {  	v17 =	vadd.f32 v22, v15;
	v26 =	vadd.f32 v21, v16;
	v18 =	vld [tilespmem:s13+$0x130]  }
0x91: {  	s15 =	sadd.s32 $0x2, s11;
	s30 =	sadd.s32 $0x3, s11;
	s14 =	simm.s32 $0x240;
	v28 =	vadd.f32 v12, v14;
	v15 =	vmov s11;
	v29 =	vadd.f32 v11, v13;
	v21 =	vld [tilespmem:s13+$0x0]  }
0x92: {  	s31 =	sadd.s32 $0x1, s11;
	v12 =	vmov s15;
	v14 =	vmov s30;
	v11 =	vand.u32 $0x4, v15;
	v13 =	vld [tilespmem:s13+$0x10]  }
0x93: {  	v20 =	vand.u32 $0x7, v14;
	v16 =	vmov s31;
	v15 =	vand.u32 $0x78, v15;
	v31 =	vld [tilespmem:s13+$0x20]  }
0x94: {  	v14 =	vand.u32 $0x78, v14;
	v22 =	vand.u32 $0x78, v12;
	v12 =	vand.u32 $0x6, v12;
	v32 =	vld [tilespmem:s13+$0x30]  }
0x95: {  	v33 =	vand.u32 $0x78, v16;
	v16 =	vand.u32 $0x5, v16;
	v15 =	vadd.s32 v1, v15;
	v40 =	vld [tilespmem:s13+$0xFFFFFF00]  }
0x96: {  	v14 =	vadd.s32 v1, v14;
	v22 =	vadd.s32 v1, v22;
	v33 =	vadd.s32 v1, v33;
	v41 =	vld [tilespmem:s13+$0xFFFFFF10]  }
0x97: {  	v46 =	vor.u32 v20, v14;
	v45 =	vor.u32 v12, v22;
	v35 =	vor.u32 v11, v15;
	v43 =	vld [tilespmem:s13+$0xFFFFFF20]  }
0x98: {  	v14 =	vor.u32 v16, v33;
	v50 =	vunpack.i.u.bf16.f32 v19;
	v51 =	vunpack.i.l.bf16.f32 v19;
	v33 =	vld [tilespmem:s13+$0xFFFFFF30]  }
0x99: {  	v19 =	vunpack.i.u.bf16.f32 v27;
	v20 =	vunpack.i.l.bf16.f32 v27;
	v15 =	vunpack.i.u.bf16.f32 v30;
	v49 =	vld [tilespmem:s13+$0xFFFFFE00]  }
0x9a: {  	v16 =	vunpack.i.l.bf16.f32 v30;
	v11 =	vunpack.i.u.bf16.f32 v18;
	v12 =	vunpack.i.l.bf16.f32 v18;
	v52 =	vld [tilespmem:s13+$0xFFFFFE10]  }
0x9b: {  	v54 =	vunpack.i.u.bf16.f32 v21;
	v55 =	vunpack.i.l.bf16.f32 v21;
	v42 =	vunpack.i.u.bf16.f32 v13;
	v53 =	vld [tilespmem:s13+$0xFFFFFE20]  }
0x9c: {  	v44 =	vunpack.i.l.bf16.f32 v13;
	v18 =	vunpack.i.l.bf16.f32 v31;
	v22 =	vld.idx.msk [tilespmem:v35+s18+$0x0], $0xffff;
	v35 =	vunpack.i.u.bf16.f32 v31  }
0x9d: {  	v13 =	vunpack.i.u.bf16.f32 v32;
	v56 =	vunpack.i.u.bf16.f32 v40;
	v30 =	vld.idx.msk [tilespmem:v14+s18+$0x0], $0xffff;
	v14 =	vunpack.i.l.bf16.f32 v32  }
0x9e: {  	v58 =	vunpack.i.l.bf16.f32 v40;
	v47 =	vunpack.i.u.bf16.f32 v41;
	v48 =	vunpack.i.l.bf16.f32 v41;
	v57 =	vld [tilespmem:s13+$0xFFFFFE30]  }
0x9f: {  	v40 =	vunpack.i.u.bf16.f32 v43;
	v41 =	vunpack.i.l.bf16.f32 v43;
	v27 =	vunpack.i.u.bf16.f32 v33;
	v32 =	vld.idx.msk [tilespmem:v45+s18+$0x0], $0xffff  }
0xa0: {  	v33 =	vunpack.i.l.bf16.f32 v33;
	v59 =	vunpack.i.u.bf16.f32 v49;
	v49 =	vunpack.i.l.bf16.f32 v49  }
0xa1: {  	v60 =	vunpack.i.u.bf16.f32 v52;
	v52 =	vunpack.i.l.bf16.f32 v52;
	v45 =	vunpack.i.u.bf16.f32 v53;
	v31 =	vld.idx.msk [tilespmem:v46+s18+$0x0], $0xffff  }
0xa2: {  	v61 =	vmul.f32 v49, v22;
	v62 =	vmul.f32 v59, v22;
	v46 =	vunpack.i.l.bf16.f32 v53  }
0xa3: {  	v53 =	vmul.f32 v58, v30;
	v21 =	vunpack.i.u.bf16.f32 v57;
	v43 =	vunpack.i.l.bf16.f32 v57  }
0xa4: {  	v2 =	vadd.f32 v61, v0;
	v3 =	vadd.f32 v62, v3;
	v57 =	vmul.f32 v56, v30  }
0xa5: {  	v4 =	vadd.f32 v49, v4;
	v5 =	vadd.f32 v59, v5;
	v49 =	vmul.f32 v55, v32  }
0xa6: {  	v2 =	vadd.f32 v53, v2;
	v3 =	vadd.f32 v57, v3;
	v53 =	vmul.f32 v54, v32  }
0xa7: {  	v4 =	vadd.f32 v58, v4;
	v5 =	vadd.f32 v56, v5;
	v56 =	vmul.f32 v51, v31  }
0xa8: {  	v2 =	vadd.f32 v49, v2;
	v3 =	vadd.f32 v53, v3;
	v49 =	vmul.f32 v50, v31  }
.Ltmp2:
0xa9: {  	v4 =	vadd.f32 v55, v4;
	v5 =	vadd.f32 v54, v5;
	v53 =	vmul.f32 v52, v22;
	(pc) =	sbr.rel @p1 .LBB2_3-.Ltmp2, $4  }
0xaa: {  	v54 =	vmul.f32 v60, v22;
	v0 =	vadd.f32 v56, v2;
	v3 =	vadd.f32 v49, v3  }
0xab: {  	v4 =	vadd.f32 v51, v4;
	v5 =	vadd.f32 v50, v5;
	v49 =	vmul.f32 v48, v30  }
0xac: {  	v51 =	vmul.f32 v47, v30;
	v37 =	vadd.f32 v54, v37;
	v50 =	vadd.f32 v53, v36  }
0xad: {  	s11 =	sadd.s32 $0x4, s11;
	v38 =	vadd.f32 v52, v38;
	v39 =	vadd.f32 v60, v39;
	v36 =	vmul.f32 v44, v32  }
0xae: {  	v49 =	vadd.f32 v49, v50  }
0xaf: {  	v37 =	vadd.f32 v51, v37  }
0xb0: {  	v61 =	vmul.f32 v42, v32;
	v62 =	vmul.f32 v20, v31;
	v36 =	vadd.f32 v36, v49  }
0xb1: {  	v38 =	vadd.f32 v48, v38  }
0xb2: {  	[tilespmem:$0x1FF20] =	vst v0;
	v63 =	vmul.f32 v19, v31;
	v37 =	vadd.f32 v61, v37;
	v0 =	vadd.f32 v62, v36  }
0xb3: {  	v39 =	vadd.f32 v47, v39  }
0xb4: {  	v38 =	vadd.f32 v44, v38;
	[tilespmem:$0x1FF30] =	vst v0;
	v0 =	vadd.f32 v63, v37;
	_ =	sdelay $0x1  }
0xb5: {  	v52 =	vmul.f32 v46, v22;
	v39 =	vadd.f32 v42, v39;
	[tilespmem:$0x1FF40] =	vst v0;
	v0 =	vadd.f32 v20, v38  }
0xb6: {  	v53 =	vmul.f32 v45, v22  }
0xb7: {  	v54 =	vmul.f32 v41, v30;
	[tilespmem:$0x1FF50] =	vst v0;
	v0 =	vadd.f32 v19, v39;
	v19 =	vadd.f32 v52, v25  }
0xb8: {  	v55 =	vmul.f32 v18, v32  }
0xb9: {  	v20 =	vadd.f32 v53, v34;
	v25 =	vmul.f32 v40, v30;
	v19 =	vadd.f32 v54, v19  }
0xba: {  	v23 =	vadd.f32 v46, v23;
	v24 =	vadd.f32 v45, v24;
	v56 =	vmul.f32 v16, v31  }
0xbb: {  	v20 =	vadd.f32 v25, v20;
	v25 =	vmul.f32 v35, v32;
	v19 =	vadd.f32 v55, v19  }
0xbc: {  	v23 =	vadd.f32 v41, v23;
	v24 =	vadd.f32 v40, v24  }
0xbd: {  	[tilespmem:$0x1FF60] =	vst v0;
	v20 =	vadd.f32 v25, v20;
	v25 =	vmul.f32 v15, v31;
	v0 =	vadd.f32 v56, v19  }
0xbe: {  	v18 =	vadd.f32 v18, v23  }
0xbf: {  	v23 =	vadd.f32 v35, v24;
	v24 =	vld [tilespmem:s14+$0x100];
	[tilespmem:$0x1FF70] =	vst v0;
	v0 =	vadd.f32 v25, v20;
	_ =	sdelay $0x1  }
0xc0: {  	[tilespmem:$0x1FF80] =	vst v0;
	v0 =	vadd.f32 v16, v18  }
0xc1: {  	v57 =	vmul.f32 v43, v22  }
0xc2: {  	v22 =	vmul.f32 v21, v22;
	v20 =	vld [tilespmem:s14+$0x110];
	[tilespmem:$0x1FF90] =	vst v0;
	v0 =	vadd.f32 v15, v23  }
0xc3: {  	v19 =	vmul.f32 v33, v30;
	v15 =	vadd.f32 v57, v17  }
0xc4: {  	v18 =	vmul.f32 v27, v30;
	v17 =	vadd.f32 v22, v26;
	[tilespmem:$0x1FFA0] =	vst v0  }
0xc5: {  	v25 =	vmul.f32 v14, v32;
	v23 =	vadd.f32 v43, v28;
	v15 =	vadd.f32 v19, v15;
	v16 =	vld [tilespmem:s14+$0x120]  }
0xc6: {  	v21 =	vadd.f32 v21, v29;
	v17 =	vadd.f32 v18, v17;
	v18 =	vmul.f32 v13, v32;
	v22 =	vld [tilespmem:s14+$0x130]  }
0xc7: {  	v19 =	vadd.f32 v33, v23;
	v23 =	vmul.f32 v12, v31;
	v26 =	vld [tilespmem:s14+$0x0];
	v15 =	vadd.f32 v25, v15  }
0xc8: {  	v21 =	vadd.f32 v27, v21;
	v28 =	vld [tilespmem:s14+$0x10]  }
0xc9: {  	v27 =	vld [tilespmem:s14+$0x20];
	v17 =	vadd.f32 v18, v17;
	v18 =	vmul.f32 v11, v31;
	v0 =	vadd.f32 v23, v15  }
0xca: {  	v13 =	vadd.f32 v13, v21;
	v21 =	vld [tilespmem:s14+$0xFFFFFF00]  }
0xcb: {  	v25 =	vld [tilespmem:s14+$0x30];
	v14 =	vadd.f32 v14, v19;
	[tilespmem:$0x1FFB0] =	vst v0;
	v0 =	vadd.f32 v18, v17;
	_ =	sdelay $0x1  }
0xcc: {  	[tilespmem:$0x1FFC0] =	vst v0;
	v0 =	vadd.f32 v12, v14;
	_ =	sdelay $0x1  }
0xcd: {  	v17 =	vld [tilespmem:s14+$0xFFFFFF10];
	[tilespmem:$0x1FFD0] =	vst v0;
	v0 =	vadd.f32 v11, v13;
	_ =	sdelay $0x1  }
0xce: {  	[tilespmem:$0x1FFE0] =	vst v0  }
0xcf: {  	v23 =	vld [tilespmem:s14+$0xFFFFFF20]  }
0xd0: {  	v41 =	vimm.f32 $0.0e+00;
	v42 =	vimm.f32 $0.0e+00;
	v58 =	vunpack.i.l.bf16.f32 v24;
	v29 =	vld [tilespmem:s14+$0xFFFFFF30]  }
0xd1: {  	v30 =	vunpack.i.u.bf16.f32 v24;
	v33 =	vimm.f32 $0.0e+00;
	v19 =	vunpack.i.u.bf16.f32 v20;
	v59 =	vld [tilespmem:s14+$0xFFFFFE00]  }
0xd2: {  	v20 =	vunpack.i.l.bf16.f32 v20;
	v15 =	vunpack.i.u.bf16.f32 v16;
	v16 =	vunpack.i.l.bf16.f32 v16;
	v60 =	vld [tilespmem:s14+$0xFFFFFE10]  }
0xd3: {  	v46 =	vunpack.i.u.bf16.f32 v28;
	v36 =	vunpack.i.l.bf16.f32 v28;
	v44 =	vunpack.i.u.bf16.f32 v27;
	v61 =	vld [tilespmem:s14+$0xFFFFFE20]  }
0xd4: {  	v18 =	vunpack.i.l.bf16.f32 v27;
	v12 =	vunpack.i.l.bf16.f32 v22;
	v14 =	vunpack.i.l.bf16.f32 v25;
	v32 =	vld.idx.msk [tilespmem:v9+s18+$0x0], $0xffff  }
0xd5: {  	v11 =	vunpack.i.u.bf16.f32 v22;
	v22 =	vunpack.i.u.bf16.f32 v26;
	v26 =	vunpack.i.l.bf16.f32 v26;
	v27 =	vld [tilespmem:s14+$0xFFFFFE30]  }
0xd6: {  	v13 =	vunpack.i.u.bf16.f32 v25;
	v9 =	vunpack.i.u.bf16.f32 v21;
	v21 =	vunpack.i.l.bf16.f32 v21;
	v34 =	vld.idx.msk [tilespmem:v8+s18+$0x0], $0xffff  }
0xd7: {  	v39 =	vunpack.i.u.bf16.f32 v17;
	v47 =	vunpack.i.l.bf16.f32 v17;
	v24 =	vunpack.i.u.bf16.f32 v23  }
0xd8: {  	v40 =	vld.idx.msk [tilespmem:v7+s18+$0x0], $0xffff;
	v25 =	vunpack.i.l.bf16.f32 v23;
	v31 =	vunpack.i.u.bf16.f32 v29;
	v8 =	vunpack.i.u.bf16.f32 v59  }
0xd9: {  	v7 =	vunpack.i.l.bf16.f32 v59;
	v43 =	vunpack.i.l.bf16.f32 v29;
	v17 =	vunpack.i.u.bf16.f32 v60  }
0xda: {  	v28 =	vunpack.i.l.bf16.f32 v60;
	v37 =	vunpack.i.u.bf16.f32 v61;
	v45 =	vunpack.i.u.bf16.f32 v27  }
0xdb: {  	v35 =	vld.idx.msk [tilespmem:v6+s18+$0x0], $0xffff;
	v23 =	vunpack.i.l.bf16.f32 v27;
	v27 =	vmul.f32 v21, v34;
	v62 =	vmul.f32 v9, v34  }
0xdc: {  	v38 =	vunpack.i.l.bf16.f32 v61;
	v29 =	vmul.f32 v7, v32;
	v6 =	vmul.f32 v8, v32  }
0xdd: {  	v63 =	vmul.f32 v26, v40;
	v7 =	vadd.f32 v7, v10;
	v8 =	vadd.f32 v8, v10  }
0xde: {  	v48 =	vmul.f32 v47, v34;
	v29 =	vadd.f32 v29, v10;
	v6 =	vadd.f32 v6, v10  }
0xdf: {  	v50 =	vmul.f32 v39, v34;
	v7 =	vadd.f32 v21, v7;
	v8 =	vadd.f32 v9, v8  }
0xe0: {  	v9 =	vmul.f32 v58, v35;
	v27 =	vadd.f32 v27, v29;
	v6 =	vadd.f32 v62, v6  }
0xe1: {  	v29 =	vmul.f32 v22, v40;
	v7 =	vadd.f32 v26, v7;
	v22 =	vadd.f32 v22, v8  }
0xe2: {  	v26 =	vmul.f32 v28, v32;
	v28 =	vadd.f32 v28, v10;
	v21 =	vadd.f32 v63, v27  }
0xe3: {  	v27 =	vadd.f32 v29, v6;
	v29 =	vmul.f32 v30, v35;
	v2 =	vadd.f32 v58, v7  }
0xe4: {  	v49 =	vadd.f32 v26, v10;
	v0 =	vadd.f32 v9, v21;
	v21 =	vmul.f32 v17, v32  }
0xe5: {  	v26 =	vimm.f32 $0.0e+00;
	v8 =	vadd.f32 v29, v27;
	v9 =	vadd.f32 v30, v22  }
0xe6: {  	v29 =	vadd.f32 v17, v10;
	v17 =	vimm.f32 $0.0e+00;
	v22 =	vadd.f32 v21, v10  }
0xe7: {  	s11 =	simm.s32 $0x4;
	v27 =	vimm.f32 $0.0e+00;
	v30 =	vimm.f32 $0.0e+00;
	v21 =	vmul.f32 v36, v40  }
.LBB2_5:
0xe8: {  	p1 =	slt.u32 s11, $0x64;
	v48 =	vadd.f32 v48, v49;
	v22 =	vadd.f32 v50, v22;
	v49 =	vmul.f32 v46, v40  }
0xe9: {  	v28 =	vadd.f32 v47, v28;
	v29 =	vadd.f32 v39, v29;
	v39 =	vmul.f32 v20, v35  }
0xea: {  	v47 =	vmul.f32 v19, v35;
	v21 =	vadd.f32 v21, v48;
	v22 =	vadd.f32 v49, v22  }
0xeb: {  	v48 =	vmul.f32 v38, v32;
	v28 =	vadd.f32 v36, v28;
	v29 =	vadd.f32 v46, v29  }
0xec: {  	v36 =	vmul.f32 v37, v32;
	v21 =	vadd.f32 v39, v21;
	v22 =	vadd.f32 v47, v22  }
0xed: {  	v39 =	vmul.f32 v25, v34;
	v28 =	vadd.f32 v20, v28;
	v29 =	vadd.f32 v19, v29  }
0xee: {  	v10 =	vadd.f32 v48, v10;
	v19 =	vadd.f32 v36, v42;
	v20 =	vmul.f32 v24, v34  }
0xef: {  	v33 =	vadd.f32 v38, v33;
	v36 =	vadd.f32 v37, v41;
	v37 =	vmul.f32 v18, v40  }
0xf0: {  	v10 =	vadd.f32 v39, v10;
	v19 =	vadd.f32 v20, v19;
	v20 =	vmul.f32 v44, v40  }
0xf1: {  	v25 =	vadd.f32 v25, v33;
	v33 =	vmul.f32 v16, v35;
	v24 =	vadd.f32 v24, v36  }
0xf2: {  	v10 =	vadd.f32 v37, v10;
	v19 =	vadd.f32 v20, v19;
	v20 =	vmul.f32 v15, v35  }
0xf3: {  	v18 =	vadd.f32 v18, v25;
	v36 =	vmul.f32 v23, v32;
	v24 =	vadd.f32 v44, v24  }
0xf4: {  	v25 =	vmul.f32 v45, v32;
	v10 =	vadd.f32 v33, v10;
	v42 =	vadd.f32 v20, v19  }
0xf5: {  	v33 =	vadd.f32 v16, v18;
	v19 =	vmul.f32 v43, v34;
	v41 =	vadd.f32 v15, v24  }
0xf6: {  	v16 =	vadd.f32 v25, v26;
	v15 =	vadd.f32 v36, v17;
	v17 =	vmul.f32 v31, v34  }
0xf7: {  	v18 =	vadd.f32 v23, v27;
	v23 =	vmul.f32 v14, v40;
	v20 =	vadd.f32 v45, v30  }
0xf8: {  	s14 =	sadd.s32 $0x400, s14;
	v15 =	vadd.f32 v19, v15;
	v16 =	vadd.f32 v17, v16;
	v17 =	vmul.f32 v13, v40  }
0xf9: {  	v24 =	vmul.f32 v12, v35;
	v18 =	vadd.f32 v43, v18;
	v20 =	vadd.f32 v31, v20;
	v19 =	vld [tilespmem:s14+$0x100]  }
0xfa: {  	v15 =	vadd.f32 v23, v15;
	v16 =	vadd.f32 v17, v16;
	v23 =	vmul.f32 v11, v35;
	v25 =	vld [tilespmem:s14+$0x110]  }
0xfb: {  	v14 =	vadd.f32 v14, v18;
	v13 =	vadd.f32 v13, v20;
	v31 =	vld [tilespmem:s14+$0x120]  }
0xfc: {  	s13 =	simm.s32 $0x280;
	v17 =	vadd.f32 v24, v15;
	v26 =	vadd.f32 v23, v16;
	v18 =	vld [tilespmem:s14+$0x130]  }
0xfd: {  	s15 =	sadd.s32 $0x2, s11;
	s30 =	sadd.s32 $0x3, s11;
	v27 =	vadd.f32 v12, v14;
	v15 =	vmov s11;
	v30 =	vadd.f32 v11, v13;
	v23 =	vld [tilespmem:s14+$0x0]  }
0xfe: {  	s31 =	sadd.s32 $0x1, s11;
	v12 =	vmov s15;
	v14 =	vmov s30;
	v11 =	vand.u32 $0x4, v15;
	v13 =	vld [tilespmem:s14+$0x10]  }
0xff: {  	v16 =	vmov s31;
	v20 =	vand.u32 $0x7, v14;
	v15 =	vand.u32 $0x78, v15;
	v24 =	vld [tilespmem:s14+$0x20]  }
0x100: {  	v32 =	vand.u32 $0x78, v12;
	v12 =	vand.u32 $0x6, v12;
	v14 =	vand.u32 $0x78, v14;
	v35 =	vld [tilespmem:s14+$0x30]  }
0x101: {  	v34 =	vand.u32 $0x78, v16;
	v16 =	vand.u32 $0x5, v16;
	v15 =	vadd.s32 v1, v15;
	v37 =	vld [tilespmem:s14+$0xFFFFFF00]  }
0x102: {  	v32 =	vadd.s32 v1, v32;
	v14 =	vadd.s32 v1, v14;
	v34 =	vadd.s32 v1, v34;
	v38 =	vld [tilespmem:s14+$0xFFFFFF10]  }
0x103: {  	v43 =	vor.u32 v12, v32;
	v45 =	vor.u32 v20, v14;
	v36 =	vor.u32 v11, v15;
	v40 =	vld [tilespmem:s14+$0xFFFFFF20]  }
0x104: {  	v14 =	vor.u32 v16, v34;
	v49 =	vunpack.i.u.bf16.f32 v19;
	v50 =	vunpack.i.l.bf16.f32 v19;
	v48 =	vld [tilespmem:s14+$0xFFFFFF30]  }
0x105: {  	v19 =	vunpack.i.u.bf16.f32 v25;
	v20 =	vunpack.i.l.bf16.f32 v25;
	v15 =	vunpack.i.u.bf16.f32 v31;
	v51 =	vld [tilespmem:s14+$0xFFFFFE00]  }
0x106: {  	v16 =	vunpack.i.l.bf16.f32 v31;
	v11 =	vunpack.i.u.bf16.f32 v18;
	v12 =	vunpack.i.l.bf16.f32 v18;
	v52 =	vld [tilespmem:s14+$0xFFFFFE10]  }
0x107: {  	v54 =	vunpack.i.u.bf16.f32 v23;
	v55 =	vunpack.i.l.bf16.f32 v23;
	v46 =	vunpack.i.u.bf16.f32 v13;
	v53 =	vld [tilespmem:s14+$0xFFFFFE20]  }
0x108: {  	v44 =	vunpack.i.u.bf16.f32 v24;
	v18 =	vunpack.i.l.bf16.f32 v24;
	v32 =	vld.idx.msk [tilespmem:v36+s18+$0x0], $0xffff;
	v36 =	vunpack.i.l.bf16.f32 v13  }
0x109: {  	v56 =	vunpack.i.u.bf16.f32 v37;
	v13 =	vunpack.i.u.bf16.f32 v35;
	v34 =	vld.idx.msk [tilespmem:v14+s18+$0x0], $0xffff;
	v14 =	vunpack.i.l.bf16.f32 v35  }
0x10a: {  	v57 =	vunpack.i.l.bf16.f32 v37;
	v39 =	vunpack.i.u.bf16.f32 v38;
	v47 =	vunpack.i.l.bf16.f32 v38;
	v23 =	vld [tilespmem:s14+$0xFFFFFE30]  }
0x10b: {  	v24 =	vunpack.i.u.bf16.f32 v40;
	v25 =	vunpack.i.l.bf16.f32 v40;
	v31 =	vunpack.i.u.bf16.f32 v48;
	v40 =	vld.idx.msk [tilespmem:v43+s18+$0x0], $0xffff  }
0x10c: {  	v58 =	vunpack.i.u.bf16.f32 v51;
	v51 =	vunpack.i.l.bf16.f32 v51;
	v43 =	vunpack.i.l.bf16.f32 v48  }
0x10d: {  	v59 =	vunpack.i.u.bf16.f32 v52;
	v52 =	vunpack.i.l.bf16.f32 v52;
	v37 =	vunpack.i.u.bf16.f32 v53;
	v35 =	vld.idx.msk [tilespmem:v45+s18+$0x0], $0xffff  }
0x10e: {  	v38 =	vunpack.i.l.bf16.f32 v53;
	v48 =	vmul.f32 v51, v32;
	v60 =	vmul.f32 v58, v32  }
0x10f: {  	v53 =	vmul.f32 v57, v34;
	v45 =	vunpack.i.u.bf16.f32 v23;
	v23 =	vunpack.i.l.bf16.f32 v23  }
0x110: {  	v6 =	vadd.f32 v48, v0;
	v8 =	vadd.f32 v60, v8;
	v48 =	vmul.f32 v56, v34  }
0x111: {  	v7 =	vadd.f32 v51, v2;
	v9 =	vadd.f32 v58, v9;
	v51 =	vmul.f32 v55, v40  }
0x112: {  	v6 =	vadd.f32 v53, v6;
	v8 =	vadd.f32 v48, v8;
	v48 =	vmul.f32 v54, v40  }
0x113: {  	v7 =	vadd.f32 v57, v7;
	v9 =	vadd.f32 v56, v9;
	v53 =	vmul.f32 v50, v35  }
0x114: {  	v6 =	vadd.f32 v51, v6;
	v8 =	vadd.f32 v48, v8;
	v48 =	vmul.f32 v49, v35  }
.Ltmp3:
0x115: {  	v7 =	vadd.f32 v55, v7;
	v9 =	vadd.f32 v54, v9;
	v51 =	vmul.f32 v52, v32;
	(pc) =	sbr.rel @p1 .LBB2_5-.Ltmp3, $4  }
0x116: {  	v54 =	vmul.f32 v59, v32;
	v0 =	vadd.f32 v53, v6;
	v8 =	vadd.f32 v48, v8  }
0x117: {  	v2 =	vadd.f32 v50, v7;
	v9 =	vadd.f32 v49, v9;
	v48 =	vmul.f32 v47, v34  }
0x118: {  	v50 =	vmul.f32 v39, v34;
	v22 =	vadd.f32 v54, v22;
	v49 =	vadd.f32 v51, v21  }
0x119: {  	s11 =	sadd.s32 $0x4, s11;
	v28 =	vadd.f32 v52, v28;
	v29 =	vadd.f32 v59, v29;
	v21 =	vmul.f32 v36, v40  }
0x11a: {  	v48 =	vadd.f32 v48, v49  }
0x11b: {  	v22 =	vadd.f32 v50, v22  }
0x11c: {  	v60 =	vmul.f32 v46, v40;
	v61 =	vmul.f32 v20, v35;
	v21 =	vadd.f32 v21, v48  }
0x11d: {  	v28 =	vadd.f32 v47, v28  }
0x11e: {  	[tilespmem:$0x1FE10] =	vst v0;
	v62 =	vmul.f32 v19, v35;
	v22 =	vadd.f32 v60, v22;
	v0 =	vadd.f32 v61, v21  }
0x11f: {  	v63 =	vmul.f32 v38, v32;
	v29 =	vadd.f32 v39, v29  }
0x120: {  	v28 =	vadd.f32 v36, v28;
	[tilespmem:$0x1FE50] =	vst v0;
	v0 =	vadd.f32 v62, v22  }
0x121: {  	v10 =	vadd.f32 v63, v10;
	v29 =	vadd.f32 v46, v29;
	v21 =	vmul.f32 v25, v34  }
0x122: {  	v51 =	vmul.f32 v37, v32;
	v22 =	vadd.f32 v38, v33;
	[tilespmem:$0x1FE60] =	vst v0;
	v0 =	vadd.f32 v20, v28  }
0x123: {  	v10 =	vadd.f32 v21, v10;
	v20 =	vmul.f32 v24, v34;
	v28 =	vadd.f32 v37, v41  }
0x124: {  	[tilespmem:$0x1FE70] =	vst v0;
	v0 =	vadd.f32 v19, v29;
	v19 =	vadd.f32 v51, v42;
	v29 =	vmul.f32 v18, v40  }
0x125: {  	v21 =	vadd.f32 v25, v22;
	v22 =	vadd.f32 v24, v28;
	v24 =	vmul.f32 v16, v35  }
0x126: {  	[tilespmem:$0x1FDE0] =	vst v9;
	v19 =	vadd.f32 v20, v19;
	v20 =	vmul.f32 v44, v40;
	v10 =	vadd.f32 v29, v10  }
0x127: {  	[tilespmem:$0x1FDF0] =	vst v8;
	v25 =	vmul.f32 v23, v32  }
0x128: {  	[tilespmem:$0x1FE80] =	vst v0;
	v19 =	vadd.f32 v20, v19;
	v20 =	vmul.f32 v15, v35;
	v0 =	vadd.f32 v24, v10  }
0x129: {  	[tilespmem:$0x1FE00] =	vst v2;
	v18 =	vadd.f32 v18, v21;
	v52 =	vadd.f32 v25, v17;
	v10 =	vmul.f32 v43, v34  }
0x12a: {  	v21 =	vadd.f32 v44, v22;
	v22 =	vmul.f32 v45, v32;
	[tilespmem:$0x1FE90] =	vst v0;
	v0 =	vadd.f32 v20, v19  }
0x12b: {  	[tilespmem:$0x1FE20] =	vst v5;
	v19 =	vadd.f32 v45, v30;
	v20 =	vmul.f32 v14, v40;
	v10 =	vadd.f32 v10, v52  }
0x12c: {  	v17 =	vmul.f32 v31, v34;
	[tilespmem:$0x1FEA0] =	vst v0;
	v0 =	vadd.f32 v16, v18;
	v16 =	vadd.f32 v22, v26  }
0x12d: {  	[tilespmem:$0x1FE30] =	vst v4;
	v18 =	vadd.f32 v23, v27;
	v10 =	vadd.f32 v20, v10  }
0x12e: {  	[tilespmem:$0x1FEB0] =	vst v0;
	v0 =	vadd.f32 v15, v21;
	v53 =	vadd.f32 v17, v16;
	v16 =	vmul.f32 v13, v40  }
0x12f: {  	[tilespmem:$0x1FE40] =	vst v3;
	v17 =	vadd.f32 v43, v18;
	v18 =	vadd.f32 v31, v19;
	v19 =	vmul.f32 v12, v35  }
0x130: {  	[tilespmem:$0x1FEC0] =	vst v0  }
0x131: {  	v15 =	vadd.f32 v16, v53;
	v16 =	vmul.f32 v11, v35;
	v0 =	vadd.f32 v19, v10;
	v21 =	vld [tilespmem:s13+$0x100]  }
0x132: {  	v54 =	vadd.f32 v14, v17;
	v20 =	vld [tilespmem:s13+$0x110]  }
0x133: {  	v55 =	vadd.f32 v13, v18;
	v18 =	vld [tilespmem:s13+$0x120];
	[tilespmem:$0x1FED0] =	vst v0;
	v0 =	vadd.f32 v16, v15;
	_ =	sdelay $0x1  }
0x134: {  	[tilespmem:$0x1FEE0] =	vst v0;
	v0 =	vadd.f32 v12, v54  }
0x135: {  	s11 =	simm.s32 $0x0;
	s15 =	simm.s32 $0x1;
	v49 =	vimm.f32 $0.0e+00;
	v50 =	vimm.f32 $0.0e+00  }
0x136: {  	s31 =	simm.s32 $0x2;
	s14 =	simm.s32 $0x3;
	v56 =	vmov s11;
	v59 =	vmov s15;
	v10 =	vld [tilespmem:s13+$0x130];
	[tilespmem:$0x1FEF0] =	vst v0;
	v0 =	vadd.f32 v11, v55  }
0x137: {  	v57 =	vmov s31;
	v58 =	vmov s14;
	v25 =	vand.u32 $0x5, v59  }
0x138: {  	v51 =	vimm.f32 $0.0e+00;
	v26 =	vimm.f32 $0.0e+00;
	v17 =	vand.u32 $0x78, v57;
	v22 =	vld [tilespmem:s13+$0x0];
	[tilespmem:$0x1FF00] =	vst v0  }
0x139: {  	v13 =	vand.u32 $0x6, v57;
	v14 =	vand.u32 $0x78, v58;
	v19 =	vand.u32 $0x78, v59;
	v23 =	vld [tilespmem:s13+$0x10]  }
0x13a: {  	v19 =	vadd.s32 v1, v19;
	v62 =	vadd.s32 v1, v17;
	v14 =	vadd.s32 v1, v14;
	v24 =	vld [tilespmem:s13+$0x20]  }
0x13b: {  	v16 =	vand.u32 $0x7, v58;
	v2 =	vor.u32 v13, v62;
	v12 =	vand.u32 $0x78, v56;
	v28 =	vld [tilespmem:s13+$0x30]  }
0x13c: {  	v3 =	vor.u32 v25, v19;
	v12 =	vadd.s32 v1, v12;
	v11 =	vand.u32 $0x4, v56;
	v60 =	vld [tilespmem:s13+$0xFFFFFF00]  }
0x13d: {  	v13 =	vunpack.i.u.bf16.f32 v21;
	v38 =	vunpack.i.l.bf16.f32 v21;
	v19 =	vunpack.i.u.bf16.f32 v20;
	v61 =	vld [tilespmem:s13+$0xFFFFFF10]  }
0x13e: {  	v20 =	vunpack.i.l.bf16.f32 v20;
	v35 =	vunpack.i.u.bf16.f32 v18;
	v4 =	vor.u32 v11, v12;
	v11 =	vld [tilespmem:s13+$0xFFFFFF20]  }
0x13f: {  	v42 =	vunpack.i.l.bf16.f32 v18;
	v0 =	vor.u32 v16, v14;
	v63 =	vld [tilespmem:s13+$0xFFFFFF30];
	v27 =	vunpack.i.u.bf16.f32 v10  }
0x140: {  	v21 =	vld [tilespmem:s13+$0xFFFFFE00];
	v30 =	vunpack.i.l.bf16.f32 v10;
	v40 =	vunpack.i.u.bf16.f32 v22;
	v22 =	vunpack.i.l.bf16.f32 v22  }
0x141: {  	v15 =	vld [tilespmem:s13+$0xFFFFFE10];
	v25 =	vunpack.i.u.bf16.f32 v23;
	v29 =	vunpack.i.l.bf16.f32 v23;
	v59 =	vunpack.i.u.bf16.f32 v24  }
0x142: {  	v10 =	vld [tilespmem:s13+$0xFFFFFE20];
	v18 =	vunpack.i.l.bf16.f32 v24;
	v41 =	vunpack.i.u.bf16.f32 v60;
	v31 =	vunpack.i.u.bf16.f32 v28  }
0x143: {  	v48 =	vld.idx.msk [tilespmem:v4+s18+$0x0], $0xffff;
	[tilespmem:$0x1FF10] =	vst v3;
	v34 =	vunpack.i.l.bf16.f32 v28;
	v60 =	vunpack.i.l.bf16.f32 v60;
	v36 =	vunpack.i.u.bf16.f32 v61  }
0x144: {  	v52 =	vld.idx.msk [tilespmem:v3+s18+$0x0], $0xffff;
	v37 =	vunpack.i.l.bf16.f32 v61;
	v23 =	vunpack.i.u.bf16.f32 v11;
	v24 =	vunpack.i.l.bf16.f32 v11  }
0x145: {  	v54 =	vld.idx.msk [tilespmem:v2+s18+$0x0], $0xffff;
	v47 =	vunpack.i.u.bf16.f32 v63;
	v11 =	vunpack.i.u.bf16.f32 v21;
	v61 =	vunpack.i.l.bf16.f32 v21  }
0x146: {  	v53 =	vld.idx.msk [tilespmem:v0+s18+$0x0], $0xffff;
	v55 =	vunpack.i.l.bf16.f32 v63;
	v45 =	vunpack.i.u.bf16.f32 v15;
	v46 =	vunpack.i.l.bf16.f32 v15  }
0x147: {  	v28 =	vld [tilespmem:s13+$0xFFFFFE30];
	v32 =	vunpack.i.u.bf16.f32 v10;
	v33 =	vunpack.i.l.bf16.f32 v10;
	v44 =	vadd.f32 v61, v26  }
0x148: {  	v62 =	vmul.f32 v61, v48;
	v63 =	vmul.f32 v11, v48;
	v11 =	vadd.f32 v11, v26  }
0x149: {  	v43 =	vadd.f32 v60, v44;
	v10 =	vmul.f32 v60, v52;
	v15 =	vmul.f32 v41, v52  }
0x14a: {  	v44 =	vadd.f32 v45, v26;
	v56 =	vmul.f32 v22, v54;
	v58 =	vmul.f32 v40, v54  }
0x14b: {  	v60 =	vmul.f32 v38, v53;
	v61 =	vmul.f32 v13, v53;
	v12 =	vadd.f32 v62, v26  }
0x14c: {  	v21 =	vunpack.i.u.bf16.f32 v28;
	v39 =	vadd.f32 v63, v26;
	v11 =	vadd.f32 v41, v11  }
0x14d: {  	v62 =	vmul.f32 v46, v48;
	v22 =	vadd.f32 v22, v43;
	v63 =	vmul.f32 v45, v48  }
0x14e: {  	v28 =	vunpack.i.l.bf16.f32 v28;
	v41 =	vadd.f32 v46, v26;
	v10 =	vadd.f32 v10, v12  }
0x14f: {  	v43 =	vimm.f32 $0.0e+00;
	v57 =	vadd.f32 v15, v39;
	v40 =	vadd.f32 v40, v11  }
0x150: {  	v46 =	vimm.f32 $0.0e+00;
	v5 =	vadd.f32 v38, v22;
	v39 =	vadd.f32 v62, v26  }
0x151: {  	v38 =	vmul.f32 v37, v52;
	v10 =	vadd.f32 v56, v10;
	v12 =	vadd.f32 v58, v57  }
0x152: {  	v22 =	vmul.f32 v29, v54;
	v6 =	vadd.f32 v13, v40;
	v40 =	vadd.f32 v63, v26  }
0x153: {  	v7 =	vmovc v4;
	v57 =	vimm.f32 $0.0e+00;
	v4 =	vadd.f32 v61, v12;
	v61 =	vmul.f32 v36, v52  }
0x154: {  	s11 =	simm.s32 $0x4;
	v8 =	vmovc v2;
	v9 =	vmovc v0;
	v58 =	vimm.f32 $0.0e+00;
	v56 =	vimm.f32 $0.0e+00;
	v3 =	vadd.f32 v60, v10  }
.LBB2_7:
0x155: {  	p1 =	slt.u32 s11, $0x64;
	v38 =	vadd.f32 v38, v39;
	v39 =	vadd.f32 v61, v40;
	v40 =	vmul.f32 v25, v54  }
0x156: {  	v37 =	vadd.f32 v37, v41;
	v36 =	vadd.f32 v36, v44;
	v41 =	vmul.f32 v20, v53  }
0x157: {  	v22 =	vadd.f32 v22, v38;
	v38 =	vadd.f32 v40, v39;
	v39 =	vmul.f32 v19, v53  }
0x158: {  	v40 =	vmul.f32 v33, v48;
	v29 =	vadd.f32 v29, v37;
	v25 =	vadd.f32 v25, v36  }
0x159: {  	v36 =	vmul.f32 v32, v48;
	v22 =	vadd.f32 v41, v22;
	v44 =	vadd.f32 v39, v38  }
0x15a: {  	v37 =	vmul.f32 v24, v52;
	v45 =	vadd.f32 v20, v29;
	v60 =	vadd.f32 v19, v25  }
0x15b: {  	v19 =	vadd.f32 v40, v57;
	v20 =	vadd.f32 v36, v58;
	v25 =	vmul.f32 v23, v52  }
0x15c: {  	v32 =	vadd.f32 v32, v56;
	v29 =	vadd.f32 v33, v49;
	v33 =	vmul.f32 v18, v54  }
0x15d: {  	v19 =	vadd.f32 v37, v19;
	v20 =	vadd.f32 v25, v20;
	v25 =	vmul.f32 v59, v54  }
0x15e: {  	v23 =	vadd.f32 v23, v32;
	v24 =	vadd.f32 v24, v29;
	v29 =	vmul.f32 v42, v53  }
0x15f: {  	v19 =	vadd.f32 v33, v19;
	v20 =	vadd.f32 v25, v20;
	v25 =	vmul.f32 v35, v53  }
0x160: {  	v32 =	vmul.f32 v28, v48;
	v23 =	vadd.f32 v59, v23;
	v18 =	vadd.f32 v18, v24  }
0x161: {  	v24 =	vmul.f32 v21, v48;
	v57 =	vadd.f32 v29, v19;
	v58 =	vadd.f32 v25, v20  }
0x162: {  	v56 =	vadd.f32 v35, v23;
	v19 =	vmul.f32 v55, v52;
	v49 =	vadd.f32 v42, v18  }
0x163: {  	v23 =	vmul.f32 v47, v52;
	v18 =	vadd.f32 v32, v43;
	v20 =	vadd.f32 v24, v46  }
0x164: {  	v21 =	vadd.f32 v21, v51;
	v24 =	vadd.f32 v28, v50;
	v25 =	vmul.f32 v34, v54  }
0x165: {  	s13 =	sadd.s32 $0x400, s13;
	v18 =	vadd.f32 v19, v18;
	v19 =	vadd.f32 v23, v20;
	v20 =	vmul.f32 v31, v54  }
0x166: {  	v21 =	vadd.f32 v47, v21;
	v28 =	vmul.f32 v30, v53;
	v24 =	vadd.f32 v55, v24;
	v23 =	vld [tilespmem:s13+$0x100]  }
0x167: {  	v18 =	vadd.f32 v25, v18;
	v19 =	vadd.f32 v20, v19;
	v20 =	vmul.f32 v27, v53;
	v29 =	vld [tilespmem:s13+$0x110]  }
0x168: {  	v21 =	vadd.f32 v31, v21;
	v24 =	vadd.f32 v34, v24;
	v25 =	vld [tilespmem:s13+$0x120]  }
0x169: {  	v43 =	vadd.f32 v28, v18;
	v46 =	vadd.f32 v20, v19;
	v31 =	vld [tilespmem:s13+$0x130]  }
0x16a: {  	s15 =	sadd.s32 $0x2, s11;
	s30 =	sadd.s32 $0x3, s11;
	s14 =	simm.s32 $0x2C0;
	v51 =	vadd.f32 v27, v21;
	v18 =	vmov s11;
	v50 =	vadd.f32 v30, v24;
	v28 =	vld [tilespmem:s13+$0x0]  }
0x16b: {  	s31 =	sadd.s32 $0x1, s11;
	v20 =	vmov s15;
	v24 =	vmov s30;
	v19 =	vand.u32 $0x4, v18;
	v21 =	vld [tilespmem:s13+$0x10]  }
0x16c: {  	v27 =	vmov s31;
	v18 =	vand.u32 $0x78, v18;
	v30 =	vand.u32 $0x7, v24;
	v32 =	vld [tilespmem:s13+$0x20]  }
0x16d: {  	v33 =	vand.u32 $0x78, v20;
	v20 =	vand.u32 $0x6, v20;
	v24 =	vand.u32 $0x78, v24;
	v34 =	vld [tilespmem:s13+$0x30]  }
0x16e: {  	v35 =	vand.u32 $0x78, v27;
	v27 =	vand.u32 $0x5, v27;
	v18 =	vadd.s32 v1, v18;
	v36 =	vld [tilespmem:s13+$0xFFFFFF00]  }
0x16f: {  	v35 =	vadd.s32 v1, v35;
	v33 =	vadd.s32 v1, v33;
	v24 =	vadd.s32 v1, v24;
	v37 =	vld [tilespmem:s13+$0xFFFFFF10]  }
0x170: {  	v18 =	vor.u32 v19, v18;
	v33 =	vor.u32 v20, v33;
	v39 =	vor.u32 v30, v24;
	v38 =	vld [tilespmem:s13+$0xFFFFFF20]  }
0x171: {  	v24 =	vor.u32 v27, v35;
	v41 =	vunpack.i.u.bf16.f32 v23;
	v61 =	vunpack.i.l.bf16.f32 v23;
	v40 =	vld [tilespmem:s13+$0xFFFFFF30]  }
0x172: {  	v19 =	vunpack.i.u.bf16.f32 v29;
	v20 =	vunpack.i.l.bf16.f32 v29;
	v35 =	vunpack.i.u.bf16.f32 v25;
	v53 =	vld [tilespmem:s13+$0xFFFFFE00]  }
0x173: {  	v42 =	vunpack.i.l.bf16.f32 v25;
	v27 =	vunpack.i.u.bf16.f32 v31;
	v30 =	vunpack.i.l.bf16.f32 v31;
	v62 =	vld [tilespmem:s13+$0xFFFFFE10]  }
0x174: {  	v14 =	vunpack.i.u.bf16.f32 v28;
	v15 =	vunpack.i.l.bf16.f32 v28;
	v25 =	vunpack.i.u.bf16.f32 v21;
	v63 =	vld [tilespmem:s13+$0xFFFFFE20]  }
0x175: {  	v29 =	vunpack.i.l.bf16.f32 v21;
	v59 =	vunpack.i.u.bf16.f32 v32;
	v48 =	vld.idx.msk [tilespmem:v18+s18+$0x0], $0xffff;
	v18 =	vunpack.i.l.bf16.f32 v32  }
0x176: {  	v31 =	vunpack.i.u.bf16.f32 v34;
	v34 =	vunpack.i.l.bf16.f32 v34;
	v16 =	vunpack.i.u.bf16.f32 v36;
	v52 =	vld.idx.msk [tilespmem:v24+s18+$0x0], $0xffff  }
0x177: {  	v17 =	vunpack.i.l.bf16.f32 v36;
	v36 =	vunpack.i.u.bf16.f32 v37;
	v37 =	vunpack.i.l.bf16.f32 v37;
	v28 =	vld [tilespmem:s13+$0xFFFFFE30]  }
0x178: {  	v23 =	vunpack.i.u.bf16.f32 v38;
	v24 =	vunpack.i.l.bf16.f32 v38;
	v47 =	vunpack.i.u.bf16.f32 v40;
	v54 =	vld.idx.msk [tilespmem:v33+s18+$0x0], $0xffff  }
0x179: {  	v55 =	vunpack.i.l.bf16.f32 v40;
	v38 =	vunpack.i.u.bf16.f32 v53;
	v0 =	vunpack.i.l.bf16.f32 v53  }
0x17a: {  	v2 =	vunpack.i.u.bf16.f32 v62;
	v62 =	vunpack.i.l.bf16.f32 v62;
	v32 =	vunpack.i.u.bf16.f32 v63;
	v53 =	vld.idx.msk [tilespmem:v39+s18+$0x0], $0xffff  }
0x17b: {  	v33 =	vunpack.i.l.bf16.f32 v63;
	v39 =	vmul.f32 v0, v48;
	v40 =	vmul.f32 v38, v48  }
0x17c: {  	v63 =	vmul.f32 v17, v52;
	v21 =	vunpack.i.u.bf16.f32 v28;
	v28 =	vunpack.i.l.bf16.f32 v28  }
0x17d: {  	v10 =	vadd.f32 v39, v3;
	v11 =	vadd.f32 v40, v4;
	v39 =	vmul.f32 v16, v52  }
0x17e: {  	v12 =	vadd.f32 v38, v6;
	v0 =	vadd.f32 v0, v5;
	v13 =	vmul.f32 v15, v54  }
0x17f: {  	v38 =	vmul.f32 v14, v54;
	v10 =	vadd.f32 v63, v10;
	v11 =	vadd.f32 v39, v11  }
0x180: {  	v12 =	vadd.f32 v16, v12;
	v0 =	vadd.f32 v17, v0;
	v16 =	vmul.f32 v61, v53  }
0x181: {  	v10 =	vadd.f32 v13, v10;
	v11 =	vadd.f32 v38, v11;
	v13 =	vmul.f32 v41, v53  }
.Ltmp4:
0x182: {  	v17 =	vmul.f32 v62, v48;
	v14 =	vadd.f32 v14, v12;
	v0 =	vadd.f32 v15, v0;
	(pc) =	sbr.rel @p1 .LBB2_7-.Ltmp4, $4  }
0x183: {  	v15 =	vmul.f32 v2, v48;
	v3 =	vadd.f32 v16, v10;
	v4 =	vadd.f32 v13, v11  }
0x184: {  	v6 =	vadd.f32 v41, v14;
	v38 =	vmul.f32 v37, v52;
	v5 =	vadd.f32 v61, v0  }
0x185: {  	v39 =	vadd.f32 v17, v22;
	v40 =	vadd.f32 v15, v44;
	v61 =	vmul.f32 v36, v52  }
0x186: {  	s11 =	sadd.s32 $0x4, s11;
	v22 =	vmul.f32 v29, v54;
	v41 =	vadd.f32 v62, v45;
	v44 =	vadd.f32 v2, v60  }
0x187: {  	v0 =	vadd.f32 v38, v39  }
0x188: {  	v2 =	vadd.f32 v61, v40;
	v14 =	vmul.f32 v25, v54  }
0x189: {  	v17 =	vmul.f32 v20, v53;
	v15 =	vadd.f32 v37, v41;
	v0 =	vadd.f32 v22, v0  }
0x18a: {  	v16 =	vadd.f32 v36, v44;
	v2 =	vadd.f32 v14, v2  }
0x18b: {  	v14 =	vmul.f32 v19, v53;
	v15 =	vadd.f32 v29, v15;
	v0 =	vadd.f32 v17, v0  }
0x18c: {  	v16 =	vadd.f32 v25, v16  }
0x18d: {  	[tilespmem:$0x1FD20] =	vst v0;
	v0 =	vadd.f32 v14, v2;
	v2 =	vadd.f32 v20, v15;
	_ =	sdelay $0x1  }
0x18e: {  	v22 =	vmul.f32 v33, v48;
	[tilespmem:$0x1FD40] =	vst v2;
	v2 =	vadd.f32 v19, v16  }
0x18f: {  	v25 =	vmul.f32 v32, v48;
	[tilespmem:$0x1FD30] =	vst v0  }
0x190: {  	v0 =	vmul.f32 v24, v52;
	[tilespmem:$0x1FD50] =	vst v2;
	v2 =	vadd.f32 v22, v57  }
0x191: {  	v14 =	vadd.f32 v25, v58;
	v15 =	vmul.f32 v23, v52;
	v16 =	vadd.f32 v33, v49  }
0x192: {  	v17 =	vadd.f32 v32, v56;
	v19 =	vmul.f32 v18, v54;
	v0 =	vadd.f32 v0, v2  }
0x193: {  	v2 =	vadd.f32 v15, v14;
	v14 =	vmul.f32 v59, v54;
	v15 =	vadd.f32 v24, v16  }
0x194: {  	v16 =	vadd.f32 v23, v17;
	v17 =	vmul.f32 v42, v53;
	v0 =	vadd.f32 v19, v0  }
0x195: {  	[tilespmem:$0x1FCF0] =	vst v5  }
0x196: {  	[tilespmem:$0x1FD00] =	vst v4;
	v2 =	vadd.f32 v14, v2;
	v14 =	vmul.f32 v35, v53;
	v0 =	vadd.f32 v17, v0  }
0x197: {  	[tilespmem:$0x1FD10] =	vst v3;
	v15 =	vadd.f32 v18, v15  }
0x198: {  	v18 =	vld [tilespmem:s14+$0x100];
	[tilespmem:$0x1FD60] =	vst v0;
	v0 =	vadd.f32 v14, v2  }
0x199: {  	v16 =	vadd.f32 v59, v16;
	v3 =	vadd.f32 v42, v15  }
0x19a: {  	v19 =	vmul.f32 v28, v48;
	[tilespmem:$0x1FD70] =	vst v0  }
0x19b: {  	v0 =	vld [tilespmem:s14+$0x110];
	[tilespmem:$0x1FD80] =	vst v3;
	v3 =	vadd.f32 v35, v16  }
0x19c: {  	v20 =	vmul.f32 v21, v48;
	v15 =	vadd.f32 v19, v43;
	v2 =	vmul.f32 v55, v52  }
0x19d: {  	v22 =	vmul.f32 v34, v54;
	[tilespmem:$0x1FD90] =	vst v3  }
0x19e: {  	v17 =	vmul.f32 v47, v52;
	v2 =	vadd.f32 v2, v15;
	v16 =	vadd.f32 v20, v46;
	v14 =	vld [tilespmem:s14+$0x120]  }
0x19f: {  	v24 =	vmul.f32 v30, v53;
	v20 =	vadd.f32 v28, v50;
	v19 =	vld [tilespmem:s14+$0x130]  }
0x1a0: {  	v2 =	vadd.f32 v22, v2;
	v15 =	vadd.f32 v17, v16;
	v16 =	vmul.f32 v31, v54;
	v23 =	vld [tilespmem:s14+$0x0]  }
0x1a1: {  	v21 =	vadd.f32 v21, v51;
	v20 =	vadd.f32 v55, v20;
	v17 =	vld [tilespmem:s14+$0x10]  }
0x1a2: {  	v25 =	vld [tilespmem:s14+$0x20];
	v2 =	vadd.f32 v24, v2;
	v15 =	vadd.f32 v16, v15;
	v16 =	vmul.f32 v27, v53  }
0x1a3: {  	v21 =	vadd.f32 v47, v21;
	v22 =	vld [tilespmem:s14+$0x30];
	v20 =	vadd.f32 v34, v20  }
0x1a4: {  	v28 =	vld [tilespmem:s14+$0xFFFFFF00];
	[tilespmem:$0x1FDA0] =	vst v2;
	v2 =	vadd.f32 v16, v15  }
0x1a5: {  	v21 =	vadd.f32 v31, v21;
	v3 =	vadd.f32 v30, v20  }
0x1a6: {  	[tilespmem:$0x1FDB0] =	vst v2  }
0x1a7: {  	v2 =	vld [tilespmem:s14+$0xFFFFFF10];
	[tilespmem:$0x1FDC0] =	vst v3;
	v3 =	vadd.f32 v27, v21;
	_ =	sdelay $0x1  }
0x1a8: {  	[tilespmem:$0x1FDD0] =	vst v3;
	v3 =	vld [tilespmem:$0x1FF10]  }
0x1a9: {  	v51 =	vimm.f32 $0.0e+00;
	v57 =	vimm.f32 $0.0e+00;
	v43 =	vunpack.i.l.bf16.f32 v18;
	v15 =	vld [tilespmem:s14+$0xFFFFFF20]  }
0x1aa: {  	v46 =	vimm.f32 $0.0e+00;
	v24 =	vunpack.i.u.bf16.f32 v18;
	v20 =	vunpack.i.u.bf16.f32 v0;
	v16 =	vld [tilespmem:s14+$0xFFFFFF30]  }
0x1ab: {  	v35 =	vunpack.i.u.bf16.f32 v14;
	v42 =	vunpack.i.l.bf16.f32 v14;
	v30 =	vunpack.i.l.bf16.f32 v19;
	v29 =	vld [tilespmem:s14+$0xFFFFFE00]  }
0x1ac: {  	v14 =	vunpack.i.u.bf16.f32 v23;
	v23 =	vunpack.i.l.bf16.f32 v23;
	v21 =	vunpack.i.l.bf16.f32 v0;
	v0 =	vld [tilespmem:s14+$0xFFFFFE10]  }
0x1ad: {  	v36 =	vunpack.i.u.bf16.f32 v17;
	v37 =	vunpack.i.l.bf16.f32 v17;
	v18 =	vunpack.i.u.bf16.f32 v25;
	v50 =	vld [tilespmem:s14+$0xFFFFFE20]  }
0x1ae: {  	v17 =	vunpack.i.u.bf16.f32 v28;
	v31 =	vunpack.i.u.bf16.f32 v22;
	v34 =	vunpack.i.l.bf16.f32 v22;
	v56 =	vld.idx.msk [tilespmem:v7+s18+$0x0], $0xffff  }
0x1af: {  	v28 =	vunpack.i.l.bf16.f32 v28;
	v27 =	vunpack.i.u.bf16.f32 v19;
	v19 =	vunpack.i.l.bf16.f32 v25;
	v25 =	vld [tilespmem:s14+$0xFFFFFE30]  }
0x1b0: {  	v54 =	vld.idx.msk [tilespmem:v8+s18+$0x0], $0xffff;
	v40 =	vunpack.i.u.bf16.f32 v2;
	v41 =	vunpack.i.l.bf16.f32 v2;
	v32 =	vunpack.i.u.bf16.f32 v15  }
0x1b1: {  	v33 =	vunpack.i.l.bf16.f32 v15;
	v47 =	vunpack.i.u.bf16.f32 v16;
	v2 =	vunpack.i.u.bf16.f32 v29  }
0x1b2: {  	v15 =	vunpack.i.l.bf16.f32 v29;
	v55 =	vunpack.i.l.bf16.f32 v16;
	v59 =	vunpack.i.u.bf16.f32 v0  }
0x1b3: {  	v0 =	vunpack.i.l.bf16.f32 v0;
	v38 =	vunpack.i.u.bf16.f32 v50;
	v39 =	vunpack.i.l.bf16.f32 v50  }
0x1b4: {  	v22 =	vunpack.i.u.bf16.f32 v25;
	v16 =	vmul.f32 v15, v56;
	v15 =	vadd.f32 v15, v26;
	v52 =	vld.idx.msk [tilespmem:v3+s18+$0x0], $0xffff  }
0x1b5: {  	v53 =	vld.idx.msk [tilespmem:v9+s18+$0x0], $0xffff;
	v29 =	vunpack.i.l.bf16.f32 v25;
	v61 =	vmul.f32 v23, v54;
	v62 =	vmul.f32 v14, v54  }
0x1b6: {  	v60 =	vmul.f32 v2, v56;
	v2 =	vadd.f32 v2, v26;
	v15 =	vadd.f32 v28, v15  }
0x1b7: {  	v50 =	vimm.f32 $0.0e+00;
	v63 =	vmul.f32 v59, v56;
	v16 =	vadd.f32 v16, v26  }
0x1b8: {  	v2 =	vadd.f32 v17, v2;
	v15 =	vadd.f32 v23, v15;
	v23 =	vmul.f32 v0, v56  }
0x1b9: {  	v44 =	vadd.f32 v60, v26;
	v25 =	vmul.f32 v28, v52;
	v45 =	vmul.f32 v17, v52  }
0x1ba: {  	v2 =	vadd.f32 v14, v2;
	v17 =	vmul.f32 v43, v53;
	v11 =	vadd.f32 v43, v15  }
0x1bb: {  	v28 =	vmul.f32 v24, v53;
	v16 =	vadd.f32 v25, v16;
	v25 =	vadd.f32 v45, v44  }
0x1bc: {  	v13 =	vadd.f32 v24, v2;
	v24 =	vadd.f32 v63, v26;
	v48 =	vmul.f32 v40, v52  }
0x1bd: {  	v63 =	vimm.f32 $0.0e+00;
	v16 =	vadd.f32 v61, v16;
	v25 =	vadd.f32 v62, v25  }
0x1be: {  	v43 =	vimm.f32 $0.0e+00;
	v44 =	vmul.f32 v41, v52;
	v45 =	vadd.f32 v23, v26  }
0x1bf: {  	v23 =	vmul.f32 v37, v54;
	v10 =	vadd.f32 v17, v16;
	v12 =	vadd.f32 v28, v25  }
0x1c0: {  	s11 =	simm.s32 $0x4;
	v62 =	vimm.f32 $0.0e+00;
	v25 =	vadd.f32 v0, v26;
	v28 =	vadd.f32 v59, v26  }
.LBB2_9:
0x1c1: {  	p1 =	slt.u32 s11, $0x64;
	v0 =	vadd.f32 v44, v45;
	v2 =	vadd.f32 v48, v24;
	v24 =	vmul.f32 v36, v54  }
0x1c2: {  	v25 =	vadd.f32 v41, v25;
	v28 =	vadd.f32 v40, v28;
	v40 =	vmul.f32 v21, v53  }
0x1c3: {  	v0 =	vadd.f32 v23, v0;
	v2 =	vadd.f32 v24, v2;
	v24 =	vmul.f32 v20, v53  }
0x1c4: {  	v41 =	vmul.f32 v39, v56;
	v25 =	vadd.f32 v37, v25;
	v28 =	vadd.f32 v36, v28  }
0x1c5: {  	v36 =	vmul.f32 v38, v56;
	v23 =	vadd.f32 v40, v0;
	v24 =	vadd.f32 v24, v2  }
0x1c6: {  	v0 =	vmul.f32 v33, v52;
	v25 =	vadd.f32 v21, v25;
	v28 =	vadd.f32 v20, v28  }
0x1c7: {  	v2 =	vadd.f32 v41, v26;
	v20 =	vadd.f32 v36, v63;
	v21 =	vmul.f32 v32, v52  }
0x1c8: {  	v37 =	vmul.f32 v19, v54;
	v26 =	vadd.f32 v39, v57;
	v36 =	vadd.f32 v38, v62  }
0x1c9: {  	v0 =	vadd.f32 v0, v2;
	v2 =	vadd.f32 v21, v20;
	v20 =	vmul.f32 v18, v54  }
0x1ca: {  	v21 =	vadd.f32 v33, v26;
	v26 =	vadd.f32 v32, v36;
	v32 =	vmul.f32 v42, v53  }
0x1cb: {  	v0 =	vadd.f32 v37, v0;
	v2 =	vadd.f32 v20, v2;
	v20 =	vmul.f32 v35, v53  }
0x1cc: {  	v33 =	vmul.f32 v29, v56;
	v19 =	vadd.f32 v19, v21;
	v18 =	vadd.f32 v18, v26  }
0x1cd: {  	v21 =	vmul.f32 v22, v56;
	v26 =	vadd.f32 v32, v0;
	v63 =	vadd.f32 v20, v2  }
0x1ce: {  	v0 =	vmul.f32 v55, v52;
	v57 =	vadd.f32 v42, v19;
	v62 =	vadd.f32 v35, v18  }
0x1cf: {  	v2 =	vadd.f32 v33, v43;
	v18 =	vadd.f32 v21, v46;
	v19 =	vmul.f32 v47, v52  }
0x1d0: {  	v20 =	vadd.f32 v29, v50;
	v21 =	vadd.f32 v22, v51;
	v22 =	vmul.f32 v34, v54  }
0x1d1: {  	s14 =	sadd.s32 $0x400, s14;
	v0 =	vadd.f32 v0, v2;
	v2 =	vadd.f32 v19, v18;
	v18 =	vmul.f32 v31, v54  }
0x1d2: {  	v29 =	vmul.f32 v30, v53;
	v20 =	vadd.f32 v55, v20;
	v21 =	vadd.f32 v47, v21;
	v19 =	vld [tilespmem:s14+$0x100]  }
0x1d3: {  	v0 =	vadd.f32 v22, v0;
	v2 =	vadd.f32 v18, v2;
	v18 =	vmul.f32 v27, v53;
	v32 =	vld [tilespmem:s14+$0x110]  }
0x1d4: {  	v20 =	vadd.f32 v34, v20;
	v21 =	vadd.f32 v31, v21;
	v22 =	vld [tilespmem:s14+$0x120]  }
0x1d5: {  	v43 =	vadd.f32 v29, v0;
	v46 =	vadd.f32 v18, v2;
	v31 =	vld [tilespmem:s14+$0x130]  }
0x1d6: {  	s13 =	sadd.s32 $0x2, s11;
	s15 =	sadd.s32 $0x3, s11;
	v0 =	vmov s11;
	v50 =	vadd.f32 v30, v20;
	v51 =	vadd.f32 v27, v21;
	v2 =	vld [tilespmem:s14+$0x0]  }
0x1d7: {  	s30 =	sadd.s32 $0x1, s11;
	v20 =	vmov s13;
	v21 =	vmov s15;
	v18 =	vand.u32 $0x4, v0;
	v29 =	vld [tilespmem:s14+$0x10]  }
0x1d8: {  	v27 =	vmov s30;
	v0 =	vand.u32 $0x78, v0;
	v30 =	vand.u32 $0x7, v21;
	v33 =	vld [tilespmem:s14+$0x20]  }
0x1d9: {  	v34 =	vand.u32 $0x78, v20;
	v20 =	vand.u32 $0x6, v20;
	v21 =	vand.u32 $0x78, v21;
	v38 =	vld [tilespmem:s14+$0x30]  }
0x1da: {  	v35 =	vand.u32 $0x78, v27;
	v27 =	vand.u32 $0x5, v27;
	v0 =	vadd.s32 v1, v0;
	v39 =	vld [tilespmem:s14+$0xFFFFFF00]  }
0x1db: {  	v35 =	vadd.s32 v1, v35;
	v34 =	vadd.s32 v1, v34;
	v21 =	vadd.s32 v1, v21;
	v41 =	vld [tilespmem:s14+$0xFFFFFF10]  }
0x1dc: {  	v0 =	vor.u32 v18, v0;
	v45 =	vor.u32 v20, v34;
	v48 =	vor.u32 v30, v21;
	v44 =	vld [tilespmem:s14+$0xFFFFFF20]  }
0x1dd: {  	v34 =	vor.u32 v27, v35;
	v49 =	vunpack.i.u.bf16.f32 v19;
	v58 =	vunpack.i.l.bf16.f32 v19;
	v53 =	vld [tilespmem:s14+$0xFFFFFF30]  }
0x1de: {  	v20 =	vunpack.i.u.bf16.f32 v32;
	v21 =	vunpack.i.l.bf16.f32 v32;
	v35 =	vunpack.i.u.bf16.f32 v22;
	v55 =	vld [tilespmem:s14+$0xFFFFFE00]  }
0x1df: {  	v42 =	vunpack.i.l.bf16.f32 v22;
	v27 =	vunpack.i.u.bf16.f32 v31;
	v30 =	vunpack.i.l.bf16.f32 v31;
	v59 =	vld [tilespmem:s14+$0xFFFFFE10]  }
0x1e0: {  	v60 =	vunpack.i.u.bf16.f32 v2;
	v2 =	vunpack.i.l.bf16.f32 v2;
	v36 =	vunpack.i.u.bf16.f32 v29;
	v22 =	vld [tilespmem:s14+$0xFFFFFE20]  }
0x1e1: {  	v37 =	vunpack.i.l.bf16.f32 v29;
	v18 =	vunpack.i.u.bf16.f32 v33;
	v19 =	vunpack.i.l.bf16.f32 v33;
	v56 =	vld.idx.msk [tilespmem:v0+s18+$0x0], $0xffff  }
0x1e2: {  	v31 =	vunpack.i.u.bf16.f32 v38;
	v0 =	vunpack.i.u.bf16.f32 v39;
	v52 =	vld.idx.msk [tilespmem:v34+s18+$0x0], $0xffff;
	v34 =	vunpack.i.l.bf16.f32 v38  }
0x1e3: {  	v61 =	vunpack.i.l.bf16.f32 v39;
	v40 =	vunpack.i.u.bf16.f32 v41;
	v41 =	vunpack.i.l.bf16.f32 v41;
	v29 =	vld [tilespmem:s14+$0xFFFFFE30]  }
0x1e4: {  	v32 =	vunpack.i.u.bf16.f32 v44;
	v33 =	vunpack.i.l.bf16.f32 v44;
	v47 =	vunpack.i.u.bf16.f32 v53;
	v54 =	vld.idx.msk [tilespmem:v45+s18+$0x0], $0xffff  }
0x1e5: {  	v44 =	vunpack.i.u.bf16.f32 v55;
	v45 =	vunpack.i.l.bf16.f32 v55;
	v55 =	vunpack.i.l.bf16.f32 v53  }
0x1e6: {  	v3 =	vunpack.i.u.bf16.f32 v59;
	v59 =	vunpack.i.l.bf16.f32 v59;
	v38 =	vunpack.i.u.bf16.f32 v22;
	v53 =	vld.idx.msk [tilespmem:v48+s18+$0x0], $0xffff  }
0x1e7: {  	v39 =	vunpack.i.l.bf16.f32 v22;
	v48 =	vmul.f32 v45, v56;
	v4 =	vmul.f32 v44, v56  }
0x1e8: {  	v5 =	vmul.f32 v61, v52;
	v22 =	vunpack.i.u.bf16.f32 v29;
	v29 =	vunpack.i.l.bf16.f32 v29  }
0x1e9: {  	v16 =	vmul.f32 v0, v52;
	v14 =	vadd.f32 v48, v10;
	v4 =	vadd.f32 v4, v12  }
0x1ea: {  	v17 =	vadd.f32 v44, v13;
	v15 =	vadd.f32 v45, v11;
	v44 =	vmul.f32 v2, v54  }
0x1eb: {  	v5 =	vadd.f32 v5, v14;
	v4 =	vadd.f32 v16, v4;
	v14 =	vmul.f32 v60, v54  }
0x1ec: {  	v15 =	vadd.f32 v61, v15;
	v0 =	vadd.f32 v0, v17;
	v16 =	vmul.f32 v58, v53  }
0x1ed: {  	v17 =	vmul.f32 v49, v53;
	v5 =	vadd.f32 v44, v5;
	v4 =	vadd.f32 v14, v4  }
.Ltmp5:
0x1ee: {  	v45 =	vmul.f32 v59, v56;
	v2 =	vadd.f32 v2, v15;
	v0 =	vadd.f32 v60, v0;
	(pc) =	sbr.rel @p1 .LBB2_9-.Ltmp5, $4  }
0x1ef: {  	v48 =	vmul.f32 v3, v56;
	v10 =	vadd.f32 v16, v5;
	v12 =	vadd.f32 v17, v4  }
0x1f0: {  	v11 =	vadd.f32 v58, v2;
	v13 =	vadd.f32 v49, v0;
	v44 =	vmul.f32 v41, v52  }
0x1f1: {  	v45 =	vadd.f32 v45, v23;
	v24 =	vadd.f32 v48, v24;
	v48 =	vmul.f32 v40, v52  }
0x1f2: {  	s11 =	sadd.s32 $0x4, s11;
	v25 =	vadd.f32 v59, v25;
	v28 =	vadd.f32 v3, v28;
	v23 =	vmul.f32 v37, v54  }
0x1f3: {  	v0 =	vadd.f32 v44, v45  }
0x1f4: {  	v2 =	vadd.f32 v48, v24;
	v3 =	vmul.f32 v36, v54  }
0x1f5: {  	v24 =	vmul.f32 v21, v53;
	v4 =	vadd.f32 v41, v25;
	v0 =	vadd.f32 v23, v0  }
0x1f6: {  	v5 =	vadd.f32 v40, v28;
	v2 =	vadd.f32 v3, v2  }
0x1f7: {  	v3 =	vmul.f32 v20, v53;
	v4 =	vadd.f32 v37, v4;
	v0 =	vadd.f32 v24, v0  }
0x1f8: {  	v5 =	vadd.f32 v36, v5  }
0x1f9: {  	[tilespmem:$0x1FC30] =	vst v0;
	v0 =	vadd.f32 v3, v2;
	v2 =	vadd.f32 v21, v4;
	_ =	sdelay $0x1  }
0x1fa: {  	v23 =	vmul.f32 v39, v56;
	[tilespmem:$0x1FC50] =	vst v2;
	v2 =	vadd.f32 v20, v5  }
0x1fb: {  	v25 =	vmul.f32 v38, v56;
	[tilespmem:$0x1FC40] =	vst v0  }
0x1fc: {  	v0 =	vmul.f32 v33, v52;
	[tilespmem:$0x1FC60] =	vst v2;
	v2 =	vadd.f32 v23, v26  }
0x1fd: {  	v3 =	vadd.f32 v25, v63;
	v4 =	vmul.f32 v32, v52;
	v5 =	vadd.f32 v39, v57  }
0x1fe: {  	v21 =	vmul.f32 v19, v54;
	v20 =	vadd.f32 v38, v62;
	v0 =	vadd.f32 v0, v2  }
0x1ff: {  	v2 =	vadd.f32 v4, v3;
	v3 =	vmul.f32 v18, v54;
	v4 =	vadd.f32 v33, v5  }
0x200: {  	v5 =	vadd.f32 v32, v20;
	v20 =	vmul.f32 v42, v53;
	v0 =	vadd.f32 v21, v0  }
0x201: {  	v2 =	vadd.f32 v3, v2  }
0x202: {  	v3 =	vmul.f32 v35, v53;
	v4 =	vadd.f32 v19, v4;
	v0 =	vadd.f32 v20, v0  }
0x203: {  	v5 =	vadd.f32 v18, v5  }
0x204: {  	[tilespmem:$0x1FC70] =	vst v0;
	v0 =	vadd.f32 v3, v2;
	v2 =	vadd.f32 v42, v4;
	_ =	sdelay $0x1  }
0x205: {  	v21 =	vmul.f32 v29, v56;
	[tilespmem:$0x1FC90] =	vst v2;
	v2 =	vadd.f32 v35, v5  }
0x206: {  	v18 =	vmul.f32 v22, v56;
	[tilespmem:$0x1FC80] =	vst v0  }
0x207: {  	v0 =	vmul.f32 v55, v52;
	[tilespmem:$0x1FCA0] =	vst v2;
	v2 =	vadd.f32 v21, v43  }
0x208: {  	v3 =	vadd.f32 v18, v46;
	v4 =	vmul.f32 v47, v52;
	v5 =	vadd.f32 v29, v50  }
0x209: {  	p1 =	seq.s32 s20, $0x0;
	v19 =	vmul.f32 v34, v54;
	v18 =	vadd.f32 v22, v51;
	v0 =	vadd.f32 v0, v2  }
0x20a: {  	[tilespmem:$0x1FC20] =	vst v6;
	s11 =	simm.s32 @!p1 $0x5;
	v2 =	vadd.f32 v4, v3;
	v3 =	vmul.f32 v31, v54;
	v4 =	vadd.f32 v55, v5  }
0x20b: {  	_ =	swait.ge @!p1 [sflag:s11], $0xD00;
	v5 =	vadd.f32 v47, v18;
	v18 =	vmul.f32 v30, v53;
	v0 =	vadd.f32 v19, v0  }
0x20c: {  	[sflag:s11] =	ssyncset.done @!p1 $0x0  }
0x20d: {  	[sflag:s11] =	ssyncadd.s32 @!p1 $0xFFFFF300;
	v2 =	vadd.f32 v3, v2;
	v3 =	vmul.f32 v27, v53;
	v0 =	vadd.f32 v18, v0  }
0x20e: {  	_ =	swait.ge @!p1 [sflag:s11], $0xC00  }
0x20f: {  	v4 =	vadd.f32 v34, v4;
	[tilespmem:$0x1FCB0] =	vst v0;
	v0 =	vadd.f32 v3, v2;
	_ =	sdelay $0x1  }
0x210: {  	v5 =	vadd.f32 v31, v5;
	[tilespmem:$0x1FCC0] =	vst v0;
	v0 =	vadd.f32 v30, v4;
	_ =	sdelay $0x1  }
0x211: {  	[tilespmem:$0x1FCD0] =	vst v0;
	v0 =	vadd.f32 v27, v5  }
0x212: {  	p2 =	seq.s32 @!p1 s20, $0x1F;
	[sflag:s11] =	ssyncset.done @!p1 $0x0  }
0x213: {  	p2 =	por p1, !p2;
	[sflag:s11] =	ssyncadd.s32 @!p1 $0xFFFFF400;
	[tilespmem:$0x1FCE0] =	vst v0  }
0x214: {  	_ =	swait.ge @p2 [sflag:s0], $0x68  }
0x215: {  	[sflag:s0] =	ssyncset.done @p2 $0x0  }
0x216: {  	[sflag:s0] =	ssyncadd.s32 @p2 $0xFFFFFF98  }
0x217: {  	_ =	swait.ge @p2 [sflag:s0], $0x60  }
0x218: {  	s13 =	smul.u32 @p2 $0x3400, s12;
	[sflag:s0] =	ssyncset.done @p2 $0x0  }
0x219: {  	s11 =	smul.u32 @p2 $0x1A0, s12;
	[sflag:s0] =	ssyncadd.s32 @p2 $0xFFFFFFA0  }
0x21a: {  	s14 =	smul.u32 @p2 $0x180, s12;
	s13 =	sshrl.u32 @p2 s13, $0x2;
	_ =	swait.ge @p2 [sflag:s0], $0xC8  }
0x21b: {  	s13 =	sadd.s32 @p2 $0xC800, s13;
	s11 =	sshrl.u32 @p2 s11, $0x2;
	[sflag:s0] =	ssyncset.done @p2 $0x0  }
0x21c: {  	s12 =	smul.u32 @p2 $0x3000, s12;
	s11 =	sor.u32 @p2 $0xFA00, s11;
	[sflag:s0] =	ssyncadd.s32 @p2 $0xFFFFFF38  }
0x21d: {  	[tilespmem:s13], [sflag:$0x4] =	stream.indirect.gather @p2 [hbm4b:s9+s19], $0x20, s11, s19, $0xb8;
	[tilespmem:$0x10520] =	vst v63  }
0x21e: {  	s12 =	sshrl.u32 @p2 s12, $0x2;
	s13 =	sshrl.u32 @p2 s14, $0x2  }
0x21f: {  	s12 =	sor.u32 @p2 $0xE200, s12;
	s13 =	sadd.s32 @p2 $0xFAD0, s13  }
0x220: {  	[tilespmem:s12], [sflag:$0x4] =	stream.indirect.gather @p2 [hbm4b:s9+s21], $0x20, s13, s21, $0xb8;
	[tilespmem:$0x10520] =	vst v63  }
0x221: {  	_ = 	snop  }
0x222: {  	[tilespmem:s4], [sflag:$0x1] =	stream.indirect.gather @p2 [hbm4b:s5+s19], $0x100, s11, s19, $0xb8;
	[tilespmem:$0x10520] =	vst v63  }
0x223: {  	_ =	swait.ge [sflag:s26], $0x6000  }
0x224: {  	[sflag:s26] =	ssyncset.done $0x0  }
0x225: {  	s11 =	simm.s32 $0x6A00;
	[sflag:s26] =	ssyncadd.s32 $0xFFFFA000  }
0x226: {  	v0 =	vld [tilespmem:s11+$0x100]  }
0x227: {  	v2 =	vld [tilespmem:s11+$0x110]  }
0x228: {  	v3 =	vld [tilespmem:s11+$0x120]  }
0x229: {  	v4 =	vld [tilespmem:s11+$0x130]  }
0x22a: {  	s31 =	simm.s32 $0x69;
	v5 =	vld [tilespmem:s11+$0x0]  }
0x22b: {  	s15 =	simm.s32 $0x6A;
	v20 =	vmov s31;
	v22 =	vld [tilespmem:s11+$0x10]  }
0x22c: {  	s30 =	simm.s32 $0x68;
	v26 =	vand.u32 $0xF8, v20;
	v20 =	vand.u32 $0x5, v20;
	v21 =	vmov s15;
	v24 =	vld [tilespmem:s11+$0x20]  }
0x22d: {  	v26 =	vadd.s32 v1, v26;
	v23 =	vand.u32 $0x6, v21;
	v19 =	vmov s30;
	s14 =	simm.s32 $0x6B;
	v28 =	vld [tilespmem:s11+$0x30]  }
0x22e: {  	v21 =	vand.u32 $0xF8, v21;
	v27 =	vand.u32 $0xF8, v19;
	v18 =	vmov s14;
	v29 =	vld [tilespmem:s11+$0xFFFFFF00]  }
0x22f: {  	v19 =	vand.u32 $0x4, v19;
	v27 =	vadd.s32 v1, v27;
	v25 =	vand.u32 $0xF8, v18;
	v58 =	vld [tilespmem:s11+$0xFFFFFF10]  }
0x230: {  	v7 =	vor.u32 v19, v27;
	v18 =	vand.u32 $0x7, v18;
	v25 =	vadd.s32 v1, v25;
	v19 =	vld [tilespmem:s11+$0xFFFFFF20]  }
0x231: {  	v9 =	vor.u32 v20, v26;
	v21 =	vadd.s32 v1, v21;
	v6 =	vor.u32 v18, v25;
	v18 =	vld [tilespmem:s11+$0xFFFFFF30]  }
0x232: {  	v8 =	vor.u32 v23, v21;
	v21 =	vld [tilespmem:s11+$0xFFFFFE00]  }
0x233: {  	v23 =	vunpack.i.u.bf16.f32 v2;
	v25 =	vunpack.i.l.bf16.f32 v2;
	v2 =	vld [tilespmem:s11+$0xFFFFFE10]  }
0x234: {  	v33 =	vunpack.i.u.bf16.f32 v3;
	v36 =	vunpack.i.l.bf16.f32 v3;
	v3 =	vld [tilespmem:s11+$0xFFFFFE20];
	[tilespmem:$0x1FBE0] =	vst v7  }
0x235: {  	v38 =	vld.idx.msk [tilespmem:v7+s18+$0x0], $0xffff;
	[tilespmem:$0x1FBF0] =	vst v9  }
0x236: {  	v40 =	vld.idx.msk [tilespmem:v9+s18+$0x0], $0xffff  }
0x237: {  	v42 =	vunpack.i.u.bf16.f32 v28;
	v43 =	vunpack.i.l.bf16.f32 v28;
	v28 =	vld [tilespmem:s11+$0xFFFFFE30];
	[tilespmem:$0x1FC00] =	vst v8  }
0x238: {  	v49 =	vld.idx.msk [tilespmem:v8+s18+$0x0], $0xffff;
	[tilespmem:$0x1FC10] =	vst v6  }
0x239: {  	v47 =	vld.idx.msk [tilespmem:v6+s18+$0x0], $0xffff  }
0x23a: {  	v6 =	vld [tilespmem:$0x1FF20]  }
0x23b: {  	v45 =	vunpack.i.u.bf16.f32 v19;
	v48 =	vunpack.i.l.bf16.f32 v19;
	v46 =	vunpack.i.u.bf16.f32 v18  }
0x23c: {  	v19 =	vunpack.i.u.bf16.f32 v21;
	v21 =	vunpack.i.l.bf16.f32 v21;
	v50 =	vunpack.i.l.bf16.f32 v18  }
0x23d: {  	v18 =	vunpack.i.u.bf16.f32 v2;
	v51 =	vunpack.i.l.bf16.f32 v2;
	v2 =	vmul.f32 v21, v38;
	_ =	sdelay $0x1  }
0x23e: {  	v2 =	vadd.f32 v2, v6;
	v6 =	vld [tilespmem:$0x1FE40];
	_ =	sdelay $0x2  }
0x23f: {  	v59 =	vmul.f32 v19, v38;
	_ =	sdelay $0x1  }
0x240: {  	v53 =	vadd.f32 v59, v6;
	v6 =	vld [tilespmem:$0x1FE30];
	_ =	sdelay $0x4  }
0x241: {  	v21 =	vadd.f32 v21, v6;
	v6 =	vld [tilespmem:$0x1FE20]  }
0x242: {  	v20 =	vunpack.i.u.bf16.f32 v0;
	v26 =	vunpack.i.u.bf16.f32 v4  }
0x243: {  	v27 =	vunpack.i.l.bf16.f32 v4;
	v4 =	vunpack.i.u.bf16.f32 v5;
	v5 =	vunpack.i.l.bf16.f32 v5  }
0x244: {  	v41 =	vunpack.i.u.bf16.f32 v29;
	v29 =	vunpack.i.l.bf16.f32 v29;
	v52 =	vunpack.i.u.bf16.f32 v3  }
0x245: {  	v60 =	vunpack.i.l.bf16.f32 v3;
	v3 =	vmul.f32 v29, v40;
	v61 =	vmul.f32 v41, v40  }
0x246: {  	v0 =	vunpack.i.l.bf16.f32 v0;
	v62 =	vmul.f32 v5, v49;
	v19 =	vadd.f32 v19, v6  }
0x247: {  	v63 =	vmul.f32 v4, v49;
	v2 =	vadd.f32 v3, v2;
	v3 =	vadd.f32 v61, v53;
	v6 =	vld [tilespmem:$0x1FF40]  }
0x248: {  	v34 =	vmul.f32 v20, v47;
	v21 =	vadd.f32 v29, v21;
	v19 =	vadd.f32 v41, v19  }
0x249: {  	v2 =	vadd.f32 v62, v2;
	v3 =	vadd.f32 v63, v3;
	v29 =	vmul.f32 v0, v47  }
0x24a: {  	v5 =	vadd.f32 v5, v21;
	v21 =	vmul.f32 v18, v38;
	v19 =	vadd.f32 v4, v19  }
0x24b: {  	v4 =	vadd.f32 v29, v2;
	v2 =	vadd.f32 v34, v3  }
0x24c: {  	v3 =	vadd.f32 v20, v19;
	v19 =	vadd.f32 v21, v6;
	v6 =	vld [tilespmem:$0x1FF50];
	_ =	sdelay $0x4  }
0x24d: {  	v21 =	vadd.f32 v51, v6;
	v6 =	vld [tilespmem:$0x1FF60];
	_ =	sdelay $0x4  }
0x24e: {  	v32 =	vunpack.i.l.bf16.f32 v58;
	v18 =	vadd.f32 v18, v6;
	v6 =	vld [tilespmem:$0x1FF70]  }
0x24f: {  	v21 =	vadd.f32 v32, v21  }
0x250: {  	v37 =	vunpack.i.u.bf16.f32 v22;
	v22 =	vunpack.i.l.bf16.f32 v22  }
0x251: {  	v56 =	vmul.f32 v60, v38;
	v53 =	vmul.f32 v22, v49;
	v22 =	vadd.f32 v22, v21  }
0x252: {  	v44 =	vunpack.i.u.bf16.f32 v58;
	v5 =	vadd.f32 v0, v5;
	v0 =	vld [tilespmem:$0x1FF30]  }
0x253: {  	v20 =	vmul.f32 v44, v40;
	v16 =	vadd.f32 v25, v22;
	v22 =	vadd.f32 v56, v6;
	v6 =	vld [tilespmem:$0x1FF80]  }
0x254: {  	v18 =	vadd.f32 v44, v18  }
0x255: {  	v35 =	vmul.f32 v51, v38;
	v19 =	vadd.f32 v20, v19;
	v20 =	vmul.f32 v37, v49  }
0x256: {  	v57 =	vmul.f32 v52, v38;
	v18 =	vadd.f32 v37, v18  }
0x257: {  	v29 =	vmul.f32 v32, v40;
	v0 =	vadd.f32 v35, v0;
	v19 =	vadd.f32 v20, v19  }
0x258: {  	v20 =	vmul.f32 v23, v47;
	v14 =	vadd.f32 v23, v18;
	v23 =	vadd.f32 v57, v6;
	v6 =	vld [tilespmem:$0x1FF90]  }
0x259: {  	v0 =	vadd.f32 v29, v0;
	_ =	sdelay $0x1  }
0x25a: {  	v29 =	vmul.f32 v25, v47;
	v0 =	vadd.f32 v53, v0;
	_ =	sdelay $0x1  }
0x25b: {  	v17 =	vadd.f32 v29, v0;
	v29 =	vadd.f32 v60, v6;
	v6 =	vld [tilespmem:$0x1FFA0];
	_ =	sdelay $0x3  }
0x25c: {  	v0 =	vmul.f32 v48, v40;
	v25 =	vmul.f32 v45, v40  }
0x25d: {  	v39 =	vunpack.i.u.bf16.f32 v24;
	v58 =	vadd.f32 v52, v6  }
0x25e: {  	v0 =	vadd.f32 v0, v22;
	v22 =	vadd.f32 v25, v23;
	v23 =	vmul.f32 v39, v49;
	v6 =	vld [tilespmem:$0x1FFB0]  }
0x25f: {  	v55 =	vunpack.i.u.bf16.f32 v28;
	v25 =	vadd.f32 v48, v29;
	v29 =	vadd.f32 v45, v58  }
0x260: {  	v28 =	vunpack.i.l.bf16.f32 v28;
	v22 =	vadd.f32 v23, v22;
	v23 =	vmul.f32 v33, v47  }
0x261: {  	v61 =	vmul.f32 v28, v38;
	v29 =	vadd.f32 v39, v29  }
0x262: {  	v22 =	vadd.f32 v23, v22  }
0x263: {  	v23 =	vadd.f32 v33, v29;
	v29 =	vadd.f32 v61, v6;
	v6 =	vld [tilespmem:$0x1FFC0];
	_ =	sdelay $0x2  }
0x264: {  	v38 =	vmul.f32 v55, v38;
	_ =	sdelay $0x1  }
0x265: {  	v62 =	vadd.f32 v38, v6;
	v6 =	vld [tilespmem:$0x1FFD0];
	_ =	sdelay $0x1  }
0x266: {  	v24 =	vunpack.i.l.bf16.f32 v24  }
0x267: {  	v25 =	vadd.f32 v24, v25  }
0x268: {  	v59 =	vmul.f32 v24, v49  }
0x269: {  	v60 =	vmul.f32 v36, v47;
	v25 =	vadd.f32 v36, v25;
	v36 =	vadd.f32 v28, v6;
	v6 =	vld [tilespmem:$0x1FFE0];
	_ =	sdelay $0x1  }
0x26a: {  	v0 =	vadd.f32 v59, v0;
	_ =	sdelay $0x1  }
0x26b: {  	v63 =	vmul.f32 v46, v40;
	v24 =	vadd.f32 v60, v0;
	v0 =	vmul.f32 v50, v40  }
0x26c: {  	v15 =	vadd.f32 v20, v19;
	v37 =	vmul.f32 v42, v49;
	v32 =	vadd.f32 v55, v6  }
0x26d: {  	s13 =	simm.s32 $0x0;
	s11 =	simm.s32 $0x6E00;
	v33 =	vadd.f32 v0, v29;
	v29 =	vadd.f32 v63, v62;
	v28 =	vmul.f32 v43, v49  }
.LBB2_11:
0x26e: {  	v0 =	vld [tilespmem:s11+$0x100];
	v36 =	vadd.f32 v50, v36;
	v32 =	vadd.f32 v46, v32;
	v38 =	vmul.f32 v27, v47  }
0x26f: {  	v39 =	vld [tilespmem:s11+$0x110];
	v28 =	vadd.f32 v28, v33;
	v29 =	vadd.f32 v37, v29;
	v33 =	vmul.f32 v26, v47  }
0x270: {  	v40 =	vld [tilespmem:s11+$0x120];
	v37 =	vadd.f32 v43, v36;
	v32 =	vadd.f32 v42, v32  }
0x271: {  	s14 =	sadd.s32 $0x6F, s13;
	s12 =	simm.s32 $0x6A40;
	v41 =	vld [tilespmem:s11+$0x130];
	v28 =	vadd.f32 v38, v28;
	v36 =	vadd.f32 v33, v29  }
0x272: {  	s15 =	sadd.s32 $0x6C, s13;
	s30 =	sadd.s32 $0x6D, s13;
	s31 =	sadd.s32 $0x6E, s13;
	v33 =	vmov s14;
	v38 =	vld [tilespmem:s11+$0x0];
	v29 =	vadd.f32 v27, v37;
	v37 =	vadd.f32 v26, v32  }
0x273: {  	v26 =	vmov s15;
	v27 =	vmov s30;
	v32 =	vmov s31;
	v42 =	vld [tilespmem:s11+$0x10]  }
0x274: {  	v45 =	vand.u32 $0xF8, v33;
	v33 =	vand.u32 $0x7, v33;
	v43 =	vand.u32 $0x6, v32;
	v44 =	vld [tilespmem:s11+$0x20]  }
0x275: {  	v46 =	vand.u32 $0xF8, v27;
	v27 =	vand.u32 $0x5, v27;
	v32 =	vand.u32 $0xF8, v32;
	v47 =	vld [tilespmem:s11+$0x30]  }
0x276: {  	v48 =	vand.u32 $0xF8, v26;
	v26 =	vand.u32 $0x4, v26;
	v45 =	vadd.s32 v1, v45;
	v49 =	vld [tilespmem:s11+$0xFFFFFF00]  }
0x277: {  	v48 =	vadd.s32 v1, v48;
	v46 =	vadd.s32 v1, v46;
	v32 =	vadd.s32 v1, v32;
	v50 =	vld [tilespmem:s11+$0xFFFFFF10]  }
0x278: {  	v45 =	vor.u32 v33, v45;
	v48 =	vor.u32 v26, v48;
	v52 =	vor.u32 v43, v32;
	v51 =	vld [tilespmem:s11+$0xFFFFFF20]  }
0x279: {  	v54 =	vunpack.i.u.bf16.f32 v0;
	v0 =	vunpack.i.l.bf16.f32 v0;
	v43 =	vor.u32 v27, v46;
	v53 =	vld [tilespmem:s11+$0xFFFFFF30]  }
0x27a: {  	v56 =	vunpack.i.u.bf16.f32 v39;
	v39 =	vunpack.i.l.bf16.f32 v39;
	v32 =	vunpack.i.u.bf16.f32 v40;
	v55 =	vld [tilespmem:s11+$0xFFFFFE00]  }
0x27b: {  	v33 =	vunpack.i.l.bf16.f32 v40;
	v26 =	vunpack.i.u.bf16.f32 v41;
	v27 =	vunpack.i.l.bf16.f32 v41;
	v57 =	vld [tilespmem:s11+$0xFFFFFE10]  }
0x27c: {  	v41 =	vunpack.i.u.bf16.f32 v38;
	v58 =	vunpack.i.l.bf16.f32 v38;
	v59 =	vunpack.i.u.bf16.f32 v42;
	v40 =	vld [tilespmem:s11+$0xFFFFFE20]  }
0x27d: {  	v60 =	vunpack.i.l.bf16.f32 v42;
	v61 =	vunpack.i.u.bf16.f32 v44;
	v44 =	vunpack.i.l.bf16.f32 v44;
	v48 =	vld.idx.msk [tilespmem:v48+s18+$0x0], $0xffff  }
0x27e: {  	v42 =	vunpack.i.u.bf16.f32 v47;
	v62 =	vunpack.i.u.bf16.f32 v49;
	v38 =	vld.idx.msk [tilespmem:v43+s18+$0x0], $0xffff;
	v43 =	vunpack.i.l.bf16.f32 v47  }
0x27f: {  	v49 =	vunpack.i.l.bf16.f32 v49;
	v30 =	vunpack.i.u.bf16.f32 v50;
	v31 =	vunpack.i.l.bf16.f32 v50;
	v63 =	vld [tilespmem:s11+$0xFFFFFE30]  }
0x280: {  	v34 =	vunpack.i.u.bf16.f32 v51;
	v51 =	vunpack.i.l.bf16.f32 v51;
	v46 =	vunpack.i.u.bf16.f32 v53;
	v52 =	vld.idx.msk [tilespmem:v52+s18+$0x0], $0xffff  }
0x281: {  	v50 =	vunpack.i.l.bf16.f32 v53;
	v35 =	vunpack.i.u.bf16.f32 v55;
	v55 =	vunpack.i.l.bf16.f32 v55  }
0x282: {  	v53 =	vunpack.i.u.bf16.f32 v57;
	v57 =	vunpack.i.l.bf16.f32 v57;
	v6 =	vunpack.i.u.bf16.f32 v40;
	v47 =	vld.idx.msk [tilespmem:v45+s18+$0x0], $0xffff  }
0x283: {  	v40 =	vunpack.i.l.bf16.f32 v40;
	v45 =	vmul.f32 v55, v48;
	v7 =	vmul.f32 v35, v48  }
0x284: {  	v9 =	vmul.f32 v49, v38;
	v8 =	vunpack.i.u.bf16.f32 v63;
	v63 =	vunpack.i.l.bf16.f32 v63  }
0x285: {  	v4 =	vadd.f32 v45, v4;
	v2 =	vadd.f32 v7, v2;
	v7 =	vmul.f32 v62, v38  }
0x286: {  	v5 =	vadd.f32 v55, v5;
	v3 =	vadd.f32 v35, v3;
	v35 =	vmul.f32 v58, v52  }
0x287: {  	v4 =	vadd.f32 v9, v4;
	v2 =	vadd.f32 v7, v2;
	v7 =	vmul.f32 v41, v52  }
0x288: {  	v5 =	vadd.f32 v49, v5;
	v3 =	vadd.f32 v62, v3;
	v9 =	vmul.f32 v0, v47  }
0x289: {  	v4 =	vadd.f32 v35, v4;
	v2 =	vadd.f32 v7, v2;
	v7 =	vmul.f32 v54, v47  }
0x28a: {  	v5 =	vadd.f32 v58, v5;
	v3 =	vadd.f32 v41, v3;
	v35 =	vmul.f32 v57, v48  }
0x28b: {  	v41 =	vmul.f32 v53, v48;
	v4 =	vadd.f32 v9, v4;
	v2 =	vadd.f32 v7, v2  }
0x28c: {  	v5 =	vadd.f32 v0, v5;
	v3 =	vadd.f32 v54, v3;
	v7 =	vmul.f32 v31, v38  }
0x28d: {  	s13 =	sadd.s32 $0x4, s13;
	v19 =	vmul.f32 v30, v38;
	v0 =	vadd.f32 v35, v17;
	v9 =	vadd.f32 v41, v15  }
0x28e: {  	p2 =	slt.u32 s13, $0x5C;
	v20 =	vadd.f32 v57, v16;
	v18 =	vadd.f32 v53, v14;
	v21 =	vmul.f32 v60, v52  }
0x28f: {  	v0 =	vadd.f32 v7, v0;
	v7 =	vadd.f32 v19, v9;
	v9 =	vmul.f32 v59, v52  }
0x290: {  	v18 =	vadd.f32 v30, v18;
	v19 =	vadd.f32 v31, v20;
	v20 =	vmul.f32 v39, v47  }
0x291: {  	v0 =	vadd.f32 v21, v0;
	v7 =	vadd.f32 v9, v7;
	v9 =	vmul.f32 v56, v47  }
0x292: {  	v30 =	vmul.f32 v40, v48;
	v18 =	vadd.f32 v59, v18;
	v31 =	vadd.f32 v60, v19  }
0x293: {  	v35 =	vmul.f32 v6, v48;
	v17 =	vadd.f32 v20, v0;
	v15 =	vadd.f32 v9, v7  }
0x294: {  	v14 =	vadd.f32 v56, v18;
	v0 =	vmul.f32 v51, v38;
	v16 =	vadd.f32 v39, v31  }
0x295: {  	v7 =	vadd.f32 v30, v24;
	v9 =	vadd.f32 v35, v22;
	v22 =	vmul.f32 v34, v38  }
0x296: {  	v6 =	vadd.f32 v6, v23;
	v23 =	vmul.f32 v44, v52;
	v24 =	vadd.f32 v40, v25  }
0x297: {  	v0 =	vadd.f32 v0, v7;
	v7 =	vadd.f32 v22, v9;
	v9 =	vmul.f32 v61, v52  }
0x298: {  	v6 =	vadd.f32 v34, v6;
	v22 =	vadd.f32 v51, v24;
	v24 =	vmul.f32 v33, v47  }
0x299: {  	v0 =	vadd.f32 v23, v0;
	v7 =	vadd.f32 v9, v7;
	v9 =	vmul.f32 v32, v47  }
0x29a: {  	v6 =	vadd.f32 v61, v6;
	v30 =	vmul.f32 v63, v48;
	v23 =	vadd.f32 v44, v22  }
.Ltmp6:
0x29b: {  	v31 =	vmul.f32 v8, v48;
	v24 =	vadd.f32 v24, v0;
	v22 =	vadd.f32 v9, v7;
	(pc) =	sbr.rel @p2 .LBB2_11-.Ltmp6, $4  }
0x29c: {  	v0 =	vmul.f32 v50, v38;
	v25 =	vadd.f32 v33, v23;
	v23 =	vadd.f32 v32, v6  }
0x29d: {  	v6 =	vadd.f32 v30, v28;
	v7 =	vadd.f32 v31, v36;
	v9 =	vmul.f32 v46, v38  }
0x29e: {  	v36 =	vadd.f32 v63, v29;
	v32 =	vadd.f32 v8, v37;
	v28 =	vmul.f32 v43, v52  }
0x29f: {  	s11 =	sadd.s32 $0x400, s11;
	v37 =	vmul.f32 v42, v52;
	v33 =	vadd.f32 v0, v6;
	v29 =	vadd.f32 v9, v7  }
0x2a0: {  	[tilespmem:$0x1FAE0] =	vst v17  }
0x2a1: {  	[tilespmem:$0x1FAF0] =	vst v16  }
0x2a2: {  	[tilespmem:$0x1FB00] =	vst v15  }
0x2a3: {  	[tilespmem:$0x1FB10] =	vst v14  }
0x2a4: {  	[tilespmem:$0x1FB20] =	vst v5  }
0x2a5: {  	[tilespmem:$0x1FB30] =	vst v4  }
0x2a6: {  	[tilespmem:$0x1FB40] =	vst v3  }
0x2a7: {  	[tilespmem:$0x1FB50] =	vst v2  }
0x2a8: {  	[tilespmem:$0x1FB60] =	vst v13  }
0x2a9: {  	[tilespmem:$0x1FB70] =	vst v12  }
0x2aa: {  	[tilespmem:$0x1FB80] =	vst v11  }
0x2ab: {  	[tilespmem:$0x1FB90] =	vst v10  }
0x2ac: {  	v0 =	vld [tilespmem:s12+$0x100]  }
0x2ad: {  	v6 =	vld [tilespmem:s12+$0x110]  }
0x2ae: {  	v7 =	vld [tilespmem:s12+$0x120]  }
0x2af: {  	v8 =	vld [tilespmem:s12+$0x130]  }
0x2b0: {  	v35 =	vmul.f32 v27, v47;
	v9 =	vld [tilespmem:s12+$0x0];
	v28 =	vadd.f32 v28, v33  }
0x2b1: {  	v31 =	vadd.f32 v50, v36;
	v30 =	vld [tilespmem:s12+$0x10]  }
0x2b2: {  	v61 =	vmul.f32 v26, v47;
	v34 =	vld [tilespmem:s12+$0x20];
	v29 =	vadd.f32 v37, v29;
	v2 =	vadd.f32 v35, v28  }
0x2b3: {  	v32 =	vadd.f32 v46, v32;
	v60 =	vld [tilespmem:s12+$0x30]  }
0x2b4: {  	v38 =	vld [tilespmem:s12+$0xFFFFFF00];
	v31 =	vadd.f32 v43, v31;
	[tilespmem:$0x1FBA0] =	vst v2;
	v2 =	vadd.f32 v61, v29;
	_ =	sdelay $0x1  }
0x2b5: {  	v32 =	vadd.f32 v42, v32;
	v28 =	vld [tilespmem:s12+$0xFFFFFF10];
	[tilespmem:$0x1FBB0] =	vst v2;
	v2 =	vadd.f32 v27, v31;
	_ =	sdelay $0x1  }
0x2b6: {  	[tilespmem:$0x1FBC0] =	vst v2;
	v2 =	vadd.f32 v26, v32  }
0x2b7: {  	v29 =	vld [tilespmem:s12+$0xFFFFFF20]  }
0x2b8: {  	[tilespmem:$0x1FBD0] =	vst v2;
	v2 =	vld [tilespmem:$0x1FBE0];
	_ =	sdelay $0x7  }
0x2b9: {  	v46 =	vld.idx.msk [tilespmem:v2+s18+$0x0], $0xffff  }
0x2ba: {  	v2 =	vld [tilespmem:$0x1FBF0];
	_ =	sdelay $0x7  }
0x2bb: {  	v48 =	vld.idx.msk [tilespmem:v2+s18+$0x0], $0xffff  }
0x2bc: {  	v2 =	vld [tilespmem:$0x1FC00];
	_ =	sdelay $0x7  }
0x2bd: {  	v54 =	vld.idx.msk [tilespmem:v2+s18+$0x0], $0xffff  }
0x2be: {  	v2 =	vld [tilespmem:$0x1FC10];
	_ =	sdelay $0x4  }
0x2bf: {  	v31 =	vld [tilespmem:s12+$0xFFFFFF30]  }
0x2c0: {  	v62 =	vld [tilespmem:s12+$0xFFFFFE00]  }
0x2c1: {  	v40 =	vunpack.i.u.bf16.f32 v6;
	v41 =	vunpack.i.l.bf16.f32 v6;
	v6 =	vld [tilespmem:s12+$0xFFFFFE10]  }
0x2c2: {  	v39 =	vld.idx.msk [tilespmem:v2+s18+$0x0], $0xffff  }
0x2c3: {  	v2 =	vld [tilespmem:$0x1FE10]  }
0x2c4: {  	v49 =	vunpack.i.u.bf16.f32 v38;
	v12 =	vunpack.i.l.bf16.f32 v38  }
0x2c5: {  	v38 =	vunpack.i.u.bf16.f32 v31;
	v35 =	vunpack.i.l.bf16.f32 v62;
	v42 =	vunpack.i.l.bf16.f32 v31  }
0x2c6: {  	v31 =	vunpack.i.u.bf16.f32 v6;
	v55 =	vunpack.i.l.bf16.f32 v6;
	v6 =	vmul.f32 v35, v46;
	_ =	sdelay $0x1  }
0x2c7: {  	v6 =	vadd.f32 v6, v2;
	v2 =	vld [tilespmem:$0x1FDF0];
	_ =	sdelay $0x1  }
0x2c8: {  	v52 =	vunpack.i.u.bf16.f32 v29;
	v53 =	vunpack.i.l.bf16.f32 v29;
	v29 =	vunpack.i.u.bf16.f32 v62  }
0x2c9: {  	v57 =	vmul.f32 v29, v46;
	_ =	sdelay $0x1  }
0x2ca: {  	v13 =	vadd.f32 v57, v2;
	v2 =	vld [tilespmem:$0x1FE00];
	_ =	sdelay $0x2  }
0x2cb: {  	v43 =	vunpack.i.u.bf16.f32 v7;
	v44 =	vunpack.i.l.bf16.f32 v7;
	v7 =	vld [tilespmem:s12+$0xFFFFFE20];
	_ =	sdelay $0x1  }
0x2cc: {  	v35 =	vadd.f32 v35, v2;
	v2 =	vld [tilespmem:$0x1FDE0]  }
0x2cd: {  	v36 =	vunpack.i.u.bf16.f32 v60;
	v37 =	vunpack.i.l.bf16.f32 v60  }
0x2ce: {  	v27 =	vunpack.i.l.bf16.f32 v8;
	v32 =	vunpack.i.u.bf16.f32 v0;
	v26 =	vunpack.i.u.bf16.f32 v8;
	v63 =	vld [tilespmem:s12+$0xFFFFFE30]  }
0x2cf: {  	v56 =	vunpack.i.u.bf16.f32 v7;
	v58 =	vunpack.i.l.bf16.f32 v7;
	v7 =	vmul.f32 v12, v48  }
0x2d0: {  	v8 =	vunpack.i.u.bf16.f32 v9;
	v9 =	vunpack.i.l.bf16.f32 v9;
	v14 =	vmul.f32 v49, v48  }
0x2d1: {  	v61 =	vmul.f32 v9, v54;
	v6 =	vadd.f32 v7, v6;
	v29 =	vadd.f32 v29, v2  }
0x2d2: {  	v0 =	vunpack.i.l.bf16.f32 v0;
	v15 =	vmul.f32 v8, v54;
	v7 =	vadd.f32 v14, v13;
	v2 =	vld [tilespmem:$0x1FE60]  }
0x2d3: {  	v59 =	vunpack.i.u.bf16.f32 v63;
	v6 =	vadd.f32 v61, v6;
	v29 =	vadd.f32 v49, v29  }
0x2d4: {  	v61 =	vmul.f32 v32, v39;
	v57 =	vmul.f32 v0, v39;
	v7 =	vadd.f32 v15, v7  }
0x2d5: {  	v60 =	vunpack.i.l.bf16.f32 v63;
	v63 =	vmul.f32 v31, v46;
	v29 =	vadd.f32 v8, v29  }
0x2d6: {  	v8 =	vadd.f32 v57, v6;
	v6 =	vadd.f32 v61, v7  }
0x2d7: {  	v7 =	vadd.f32 v32, v29;
	v29 =	vadd.f32 v63, v2;
	v2 =	vld [tilespmem:$0x1FE70];
	_ =	sdelay $0x4  }
0x2d8: {  	v14 =	vadd.f32 v55, v2;
	v2 =	vld [tilespmem:$0x1FE80];
	_ =	sdelay $0x3  }
0x2d9: {  	v35 =	vadd.f32 v12, v35  }
0x2da: {  	v31 =	vadd.f32 v31, v2;
	v2 =	vld [tilespmem:$0x1FE90]  }
0x2db: {  	v9 =	vadd.f32 v9, v35;
	_ =	sdelay $0x1  }
0x2dc: {  	v9 =	vadd.f32 v0, v9;
	v0 =	vld [tilespmem:$0x1FE50];
	v61 =	vmul.f32 v58, v46;
	_ =	sdelay $0x1  }
0x2dd: {  	v63 =	vadd.f32 v61, v2;
	v2 =	vld [tilespmem:$0x1FEA0]  }
0x2de: {  	v62 =	vmul.f32 v55, v46  }
0x2df: {  	v51 =	vunpack.i.u.bf16.f32 v28;
	v28 =	vunpack.i.l.bf16.f32 v28  }
0x2e0: {  	v12 =	vmul.f32 v28, v48;
	v0 =	vadd.f32 v62, v0;
	v62 =	vmul.f32 v56, v46;
	_ =	sdelay $0x1  }
0x2e1: {  	v0 =	vadd.f32 v12, v0;
	v12 =	vadd.f32 v62, v2;
	v2 =	vld [tilespmem:$0x1FEB0];
	_ =	sdelay $0x4  }
0x2e2: {  	v28 =	vadd.f32 v28, v14;
	v14 =	vadd.f32 v58, v2;
	v2 =	vld [tilespmem:$0x1FEC0];
	_ =	sdelay $0x1  }
0x2e3: {  	v45 =	vunpack.i.u.bf16.f32 v30;
	v30 =	vunpack.i.l.bf16.f32 v30  }
0x2e4: {  	v15 =	vmul.f32 v30, v54;
	_ =	sdelay $0x1  }
0x2e5: {  	v0 =	vadd.f32 v15, v0;
	v15 =	vadd.f32 v56, v2;
	v2 =	vld [tilespmem:$0x1FED0];
	_ =	sdelay $0x2  }
0x2e6: {  	v58 =	vmul.f32 v60, v46;
	_ =	sdelay $0x1  }
0x2e7: {  	v13 =	vmul.f32 v51, v48;
	v61 =	vadd.f32 v58, v2;
	v2 =	vld [tilespmem:$0x1FEE0]  }
0x2e8: {  	v47 =	vunpack.i.u.bf16.f32 v34  }
0x2e9: {  	v50 =	vmul.f32 v45, v54;
	v57 =	vmul.f32 v40, v39;
	v29 =	vadd.f32 v13, v29  }
0x2ea: {  	v34 =	vunpack.i.l.bf16.f32 v34;
	v13 =	vmul.f32 v52, v48;
	v46 =	vmul.f32 v59, v46  }
0x2eb: {  	v29 =	vadd.f32 v50, v29;
	v55 =	vmul.f32 v41, v39;
	v31 =	vadd.f32 v51, v31  }
0x2ec: {  	v51 =	vmul.f32 v47, v54;
	v50 =	vadd.f32 v13, v12;
	v62 =	vadd.f32 v46, v2;
	v2 =	vld [tilespmem:$0x1FEF0]  }
0x2ed: {  	v21 =	vadd.f32 v55, v0;
	v0 =	vmul.f32 v53, v48;
	v53 =	vadd.f32 v53, v14  }
0x2ee: {  	v19 =	vadd.f32 v57, v29;
	v57 =	vmul.f32 v43, v39;
	v32 =	vadd.f32 v51, v50  }
0x2ef: {  	v28 =	vadd.f32 v30, v28;
	v35 =	vadd.f32 v34, v53  }
0x2f0: {  	v49 =	vmul.f32 v34, v54;
	v0 =	vadd.f32 v0, v63;
	v30 =	vadd.f32 v57, v32  }
0x2f1: {  	v56 =	vmul.f32 v44, v39;
	v32 =	vadd.f32 v44, v35;
	v44 =	vadd.f32 v60, v2;
	v2 =	vld [tilespmem:$0x1FF00]  }
0x2f2: {  	v45 =	vadd.f32 v45, v31;
	v55 =	vadd.f32 v52, v15  }
0x2f3: {  	v20 =	vadd.f32 v41, v28;
	v0 =	vadd.f32 v49, v0  }
0x2f4: {  	v18 =	vadd.f32 v40, v45;
	v40 =	vadd.f32 v47, v55  }
0x2f5: {  	v63 =	vmul.f32 v38, v48;
	v34 =	vadd.f32 v56, v0;
	v0 =	vmul.f32 v42, v48  }
0x2f6: {  	v31 =	vadd.f32 v43, v40;
	v40 =	vmul.f32 v37, v54;
	v45 =	vadd.f32 v59, v2  }
0x2f7: {  	s13 =	simm.s32 $0x0;
	s11 =	simm.s32 $0x6E40;
	v41 =	vadd.f32 v0, v61;
	v46 =	vmul.f32 v36, v54;
	v43 =	vadd.f32 v63, v62  }
.LBB2_13:
0x2f8: {  	v0 =	vld [tilespmem:s11+$0x100];
	v42 =	vadd.f32 v42, v44;
	v38 =	vadd.f32 v38, v45;
	v44 =	vmul.f32 v27, v39  }
0x2f9: {  	v39 =	vmul.f32 v26, v39;
	v45 =	vld [tilespmem:s11+$0x110];
	v40 =	vadd.f32 v40, v41;
	v41 =	vadd.f32 v46, v43  }
0x2fa: {  	v48 =	vld [tilespmem:s11+$0x120];
	v37 =	vadd.f32 v37, v42;
	v36 =	vadd.f32 v36, v38  }
0x2fb: {  	s14 =	sadd.s32 $0x6F, s13;
	s12 =	simm.s32 $0x6A80;
	v38 =	vld [tilespmem:s11+$0x130];
	v40 =	vadd.f32 v44, v40;
	v41 =	vadd.f32 v39, v41  }
0x2fc: {  	s15 =	sadd.s32 $0x6C, s13;
	s30 =	sadd.s32 $0x6D, s13;
	s31 =	sadd.s32 $0x6E, s13;
	v42 =	vmov s14;
	v39 =	vld [tilespmem:s11+$0x0];
	v43 =	vadd.f32 v27, v37;
	v46 =	vadd.f32 v26, v36  }
0x2fd: {  	v26 =	vmov s15;
	v27 =	vmov s30;
	v36 =	vmov s31;
	v37 =	vld [tilespmem:s11+$0x10]  }
0x2fe: {  	v47 =	vand.u32 $0xF8, v42;
	v42 =	vand.u32 $0x7, v42;
	v44 =	vand.u32 $0x6, v36;
	v49 =	vld [tilespmem:s11+$0x20]  }
0x2ff: {  	v50 =	vand.u32 $0xF8, v27;
	v27 =	vand.u32 $0x5, v27;
	v36 =	vand.u32 $0xF8, v36;
	v52 =	vld [tilespmem:s11+$0x30]  }
0x300: {  	v47 =	vadd.s32 v1, v47;
	v51 =	vand.u32 $0xF8, v26;
	v26 =	vand.u32 $0x4, v26;
	v53 =	vld [tilespmem:s11+$0xFFFFFF00]  }
0x301: {  	v51 =	vadd.s32 v1, v51;
	v50 =	vadd.s32 v1, v50;
	v36 =	vadd.s32 v1, v36;
	v54 =	vld [tilespmem:s11+$0xFFFFFF10]  }
0x302: {  	v56 =	vor.u32 v42, v47;
	v51 =	vor.u32 v26, v51;
	v44 =	vor.u32 v44, v36;
	v55 =	vld [tilespmem:s11+$0xFFFFFF20]  }
0x303: {  	v57 =	vunpack.i.u.bf16.f32 v0;
	v0 =	vunpack.i.l.bf16.f32 v0;
	v36 =	vor.u32 v27, v50;
	v42 =	vld [tilespmem:s11+$0xFFFFFF30]  }
0x304: {  	v59 =	vunpack.i.u.bf16.f32 v45;
	v45 =	vunpack.i.l.bf16.f32 v45;
	v47 =	vunpack.i.u.bf16.f32 v48;
	v58 =	vld [tilespmem:s11+$0xFFFFFE00]  }
0x305: {  	v50 =	vunpack.i.l.bf16.f32 v48;
	v26 =	vunpack.i.u.bf16.f32 v38;
	v27 =	vunpack.i.l.bf16.f32 v38;
	v60 =	vld [tilespmem:s11+$0xFFFFFE10]  }
0x306: {  	v61 =	vunpack.i.u.bf16.f32 v39;
	v62 =	vunpack.i.l.bf16.f32 v39;
	v63 =	vunpack.i.u.bf16.f32 v37;
	v48 =	vld [tilespmem:s11+$0xFFFFFE20]  }
0x307: {  	v11 =	vunpack.i.l.bf16.f32 v37;
	v12 =	vunpack.i.u.bf16.f32 v49;
	v49 =	vunpack.i.l.bf16.f32 v49;
	v10 =	vld.idx.msk [tilespmem:v51+s18+$0x0], $0xffff  }
0x308: {  	v37 =	vunpack.i.l.bf16.f32 v52;
	v13 =	vunpack.i.u.bf16.f32 v53;
	v51 =	vld.idx.msk [tilespmem:v36+s18+$0x0], $0xffff;
	v36 =	vunpack.i.u.bf16.f32 v52  }
0x309: {  	v53 =	vunpack.i.l.bf16.f32 v53;
	v14 =	vunpack.i.u.bf16.f32 v54;
	v54 =	vunpack.i.l.bf16.f32 v54;
	v52 =	vld [tilespmem:s11+$0xFFFFFE30]  }
0x30a: {  	v15 =	vunpack.i.u.bf16.f32 v55;
	v55 =	vunpack.i.l.bf16.f32 v55;
	v38 =	vunpack.i.u.bf16.f32 v42;
	v16 =	vld.idx.msk [tilespmem:v44+s18+$0x0], $0xffff  }
0x30b: {  	v42 =	vunpack.i.l.bf16.f32 v42;
	v44 =	vunpack.i.u.bf16.f32 v58;
	v58 =	vunpack.i.l.bf16.f32 v58  }
0x30c: {  	v17 =	vunpack.i.u.bf16.f32 v60;
	v60 =	vunpack.i.l.bf16.f32 v60;
	v2 =	vunpack.i.u.bf16.f32 v48;
	v39 =	vld.idx.msk [tilespmem:v56+s18+$0x0], $0xffff  }
0x30d: {  	v48 =	vunpack.i.l.bf16.f32 v48;
	v56 =	vmul.f32 v58, v10;
	v3 =	vmul.f32 v44, v10  }
0x30e: {  	v5 =	vmul.f32 v53, v51;
	v4 =	vunpack.i.u.bf16.f32 v52;
	v52 =	vunpack.i.l.bf16.f32 v52  }
0x30f: {  	v8 =	vadd.f32 v56, v8;
	v3 =	vadd.f32 v3, v6;
	v6 =	vmul.f32 v13, v51  }
0x310: {  	v9 =	vadd.f32 v58, v9;
	v7 =	vadd.f32 v44, v7;
	v44 =	vmul.f32 v62, v16  }
0x311: {  	v5 =	vadd.f32 v5, v8;
	v3 =	vadd.f32 v6, v3;
	v6 =	vmul.f32 v61, v16  }
0x312: {  	v7 =	vadd.f32 v13, v7;
	v8 =	vadd.f32 v53, v9;
	v9 =	vmul.f32 v0, v39  }
0x313: {  	v5 =	vadd.f32 v44, v5;
	v3 =	vadd.f32 v6, v3;
	v6 =	vmul.f32 v57, v39  }
0x314: {  	v13 =	vmul.f32 v60, v10;
	v7 =	vadd.f32 v61, v7;
	v44 =	vadd.f32 v62, v8  }
0x315: {  	v53 =	vmul.f32 v17, v10;
	v8 =	vadd.f32 v9, v5;
	v6 =	vadd.f32 v6, v3  }
0x316: {  	v7 =	vadd.f32 v57, v7;
	v3 =	vmul.f32 v54, v51;
	v9 =	vadd.f32 v0, v44  }
0x317: {  	s13 =	sadd.s32 $0x4, s13;
	v0 =	vadd.f32 v13, v21;
	v5 =	vadd.f32 v53, v19;
	v13 =	vmul.f32 v14, v51  }
0x318: {  	p2 =	slt.u32 s13, $0x5C;
	v29 =	vadd.f32 v60, v20;
	v28 =	vmul.f32 v11, v16;
	v17 =	vadd.f32 v17, v18  }
0x319: {  	v0 =	vadd.f32 v3, v0;
	v3 =	vadd.f32 v13, v5;
	v5 =	vmul.f32 v63, v16  }
0x31a: {  	v14 =	vadd.f32 v14, v17;
	v17 =	vmul.f32 v45, v39;
	v13 =	vadd.f32 v54, v29  }
0x31b: {  	v0 =	vadd.f32 v28, v0;
	v3 =	vadd.f32 v5, v3;
	v5 =	vmul.f32 v59, v39  }
0x31c: {  	v44 =	vmul.f32 v48, v10;
	v11 =	vadd.f32 v11, v13;
	v13 =	vadd.f32 v63, v14  }
0x31d: {  	v14 =	vmul.f32 v2, v10;
	v21 =	vadd.f32 v17, v0;
	v19 =	vadd.f32 v5, v3  }
0x31e: {  	v0 =	vmul.f32 v55, v51;
	v20 =	vadd.f32 v45, v11;
	v18 =	vadd.f32 v59, v13  }
0x31f: {  	v3 =	vadd.f32 v44, v34;
	v5 =	vadd.f32 v14, v30;
	v11 =	vmul.f32 v15, v51  }
0x320: {  	v2 =	vadd.f32 v2, v31;
	v13 =	vadd.f32 v48, v32;
	v14 =	vmul.f32 v49, v16  }
0x321: {  	v0 =	vadd.f32 v0, v3;
	v3 =	vadd.f32 v11, v5;
	v5 =	vmul.f32 v12, v16  }
0x322: {  	v2 =	vadd.f32 v15, v2;
	v11 =	vadd.f32 v55, v13;
	v13 =	vmul.f32 v50, v39  }
0x323: {  	v0 =	vadd.f32 v14, v0;
	v3 =	vadd.f32 v5, v3;
	v5 =	vmul.f32 v47, v39  }
0x324: {  	v2 =	vadd.f32 v12, v2;
	v14 =	vmul.f32 v52, v10;
	v11 =	vadd.f32 v49, v11  }
.Ltmp7:
0x325: {  	v10 =	vmul.f32 v4, v10;
	v34 =	vadd.f32 v13, v0;
	v30 =	vadd.f32 v5, v3;
	(pc) =	sbr.rel @p2 .LBB2_13-.Ltmp7, $4  }
0x326: {  	v31 =	vadd.f32 v47, v2;
	v0 =	vmul.f32 v42, v51;
	v32 =	vadd.f32 v50, v11  }
0x327: {  	v2 =	vadd.f32 v14, v40;
	v3 =	vadd.f32 v10, v41;
	v5 =	vmul.f32 v38, v51  }
0x328: {  	v44 =	vadd.f32 v52, v43;
	v45 =	vadd.f32 v4, v46;
	v40 =	vmul.f32 v37, v16  }
0x329: {  	s11 =	sadd.s32 $0x400, s11;
	v46 =	vmul.f32 v36, v16;
	v41 =	vadd.f32 v0, v2;
	v43 =	vadd.f32 v5, v3  }
0x32a: {  	[tilespmem:$0x1F9A0] =	vst v32  }
0x32b: {  	[tilespmem:$0x1F9B0] =	vst v34  }
0x32c: {  	[tilespmem:$0x1F9C0] =	vst v31  }
0x32d: {  	[tilespmem:$0x1F9D0] =	vst v30  }
0x32e: {  	[tilespmem:$0x1F9E0] =	vst v21  }
0x32f: {  	[tilespmem:$0x1F9F0] =	vst v20  }
0x330: {  	[tilespmem:$0x1FA00] =	vst v19  }
0x331: {  	[tilespmem:$0x1FA10] =	vst v18  }
0x332: {  	[tilespmem:$0x1FA20] =	vst v9  }
0x333: {  	[tilespmem:$0x1FA30] =	vst v8  }
0x334: {  	[tilespmem:$0x1FA40] =	vst v7  }
0x335: {  	[tilespmem:$0x1FA50] =	vst v6  }
0x336: {  	[tilespmem:$0x1FA60] =	vst v25  }
0x337: {  	[tilespmem:$0x1FA70] =	vst v24  }
0x338: {  	[tilespmem:$0x1FA80] =	vst v23;
	v3 =	vmul.f32 v27, v39;
	v5 =	vadd.f32 v40, v41  }
0x339: {  	[tilespmem:$0x1FA90] =	vst v22;
	v0 =	vadd.f32 v42, v44  }
0x33a: {  	v11 =	vmul.f32 v26, v39;
	v4 =	vld [tilespmem:s12+$0x100];
	v10 =	vadd.f32 v46, v43;
	v3 =	vadd.f32 v3, v5  }
0x33b: {  	v2 =	vadd.f32 v38, v45;
	v12 =	vld [tilespmem:s12+$0x110];
	v0 =	vadd.f32 v37, v0  }
0x33c: {  	v13 =	vld [tilespmem:s12+$0x120];
	[tilespmem:$0x1FAA0] =	vst v3;
	v3 =	vadd.f32 v11, v10  }
0x33d: {  	v2 =	vadd.f32 v36, v2;
	v0 =	vadd.f32 v27, v0  }
0x33e: {  	[tilespmem:$0x1FAB0] =	vst v3  }
0x33f: {  	v3 =	vld [tilespmem:s12+$0x130];
	[tilespmem:$0x1FAC0] =	vst v0;
	v0 =	vadd.f32 v26, v2  }
0x340: {  	s13 =	simm.s32 $0x68;
	v57 =	vld [tilespmem:$0x1FD10]  }
0x341: {  	v19 =	vld [tilespmem:$0x1FCF0];
	v63 =	vmov s13;
	[tilespmem:$0x1FAD0] =	vst v0  }
0x342: {  	s14 =	simm.s32 $0x69;
	s15 =	simm.s32 $0x6A;
	v5 =	vand.u32 $0x4, v63;
	v27 =	vand.u32 $0xF8, v63;
	v0 =	vld [tilespmem:s12+$0x0]  }
0x343: {  	v10 =	vmov s14;
	v11 =	vmov s15;
	v27 =	vadd.s32 v1, v27;
	v14 =	vld [tilespmem:s12+$0x10]  }
0x344: {  	s11 =	simm.s32 $0x6B;
	v15 =	vand.u32 $0x6, v11;
	v11 =	vand.u32 $0xF8, v11;
	v30 =	vor.u32 v5, v27;
	v20 =	vld [tilespmem:s12+$0x30]  }
0x345: {  	v41 =	vunpack.i.u.bf16.f32 v13;
	v42 =	vunpack.i.l.bf16.f32 v13;
	v2 =	vmov s11;
	v21 =	vld [tilespmem:s12+$0xFFFFFF00]  }
0x346: {  	v11 =	vadd.s32 v1, v11;
	v26 =	vand.u32 $0xF8, v10;
	v17 =	vand.u32 $0xF8, v2;
	v22 =	vld [tilespmem:s12+$0xFFFFFF10]  }
0x347: {  	v10 =	vand.u32 $0x5, v10;
	v2 =	vand.u32 $0x7, v2;
	v17 =	vadd.s32 v1, v17;
	v23 =	vld [tilespmem:s12+$0xFFFFFF20]  }
0x348: {  	v29 =	vor.u32 v15, v11;
	v26 =	vadd.s32 v1, v26;
	v28 =	vor.u32 v2, v17;
	v2 =	vld [tilespmem:s12+$0xFFFFFF30]  }
0x349: {  	v11 =	vunpack.i.u.bf16.f32 v4;
	v4 =	vunpack.i.l.bf16.f32 v4;
	v31 =	vor.u32 v10, v26;
	v10 =	vld [tilespmem:s12+$0xFFFFFE00]  }
0x34a: {  	v15 =	vunpack.i.u.bf16.f32 v12;
	v17 =	vunpack.i.l.bf16.f32 v12;
	v12 =	vld [tilespmem:s12+$0xFFFFFE10];
	v26 =	vunpack.i.u.bf16.f32 v3  }
0x34b: {  	v48 =	vld.idx.msk [tilespmem:v30+s18+$0x0], $0xffff;
	v27 =	vunpack.i.l.bf16.f32 v3;
	v13 =	vunpack.i.u.bf16.f32 v0;
	v0 =	vunpack.i.l.bf16.f32 v0  }
0x34c: {  	v33 =	vld [tilespmem:s12+$0xFFFFFE30];
	v43 =	vunpack.i.u.bf16.f32 v14;
	v14 =	vunpack.i.l.bf16.f32 v14;
	v32 =	vunpack.i.u.bf16.f32 v21  }
0x34d: {  	v58 =	vld.idx.msk [tilespmem:v29+s18+$0x0], $0xffff;
	v36 =	vunpack.i.u.bf16.f32 v20;
	v37 =	vunpack.i.l.bf16.f32 v20;
	v34 =	vunpack.i.l.bf16.f32 v21  }
0x34e: {  	v52 =	vld.idx.msk [tilespmem:v31+s18+$0x0], $0xffff;
	v47 =	vunpack.i.u.bf16.f32 v22;
	v50 =	vunpack.i.l.bf16.f32 v22;
	v51 =	vunpack.i.u.bf16.f32 v23  }
0x34f: {  	v5 =	vunpack.i.l.bf16.f32 v23;
	v38 =	vunpack.i.u.bf16.f32 v2;
	v53 =	vunpack.i.u.bf16.f32 v10;
	v20 =	vld [tilespmem:$0x1FC20]  }
0x350: {  	v18 =	vld [tilespmem:$0x1FD00];
	v10 =	vunpack.i.l.bf16.f32 v10;
	v40 =	vunpack.i.l.bf16.f32 v2;
	v2 =	vunpack.i.u.bf16.f32 v12  }
0x351: {  	v3 =	vld [tilespmem:s12+$0xFFFFFE20];
	v59 =	vunpack.i.l.bf16.f32 v12;
	v12 =	vmul.f32 v10, v48;
	v10 =	vadd.f32 v10, v19  }
0x352: {  	v62 =	vunpack.i.u.bf16.f32 v33;
	v63 =	vunpack.i.l.bf16.f32 v33;
	v61 =	vmul.f32 v53, v48;
	v19 =	vld [tilespmem:$0x1FD50]  }
0x353: {  	v33 =	vmul.f32 v59, v48;
	v55 =	vmul.f32 v0, v58;
	v10 =	vadd.f32 v34, v10  }
0x354: {  	v56 =	vld [tilespmem:$0x1FD30];
	v12 =	vadd.f32 v12, v57;
	v35 =	vmul.f32 v34, v52;
	v53 =	vadd.f32 v53, v20  }
0x355: {  	v39 =	vld.idx.msk [tilespmem:v28+s18+$0x0], $0xffff;
	v61 =	vadd.f32 v61, v18;
	v54 =	vmul.f32 v32, v52;
	v0 =	vadd.f32 v0, v10  }
0x356: {  	v60 =	vunpack.i.u.bf16.f32 v3;
	v12 =	vadd.f32 v35, v12;
	v44 =	vadd.f32 v32, v53  }
0x357: {  	v34 =	vmul.f32 v2, v48;
	v21 =	vadd.f32 v54, v61;
	v61 =	vld [tilespmem:$0x1FD40];
	v2 =	vadd.f32 v2, v19  }
0x358: {  	v22 =	vmul.f32 v13, v58;
	v44 =	vadd.f32 v13, v44;
	v13 =	vadd.f32 v4, v0;
	v0 =	vld [tilespmem:$0x1FD20]  }
0x359: {  	v57 =	vmul.f32 v47, v52;
	v12 =	vadd.f32 v55, v12;
	v2 =	vadd.f32 v47, v2  }
0x35a: {  	v23 =	vmul.f32 v4, v39;
	v45 =	vadd.f32 v22, v21;
	v4 =	vadd.f32 v34, v56  }
0x35b: {  	v32 =	vmul.f32 v11, v39;
	v2 =	vadd.f32 v43, v2;
	v11 =	vadd.f32 v11, v44  }
0x35c: {  	v35 =	vmul.f32 v50, v52;
	v18 =	vadd.f32 v59, v61;
	v4 =	vadd.f32 v57, v4  }
0x35d: {  	v21 =	vmul.f32 v43, v58;
	v44 =	vadd.f32 v15, v2;
	v2 =	vld [tilespmem:$0x1FD60];
	v0 =	vadd.f32 v33, v0  }
0x35e: {  	v3 =	vunpack.i.l.bf16.f32 v3;
	v10 =	vadd.f32 v32, v45;
	v22 =	vadd.f32 v50, v18;
	v50 =	vld [tilespmem:$0x1FD80]  }
0x35f: {  	v32 =	vmul.f32 v15, v39;
	v4 =	vadd.f32 v21, v4;
	v0 =	vadd.f32 v35, v0;
	v35 =	vld [tilespmem:$0x1FD70]  }
0x360: {  	v16 =	vld [tilespmem:s12+$0x20];
	v20 =	vmul.f32 v14, v58;
	v34 =	vmul.f32 v60, v48;
	v14 =	vadd.f32 v14, v22  }
0x361: {  	v12 =	vadd.f32 v23, v12;
	v33 =	vmul.f32 v3, v48;
	v45 =	vadd.f32 v32, v4  }
0x362: {  	v53 =	vld [tilespmem:$0x1FD90];
	v23 =	vmul.f32 v17, v39;
	v46 =	vadd.f32 v17, v14;
	v0 =	vadd.f32 v20, v0  }
0x363: {  	v2 =	vadd.f32 v33, v2;
	v14 =	vmul.f32 v51, v52;
	v3 =	vadd.f32 v3, v50  }
0x364: {  	v47 =	vadd.f32 v23, v0;
	v0 =	vmul.f32 v5, v52;
	v4 =	vadd.f32 v34, v35  }
0x365: {  	v49 =	vunpack.i.u.bf16.f32 v16;
	v16 =	vunpack.i.l.bf16.f32 v16;
	v3 =	vadd.f32 v5, v3  }
0x366: {  	v55 =	vmul.f32 v49, v58;
	v61 =	vld [tilespmem:$0x1FDC0];
	v0 =	vadd.f32 v0, v2;
	v2 =	vadd.f32 v14, v4  }
0x367: {  	v15 =	vadd.f32 v60, v53;
	v3 =	vadd.f32 v16, v3  }
0x368: {  	v57 =	vmul.f32 v41, v39;
	v2 =	vadd.f32 v55, v2  }
0x369: {  	v54 =	vmul.f32 v16, v58;
	v56 =	vadd.f32 v51, v15;
	v51 =	vadd.f32 v42, v3;
	v3 =	vld [tilespmem:$0x1FDB0]  }
0x36a: {  	v59 =	vmul.f32 v62, v48;
	v15 =	vmul.f32 v63, v48;
	v48 =	vadd.f32 v57, v2;
	v2 =	vld [tilespmem:$0x1FDA0]  }
0x36b: {  	v53 =	vadd.f32 v63, v61;
	v63 =	vld [tilespmem:$0x1FDD0]  }
0x36c: {  	v14 =	vmul.f32 v42, v39;
	v0 =	vadd.f32 v54, v0;
	_ =	sdelay $0x1  }
0x36d: {  	v60 =	vmul.f32 v38, v52;
	v5 =	vadd.f32 v49, v56;
	v50 =	vadd.f32 v14, v0  }
0x36e: {  	v0 =	vmul.f32 v40, v52;
	v3 =	vadd.f32 v59, v3;
	v2 =	vadd.f32 v15, v2  }
0x36f: {  	v43 =	vadd.f32 v62, v63;
	v49 =	vadd.f32 v41, v5;
	v41 =	vmul.f32 v37, v58  }
0x370: {  	s13 =	simm.s32 $0x0;
	s11 =	simm.s32 $0x6E80;
	v58 =	vmul.f32 v36, v58;
	v42 =	vadd.f32 v60, v3;
	v52 =	vadd.f32 v0, v2  }
.LBB2_15:
0x371: {  	v0 =	vld [tilespmem:s11+$0x100];
	v2 =	vadd.f32 v40, v53;
	v3 =	vadd.f32 v38, v43;
	v4 =	vmul.f32 v27, v39  }
0x372: {  	v16 =	vmul.f32 v26, v39;
	v5 =	vld [tilespmem:s11+$0x110];
	v14 =	vadd.f32 v41, v52;
	v15 =	vadd.f32 v58, v42  }
0x373: {  	v17 =	vld [tilespmem:s11+$0x120];
	v2 =	vadd.f32 v37, v2;
	v3 =	vadd.f32 v36, v3  }
0x374: {  	s14 =	sadd.s32 $0x6F, s13;
	s12 =	simm.s32 $0x6AC0;
	v36 =	vld [tilespmem:s11+$0x130];
	v52 =	vadd.f32 v4, v14;
	v53 =	vadd.f32 v16, v15  }
0x375: {  	s15 =	sadd.s32 $0x6C, s13;
	s30 =	sadd.s32 $0x6D, s13;
	s31 =	sadd.s32 $0x6E, s13;
	v14 =	vmov s14;
	v4 =	vld [tilespmem:s11+$0x0];
	v41 =	vadd.f32 v27, v2;
	v42 =	vadd.f32 v26, v3  }
0x376: {  	v15 =	vmov s31;
	v2 =	vmov s15;
	v3 =	vmov s30;
	v16 =	vld [tilespmem:s11+$0x10]  }
0x377: {  	v26 =	vand.u32 $0x6, v15;
	v27 =	vand.u32 $0xF8, v14;
	v14 =	vand.u32 $0x7, v14;
	v37 =	vld [tilespmem:s11+$0x20]  }
0x378: {  	v15 =	vand.u32 $0xF8, v15;
	v38 =	vand.u32 $0xF8, v3;
	v3 =	vand.u32 $0x5, v3;
	v39 =	vld [tilespmem:s11+$0x30]  }
0x379: {  	v40 =	vand.u32 $0xF8, v2;
	v2 =	vand.u32 $0x4, v2;
	v27 =	vadd.s32 v1, v27;
	v54 =	vld [tilespmem:s11+$0xFFFFFF00]  }
0x37a: {  	v15 =	vadd.s32 v1, v15;
	v40 =	vadd.s32 v1, v40;
	v38 =	vadd.s32 v1, v38;
	v55 =	vld [tilespmem:s11+$0xFFFFFF10]  }
0x37b: {  	v15 =	vor.u32 v26, v15;
	v14 =	vor.u32 v14, v27;
	v2 =	vor.u32 v2, v40;
	v40 =	vld [tilespmem:s11+$0xFFFFFF20]  }
0x37c: {  	v61 =	vunpack.i.u.bf16.f32 v0;
	v0 =	vunpack.i.l.bf16.f32 v0;
	v3 =	vor.u32 v3, v38;
	v60 =	vld [tilespmem:s11+$0xFFFFFF30]  }
0x37d: {  	v63 =	vunpack.i.u.bf16.f32 v5;
	v5 =	vunpack.i.l.bf16.f32 v5;
	v43 =	vunpack.i.u.bf16.f32 v17;
	v62 =	vld [tilespmem:s11+$0xFFFFFE00]  }
0x37e: {  	v58 =	vunpack.i.l.bf16.f32 v17;
	v26 =	vunpack.i.u.bf16.f32 v36;
	v27 =	vunpack.i.l.bf16.f32 v36;
	v56 =	vld [tilespmem:s11+$0xFFFFFE10]  }
0x37f: {  	v57 =	vunpack.i.u.bf16.f32 v4;
	v4 =	vunpack.i.l.bf16.f32 v4;
	v18 =	vunpack.i.u.bf16.f32 v16;
	v17 =	vld [tilespmem:s11+$0xFFFFFE20]  }
0x380: {  	v16 =	vunpack.i.l.bf16.f32 v16;
	v19 =	vunpack.i.u.bf16.f32 v37;
	v20 =	vunpack.i.l.bf16.f32 v37;
	v2 =	vld.idx.msk [tilespmem:v2+s18+$0x0], $0xffff  }
0x381: {  	v36 =	vunpack.i.u.bf16.f32 v39;
	v37 =	vunpack.i.l.bf16.f32 v39;
	v59 =	vld.idx.msk [tilespmem:v3+s18+$0x0], $0xffff;
	v3 =	vunpack.i.u.bf16.f32 v54  }
0x382: {  	v22 =	vunpack.i.u.bf16.f32 v55;
	v55 =	vunpack.i.l.bf16.f32 v55;
	v54 =	vunpack.i.l.bf16.f32 v54;
	v21 =	vld [tilespmem:s11+$0xFFFFFE30]  }
0x383: {  	v23 =	vunpack.i.u.bf16.f32 v40;
	v24 =	vunpack.i.l.bf16.f32 v40;
	v38 =	vunpack.i.u.bf16.f32 v60;
	v15 =	vld.idx.msk [tilespmem:v15+s18+$0x0], $0xffff  }
0x384: {  	v40 =	vunpack.i.l.bf16.f32 v60;
	v25 =	vunpack.i.u.bf16.f32 v62;
	v62 =	vunpack.i.l.bf16.f32 v62  }
0x385: {  	v60 =	vunpack.i.u.bf16.f32 v56;
	v56 =	vunpack.i.l.bf16.f32 v56;
	v6 =	vunpack.i.u.bf16.f32 v17;
	v39 =	vld.idx.msk [tilespmem:v14+s18+$0x0], $0xffff  }
0x386: {  	v17 =	vunpack.i.l.bf16.f32 v17;
	v14 =	vmul.f32 v62, v2;
	v7 =	vmul.f32 v25, v2  }
0x387: {  	v9 =	vmul.f32 v54, v59;
	v8 =	vunpack.i.u.bf16.f32 v21;
	v21 =	vunpack.i.l.bf16.f32 v21  }
0x388: {  	v12 =	vadd.f32 v14, v12;
	v7 =	vadd.f32 v7, v10;
	v10 =	vmul.f32 v3, v59  }
0x389: {  	v13 =	vadd.f32 v62, v13;
	v11 =	vadd.f32 v25, v11;
	v14 =	vmul.f32 v4, v15  }
0x38a: {  	v9 =	vadd.f32 v9, v12;
	v7 =	vadd.f32 v10, v7;
	v10 =	vmul.f32 v57, v15  }
0x38b: {  	v3 =	vadd.f32 v3, v11;
	v12 =	vadd.f32 v54, v13;
	v11 =	vmul.f32 v0, v39  }
0x38c: {  	v9 =	vadd.f32 v14, v9;
	v7 =	vadd.f32 v10, v7;
	v10 =	vmul.f32 v61, v39  }
0x38d: {  	v3 =	vadd.f32 v57, v3;
	v14 =	vmul.f32 v56, v2;
	v4 =	vadd.f32 v4, v12  }
0x38e: {  	v25 =	vmul.f32 v60, v2;
	v12 =	vadd.f32 v11, v9;
	v10 =	vadd.f32 v10, v7  }
0x38f: {  	v7 =	vmul.f32 v55, v59;
	v13 =	vadd.f32 v0, v4;
	v11 =	vadd.f32 v61, v3  }
0x390: {  	s13 =	sadd.s32 $0x4, s13;
	v0 =	vadd.f32 v14, v47;
	v3 =	vadd.f32 v25, v45;
	v4 =	vmul.f32 v22, v59  }
0x391: {  	p2 =	slt.u32 s13, $0x5C;
	v9 =	vadd.f32 v56, v46;
	v14 =	vadd.f32 v60, v44;
	v25 =	vmul.f32 v16, v15  }
0x392: {  	v0 =	vadd.f32 v7, v0;
	v3 =	vadd.f32 v4, v3;
	v4 =	vmul.f32 v18, v15  }
0x393: {  	v7 =	vadd.f32 v55, v9;
	v9 =	vadd.f32 v22, v14;
	v14 =	vmul.f32 v5, v39  }
0x394: {  	v0 =	vadd.f32 v25, v0;
	v3 =	vadd.f32 v4, v3;
	v4 =	vmul.f32 v63, v39  }
0x395: {  	v22 =	vmul.f32 v17, v2;
	v7 =	vadd.f32 v16, v7;
	v9 =	vadd.f32 v18, v9  }
0x396: {  	v16 =	vmul.f32 v6, v2;
	v47 =	vadd.f32 v14, v0;
	v45 =	vadd.f32 v4, v3  }
0x397: {  	v0 =	vmul.f32 v24, v59;
	v46 =	vadd.f32 v5, v7;
	v44 =	vadd.f32 v63, v9  }
0x398: {  	v3 =	vadd.f32 v22, v50;
	v4 =	vadd.f32 v16, v48;
	v5 =	vmul.f32 v23, v59  }
0x399: {  	v6 =	vadd.f32 v6, v49;
	v7 =	vadd.f32 v17, v51;
	v9 =	vmul.f32 v20, v15  }
0x39a: {  	v0 =	vadd.f32 v0, v3;
	v3 =	vadd.f32 v5, v4;
	v4 =	vmul.f32 v19, v15  }
0x39b: {  	v6 =	vadd.f32 v23, v6;
	v5 =	vadd.f32 v24, v7;
	v7 =	vmul.f32 v58, v39  }
0x39c: {  	v0 =	vadd.f32 v9, v0;
	v3 =	vadd.f32 v4, v3;
	v4 =	vmul.f32 v43, v39  }
0x39d: {  	v6 =	vadd.f32 v19, v6;
	v9 =	vmul.f32 v21, v2;
	v5 =	vadd.f32 v20, v5  }
.Ltmp8:
0x39e: {  	v2 =	vmul.f32 v8, v2;
	v50 =	vadd.f32 v7, v0;
	v48 =	vadd.f32 v4, v3;
	(pc) =	sbr.rel @p2 .LBB2_15-.Ltmp8, $4  }
0x39f: {  	v49 =	vadd.f32 v43, v6;
	v0 =	vmul.f32 v40, v59;
	v51 =	vadd.f32 v58, v5  }
0x3a0: {  	v3 =	vadd.f32 v9, v52;
	v2 =	vadd.f32 v2, v53;
	v4 =	vmul.f32 v38, v59  }
0x3a1: {  	v43 =	vadd.f32 v8, v42;
	v53 =	vadd.f32 v21, v41;
	v41 =	vmul.f32 v37, v15  }
0x3a2: {  	s11 =	sadd.s32 $0x400, s11;
	v58 =	vmul.f32 v36, v15;
	v52 =	vadd.f32 v0, v3;
	v42 =	vadd.f32 v4, v2  }
0x3a3: {  	[tilespmem:$0x1F920] =	vst v13  }
0x3a4: {  	[tilespmem:$0x1F930] =	vst v12  }
0x3a5: {  	[tilespmem:$0x1F940] =	vst v11  }
0x3a6: {  	[tilespmem:$0x1F950] =	vst v10;
	v32 =	vld [tilespmem:$0x1FB70]  }
0x3a7: {  	v0 =	vld [tilespmem:s12+$0x100]  }
0x3a8: {  	v2 =	vld [tilespmem:s12+$0x110]  }
0x3a9: {  	v3 =	vld [tilespmem:s12+$0x120]  }
0x3aa: {  	v4 =	vld [tilespmem:s12+$0x130]  }
0x3ab: {  	v5 =	vld [tilespmem:s12+$0x0]  }
0x3ac: {  	v7 =	vadd.f32 v40, v53;
	v14 =	vmul.f32 v27, v39;
	v6 =	vld [tilespmem:s12+$0x10];
	v15 =	vadd.f32 v41, v52  }
0x3ad: {  	v9 =	vadd.f32 v38, v43;
	v18 =	vmul.f32 v26, v39;
	v8 =	vld [tilespmem:s12+$0x20];
	v17 =	vadd.f32 v58, v42  }
0x3ae: {  	v16 =	vld [tilespmem:s12+$0x30];
	v7 =	vadd.f32 v37, v7;
	v33 =	vadd.f32 v14, v15  }
0x3af: {  	v19 =	vld [tilespmem:s12+$0xFFFFFF00];
	v9 =	vadd.f32 v36, v9;
	v34 =	vadd.f32 v18, v17  }
0x3b0: {  	v7 =	vadd.f32 v27, v7;
	[tilespmem:$0x1F960] =	vst v33;
	v33 =	vld [tilespmem:$0x1FB80]  }
0x3b1: {  	v9 =	vadd.f32 v26, v9;
	v14 =	vld [tilespmem:s12+$0xFFFFFF10];
	[tilespmem:$0x1F970] =	vst v34  }
0x3b2: {  	[tilespmem:$0x1F980] =	vst v7;
	v34 =	vld [tilespmem:$0x1FB60]  }
0x3b3: {  	v7 =	vld [tilespmem:s12+$0xFFFFFF20];
	[tilespmem:$0x1F990] =	vst v9  }
0x3b4: {  	v15 =	vunpack.i.u.bf16.f32 v0;
	v0 =	vunpack.i.l.bf16.f32 v0;
	v9 =	vld [tilespmem:s12+$0xFFFFFF30]  }
0x3b5: {  	v18 =	vunpack.i.u.bf16.f32 v2;
	v2 =	vunpack.i.l.bf16.f32 v2;
	v52 =	vunpack.i.u.bf16.f32 v4;
	v17 =	vld [tilespmem:s12+$0xFFFFFE00]  }
0x3b6: {  	v53 =	vunpack.i.l.bf16.f32 v4;
	v22 =	vunpack.i.u.bf16.f32 v5;
	v5 =	vunpack.i.l.bf16.f32 v5;
	v21 =	vld [tilespmem:s12+$0xFFFFFE10]  }
0x3b7: {  	v23 =	vunpack.i.u.bf16.f32 v6;
	v6 =	vunpack.i.l.bf16.f32 v6;
	v25 =	vunpack.i.u.bf16.f32 v8;
	v35 =	vld [tilespmem:s12+$0xFFFFFE20]  }
0x3b8: {  	v26 =	vunpack.i.u.bf16.f32 v19;
	v56 =	vunpack.i.u.bf16.f32 v16;
	v57 =	vunpack.i.l.bf16.f32 v16;
	v24 =	vld.idx.msk [tilespmem:v30+s18+$0x0], $0xffff  }
0x3b9: {  	v19 =	vunpack.i.l.bf16.f32 v19;
	v16 =	vld [tilespmem:s12+$0xFFFFFE30];
	v36 =	vunpack.i.u.bf16.f32 v14;
	v37 =	vunpack.i.l.bf16.f32 v14  }
0x3ba: {  	v41 =	vld.idx.msk [tilespmem:v31+s18+$0x0], $0xffff;
	v38 =	vunpack.i.u.bf16.f32 v7;
	v7 =	vunpack.i.l.bf16.f32 v7;
	v63 =	vunpack.i.u.bf16.f32 v9  }
0x3bb: {  	v31 =	vld [tilespmem:$0x1FB90];
	v14 =	vunpack.i.u.bf16.f32 v17;
	v17 =	vunpack.i.l.bf16.f32 v17;
	v40 =	vunpack.i.l.bf16.f32 v9  }
0x3bc: {  	v43 =	vld.idx.msk [tilespmem:v29+s18+$0x0], $0xffff;
	v9 =	vunpack.i.u.bf16.f32 v21;
	v21 =	vunpack.i.l.bf16.f32 v21;
	v39 =	vunpack.i.u.bf16.f32 v35  }
0x3bd: {  	v30 =	vmul.f32 v17, v24;
	v54 =	vmul.f32 v14, v24;
	v17 =	vadd.f32 v17, v33  }
0x3be: {  	v27 =	vld.idx.msk [tilespmem:v28+s18+$0x0], $0xffff;
	v4 =	vunpack.i.l.bf16.f32 v35;
	v58 =	vunpack.i.u.bf16.f32 v16;
	v59 =	vunpack.i.l.bf16.f32 v16  }
0x3bf: {  	v16 =	vmul.f32 v19, v41;
	v54 =	vadd.f32 v54, v32;
	v17 =	vadd.f32 v19, v17;
	v32 =	vld [tilespmem:$0x1FC50]  }
0x3c0: {  	v55 =	vmul.f32 v26, v41;
	v14 =	vadd.f32 v14, v34;
	v42 =	vadd.f32 v30, v31  }
0x3c1: {  	v60 =	vmul.f32 v5, v43;
	v61 =	vmul.f32 v22, v43;
	v30 =	vld [tilespmem:$0x1FC40];
	v5 =	vadd.f32 v5, v17  }
0x3c2: {  	v10 =	vmul.f32 v21, v24;
	v14 =	vadd.f32 v26, v14;
	v16 =	vadd.f32 v16, v42  }
0x3c3: {  	v19 =	vmul.f32 v0, v27;
	v35 =	vadd.f32 v55, v54;
	v17 =	vadd.f32 v0, v5;
	v0 =	vld [tilespmem:$0x1FC30]  }
0x3c4: {  	v11 =	vmul.f32 v9, v24;
	v33 =	vld [tilespmem:$0x1FC60];
	v22 =	vadd.f32 v22, v14;
	v21 =	vadd.f32 v21, v32  }
0x3c5: {  	v62 =	vmul.f32 v15, v27;
	v16 =	vadd.f32 v60, v16;
	v26 =	vadd.f32 v61, v35  }
0x3c6: {  	v31 =	vmul.f32 v36, v41;
	v5 =	vadd.f32 v11, v30;
	v21 =	vadd.f32 v37, v21  }
0x3c7: {  	v16 =	vadd.f32 v19, v16;
	v14 =	vadd.f32 v62, v26;
	v19 =	vmul.f32 v37, v41  }
0x3c8: {  	v26 =	vmul.f32 v6, v43;
	v0 =	vadd.f32 v10, v0;
	v6 =	vadd.f32 v6, v21;
	v21 =	vld [tilespmem:$0x1FC90]  }
0x3c9: {  	v34 =	vmul.f32 v2, v27;
	v9 =	vadd.f32 v9, v33;
	v60 =	vld [tilespmem:$0x1FC80];
	v5 =	vadd.f32 v31, v5  }
0x3ca: {  	v0 =	vadd.f32 v19, v0;
	v19 =	vmul.f32 v23, v43;
	v62 =	vadd.f32 v2, v6;
	v2 =	vld [tilespmem:$0x1FC70]  }
0x3cb: {  	v42 =	vmul.f32 v39, v24;
	v15 =	vadd.f32 v15, v22;
	v9 =	vadd.f32 v36, v9  }
0x3cc: {  	v0 =	vadd.f32 v26, v0;
	v5 =	vadd.f32 v19, v5;
	v19 =	vmul.f32 v18, v27  }
0x3cd: {  	v35 =	vmul.f32 v4, v24;
	v22 =	vld [tilespmem:$0x1FCA0];
	v9 =	vadd.f32 v23, v9;
	v4 =	vadd.f32 v4, v21  }
0x3ce: {  	v61 =	vmul.f32 v38, v41;
	v26 =	vadd.f32 v34, v0;
	v55 =	vadd.f32 v19, v5  }
0x3cf: {  	v0 =	vmul.f32 v7, v41;
	v5 =	vadd.f32 v42, v60;
	v2 =	vadd.f32 v35, v2  }
0x3d0: {  	v8 =	vunpack.i.l.bf16.f32 v8;
	v54 =	vadd.f32 v18, v9;
	v4 =	vadd.f32 v7, v4  }
0x3d1: {  	v23 =	vmul.f32 v25, v43;
	v0 =	vadd.f32 v0, v2;
	v2 =	vadd.f32 v61, v5  }
0x3d2: {  	v20 =	vunpack.i.u.bf16.f32 v3;
	v9 =	vadd.f32 v39, v22;
	v4 =	vadd.f32 v8, v4  }
0x3d3: {  	v3 =	vunpack.i.l.bf16.f32 v3;
	v32 =	vmul.f32 v20, v27;
	v60 =	vld [tilespmem:$0x1FCD0];
	v2 =	vadd.f32 v23, v2  }
0x3d4: {  	v31 =	vmul.f32 v3, v27;
	v30 =	vadd.f32 v38, v9;
	v38 =	vadd.f32 v3, v4;
	v3 =	vld [tilespmem:$0x1FCC0]  }
0x3d5: {  	v18 =	vmul.f32 v8, v43;
	v37 =	vadd.f32 v32, v2;
	v2 =	vld [tilespmem:$0x1FCB0]  }
0x3d6: {  	v61 =	vld [tilespmem:$0x1FCE0]  }
0x3d7: {  	v6 =	vadd.f32 v25, v30;
	v0 =	vadd.f32 v18, v0  }
0x3d8: {  	v33 =	vmul.f32 v59, v24;
	v34 =	vmul.f32 v58, v24  }
0x3d9: {  	v36 =	vadd.f32 v20, v6;
	v35 =	vmul.f32 v63, v41;
	v39 =	vadd.f32 v31, v0  }
0x3da: {  	v0 =	vmul.f32 v40, v41;
	v3 =	vadd.f32 v34, v3;
	v2 =	vadd.f32 v33, v2  }
0x3db: {  	v60 =	vadd.f32 v59, v60;
	v41 =	vmul.f32 v57, v43;
	v59 =	vadd.f32 v58, v61  }
0x3dc: {  	s11 =	simm.s32 $0x6EC0;
	s12 =	simm.s32 $0x0;
	v43 =	vmul.f32 v56, v43;
	v42 =	vadd.f32 v35, v3;
	v58 =	vadd.f32 v0, v2  }
.LBB2_17:
0x3dd: {  	v0 =	vld [tilespmem:s11+$0x100];
	v2 =	vadd.f32 v40, v60;
	v3 =	vadd.f32 v63, v59;
	v4 =	vmul.f32 v53, v27  }
0x3de: {  	v8 =	vmul.f32 v52, v27;
	v5 =	vld [tilespmem:s11+$0x110];
	v6 =	vadd.f32 v41, v58;
	v7 =	vadd.f32 v43, v42  }
0x3df: {  	v9 =	vld [tilespmem:s11+$0x120];
	v2 =	vadd.f32 v57, v2;
	v3 =	vadd.f32 v56, v3  }
0x3e0: {  	s13 =	sadd.s32 $0x6F, s12;
	v18 =	vld [tilespmem:s11+$0x130];
	v41 =	vadd.f32 v4, v6;
	v42 =	vadd.f32 v8, v7  }
0x3e1: {  	s14 =	sadd.s32 $0x6C, s12;
	s15 =	sadd.s32 $0x6D, s12;
	s30 =	sadd.s32 $0x6E, s12;
	v6 =	vmov s13;
	v4 =	vld [tilespmem:s11+$0x0];
	v43 =	vadd.f32 v53, v2;
	v58 =	vadd.f32 v52, v3  }
0x3e2: {  	v7 =	vmov s30;
	v2 =	vmov s14;
	v3 =	vmov s15;
	v8 =	vld [tilespmem:s11+$0x10]  }
0x3e3: {  	v19 =	vand.u32 $0x6, v7;
	v21 =	vand.u32 $0xF8, v6;
	v6 =	vand.u32 $0x7, v6;
	v20 =	vld [tilespmem:s11+$0x20]  }
0x3e4: {  	v7 =	vand.u32 $0xF8, v7;
	v22 =	vand.u32 $0xF8, v3;
	v3 =	vand.u32 $0x5, v3;
	v23 =	vld [tilespmem:s11+$0x30]  }
0x3e5: {  	v24 =	vand.u32 $0xF8, v2;
	v2 =	vand.u32 $0x4, v2;
	v21 =	vadd.s32 v1, v21;
	v25 =	vld [tilespmem:s11+$0xFFFFFF00]  }
0x3e6: {  	v7 =	vadd.s32 v1, v7;
	v24 =	vadd.s32 v1, v24;
	v22 =	vadd.s32 v1, v22;
	v27 =	vld [tilespmem:s11+$0xFFFFFF10]  }
0x3e7: {  	v7 =	vor.u32 v19, v7;
	v6 =	vor.u32 v6, v21;
	v2 =	vor.u32 v2, v24;
	v24 =	vld [tilespmem:s11+$0xFFFFFF20]  }
0x3e8: {  	v21 =	vunpack.i.u.bf16.f32 v0;
	v0 =	vunpack.i.l.bf16.f32 v0;
	v3 =	vor.u32 v3, v22;
	v19 =	vld [tilespmem:s11+$0xFFFFFF30]  }
0x3e9: {  	v28 =	vunpack.i.u.bf16.f32 v5;
	v5 =	vunpack.i.l.bf16.f32 v5;
	v59 =	vunpack.i.u.bf16.f32 v9;
	v22 =	vld [tilespmem:s11+$0xFFFFFE00]  }
0x3ea: {  	v60 =	vunpack.i.l.bf16.f32 v9;
	v52 =	vunpack.i.u.bf16.f32 v18;
	v53 =	vunpack.i.l.bf16.f32 v18;
	v29 =	vld [tilespmem:s11+$0xFFFFFE10]  }
0x3eb: {  	v18 =	vunpack.i.u.bf16.f32 v4;
	v4 =	vunpack.i.l.bf16.f32 v4;
	v30 =	vunpack.i.u.bf16.f32 v8;
	v9 =	vld [tilespmem:s11+$0xFFFFFE20]  }
0x3ec: {  	v8 =	vunpack.i.l.bf16.f32 v8;
	v31 =	vunpack.i.u.bf16.f32 v20;
	v20 =	vunpack.i.l.bf16.f32 v20;
	v2 =	vld.idx.msk [tilespmem:v2+s18+$0x0], $0xffff  }
0x3ed: {  	v56 =	vunpack.i.u.bf16.f32 v23;
	v57 =	vunpack.i.l.bf16.f32 v23;
	v61 =	vld.idx.msk [tilespmem:v3+s18+$0x0], $0xffff;
	v3 =	vunpack.i.u.bf16.f32 v25  }
0x3ee: {  	v32 =	vunpack.i.u.bf16.f32 v27;
	v33 =	vunpack.i.l.bf16.f32 v27;
	v25 =	vunpack.i.l.bf16.f32 v25;
	v23 =	vld [tilespmem:s11+$0xFFFFFE30]  }
0x3ef: {  	v34 =	vunpack.i.u.bf16.f32 v24;
	v24 =	vunpack.i.l.bf16.f32 v24;
	v63 =	vunpack.i.u.bf16.f32 v19;
	v7 =	vld.idx.msk [tilespmem:v7+s18+$0x0], $0xffff  }
0x3f0: {  	v40 =	vunpack.i.l.bf16.f32 v19;
	v35 =	vunpack.i.u.bf16.f32 v22;
	v22 =	vunpack.i.l.bf16.f32 v22  }
0x3f1: {  	v19 =	vunpack.i.u.bf16.f32 v29;
	v29 =	vunpack.i.l.bf16.f32 v29;
	v10 =	vunpack.i.u.bf16.f32 v9;
	v27 =	vld.idx.msk [tilespmem:v6+s18+$0x0], $0xffff  }
0x3f2: {  	v9 =	vunpack.i.l.bf16.f32 v9;
	v6 =	vmul.f32 v22, v2;
	v11 =	vmul.f32 v35, v2  }
0x3f3: {  	v13 =	vmul.f32 v25, v61;
	v12 =	vunpack.i.u.bf16.f32 v23;
	v23 =	vunpack.i.l.bf16.f32 v23  }
0x3f4: {  	v6 =	vadd.f32 v6, v16;
	v11 =	vadd.f32 v11, v14;
	v14 =	vmul.f32 v3, v61  }
0x3f5: {  	v15 =	vadd.f32 v35, v15;
	v16 =	vadd.f32 v22, v17;
	v17 =	vmul.f32 v4, v7  }
0x3f6: {  	v6 =	vadd.f32 v13, v6;
	v11 =	vadd.f32 v14, v11;
	v13 =	vmul.f32 v18, v7  }
0x3f7: {  	v3 =	vadd.f32 v3, v15;
	v14 =	vadd.f32 v25, v16;
	v15 =	vmul.f32 v0, v27  }
0x3f8: {  	v6 =	vadd.f32 v17, v6;
	v11 =	vadd.f32 v13, v11;
	v13 =	vmul.f32 v21, v27  }
0x3f9: {  	v22 =	vmul.f32 v29, v2;
	v3 =	vadd.f32 v18, v3;
	v4 =	vadd.f32 v4, v14  }
0x3fa: {  	v18 =	vmul.f32 v19, v2;
	v16 =	vadd.f32 v15, v6;
	v14 =	vadd.f32 v13, v11  }
0x3fb: {  	v6 =	vmul.f32 v33, v61;
	v17 =	vadd.f32 v0, v4;
	v15 =	vadd.f32 v21, v3  }
0x3fc: {  	s12 =	sadd.s32 $0x4, s12;
	v0 =	vadd.f32 v22, v26;
	v3 =	vadd.f32 v18, v55;
	v4 =	vmul.f32 v32, v61  }
0x3fd: {  	p2 =	slt.u32 s12, $0x5C;
	v11 =	vadd.f32 v29, v62;
	v13 =	vadd.f32 v19, v54;
	v18 =	vmul.f32 v8, v7  }
0x3fe: {  	v0 =	vadd.f32 v6, v0;
	v3 =	vadd.f32 v4, v3;
	v4 =	vmul.f32 v30, v7  }
0x3ff: {  	v6 =	vadd.f32 v33, v11;
	v11 =	vadd.f32 v32, v13;
	v13 =	vmul.f32 v5, v27  }
0x400: {  	v0 =	vadd.f32 v18, v0;
	v3 =	vadd.f32 v4, v3;
	v4 =	vmul.f32 v28, v27  }
0x401: {  	v18 =	vmul.f32 v9, v2;
	v6 =	vadd.f32 v8, v6;
	v8 =	vadd.f32 v30, v11  }
0x402: {  	v11 =	vmul.f32 v10, v2;
	v26 =	vadd.f32 v13, v0;
	v55 =	vadd.f32 v4, v3  }
0x403: {  	v0 =	vmul.f32 v24, v61;
	v62 =	vadd.f32 v5, v6;
	v54 =	vadd.f32 v28, v8  }
0x404: {  	v3 =	vadd.f32 v18, v39;
	v4 =	vadd.f32 v11, v37;
	v5 =	vmul.f32 v34, v61  }
0x405: {  	v6 =	vadd.f32 v9, v38;
	v8 =	vadd.f32 v10, v36;
	v9 =	vmul.f32 v20, v7  }
0x406: {  	v0 =	vadd.f32 v0, v3;
	v3 =	vadd.f32 v5, v4;
	v4 =	vmul.f32 v31, v7  }
0x407: {  	v5 =	vadd.f32 v24, v6;
	v6 =	vadd.f32 v34, v8;
	v8 =	vmul.f32 v60, v27  }
0x408: {  	v0 =	vadd.f32 v9, v0;
	v3 =	vadd.f32 v4, v3;
	v4 =	vmul.f32 v59, v27  }
0x409: {  	v9 =	vmul.f32 v23, v2;
	v5 =	vadd.f32 v20, v5;
	v6 =	vadd.f32 v31, v6  }
.Ltmp9:
0x40a: {  	v2 =	vmul.f32 v12, v2;
	v39 =	vadd.f32 v8, v0;
	v37 =	vadd.f32 v4, v3;
	(pc) =	sbr.rel @p2 .LBB2_17-.Ltmp9, $4  }
0x40b: {  	v0 =	vmul.f32 v40, v61;
	v38 =	vadd.f32 v60, v5;
	v36 =	vadd.f32 v59, v6  }
0x40c: {  	v3 =	vadd.f32 v9, v41;
	v2 =	vadd.f32 v2, v42;
	v4 =	vmul.f32 v63, v61  }
0x40d: {  	v60 =	vadd.f32 v23, v43;
	v59 =	vadd.f32 v12, v58;
	v41 =	vmul.f32 v57, v7  }
0x40e: {  	s11 =	sadd.s32 $0x400, s11;
	v43 =	vmul.f32 v56, v7;
	v58 =	vadd.f32 v0, v3;
	v42 =	vadd.f32 v4, v2  }
0x40f: {  	v5 =	vld [tilespmem:$0x1FFF0];
	_ =	sdelay $0x3  }
0x410: {  	s11 =	sshll.u32 s17, $0x9  }
0x411: {  	v4 =	vld [tilespmem:$0x1FB30];
	v0 =	vor.u32 s11, v5;
	v1 =	vor.u32 $0x1, v5  }
0x412: {  	v22 =	vld [tilespmem:$0x1FB50];
	v1 =	vor.u32 s11, v1  }
0x413: {  	v23 =	vld [tilespmem:$0x1FB20]  }
0x414: {  	v25 =	vld [tilespmem:$0x1FB40];
	v2 =	vor.u32 $0x20, v5  }
0x415: {  	v29 =	vld [tilespmem:$0x1FAE0];
	v3 =	vor.u32 $0x21, v5;
	v2 =	vor.u32 s11, v2  }
0x416: {  	v30 =	vld [tilespmem:$0x1FB00];
	v3 =	vor.u32 s11, v3;
	[tilespmem:v0+s28+$0x0] =	vst.idx.msk $0xffff, v4  }
0x417: {  	v31 =	vld [tilespmem:$0x1FAF0];
	[tilespmem:v1+s28+$0x0] =	vst.idx.msk $0xffff, v22  }
0x418: {  	v33 =	vld [tilespmem:$0x1FB10];
	v24 =	vor.u32 $0x40, v5;
	[tilespmem:v0+s29+$0x0] =	vst.idx.msk $0xffff, v23  }
0x419: {  	v35 =	vld [tilespmem:$0x1FA70];
	v28 =	vor.u32 $0x41, v5;
	v0 =	vor.u32 s11, v24;
	[tilespmem:v1+s29+$0x0] =	vst.idx.msk $0xffff, v25  }
0x41a: {  	v61 =	vld [tilespmem:$0x1FA90];
	v1 =	vor.u32 s11, v28;
	[tilespmem:v2+s28+$0x0] =	vst.idx.msk $0xffff, v29  }
0x41b: {  	v8 =	vld [tilespmem:$0x1FA60];
	[tilespmem:v3+s28+$0x0] =	vst.idx.msk $0xffff, v30  }
0x41c: {  	v10 =	vld [tilespmem:$0x1FA80];
	v32 =	vor.u32 $0x60, v5;
	[tilespmem:v2+s29+$0x0] =	vst.idx.msk $0xffff, v31  }
0x41d: {  	v12 =	vld [tilespmem:$0x1FBA0];
	v34 =	vor.u32 $0x61, v5;
	v2 =	vor.u32 s11, v32;
	[tilespmem:v3+s29+$0x0] =	vst.idx.msk $0xffff, v33  }
0x41e: {  	v13 =	vld [tilespmem:$0x1FBB0];
	v3 =	vor.u32 s11, v34;
	[tilespmem:v0+s28+$0x0] =	vst.idx.msk $0xffff, v35  }
0x41f: {  	v18 =	vld [tilespmem:$0x1FBC0];
	[tilespmem:v1+s28+$0x0] =	vst.idx.msk $0xffff, v61  }
0x420: {  	v20 =	vld [tilespmem:$0x1FBD0];
	v9 =	vor.u32 $0x80, v5;
	[tilespmem:v0+s29+$0x0] =	vst.idx.msk $0xffff, v8  }
0x421: {  	v11 =	vor.u32 $0x81, v5;
	v22 =	vld [tilespmem:$0x1FA30];
	v0 =	vor.u32 s11, v9;
	[tilespmem:v1+s29+$0x0] =	vst.idx.msk $0xffff, v10  }
0x422: {  	v23 =	vld [tilespmem:$0x1FA50];
	v1 =	vor.u32 s11, v11;
	[tilespmem:v2+s28+$0x0] =	vst.idx.msk $0xffff, v12  }
0x423: {  	v24 =	vld [tilespmem:$0x1FA20];
	[tilespmem:v3+s28+$0x0] =	vst.idx.msk $0xffff, v13  }
0x424: {  	v19 =	vor.u32 $0xA0, v5;
	v28 =	vld [tilespmem:$0x1FA40];
	[tilespmem:v2+s29+$0x0] =	vst.idx.msk $0xffff, v18  }
0x425: {  	v21 =	vor.u32 $0xA1, v5;
	v30 =	vld [tilespmem:$0x1F9E0];
	v2 =	vor.u32 s11, v19;
	[tilespmem:v3+s29+$0x0] =	vst.idx.msk $0xffff, v20  }
0x426: {  	v31 =	vld [tilespmem:$0x1FA00];
	v3 =	vor.u32 s11, v21;
	[tilespmem:v0+s28+$0x0] =	vst.idx.msk $0xffff, v22  }
0x427: {  	v32 =	vld [tilespmem:$0x1F9F0];
	[tilespmem:v1+s28+$0x0] =	vst.idx.msk $0xffff, v23  }
0x428: {  	v25 =	vor.u32 $0xC0, v5;
	v34 =	vld [tilespmem:$0x1FA10];
	[tilespmem:v0+s29+$0x0] =	vst.idx.msk $0xffff, v24  }
0x429: {  	v29 =	vor.u32 $0xC1, v5;
	v61 =	vld [tilespmem:$0x1F9B0];
	v0 =	vor.u32 s11, v25;
	[tilespmem:v1+s29+$0x0] =	vst.idx.msk $0xffff, v28  }
0x42a: {  	v8 =	vld [tilespmem:$0x1F9D0];
	v1 =	vor.u32 s11, v29;
	[tilespmem:v2+s28+$0x0] =	vst.idx.msk $0xffff, v30  }
0x42b: {  	v9 =	vld [tilespmem:$0x1F9A0];
	[tilespmem:v3+s28+$0x0] =	vst.idx.msk $0xffff, v31  }
0x42c: {  	v33 =	vor.u32 $0xE0, v5;
	v11 =	vld [tilespmem:$0x1F9C0];
	[tilespmem:v2+s29+$0x0] =	vst.idx.msk $0xffff, v32  }
0x42d: {  	v35 =	vor.u32 $0xE1, v5;
	v13 =	vld [tilespmem:$0x1FAA0];
	v2 =	vor.u32 s11, v33;
	[tilespmem:v3+s29+$0x0] =	vst.idx.msk $0xffff, v34  }
0x42e: {  	v18 =	vld [tilespmem:$0x1FAB0];
	v3 =	vor.u32 s11, v35;
	[tilespmem:v0+s28+$0x0] =	vst.idx.msk $0xffff, v61  }
0x42f: {  	v19 =	vld [tilespmem:$0x1FAC0];
	[tilespmem:v1+s28+$0x0] =	vst.idx.msk $0xffff, v8  }
0x430: {  	v10 =	vor.u32 $0x100, v5;
	v21 =	vld [tilespmem:$0x1FAD0];
	[tilespmem:v0+s29+$0x0] =	vst.idx.msk $0xffff, v9  }
0x431: {  	v12 =	vor.u32 $0x101, v5;
	v23 =	vld [tilespmem:$0x1F930];
	v0 =	vor.u32 s11, v10;
	[tilespmem:v1+s29+$0x0] =	vst.idx.msk $0xffff, v11  }
0x432: {  	v24 =	vld [tilespmem:$0x1F950];
	v1 =	vor.u32 s11, v12;
	[tilespmem:v2+s28+$0x0] =	vst.idx.msk $0xffff, v13  }
0x433: {  	v25 =	vld [tilespmem:$0x1F920];
	[tilespmem:v3+s28+$0x0] =	vst.idx.msk $0xffff, v18  }
0x434: {  	v20 =	vor.u32 $0x120, v5;
	v29 =	vld [tilespmem:$0x1F940];
	[tilespmem:v2+s29+$0x0] =	vst.idx.msk $0xffff, v19  }
0x435: {  	v22 =	vor.u32 $0x121, v5;
	v2 =	vor.u32 s11, v20;
	[tilespmem:v3+s29+$0x0] =	vst.idx.msk $0xffff, v21  }
0x436: {  	v3 =	vor.u32 s11, v22;
	[tilespmem:v0+s28+$0x0] =	vst.idx.msk $0xffff, v23  }
0x437: {  	[tilespmem:v1+s28+$0x0] =	vst.idx.msk $0xffff, v24  }
0x438: {  	v28 =	vor.u32 $0x140, v5;
	[tilespmem:v0+s29+$0x0] =	vst.idx.msk $0xffff, v25  }
0x439: {  	v30 =	vor.u32 $0x141, v5;
	v0 =	vor.u32 s11, v28;
	[tilespmem:v1+s29+$0x0] =	vst.idx.msk $0xffff, v29  }
0x43a: {  	v1 =	vor.u32 s11, v30;
	[tilespmem:v2+s28+$0x0] =	vst.idx.msk $0xffff, v47  }
0x43b: {  	[tilespmem:v3+s28+$0x0] =	vst.idx.msk $0xffff, v45  }
0x43c: {  	v31 =	vor.u32 $0x160, v5;
	[tilespmem:v2+s29+$0x0] =	vst.idx.msk $0xffff, v46  }
0x43d: {  	v32 =	vor.u32 $0x161, v5;
	v35 =	vld [tilespmem:$0x1F960];
	v2 =	vor.u32 s11, v31;
	[tilespmem:v3+s29+$0x0] =	vst.idx.msk $0xffff, v44  }
0x43e: {  	v3 =	vor.u32 s11, v32;
	v44 =	vld [tilespmem:$0x1F970];
	[tilespmem:v0+s28+$0x0] =	vst.idx.msk $0xffff, v50  }
0x43f: {  	v45 =	vld [tilespmem:$0x1F980];
	[tilespmem:v1+s28+$0x0] =	vst.idx.msk $0xffff, v48  }
0x440: {  	v33 =	vor.u32 $0x180, v5;
	v47 =	vld [tilespmem:$0x1F990];
	[tilespmem:v0+s29+$0x0] =	vst.idx.msk $0xffff, v51  }
0x441: {  	v34 =	vor.u32 $0x181, v5;
	v0 =	vor.u32 s11, v33;
	[tilespmem:v1+s29+$0x0] =	vst.idx.msk $0xffff, v49  }
0x442: {  	v1 =	vor.u32 s11, v34;
	[tilespmem:v2+s28+$0x0] =	vst.idx.msk $0xffff, v35  }
0x443: {  	[tilespmem:v3+s28+$0x0] =	vst.idx.msk $0xffff, v44  }
0x444: {  	v46 =	vor.u32 $0x1A0, v5;
	[tilespmem:v2+s29+$0x0] =	vst.idx.msk $0xffff, v45  }
0x445: {  	v48 =	vor.u32 $0x1A1, v5;
	v2 =	vor.u32 s11, v46;
	[tilespmem:v3+s29+$0x0] =	vst.idx.msk $0xffff, v47  }
0x446: {  	v3 =	vor.u32 s11, v48;
	[tilespmem:v0+s28+$0x0] =	vst.idx.msk $0xffff, v16  }
0x447: {  	[tilespmem:v1+s28+$0x0] =	vst.idx.msk $0xffff, v14  }
0x448: {  	v49 =	vor.u32 $0x1C0, v5;
	[tilespmem:v0+s29+$0x0] =	vst.idx.msk $0xffff, v17  }
0x449: {  	v50 =	vor.u32 $0x1C1, v5;
	v0 =	vor.u32 s11, v49;
	[tilespmem:v1+s29+$0x0] =	vst.idx.msk $0xffff, v15  }
0x44a: {  	v1 =	vor.u32 s11, v50;
	[tilespmem:v2+s28+$0x0] =	vst.idx.msk $0xffff, v26  }
0x44b: {  	[tilespmem:v3+s28+$0x0] =	vst.idx.msk $0xffff, v55  }
0x44c: {  	v59 =	vadd.f32 v63, v59;
	v55 =	vor.u32 $0x1E0, v5;
	[tilespmem:v2+s29+$0x0] =	vst.idx.msk $0xffff, v62  }
0x44d: {  	v7 =	vmul.f32 v53, v27;
	v5 =	vor.u32 $0x1E1, v5;
	v4 =	vor.u32 s11, v55;
	[tilespmem:v3+s29+$0x0] =	vst.idx.msk $0xffff, v54  }
0x44e: {  	v6 =	vadd.f32 v41, v58;
	v51 =	vadd.f32 v40, v60;
	v5 =	vor.u32 s11, v5;
	[tilespmem:v0+s28+$0x0] =	vst.idx.msk $0xffff, v39  }
0x44f: {  	v8 =	vadd.f32 v43, v42;
	v9 =	vmul.f32 v52, v27;
	[tilespmem:v1+s28+$0x0] =	vst.idx.msk $0xffff, v37  }
0x450: {  	v61 =	vadd.f32 v7, v6;
	v60 =	vadd.f32 v57, v51;
	[tilespmem:v0+s29+$0x0] =	vst.idx.msk $0xffff, v38  }
0x451: {  	v63 =	vadd.f32 v9, v8;
	v62 =	vadd.f32 v56, v59;
	[tilespmem:v1+s29+$0x0] =	vst.idx.msk $0xffff, v36  }
0x452: {  	v0 =	vadd.f32 v53, v60;
	[tilespmem:v4+s28+$0x0] =	vst.idx.msk $0xffff, v61  }
0x453: {  	v1 =	vadd.f32 v52, v62;
	[tilespmem:v5+s28+$0x0] =	vst.idx.msk $0xffff, v63  }
0x454: {  	[tilespmem:v4+s29+$0x0] =	vst.idx.msk $0xffff, v0  }
0x455: {  	s12 =	simm.s32 @!p1 $0x6;
	[tilespmem:v5+s29+$0x0] =	vst.idx.msk $0xffff, v1  }
0x456: {  	_ =	swait.ge @!p1 [sflag:s12], $0x200  }
0x457: {  	[sflag:s12] =	ssyncset.done @!p1 $0x0  }
0x458: {  	[sflag:s12] =	ssyncadd.s32 @!p1 $0xFFFFFE00  }
0x459: {  	_ =	swait.ge @!p1 [sflag:s12], $0x200  }
.Ltmp10:
0x45a: {  	s13 =	sshll.u32 s22, $0x6;
	[sflag:s12] =	ssyncset.done @!p1 $0x0;
	(pc) =	sbr.rel @p0 .LBB2_20-.Ltmp10, $4  }
0x45b: {  	s30 =	sadd.s32 s1, s13;
	s14 =	sor.u32 $0xFD20, s11;
	[sflag:s12] =	ssyncadd.s32 @!p1 $0xFFFFFE00  }
0x45c: {  	[hbm4b:s30+s4] =	stream.linear.scatter [tilespmem:s14], [sflag:$0x6], $0x200, $0x38;
	[tilespmem:$0x10520] =	vst v63  }
0x45d: {  	s31 =	sadd.s32 s10, s13;
	s11 =	sor.u32 $0x10120, s11  }
0x45e: {  	[hbm4b:s31+s4] =	stream.linear.scatter [tilespmem:s11], [sflag:$0x6], $0x200, $0x38;
	[tilespmem:$0x10520] =	vst v63  }
0x45f: {  	_ =	swait.ge [sflag:s23], $0xD00  }
.Ltmp11:
0x460: {  	[sflag:s23] =	ssyncset.done $0x0;
	(pc) =	sbr.rel .LBB2_2-.Ltmp11, $4  }
0x461: {  	[sflag:s23] =	ssyncadd.s32 $0xFFFFF300  }
0x462: {  	_ =	swait.ge [sflag:s23], $0xC00  }
0x463: {  	[sflag:s23] =	ssyncset.done $0x0  }
0x464: {  	s20 =	sadd.s32 $0x1, s20;
	[sflag:s23] =	ssyncadd.s32 $0xFFFFF400  }
.LBB2_21:
0x465: {  	_ =	sfence.sel $0x180000  }
0x466: {  	[bflag:$0x0] =	sbarrier.arrive $0xFFFF  }
0x467: {  	_ =	strace $0x90000047  }
0x468: {  	s0 =	stileid.u32;
	[bflag:$0x2] =	sbarrier.arrive $0xFFFF  }
0x469: {  	p0 =	sne.s32 s0, $0x0;
	s0 =	rddreg [dreg:$0x3]  }
0x46a: {  	s0 =	sadd.s32 @!p0 $0x100000, s0  }
0x46b: {  	[sflag:s0] =	ssyncadd.tile.s32 @!p0 $0x1;
	_ =	shalt  }
.Lfunc_end2:
_tile_overlayer_lowered:
.L_overlay_start_2:
0x46c: {  	(tag) =	ssettag $0x2  }
0x46d: {  	s0 =	rddreg [dreg:$0x0];
	s2 =	stileid.u32  }
0x46e: {  	s1 =	rddreg [dreg:$0x1];
	p0 =	sne.s32 s2, $0x0  }
0x46f: {  	s3 =	rddreg [dreg:$0x2];
	[bflag:$0x3] =	sbarrier.arrive $0xFFFF;
	s2 =	simm.s32 @!p0 $0x1C07  }
0x470: {  	[timem:s3], [sflag:s2] =	dma.local @!p0 [hbm:s0], s1  }
0x471: {  	s0 =	simm.s32 @!p0 $0x7  }
0x472: {  	_ =	swait.ge @!p0 [sflag:s0], s1  }
0x473: {  	s1 =	ssub.s32 @!p0 $0x0, s1;
	[sflag:s0] =	ssyncset.done @!p0 $0x0  }
0x474: {  	[sflag:s0] =	ssyncadd.s32 @!p0 s1  }
0x475: {  	[bflag:$0x3] =	sbarrier.arrive $0xFFFF  }
0x476: {  	_ =	shalt  }

</sc_bundles>
